<compile_context>
chip_gen: v7x
topology: tpu7x:2x2x1
jax: 0.10.2.dev20260603
libtpu: 0.0.44.dev20260713+nightly
codegen_flags: <defaults>
</compile_context>

<pallas_src>
import functools

import jax
import jax.numpy as jnp
from jax import lax
from jax.experimental import pallas as pl
from jax.experimental.pallas import tpu as pltpu
from jax.experimental.pallas import tpu_sc as plsc

_NC = 2
_NS = 16
_NW = _NC * _NS
_LANES = 16

_CHUNK = 128
_IDXROW = 128
_NSUB = _CHUNK // _IDXROW


@functools.lru_cache(maxsize=None)
def _build(M, N, D):
    assert M % (_NW * _CHUNK) == 0
    per_w = M // _NW
    n_chunks = per_w // _CHUNK
    t_piece = per_w // 8
    scale = jnp.float32(N - 1)
    vregs_per_row = _IDXROW // _LANES

    mesh = plsc.VectorSubcoreMesh(
        core_axis_name="c", subcore_axis_name="s",
        num_cores=_NC, num_subcores=_NS)

    @functools.partial(
        pl.kernel,
        out_type=jax.ShapeDtypeStruct((M, D), jnp.float32),
        mesh=mesh,
        compiler_params=pltpu.CompilerParams(use_tc_tiling_on_sc=True),
        scratch_types=[
            pltpu.VMEM((t_piece // _IDXROW, _IDXROW), jnp.float32),
            pltpu.VMEM((per_w // _IDXROW, _IDXROW), jnp.int32),
            pltpu.VMEM((per_w + _LANES,), jnp.float32),
            [pltpu.VMEM((_CHUNK, 2 * D), jnp.float32) for _ in range(4)],
            [pltpu.VMEM((_CHUNK, D), jnp.float32) for _ in range(2)],
            [pltpu.SemaphoreType.DMA for _ in range(4)],
            [pltpu.SemaphoreType.DMA for _ in range(2)],
        ],
    )
    def table_lerp(t_hbm, values_hbm, out_hbm,
                   t_v, i0_v, a_v, rv_v, o_v, gsem, osem):
        wid = lax.axis_index("s") * _NC + lax.axis_index("c")
        base_w = wid * per_w

        def piece_body(h, _):
            row0 = pl.multiple_of((base_w + h * t_piece) // _IDXROW,
                                  t_piece // _IDXROW)
            pltpu.sync_copy(t_hbm.at[pl.ds(row0, t_piece // _IDXROW)], t_v)

            def index_body(vi, _):
                vg = h * (t_piece // _LANES) + vi
                row = vg // vregs_per_row
                col = (vg % vregs_per_row) * _LANES
                tt = t_v[vi // vregs_per_row,
                         pl.ds((vi % vregs_per_row) * _LANES, _LANES)]
                x = tt * scale
                k = jnp.clip(x.astype(jnp.int32), 0, N - 2)
                a = jnp.clip(x - k.astype(jnp.float32), 0.0, 1.0)
                i0_v[row, pl.ds(col, _LANES)] = k
                a_v[pl.ds(vg * _LANES, _LANES)] = a
                return 0

            lax.fori_loop(0, t_piece // _LANES, index_body, 0)
            return 0

        lax.fori_loop(0, 8, piece_body, 0)

        def fire_gathers(ci, b):
            for j in range(_NSUB):
                row = ci * _NSUB + j
                dst = pl.ds(j * _IDXROW, _IDXROW)
                pltpu.async_copy(values_hbm.at[i0_v.at[row]],
                                 rv_v[b].at[dst], gsem[b])

        def wait_gathers(b):
            for j in range(_NSUB):
                dst = pl.ds(j * _IDXROW, _IDXROW)
                pltpu.make_async_copy(values_hbm.at[i0_v.at[0]],
                                      rv_v[b].at[dst], gsem[b]).wait()

        def lerp(ci, rb, ob):
            group = 8

            def lerp_body(qb, _):
                q0 = qb * group
                av16 = a_v[pl.ds(ci * _CHUNK + q0, _LANES)]
                for lane in range(group):
                    q = q0 + lane
                    av = jnp.broadcast_to(av16[lane], (_LANES,))
                    for part in range(D // _LANES):
                        r0 = rv_v[rb][q, pl.ds(part * _LANES, _LANES)]
                        r1 = rv_v[rb][q, pl.ds(D + part * _LANES, _LANES)]
                        o_v[ob][q, pl.ds(part * _LANES, _LANES)] = (
                            r0 + av * (r1 - r0))
                return 0

            lax.fori_loop(0, _CHUNK // group, lerp_body, 0)

        def out_slice(ci):
            base = pl.multiple_of(base_w + ci * _CHUNK, _CHUNK)
            return out_hbm.at[pl.ds(base, _CHUNK)]

        for b in range(4):
            fire_gathers(b, b)

        def quad_body(cq, _):
            for b in range(4):
                ci = cq * 4 + b
                ob = b % 2
                wait_gathers(b)

                if b >= 2:
                    pltpu.make_async_copy(o_v[ob], out_slice(ci - 2),
                                          osem[ob]).wait()
                else:
                    @pl.when(cq >= 1)
                    def _():
                        pltpu.make_async_copy(o_v[ob], out_slice(ci - 2),
                                              osem[ob]).wait()

                lerp(ci, b, ob)
                pltpu.async_copy(o_v[ob], out_slice(ci), osem[ob])

                @pl.when(cq < (n_chunks // 4) - 1)
                def _():
                    fire_gathers(ci + 4, b)
            return 0

        lax.fori_loop(0, n_chunks // 4, quad_body, 0)

        for b in range(2):
            pltpu.make_async_copy(o_v[b], out_slice(n_chunks - 2 + b),
                                  osem[b]).wait()

    return table_lerp


def kernel(t, values, t_grid):
    M = t.shape[0]
    N, D = values.shape
    vnext = jnp.concatenate([values[1:], values[-1:]], axis=0)
    vv = jnp.concatenate([values, vnext], axis=1)
    t2 = t.reshape(M // 128, 128)
    return _build(M, N, D)(t2, vv)

# --- scband reference (transcript-rebuilt; emitter-appended) ---
"""Pipeline reference for scband-control-table-13116830122351 (READ-ONLY COPY).

The authoritative reference and input builder live on the scoring server;
editing this copy changes nothing except your own understanding.
"""

import jax, jax.numpy as jnp
import numpy as np

N_NODES = 65536
CONTROL_DIM = 64
T = 1.0
M = 262144


def setup_inputs(seed: int = 0) -> dict:
    key = jax.random.key(seed)
    k1, k2 = jax.random.split(key)
    t = jax.random.uniform(k1, (M,), dtype=jnp.float32, minval=0.0, maxval=T)
    t_grid = jnp.linspace(0.0, T, N_NODES, dtype=jnp.float32)
    values = jax.random.normal(k2, (N_NODES, CONTROL_DIM), dtype=jnp.float32) * 0.02
    return {"t": t, "values": values, "t_grid": t_grid}


def reference(t, values, t_grid):
    # Piecewise-linear interpolation over uniform time grid (ControlTable.forward)
    t_flat = t.reshape(-1)
    idx = jnp.searchsorted(t_grid, t_flat)  # side='left', matches torch right=False
    idx = jnp.clip(idx, 1, t_grid.shape[0] - 1)
    t0 = t_grid[idx - 1]
    t1 = t_grid[idx]
    alpha = jnp.clip((t_flat - t0) / jnp.maximum(t1 - t0, 1e-12), 0.0, 1.0)
    v0 = values[idx - 1]
    v1 = values[idx]
    return (1.0 - alpha[:, None]) * v0 + alpha[:, None] * v1

if __name__ == "__main__":
    import jax
    _d = setup_inputs()
    print(jax.jit(kernel)(*tuple(_d.values())))

</pallas_src>

<mosaic_0001>
#map = affine_map<(d0, d1) -> (0, 0)>
#map1 = affine_map<(d0, d1) -> (0)>
module attributes {stable_mosaic.version = 14 : i64} {
  func.func @_rewritten_body(%arg0: i32, %arg1: i32, %arg2: memref<2048x128xf32, #tpu.memory_space<hbm>>, %arg3: memref<65536x128xf32, #tpu.memory_space<hbm>>, %arg4: memref<1xf32, #tpu.memory_space<hbm>>, %arg5: memref<262144x64xf32, #tpu.memory_space<hbm>>, %arg6: memref<8x128xf32, #tpu.memory_space<vmem>>, %arg7: memref<64x128xi32, #tpu.memory_space<vmem>>, %arg8: memref<8208xf32, #tpu.memory_space<vmem>>, %arg9: memref<128x128xf32, #tpu.memory_space<vmem>>, %arg10: memref<128x128xf32, #tpu.memory_space<vmem>>, %arg11: memref<128x128xf32, #tpu.memory_space<vmem>>, %arg12: memref<128x128xf32, #tpu.memory_space<vmem>>, %arg13: memref<128x64xf32, #tpu.memory_space<vmem>>, %arg14: memref<128x64xf32, #tpu.memory_space<vmem>>, %arg15: memref<!tpu.dma_semaphore, #tpu.memory_space<semaphore_mem>>, %arg16: memref<!tpu.dma_semaphore, #tpu.memory_space<semaphore_mem>>, %arg17: memref<!tpu.dma_semaphore, #tpu.memory_space<semaphore_mem>>, %arg18: memref<!tpu.dma_semaphore, #tpu.memory_space<semaphore_mem>>, %arg19: memref<!tpu.dma_semaphore, #tpu.memory_space<semaphore_mem>>, %arg20: memref<!tpu.dma_semaphore, #tpu.memory_space<semaphore_mem>>) attributes {dimension_semantics = [#tpu.dimension_semantics<core_parallel>, #tpu.dimension_semantics<subcore_parallel>], iteration_bounds = array<i64: 2, 16>, scalar_prefetch = 0 : i64, scratch_operands = 15 : i64, tpu.core_type = #tpu.core_type<sc_vector_subcore>, window_params = [{transform_indices = #map}, {transform_indices = #map}, {transform_indices = #map1}, {transform_indices = #map}]} {
    %empty_ref3A = memref.alloca() : memref<16xf32, #tpu.memory_space<vmem>>
    "tpu.region"() ({
      %run_scoped3A = tpu.sem_alloc : memref<!tpu.dma_semaphore, #tpu.memory_space<semaphore_mem>>
      %dma_start3A_69 = arith.constant 0 : i32
      %dma_start3A_70 = tpu.memref_slice %empty_ref3A[%dma_start3A_69] : memref<16xf32, #tpu.memory_space<vmem>> -> memref<1xf32, #tpu.memory_space<vmem>>
      %dma_start3A_71 = arith.constant 0 : i32
      %dma_start3A_72 = tpu.memref_slice %empty_ref3A[%dma_start3A_71] : memref<16xf32, #tpu.memory_space<vmem>> -> memref<1xf32, #tpu.memory_space<vmem>>
      tpu.enqueue_dma source(%arg4 : memref<1xf32, #tpu.memory_space<hbm>>) target(%dma_start3A_72 : memref<1xf32, #tpu.memory_space<vmem>>) target_semaphore(%run_scoped3A : memref<!tpu.dma_semaphore, #tpu.memory_space<semaphore_mem>>)
      %dma_wait3A_73 = arith.constant 0 : i32
      %dma_wait3A_74 = tpu.memref_slice %empty_ref3A[%dma_wait3A_73] : memref<16xf32, #tpu.memory_space<vmem>> -> memref<1xf32, #tpu.memory_space<vmem>>
      %dma_wait3A_75 = arith.constant 0 : i32
      %dma_wait3A_76 = tpu.memref_slice %empty_ref3A[%dma_wait3A_75] : memref<16xf32, #tpu.memory_space<vmem>> -> memref<1xf32, #tpu.memory_space<vmem>>
      tpu.wait_dma2 semaphore(%run_scoped3A : memref<!tpu.dma_semaphore, #tpu.memory_space<semaphore_mem>>) src(%arg4 : memref<1xf32, #tpu.memory_space<hbm>>) dst(%dma_wait3A_76 : memref<1xf32, #tpu.memory_space<vmem>>)
      tpu.yield
    }) : () -> ()
    %get3A = arith.constant 0 : index
    %get3A_0 = tpu.vector_load %empty_ref3A[%get3A] {strides = array<i32>} : memref<16xf32, #tpu.memory_space<vmem>>, vector<16xf32>,
    %get3A_1 = vector.shape_cast %get3A_0 : vector<16xf32> to vector<16xf32>
    %slice3A = vector.extract_strided_slice %get3A_1 {offsets = [0], sizes = [1], strides = [1]} : vector<16xf32> to vector<1xf32>
    %squeeze3A = vector.extract %slice3A[0] : f32 from vector<1xf32>
    %mul3A = arith.constant 2 : i32
    %mul3A_2 = arith.muli %arg1, %mul3A : i32
    %add3A = arith.addi %mul3A_2, %arg0 : i32
    %mul3A_3 = arith.constant 8192 : i32
    %mul3A_4 = arith.muli %add3A, %mul3A_3 : i32
    %scan3A = arith.constant 0 : i32
    %scan3A_5 = arith.constant 0 : i32
    %scan3A_6 = arith.constant 8 : i32
    %scan3A_7 = arith.addi %scan3A_5, %scan3A_6 : i32
    %scan3A_8 = arith.constant 1 : i32
    %scan3A_9 = scf.for %scan3A_69 = %scan3A_5 to %scan3A_7 step %scan3A_8 iter_args(%scan3A_70 = %scan3A) -> (i32)  : i32 {
      %mul3A_71 = arith.constant 1024 : i32
      %mul3A_72 = arith.muli %scan3A_69, %mul3A_71 : i32
      %add3A_73 = arith.addi %mul3A_4, %mul3A_72 : i32
      %jit3A = arith.constant 128 : i32
      %div3A = arith.divsi %add3A_73, %jit3A : i32
      %sign3A = arith.constant 0 : i32
      %sign3A_74 = arith.cmpi sgt, %add3A_73, %sign3A : i32
      %sign3A_75 = arith.extui %sign3A_74 : i1 to i32
      %sign3A_76 = arith.constant 0 : i32
      %sign3A_77 = arith.cmpi slt, %add3A_73, %sign3A_76 : i32
      %sign3A_78 = arith.extui %sign3A_77 : i1 to i32
      %sign3A_79 = arith.subi %sign3A_75, %sign3A_78 : i32
      %sign3A_80 = arith.constant 0 : i32
      %sign3A_81 = arith.cmpi sgt, %jit3A, %sign3A_80 : i32
      %sign3A_82 = arith.extui %sign3A_81 : i1 to i32
      %sign3A_83 = arith.constant 0 : i32
      %sign3A_84 = arith.cmpi slt, %jit3A, %sign3A_83 : i32
      %sign3A_85 = arith.extui %sign3A_84 : i1 to i32
      %sign3A_86 = arith.subi %sign3A_82, %sign3A_85 : i32
      %ne3A = arith.cmpi ne, %sign3A_79, %sign3A_86 : i32
      %rem3A = arith.remsi %add3A_73, %jit3A : i32
      %ne3A_87 = arith.constant 0 : i32
      %ne3A_88 = arith.cmpi ne, %rem3A, %ne3A_87 : i32
      %and3A = arith.andi %ne3A, %ne3A_88 : i1
      %sub3A = arith.constant 1 : i32
      %sub3A_89 = arith.subi %div3A, %sub3A : i32
      %select_n3A = arith.select %and3A, %sub3A_89, %div3A : i32
      %multiple_of3A_90 = tpu.assume_multiple %select_n3A, 8 : i32
      "tpu.region"() ({
        %run_scoped3A = tpu.sem_alloc : memref<!tpu.dma_semaphore, #tpu.memory_space<semaphore_mem>>
        %dma_start3A_99 = arith.constant 0 : i32
        %dma_start3A_100 = tpu.memref_slice %arg2[%multiple_of3A_90, %dma_start3A_99] : memref<2048x128xf32, #tpu.memory_space<hbm>> -> memref<8x128xf32, #tpu.memory_space<hbm>>
        %dma_start3A_101 = arith.constant 0 : i32
        %dma_start3A_102 = tpu.memref_slice %arg2[%multiple_of3A_90, %dma_start3A_101] : memref<2048x128xf32, #tpu.memory_space<hbm>> -> memref<8x128xf32, #tpu.memory_space<hbm>>
        tpu.enqueue_dma source(%dma_start3A_102 : memref<8x128xf32, #tpu.memory_space<hbm>>) target(%arg6 : memref<8x128xf32, #tpu.memory_space<vmem>>) target_semaphore(%run_scoped3A : memref<!tpu.dma_semaphore, #tpu.memory_space<semaphore_mem>>)
        %dma_wait3A_103 = arith.constant 0 : i32
        %dma_wait3A_104 = tpu.memref_slice %arg2[%multiple_of3A_90, %dma_wait3A_103] : memref<2048x128xf32, #tpu.memory_space<hbm>> -> memref<8x128xf32, #tpu.memory_space<hbm>>
        %dma_wait3A_105 = arith.constant 0 : i32
        %dma_wait3A_106 = tpu.memref_slice %arg2[%multiple_of3A_90, %dma_wait3A_105] : memref<2048x128xf32, #tpu.memory_space<hbm>> -> memref<8x128xf32, #tpu.memory_space<hbm>>
        tpu.wait_dma2 semaphore(%run_scoped3A : memref<!tpu.dma_semaphore, #tpu.memory_space<semaphore_mem>>) src(%dma_wait3A_106 : memref<8x128xf32, #tpu.memory_space<hbm>>) dst(%arg6 : memref<8x128xf32, #tpu.memory_space<vmem>>)
        tpu.yield
      }) : () -> ()
      %scan3A_91 = arith.constant 0 : i32
      %scan3A_92 = arith.constant 0 : i32
      %scan3A_93 = arith.constant 64 : i32
      %scan3A_94 = arith.addi %scan3A_92, %scan3A_93 : i32
      %scan3A_95 = arith.constant 1 : i32
      %scan3A_96 = scf.for %scan3A_99 = %scan3A_92 to %scan3A_94 step %scan3A_95 iter_args(%scan3A_100 = %scan3A_91) -> (i32)  : i32 {
        %mul3A_101 = arith.constant 64 : i32
        %mul3A_102 = arith.muli %scan3A_69, %mul3A_101 : i32
        %add3A_103 = arith.addi %mul3A_102, %scan3A_99 : i32
        %jit3A_104 = arith.constant 8 : i32
        %div3A_105 = arith.divsi %add3A_103, %jit3A_104 : i32
        %sign3A_106 = arith.constant 0 : i32
        %sign3A_107 = arith.cmpi sgt, %add3A_103, %sign3A_106 : i32
        %sign3A_108 = arith.extui %sign3A_107 : i1 to i32
        %sign3A_109 = arith.constant 0 : i32
        %sign3A_110 = arith.cmpi slt, %add3A_103, %sign3A_109 : i32
        %sign3A_111 = arith.extui %sign3A_110 : i1 to i32
        %sign3A_112 = arith.subi %sign3A_108, %sign3A_111 : i32
        %sign3A_113 = arith.constant 0 : i32
        %sign3A_114 = arith.cmpi sgt, %jit3A_104, %sign3A_113 : i32
        %sign3A_115 = arith.extui %sign3A_114 : i1 to i32
        %sign3A_116 = arith.constant 0 : i32
        %sign3A_117 = arith.cmpi slt, %jit3A_104, %sign3A_116 : i32
        %sign3A_118 = arith.extui %sign3A_117 : i1 to i32
        %sign3A_119 = arith.subi %sign3A_115, %sign3A_118 : i32
        %ne3A_120 = arith.cmpi ne, %sign3A_112, %sign3A_119 : i32
        %rem3A_121 = arith.remsi %add3A_103, %jit3A_104 : i32
        %ne3A_122 = arith.constant 0 : i32
        %ne3A_123 = arith.cmpi ne, %rem3A_121, %ne3A_122 : i32
        %and3A_124 = arith.andi %ne3A_120, %ne3A_123 : i1
        %sub3A_125 = arith.constant 1 : i32
        %sub3A_126 = arith.subi %div3A_105, %sub3A_125 : i32
        %select_n3A_127 = arith.select %and3A_124, %sub3A_126, %div3A_105 : i32
        %jit3A_128 = arith.constant 8 : i32
        %eq3A = arith.constant 0 : i32
        %eq3A_129 = arith.cmpi eq, %jit3A_128, %eq3A : i32
        %jit3A_130 = arith.constant 1 : i32
        %select_n3A_131 = arith.select %eq3A_129, %jit3A_130, %jit3A_128 : i32
        %rem3A_132 = arith.remsi %add3A_103, %select_n3A_131 : i32
        %ne3A_133 = arith.constant 0 : i32
        %ne3A_134 = arith.cmpi ne, %rem3A_132, %ne3A_133 : i32
        %lt3A = arith.constant 0 : i32
        %lt3A_135 = arith.cmpi slt, %rem3A_132, %lt3A : i32
        %lt3A_136 = arith.constant 0 : i32
        %lt3A_137 = arith.cmpi slt, %select_n3A_131, %lt3A_136 : i32
        %ne3A_138 = arith.xori %lt3A_135, %lt3A_137 : i1
        %and3A_139 = arith.andi %ne3A_138, %ne3A_134 : i1
        %add3A_140 = arith.addi %rem3A_132, %select_n3A_131 : i32
        %select_n3A_141 = arith.select %and3A_139, %add3A_140, %rem3A_132 : i32
        %mul3A_142 = arith.constant 16 : i32
        %mul3A_143 = arith.muli %select_n3A_141, %mul3A_142 : i32
        %jit3A_144 = arith.constant 8 : i32
        %div3A_145 = arith.divsi %scan3A_99, %jit3A_144 : i32
        %sign3A_146 = arith.constant 0 : i32
        %sign3A_147 = arith.cmpi sgt, %scan3A_99, %sign3A_146 : i32
        %sign3A_148 = arith.extui %sign3A_147 : i1 to i32
        %sign3A_149 = arith.constant 0 : i32
        %sign3A_150 = arith.cmpi slt, %scan3A_99, %sign3A_149 : i32
        %sign3A_151 = arith.extui %sign3A_150 : i1 to i32
        %sign3A_152 = arith.subi %sign3A_148, %sign3A_151 : i32
        %sign3A_153 = arith.constant 0 : i32
        %sign3A_154 = arith.cmpi sgt, %jit3A_144, %sign3A_153 : i32
        %sign3A_155 = arith.extui %sign3A_154 : i1 to i32
        %sign3A_156 = arith.constant 0 : i32
        %sign3A_157 = arith.cmpi slt, %jit3A_144, %sign3A_156 : i32
        %sign3A_158 = arith.extui %sign3A_157 : i1 to i32
        %sign3A_159 = arith.subi %sign3A_155, %sign3A_158 : i32
        %ne3A_160 = arith.cmpi ne, %sign3A_152, %sign3A_159 : i32
        %rem3A_161 = arith.remsi %scan3A_99, %jit3A_144 : i32
        %ne3A_162 = arith.constant 0 : i32
        %ne3A_163 = arith.cmpi ne, %rem3A_161, %ne3A_162 : i32
        %and3A_164 = arith.andi %ne3A_160, %ne3A_163 : i1
        %sub3A_165 = arith.constant 1 : i32
        %sub3A_166 = arith.subi %div3A_145, %sub3A_165 : i32
        %select_n3A_167 = arith.select %and3A_164, %sub3A_166, %div3A_145 : i32
        %jit3A_168 = arith.constant 8 : i32
        %eq3A_169 = arith.constant 0 : i32
        %eq3A_170 = arith.cmpi eq, %jit3A_168, %eq3A_169 : i32
        %jit3A_171 = arith.constant 1 : i32
        %select_n3A_172 = arith.select %eq3A_170, %jit3A_171, %jit3A_168 : i32
        %rem3A_173 = arith.remsi %scan3A_99, %select_n3A_172 : i32
        %ne3A_174 = arith.constant 0 : i32
        %ne3A_175 = arith.cmpi ne, %rem3A_173, %ne3A_174 : i32
        %lt3A_176 = arith.constant 0 : i32
        %lt3A_177 = arith.cmpi slt, %rem3A_173, %lt3A_176 : i32
        %lt3A_178 = arith.constant 0 : i32
        %lt3A_179 = arith.cmpi slt, %select_n3A_172, %lt3A_178 : i32
        %ne3A_180 = arith.xori %lt3A_177, %lt3A_179 : i1
        %and3A_181 = arith.andi %ne3A_180, %ne3A_175 : i1
        %add3A_182 = arith.addi %rem3A_173, %select_n3A_172 : i32
        %select_n3A_183 = arith.select %and3A_181, %add3A_182, %rem3A_173 : i32
        %mul3A_184 = arith.constant 16 : i32
        %mul3A_185 = arith.muli %select_n3A_183, %mul3A_184 : i32
        %get3A_186 = arith.index_cast %select_n3A_167 : i32 to index
        %get3A_187 = arith.index_cast %mul3A_185 : i32 to index
        %get3A_188 = tpu.vector_load %arg6[%get3A_186, %get3A_187] {strides = array<i32>} : memref<8x128xf32, #tpu.memory_space<vmem>>, vector<1x16xf32>,
        %get3A_189 = vector.shape_cast %get3A_188 : vector<1x16xf32> to vector<16xf32>
        %mul3A_190 = vector.broadcast %squeeze3A : f32 to vector<16xf32>
        %mul3A_191 = arith.mulf %get3A_189, %mul3A_190 : vector<16xf32>
        %convert_element_type3A = arith.fptosi %mul3A_191 : vector<16xf32> to vector<16xi32>
        %jit3A_192 = arith.constant 0 : i32
        %jit3A_193 = arith.constant 65534 : i32
        %max3A = vector.broadcast %jit3A_192 : i32 to vector<16xi32>
        %max3A_194 = arith.maxsi %max3A, %convert_element_type3A : vector<16xi32>
        %min3A = vector.broadcast %jit3A_193 : i32 to vector<16xi32>
        %min3A_195 = arith.minsi %min3A, %max3A_194 : vector<16xi32>
        %convert_element_type3A_196 = arith.sitofp %min3A_195 : vector<16xi32> to vector<16xf32>
        %sub3A_197 = arith.subf %mul3A_191, %convert_element_type3A_196 : vector<16xf32>
        %jit3A_198 = arith.constant 0.000000e+00 : f32
        %jit3A_199 = arith.constant 1.000000e+00 : f32
        %max3A_200 = vector.broadcast %jit3A_198 : f32 to vector<16xf32>
        %max3A_201 = arith.maximumf %max3A_200, %sub3A_197 : vector<16xf32>
        %min3A_202 = vector.broadcast %jit3A_199 : f32 to vector<16xf32>
        %min3A_203 = arith.minimumf %min3A_202, %max3A_201 : vector<16xf32>
        %swap3A = arith.index_cast %select_n3A_127 : i32 to index
        %swap3A_204 = arith.index_cast %mul3A_143 : i32 to index
        %swap3A_205 = tpu.vector_load %arg7[%swap3A, %swap3A_204] {strides = array<i32>} : memref<64x128xi32, #tpu.memory_space<vmem>>, vector<1x16xi32>,
        %swap3A_206 = vector.shape_cast %swap3A_205 : vector<1x16xi32> to vector<16xi32>
        %swap3A_207 = vector.shape_cast %min3A_195 : vector<16xi32> to vector<1x16xi32>
        tpu.vector_store %arg7[%swap3A, %swap3A_204], %swap3A_207 {strides = array<i32>} : memref<64x128xi32, #tpu.memory_space<vmem>>, vector<1x16xi32>,
        %mul3A_208 = arith.constant 16 : i32
        %mul3A_209 = arith.muli %add3A_103, %mul3A_208 : i32
        %swap3A_210 = arith.index_cast %mul3A_209 : i32 to index
        %swap3A_211 = tpu.vector_load %arg8[%swap3A_210] {strides = array<i32>} : memref<8208xf32, #tpu.memory_space<vmem>>, vector<16xf32>,
        %swap3A_212 = vector.shape_cast %swap3A_211 : vector<16xf32> to vector<16xf32>
        %swap3A_213 = vector.shape_cast %min3A_203 : vector<16xf32> to vector<16xf32>
        tpu.vector_store %arg8[%swap3A_210], %swap3A_213 {strides = array<i32>} : memref<8208xf32, #tpu.memory_space<vmem>>, vector<16xf32>,
        %scan3A_214 = arith.constant 0 : i32
        scf.yield %scan3A_214 : i32
      }
      %scan3A_97 = arith.constant 64 : i32
      %scan3A_98 = arith.constant 0 : i32
      scf.yield %scan3A_98 : i32
    }
    %scan3A_10 = arith.constant 8 : i32
    %dma_start3A = arith.constant 0 : i32
    %dma_start3A_11 = arith.constant 0 : i32
    %dma_start3A_12 = arith.constant 0 : i32
    %dma_start3A_13 = tpu.memref_slice %arg9[%dma_start3A_11, %dma_start3A_12] : memref<128x128xf32, #tpu.memory_space<vmem>> -> memref<128x128xf32, #tpu.memory_space<vmem>>
    %dma_start3A_14 = arith.constant 0 : i32
    %dma_start3A_15 = tpu.memref_slice %arg7[%dma_start3A, %dma_start3A_14] : memref<64x128xi32, #tpu.memory_space<vmem>> -> memref<1x128xi32, #tpu.memory_space<vmem>>
    %dma_start3A_16 = tpu.memref_squeeze %dma_start3A_15 : memref<1x128xi32, #tpu.memory_space<vmem>> -> memref<128xi32, #tpu.memory_space<vmem>>
    %dma_start3A_17 = arith.constant 0 : i32
    %dma_start3A_18 = arith.constant 0 : i32
    %dma_start3A_19 = tpu.memref_slice %arg3[%dma_start3A_17, %dma_start3A_18] : memref<65536x128xf32, #tpu.memory_space<hbm>> -> memref<65536x128xf32, #tpu.memory_space<hbm>>
    tpu.enqueue_indirect_dma source(%dma_start3A_19 : memref<65536x128xf32, #tpu.memory_space<hbm>>) target(%dma_start3A_13 : memref<128x128xf32, #tpu.memory_space<vmem>>) offsets(%dma_start3A_16 : memref<128xi32, #tpu.memory_space<vmem>>) semaphore(%arg15 : memref<!tpu.dma_semaphore, #tpu.memory_space<semaphore_mem>>)
    %dma_start3A_20 = arith.constant 1 : i32
    %dma_start3A_21 = arith.constant 0 : i32
    %dma_start3A_22 = arith.constant 0 : i32
    %dma_start3A_23 = tpu.memref_slice %arg10[%dma_start3A_21, %dma_start3A_22] : memref<128x128xf32, #tpu.memory_space<vmem>> -> memref<128x128xf32, #tpu.memory_space<vmem>>
    %dma_start3A_24 = arith.constant 0 : i32
    %dma_start3A_25 = tpu.memref_slice %arg7[%dma_start3A_20, %dma_start3A_24] : memref<64x128xi32, #tpu.memory_space<vmem>> -> memref<1x128xi32, #tpu.memory_space<vmem>>
    %dma_start3A_26 = tpu.memref_squeeze %dma_start3A_25 : memref<1x128xi32, #tpu.memory_space<vmem>> -> memref<128xi32, #tpu.memory_space<vmem>>
    %dma_start3A_27 = arith.constant 0 : i32
    %dma_start3A_28 = arith.constant 0 : i32
    %dma_start3A_29 = tpu.memref_slice %arg3[%dma_start3A_27, %dma_start3A_28] : memref<65536x128xf32, #tpu.memory_space<hbm>> -> memref<65536x128xf32, #tpu.memory_space<hbm>>
    tpu.enqueue_indirect_dma source(%dma_start3A_29 : memref<65536x128xf32, #tpu.memory_space<hbm>>) target(%dma_start3A_23 : memref<128x128xf32, #tpu.memory_space<vmem>>) offsets(%dma_start3A_26 : memref<128xi32, #tpu.memory_space<vmem>>) semaphore(%arg16 : memref<!tpu.dma_semaphore, #tpu.memory_space<semaphore_mem>>)
    %dma_start3A_30 = arith.constant 2 : i32
    %dma_start3A_31 = arith.constant 0 : i32
    %dma_start3A_32 = arith.constant 0 : i32
    %dma_start3A_33 = tpu.memref_slice %arg11[%dma_start3A_31, %dma_start3A_32] : memref<128x128xf32, #tpu.memory_space<vmem>> -> memref<128x128xf32, #tpu.memory_space<vmem>>
    %dma_start3A_34 = arith.constant 0 : i32
    %dma_start3A_35 = tpu.memref_slice %arg7[%dma_start3A_30, %dma_start3A_34] : memref<64x128xi32, #tpu.memory_space<vmem>> -> memref<1x128xi32, #tpu.memory_space<vmem>>
    %dma_start3A_36 = tpu.memref_squeeze %dma_start3A_35 : memref<1x128xi32, #tpu.memory_space<vmem>> -> memref<128xi32, #tpu.memory_space<vmem>>
    %dma_start3A_37 = arith.constant 0 : i32
    %dma_start3A_38 = arith.constant 0 : i32
    %dma_start3A_39 = tpu.memref_slice %arg3[%dma_start3A_37, %dma_start3A_38] : memref<65536x128xf32, #tpu.memory_space<hbm>> -> memref<65536x128xf32, #tpu.memory_space<hbm>>
    tpu.enqueue_indirect_dma source(%dma_start3A_39 : memref<65536x128xf32, #tpu.memory_space<hbm>>) target(%dma_start3A_33 : memref<128x128xf32, #tpu.memory_space<vmem>>) offsets(%dma_start3A_36 : memref<128xi32, #tpu.memory_space<vmem>>) semaphore(%arg17 : memref<!tpu.dma_semaphore, #tpu.memory_space<semaphore_mem>>)
    %dma_start3A_40 = arith.constant 3 : i32
    %dma_start3A_41 = arith.constant 0 : i32
    %dma_start3A_42 = arith.constant 0 : i32
    %dma_start3A_43 = tpu.memref_slice %arg12[%dma_start3A_41, %dma_start3A_42] : memref<128x128xf32, #tpu.memory_space<vmem>> -> memref<128x128xf32, #tpu.memory_space<vmem>>
    %dma_start3A_44 = arith.constant 0 : i32
    %dma_start3A_45 = tpu.memref_slice %arg7[%dma_start3A_40, %dma_start3A_44] : memref<64x128xi32, #tpu.memory_space<vmem>> -> memref<1x128xi32, #tpu.memory_space<vmem>>
    %dma_start3A_46 = tpu.memref_squeeze %dma_start3A_45 : memref<1x128xi32, #tpu.memory_space<vmem>> -> memref<128xi32, #tpu.memory_space<vmem>>
    %dma_start3A_47 = arith.constant 0 : i32
    %dma_start3A_48 = arith.constant 0 : i32
    %dma_start3A_49 = tpu.memref_slice %arg3[%dma_start3A_47, %dma_start3A_48] : memref<65536x128xf32, #tpu.memory_space<hbm>> -> memref<65536x128xf32, #tpu.memory_space<hbm>>
    tpu.enqueue_indirect_dma source(%dma_start3A_49 : memref<65536x128xf32, #tpu.memory_space<hbm>>) target(%dma_start3A_43 : memref<128x128xf32, #tpu.memory_space<vmem>>) offsets(%dma_start3A_46 : memref<128xi32, #tpu.memory_space<vmem>>) semaphore(%arg18 : memref<!tpu.dma_semaphore, #tpu.memory_space<semaphore_mem>>)
    %scan3A_50 = arith.constant 0 : i32
    %scan3A_51 = arith.constant 0 : i32
    %scan3A_52 = arith.constant 16 : i32
    %scan3A_53 = arith.addi %scan3A_51, %scan3A_52 : i32
    %scan3A_54 = arith.constant 1 : i32
    %scan3A_55 = scf.for %scan3A_69 = %scan3A_51 to %scan3A_53 step %scan3A_54 iter_args(%scan3A_70 = %scan3A_50) -> (i32)  : i32 {
      %mul3A_71 = arith.constant 4 : i32
      %mul3A_72 = arith.muli %scan3A_69, %mul3A_71 : i32
      %add3A_73 = arith.constant 0 : i32
      %add3A_74 = arith.addi %mul3A_72, %add3A_73 : i32
      %dma_wait3A_75 = arith.constant 0 : i32
      %dma_wait3A_76 = arith.constant 0 : i32
      %dma_wait3A_77 = arith.constant 0 : i32
      %dma_wait3A_78 = tpu.memref_slice %arg9[%dma_wait3A_76, %dma_wait3A_77] : memref<128x128xf32, #tpu.memory_space<vmem>> -> memref<128x128xf32, #tpu.memory_space<vmem>>
      %dma_wait3A_79 = arith.constant 0 : i32
      %dma_wait3A_80 = tpu.memref_slice %arg7[%dma_wait3A_75, %dma_wait3A_79] : memref<64x128xi32, #tpu.memory_space<vmem>> -> memref<1x128xi32, #tpu.memory_space<vmem>>
      %dma_wait3A_81 = tpu.memref_squeeze %dma_wait3A_80 : memref<1x128xi32, #tpu.memory_space<vmem>> -> memref<128xi32, #tpu.memory_space<vmem>>
      %dma_wait3A_82 = arith.constant 0 : i32
      %dma_wait3A_83 = arith.constant 0 : i32
      %dma_wait3A_84 = tpu.memref_slice %arg3[%dma_wait3A_82, %dma_wait3A_83] : memref<65536x128xf32, #tpu.memory_space<hbm>> -> memref<65536x128xf32, #tpu.memory_space<hbm>>
      tpu.wait_indirect_dma semaphore(%arg15 : memref<!tpu.dma_semaphore, #tpu.memory_space<semaphore_mem>>) src(%dma_wait3A_84 : memref<65536x128xf32, #tpu.memory_space<hbm>>) dst(%dma_wait3A_78 : memref<128x128xf32, #tpu.memory_space<vmem>>)
      %ge3A = arith.constant 1 : i32
      %ge3A_85 = arith.cmpi sge, %scan3A_69, %ge3A : i32
      %convert_element_type3A = arith.extui %ge3A_85 : i1 to i32
      %cond3A = arith.constant 0 : i32
      %cond3A_86 = arith.cmpi ne, %convert_element_type3A, %cond3A : i32
      scf.if %cond3A_86 {
        %sub3A_233 = arith.constant 2 : i32
        %sub3A_234 = arith.subi %add3A_74, %sub3A_233 : i32
        %mul3A_235 = arith.constant 128 : i32
        %mul3A_236 = arith.muli %sub3A_234, %mul3A_235 : i32
        %add3A_237 = arith.addi %mul3A_4, %mul3A_236 : i32
        %multiple_of3A_238 = tpu.assume_multiple %add3A_237, 128 : i32
        %dma_wait3A_239 = arith.constant 0 : i32
        %dma_wait3A_240 = tpu.memref_slice %arg5[%multiple_of3A_238, %dma_wait3A_239] : memref<262144x64xf32, #tpu.memory_space<hbm>> -> memref<128x64xf32, #tpu.memory_space<hbm>>
        %dma_wait3A_241 = arith.constant 0 : i32
        %dma_wait3A_242 = tpu.memref_slice %arg5[%multiple_of3A_238, %dma_wait3A_241] : memref<262144x64xf32, #tpu.memory_space<hbm>> -> memref<128x64xf32, #tpu.memory_space<hbm>>
        tpu.wait_dma2 semaphore(%arg19 : memref<!tpu.dma_semaphore, #tpu.memory_space<semaphore_mem>>) src(%arg13 : memref<128x64xf32, #tpu.memory_space<vmem>>) dst(%dma_wait3A_242 : memref<128x64xf32, #tpu.memory_space<hbm>>)
      } else {
      }
      %scan3A_87 = arith.constant 0 : i32
      %scan3A_88 = arith.constant 0 : i32
      %scan3A_89 = arith.constant 16 : i32
      %scan3A_90 = arith.addi %scan3A_88, %scan3A_89 : i32
      %scan3A_91 = arith.constant 1 : i32
      %scan3A_92 = scf.for %scan3A_233 = %scan3A_88 to %scan3A_90 step %scan3A_91 iter_args(%scan3A_234 = %scan3A_87) -> (i32)  : i32 {
        %mul3A_235 = arith.constant 8 : i32
        %mul3A_236 = arith.muli %scan3A_233, %mul3A_235 : i32
        %mul3A_237 = arith.constant 128 : i32
        %mul3A_238 = arith.muli %add3A_74, %mul3A_237 : i32
        %add3A_239 = arith.addi %mul3A_238, %mul3A_236 : i32
        %get3A_240 = arith.index_cast %add3A_239 : i32 to index
        %get3A_241 = tpu.vector_load %arg8[%get3A_240] {strides = array<i32>} : memref<8208xf32, #tpu.memory_space<vmem>>, vector<16xf32>,
        %get3A_242 = vector.shape_cast %get3A_241 : vector<16xf32> to vector<16xf32>
        %add3A_243 = arith.constant 0 : i32
        %add3A_244 = arith.addi %mul3A_236, %add3A_243 : i32
        %slice3A_245 = vector.extract_strided_slice %get3A_242 {offsets = [0], sizes = [1], strides = [1]} : vector<16xf32> to vector<1xf32>
        %squeeze3A_246 = vector.extract %slice3A_245[0] : f32 from vector<1xf32>
        %broadcast_in_dim3A = vector.broadcast %squeeze3A_246 : f32 to vector<16xf32>
        %get3A_247 = arith.index_cast %add3A_244 : i32 to index
        %get3A_248 = arith.constant 0 : index
        %get3A_249 = tpu.vector_load %arg9[%get3A_247, %get3A_248] {strides = array<i32>} : memref<128x128xf32, #tpu.memory_space<vmem>>, vector<1x16xf32>,
        %get3A_250 = vector.shape_cast %get3A_249 : vector<1x16xf32> to vector<16xf32>
        %get3A_251 = arith.index_cast %add3A_244 : i32 to index
        %get3A_252 = arith.constant 64 : index
        %get3A_253 = tpu.vector_load %arg9[%get3A_251, %get3A_252] {strides = array<i32>} : memref<128x128xf32, #tpu.memory_space<vmem>>, vector<1x16xf32>,
        %get3A_254 = vector.shape_cast %get3A_253 : vector<1x16xf32> to vector<16xf32>
        %sub3A_255 = arith.subf %get3A_254, %get3A_250 : vector<16xf32>
        %mul3A_256 = arith.mulf %broadcast_in_dim3A, %sub3A_255 : vector<16xf32>
        %add3A_257 = arith.addf %get3A_250, %mul3A_256 : vector<16xf32>
        %swap3A = arith.index_cast %add3A_244 : i32 to index
        %swap3A_258 = arith.constant 0 : index
        %swap3A_259 = tpu.vector_load %arg13[%swap3A, %swap3A_258] {strides = array<i32>} : memref<128x64xf32, #tpu.memory_space<vmem>>, vector<1x16xf32>,
        %swap3A_260 = vector.shape_cast %swap3A_259 : vector<1x16xf32> to vector<16xf32>
        %swap3A_261 = vector.shape_cast %add3A_257 : vector<16xf32> to vector<1x16xf32>
        tpu.vector_store %arg13[%swap3A, %swap3A_258], %swap3A_261 {strides = array<i32>} : memref<128x64xf32, #tpu.memory_space<vmem>>, vector<1x16xf32>,
        %get3A_262 = arith.index_cast %add3A_244 : i32 to index
        %get3A_263 = arith.constant 16 : index
        %get3A_264 = tpu.vector_load %arg9[%get3A_262, %get3A_263] {strides = array<i32>} : memref<128x128xf32, #tpu.memory_space<vmem>>, vector<1x16xf32>,
        %get3A_265 = vector.shape_cast %get3A_264 : vector<1x16xf32> to vector<16xf32>
        %get3A_266 = arith.index_cast %add3A_244 : i32 to index
        %get3A_267 = arith.constant 80 : index
        %get3A_268 = tpu.vector_load %arg9[%get3A_266, %get3A_267] {strides = array<i32>} : memref<128x128xf32, #tpu.memory_space<vmem>>, vector<1x16xf32>,
        %get3A_269 = vector.shape_cast %get3A_268 : vector<1x16xf32> to vector<16xf32>
        %sub3A_270 = arith.subf %get3A_269, %get3A_265 : vector<16xf32>
        %mul3A_271 = arith.mulf %broadcast_in_dim3A, %sub3A_270 : vector<16xf32>
        %add3A_272 = arith.addf %get3A_265, %mul3A_271 : vector<16xf32>
        %swap3A_273 = arith.index_cast %add3A_244 : i32 to index
        %swap3A_274 = arith.constant 16 : index
        %swap3A_275 = tpu.vector_load %arg13[%swap3A_273, %swap3A_274] {strides = array<i32>} : memref<128x64xf32, #tpu.memory_space<vmem>>, vector<1x16xf32>,
        %swap3A_276 = vector.shape_cast %swap3A_275 : vector<1x16xf32> to vector<16xf32>
        %swap3A_277 = vector.shape_cast %add3A_272 : vector<16xf32> to vector<1x16xf32>
        tpu.vector_store %arg13[%swap3A_273, %swap3A_274], %swap3A_277 {strides = array<i32>} : memref<128x64xf32, #tpu.memory_space<vmem>>, vector<1x16xf32>,
        %get3A_278 = arith.index_cast %add3A_244 : i32 to index
        %get3A_279 = arith.constant 32 : index
        %get3A_280 = tpu.vector_load %arg9[%get3A_278, %get3A_279] {strides = array<i32>} : memref<128x128xf32, #tpu.memory_space<vmem>>, vector<1x16xf32>,
        %get3A_281 = vector.shape_cast %get3A_280 : vector<1x16xf32> to vector<16xf32>
        %get3A_282 = arith.index_cast %add3A_244 : i32 to index
        %get3A_283 = arith.constant 96 : index
        %get3A_284 = tpu.vector_load %arg9[%get3A_282, %get3A_283] {strides = array<i32>} : memref<128x128xf32, #tpu.memory_space<vmem>>, vector<1x16xf32>,
        %get3A_285 = vector.shape_cast %get3A_284 : vector<1x16xf32> to vector<16xf32>
        %sub3A_286 = arith.subf %get3A_285, %get3A_281 : vector<16xf32>
        %mul3A_287 = arith.mulf %broadcast_in_dim3A, %sub3A_286 : vector<16xf32>
        %add3A_288 = arith.addf %get3A_281, %mul3A_287 : vector<16xf32>
        %swap3A_289 = arith.index_cast %add3A_244 : i32 to index
        %swap3A_290 = arith.constant 32 : index
        %swap3A_291 = tpu.vector_load %arg13[%swap3A_289, %swap3A_290] {strides = array<i32>} : memref<128x64xf32, #tpu.memory_space<vmem>>, vector<1x16xf32>,
        %swap3A_292 = vector.shape_cast %swap3A_291 : vector<1x16xf32> to vector<16xf32>
        %swap3A_293 = vector.shape_cast %add3A_288 : vector<16xf32> to vector<1x16xf32>
        tpu.vector_store %arg13[%swap3A_289, %swap3A_290], %swap3A_293 {strides = array<i32>} : memref<128x64xf32, #tpu.memory_space<vmem>>, vector<1x16xf32>,
        %get3A_294 = arith.index_cast %add3A_244 : i32 to index
        %get3A_295 = arith.constant 48 : index
        %get3A_296 = tpu.vector_load %arg9[%get3A_294, %get3A_295] {strides = array<i32>} : memref<128x128xf32, #tpu.memory_space<vmem>>, vector<1x16xf32>,
        %get3A_297 = vector.shape_cast %get3A_296 : vector<1x16xf32> to vector<16xf32>
        %get3A_298 = arith.index_cast %add3A_244 : i32 to index
        %get3A_299 = arith.constant 112 : index
        %get3A_300 = tpu.vector_load %arg9[%get3A_298, %get3A_299] {strides = array<i32>} : memref<128x128xf32, #tpu.memory_space<vmem>>, vector<1x16xf32>,
        %get3A_301 = vector.shape_cast %get3A_300 : vector<1x16xf32> to vector<16xf32>
        %sub3A_302 = arith.subf %get3A_301, %get3A_297 : vector<16xf32>
        %mul3A_303 = arith.mulf %broadcast_in_dim3A, %sub3A_302 : vector<16xf32>
        %add3A_304 = arith.addf %get3A_297, %mul3A_303 : vector<16xf32>
        %swap3A_305 = arith.index_cast %add3A_244 : i32 to index
        %swap3A_306 = arith.constant 48 : index
        %swap3A_307 = tpu.vector_load %arg13[%swap3A_305, %swap3A_306] {strides = array<i32>} : memref<128x64xf32, #tpu.memory_space<vmem>>, vector<1x16xf32>,
        %swap3A_308 = vector.shape_cast %swap3A_307 : vector<1x16xf32> to vector<16xf32>
        %swap3A_309 = vector.shape_cast %add3A_304 : vector<16xf32> to vector<1x16xf32>
        tpu.vector_store %arg13[%swap3A_305, %swap3A_306], %swap3A_309 {strides = array<i32>} : memref<128x64xf32, #tpu.memory_space<vmem>>, vector<1x16xf32>,
        %add3A_310 = arith.constant 1 : i32
        %add3A_311 = arith.addi %mul3A_236, %add3A_310 : i32
        %slice3A_312 = vector.extract_strided_slice %get3A_242 {offsets = [1], sizes = [1], strides = [1]} : vector<16xf32> to vector<1xf32>
        %squeeze3A_313 = vector.extract %slice3A_312[0] : f32 from vector<1xf32>
        %broadcast_in_dim3A_314 = vector.broadcast %squeeze3A_313 : f32 to vector<16xf32>
        %get3A_315 = arith.index_cast %add3A_311 : i32 to index
        %get3A_316 = arith.constant 0 : index
        %get3A_317 = tpu.vector_load %arg9[%get3A_315, %get3A_316] {strides = array<i32>} : memref<128x128xf32, #tpu.memory_space<vmem>>, vector<1x16xf32>,
        %get3A_318 = vector.shape_cast %get3A_317 : vector<1x16xf32> to vector<16xf32>
        %get3A_319 = arith.index_cast %add3A_311 : i32 to index
        %get3A_320 = arith.constant 64 : index
        %get3A_321 = tpu.vector_load %arg9[%get3A_319, %get3A_320] {strides = array<i32>} : memref<128x128xf32, #tpu.memory_space<vmem>>, vector<1x16xf32>,
        %get3A_322 = vector.shape_cast %get3A_321 : vector<1x16xf32> to vector<16xf32>
        %sub3A_323 = arith.subf %get3A_322, %get3A_318 : vector<16xf32>
        %mul3A_324 = arith.mulf %broadcast_in_dim3A_314, %sub3A_323 : vector<16xf32>
        %add3A_325 = arith.addf %get3A_318, %mul3A_324 : vector<16xf32>
        %swap3A_326 = arith.index_cast %add3A_311 : i32 to index
        %swap3A_327 = arith.constant 0 : index
        %swap3A_328 = tpu.vector_load %arg13[%swap3A_326, %swap3A_327] {strides = array<i32>} : memref<128x64xf32, #tpu.memory_space<vmem>>, vector<1x16xf32>,
        %swap3A_329 = vector.shape_cast %swap3A_328 : vector<1x16xf32> to vector<16xf32>
        %swap3A_330 = vector.shape_cast %add3A_325 : vector<16xf32> to vector<1x16xf32>
        tpu.vector_store %arg13[%swap3A_326, %swap3A_327], %swap3A_330 {strides = array<i32>} : memref<128x64xf32, #tpu.memory_space<vmem>>, vector<1x16xf32>,
        %get3A_331 = arith.index_cast %add3A_311 : i32 to index
        %get3A_332 = arith.constant 16 : index
        %get3A_333 = tpu.vector_load %arg9[%get3A_331, %get3A_332] {strides = array<i32>} : memref<128x128xf32, #tpu.memory_space<vmem>>, vector<1x16xf32>,
        %get3A_334 = vector.shape_cast %get3A_333 : vector<1x16xf32> to vector<16xf32>
        %get3A_335 = arith.index_cast %add3A_311 : i32 to index
        %get3A_336 = arith.constant 80 : index
        %get3A_337 = tpu.vector_load %arg9[%get3A_335, %get3A_336] {strides = array<i32>} : memref<128x128xf32, #tpu.memory_space<vmem>>, vector<1x16xf32>,
        %get3A_338 = vector.shape_cast %get3A_337 : vector<1x16xf32> to vector<16xf32>
        %sub3A_339 = arith.subf %get3A_338, %get3A_334 : vector<16xf32>
        %mul3A_340 = arith.mulf %broadcast_in_dim3A_314, %sub3A_339 : vector<16xf32>
        %add3A_341 = arith.addf %get3A_334, %mul3A_340 : vector<16xf32>
        %swap3A_342 = arith.index_cast %add3A_311 : i32 to index
        %swap3A_343 = arith.constant 16 : index
        %swap3A_344 = tpu.vector_load %arg13[%swap3A_342, %swap3A_343] {strides = array<i32>} : memref<128x64xf32, #tpu.memory_space<vmem>>, vector<1x16xf32>,
        %swap3A_345 = vector.shape_cast %swap3A_344 : vector<1x16xf32> to vector<16xf32>
        %swap3A_346 = vector.shape_cast %add3A_341 : vector<16xf32> to vector<1x16xf32>
        tpu.vector_store %arg13[%swap3A_342, %swap3A_343], %swap3A_346 {strides = array<i32>} : memref<128x64xf32, #tpu.memory_space<vmem>>, vector<1x16xf32>,
        %get3A_347 = arith.index_cast %add3A_311 : i32 to index
        %get3A_348 = arith.constant 32 : index
        %get3A_349 = tpu.vector_load %arg9[%get3A_347, %get3A_348] {strides = array<i32>} : memref<128x128xf32, #tpu.memory_space<vmem>>, vector<1x16xf32>,
        %get3A_350 = vector.shape_cast %get3A_349 : vector<1x16xf32> to vector<16xf32>
        %get3A_351 = arith.index_cast %add3A_311 : i32 to index
        %get3A_352 = arith.constant 96 : index
        %get3A_353 = tpu.vector_load %arg9[%get3A_351, %get3A_352] {strides = array<i32>} : memref<128x128xf32, #tpu.memory_space<vmem>>, vector<1x16xf32>,
        %get3A_354 = vector.shape_cast %get3A_353 : vector<1x16xf32> to vector<16xf32>
        %sub3A_355 = arith.subf %get3A_354, %get3A_350 : vector<16xf32>
        %mul3A_356 = arith.mulf %broadcast_in_dim3A_314, %sub3A_355 : vector<16xf32>
        %add3A_357 = arith.addf %get3A_350, %mul3A_356 : vector<16xf32>
        %swap3A_358 = arith.index_cast %add3A_311 : i32 to index
        %swap3A_359 = arith.constant 32 : index
        %swap3A_360 = tpu.vector_load %arg13[%swap3A_358, %swap3A_359] {strides = array<i32>} : memref<128x64xf32, #tpu.memory_space<vmem>>, vector<1x16xf32>,
        %swap3A_361 = vector.shape_cast %swap3A_360 : vector<1x16xf32> to vector<16xf32>
        %swap3A_362 = vector.shape_cast %add3A_357 : vector<16xf32> to vector<1x16xf32>
        tpu.vector_store %arg13[%swap3A_358, %swap3A_359], %swap3A_362 {strides = array<i32>} : memref<128x64xf32, #tpu.memory_space<vmem>>, vector<1x16xf32>,
        %get3A_363 = arith.index_cast %add3A_311 : i32 to index
        %get3A_364 = arith.constant 48 : index
        %get3A_365 = tpu.vector_load %arg9[%get3A_363, %get3A_364] {strides = array<i32>} : memref<128x128xf32, #tpu.memory_space<vmem>>, vector<1x16xf32>,
        %get3A_366 = vector.shape_cast %get3A_365 : vector<1x16xf32> to vector<16xf32>
        %get3A_367 = arith.index_cast %add3A_311 : i32 to index
        %get3A_368 = arith.constant 112 : index
        %get3A_369 = tpu.vector_load %arg9[%get3A_367, %get3A_368] {strides = array<i32>} : memref<128x128xf32, #tpu.memory_space<vmem>>, vector<1x16xf32>,
        %get3A_370 = vector.shape_cast %get3A_369 : vector<1x16xf32> to vector<16xf32>
        %sub3A_371 = arith.subf %get3A_370, %get3A_366 : vector<16xf32>
        %mul3A_372 = arith.mulf %broadcast_in_dim3A_314, %sub3A_371 : vector<16xf32>
        %add3A_373 = arith.addf %get3A_366, %mul3A_372 : vector<16xf32>
        %swap3A_374 = arith.index_cast %add3A_311 : i32 to index
        %swap3A_375 = arith.constant 48 : index
        %swap3A_376 = tpu.vector_load %arg13[%swap3A_374, %swap3A_375] {strides = array<i32>} : memref<128x64xf32, #tpu.memory_space<vmem>>, vector<1x16xf32>,
        %swap3A_377 = vector.shape_cast %swap3A_376 : vector<1x16xf32> to vector<16xf32>
        %swap3A_378 = vector.shape_cast %add3A_373 : vector<16xf32> to vector<1x16xf32>
        tpu.vector_store %arg13[%swap3A_374, %swap3A_375], %swap3A_378 {strides = array<i32>} : memref<128x64xf32, #tpu.memory_space<vmem>>, vector<1x16xf32>,
        %add3A_379 = arith.constant 2 : i32
        %add3A_380 = arith.addi %mul3A_236, %add3A_379 : i32
        %slice3A_381 = vector.extract_strided_slice %get3A_242 {offsets = [2], sizes = [1], strides = [1]} : vector<16xf32> to vector<1xf32>
        %squeeze3A_382 = vector.extract %slice3A_381[0] : f32 from vector<1xf32>
        %broadcast_in_dim3A_383 = vector.broadcast %squeeze3A_382 : f32 to vector<16xf32>
        %get3A_384 = arith.index_cast %add3A_380 : i32 to index
        %get3A_385 = arith.constant 0 : index
        %get3A_386 = tpu.vector_load %arg9[%get3A_384, %get3A_385] {strides = array<i32>} : memref<128x128xf32, #tpu.memory_space<vmem>>, vector<1x16xf32>,
        %get3A_387 = vector.shape_cast %get3A_386 : vector<1x16xf32> to vector<16xf32>
        %get3A_388 = arith.index_cast %add3A_380 : i32 to index
        %get3A_389 = arith.constant 64 : index
        %get3A_390 = tpu.vector_load %arg9[%get3A_388, %get3A_389] {strides = array<i32>} : memref<128x128xf32, #tpu.memory_space<vmem>>, vector<1x16xf32>,
        %get3A_391 = vector.shape_cast %get3A_390 : vector<1x16xf32> to vector<16xf32>
        %sub3A_392 = arith.subf %get3A_391, %get3A_387 : vector<16xf32>
        %mul3A_393 = arith.mulf %broadcast_in_dim3A_383, %sub3A_392 : vector<16xf32>
        %add3A_394 = arith.addf %get3A_387, %mul3A_393 : vector<16xf32>
        %swap3A_395 = arith.index_cast %add3A_380 : i32 to index
        %swap3A_396 = arith.constant 0 : index
        %swap3A_397 = tpu.vector_load %arg13[%swap3A_395, %swap3A_396] {strides = array<i32>} : memref<128x64xf32, #tpu.memory_space<vmem>>, vector<1x16xf32>,
        %swap3A_398 = vector.shape_cast %swap3A_397 : vector<1x16xf32> to vector<16xf32>
        %swap3A_399 = vector.shape_cast %add3A_394 : vector<16xf32> to vector<1x16xf32>
        tpu.vector_store %arg13[%swap3A_395, %swap3A_396], %swap3A_399 {strides = array<i32>} : memref<128x64xf32, #tpu.memory_space<vmem>>, vector<1x16xf32>,
        %get3A_400 = arith.index_cast %add3A_380 : i32 to index
        %get3A_401 = arith.constant 16 : index
        %get3A_402 = tpu.vector_load %arg9[%get3A_400, %get3A_401] {strides = array<i32>} : memref<128x128xf32, #tpu.memory_space<vmem>>, vector<1x16xf32>,
        %get3A_403 = vector.shape_cast %get3A_402 : vector<1x16xf32> to vector<16xf32>
        %get3A_404 = arith.index_cast %add3A_380 : i32 to index
        %get3A_405 = arith.constant 80 : index
        %get3A_406 = tpu.vector_load %arg9[%get3A_404, %get3A_405] {strides = array<i32>} : memref<128x128xf32, #tpu.memory_space<vmem>>, vector<1x16xf32>,
        %get3A_407 = vector.shape_cast %get3A_406 : vector<1x16xf32> to vector<16xf32>
        %sub3A_408 = arith.subf %get3A_407, %get3A_403 : vector<16xf32>
        %mul3A_409 = arith.mulf %broadcast_in_dim3A_383, %sub3A_408 : vector<16xf32>
        %add3A_410 = arith.addf %get3A_403, %mul3A_409 : vector<16xf32>
        %swap3A_411 = arith.index_cast %add3A_380 : i32 to index
        %swap3A_412 = arith.constant 16 : index
        %swap3A_413 = tpu.vector_load %arg13[%swap3A_411, %swap3A_412] {strides = array<i32>} : memref<128x64xf32, #tpu.memory_space<vmem>>, vector<1x16xf32>,
        %swap3A_414 = vector.shape_cast %swap3A_413 : vector<1x16xf32> to vector<16xf32>
        %swap3A_415 = vector.shape_cast %add3A_410 : vector<16xf32> to vector<1x16xf32>
        tpu.vector_store %arg13[%swap3A_411, %swap3A_412], %swap3A_415 {strides = array<i32>} : memref<128x64xf32, #tpu.memory_space<vmem>>, vector<1x16xf32>,
        %get3A_416 = arith.index_cast %add3A_380 : i32 to index
        %get3A_417 = arith.constant 32 : index
        %get3A_418 = tpu.vector_load %arg9[%get3A_416, %get3A_417] {strides = array<i32>} : memref<128x128xf32, #tpu.memory_space<vmem>>, vector<1x16xf32>,
        %get3A_419 = vector.shape_cast %get3A_418 : vector<1x16xf32> to vector<16xf32>
        %get3A_420 = arith.index_cast %add3A_380 : i32 to index
        %get3A_421 = arith.constant 96 : index
        %get3A_422 = tpu.vector_load %arg9[%get3A_420, %get3A_421] {strides = array<i32>} : memref<128x128xf32, #tpu.memory_space<vmem>>, vector<1x16xf32>,
        %get3A_423 = vector.shape_cast %get3A_422 : vector<1x16xf32> to vector<16xf32>
        %sub3A_424 = arith.subf %get3A_423, %get3A_419 : vector<16xf32>
        %mul3A_425 = arith.mulf %broadcast_in_dim3A_383, %sub3A_424 : vector<16xf32>
        %add3A_426 = arith.addf %get3A_419, %mul3A_425 : vector<16xf32>
        %swap3A_427 = arith.index_cast %add3A_380 : i32 to index
        %swap3A_428 = arith.constant 32 : index
        %swap3A_429 = tpu.vector_load %arg13[%swap3A_427, %swap3A_428] {strides = array<i32>} : memref<128x64xf32, #tpu.memory_space<vmem>>, vector<1x16xf32>,
        %swap3A_430 = vector.shape_cast %swap3A_429 : vector<1x16xf32> to vector<16xf32>
        %swap3A_431 = vector.shape_cast %add3A_426 : vector<16xf32> to vector<1x16xf32>
        tpu.vector_store %arg13[%swap3A_427, %swap3A_428], %swap3A_431 {strides = array<i32>} : memref<128x64xf32, #tpu.memory_space<vmem>>, vector<1x16xf32>,
        %get3A_432 = arith.index_cast %add3A_380 : i32 to index
        %get3A_433 = arith.constant 48 : index
        %get3A_434 = tpu.vector_load %arg9[%get3A_432, %get3A_433] {strides = array<i32>} : memref<128x128xf32, #tpu.memory_space<vmem>>, vector<1x16xf32>,
        %get3A_435 = vector.shape_cast %get3A_434 : vector<1x16xf32> to vector<16xf32>
        %get3A_436 = arith.index_cast %add3A_380 : i32 to index
        %get3A_437 = arith.constant 112 : index
        %get3A_438 = tpu.vector_load %arg9[%get3A_436, %get3A_437] {strides = array<i32>} : memref<128x128xf32, #tpu.memory_space<vmem>>, vector<1x16xf32>,
        %get3A_439 = vector.shape_cast %get3A_438 : vector<1x16xf32> to vector<16xf32>
        %sub3A_440 = arith.subf %get3A_439, %get3A_435 : vector<16xf32>
        %mul3A_441 = arith.mulf %broadcast_in_dim3A_383, %sub3A_440 : vector<16xf32>
        %add3A_442 = arith.addf %get3A_435, %mul3A_441 : vector<16xf32>
        %swap3A_443 = arith.index_cast %add3A_380 : i32 to index
        %swap3A_444 = arith.constant 48 : index
        %swap3A_445 = tpu.vector_load %arg13[%swap3A_443, %swap3A_444] {strides = array<i32>} : memref<128x64xf32, #tpu.memory_space<vmem>>, vector<1x16xf32>,
        %swap3A_446 = vector.shape_cast %swap3A_445 : vector<1x16xf32> to vector<16xf32>
        %swap3A_447 = vector.shape_cast %add3A_442 : vector<16xf32> to vector<1x16xf32>
        tpu.vector_store %arg13[%swap3A_443, %swap3A_444], %swap3A_447 {strides = array<i32>} : memref<128x64xf32, #tpu.memory_space<vmem>>, vector<1x16xf32>,
        %add3A_448 = arith.constant 3 : i32
        %add3A_449 = arith.addi %mul3A_236, %add3A_448 : i32
        %slice3A_450 = vector.extract_strided_slice %get3A_242 {offsets = [3], sizes = [1], strides = [1]} : vector<16xf32> to vector<1xf32>
        %squeeze3A_451 = vector.extract %slice3A_450[0] : f32 from vector<1xf32>
        %broadcast_in_dim3A_452 = vector.broadcast %squeeze3A_451 : f32 to vector<16xf32>
        %get3A_453 = arith.index_cast %add3A_449 : i32 to index
        %get3A_454 = arith.constant 0 : index
        %get3A_455 = tpu.vector_load %arg9[%get3A_453, %get3A_454] {strides = array<i32>} : memref<128x128xf32, #tpu.memory_space<vmem>>, vector<1x16xf32>,
        %get3A_456 = vector.shape_cast %get3A_455 : vector<1x16xf32> to vector<16xf32>
        %get3A_457 = arith.index_cast %add3A_449 : i32 to index
        %get3A_458 = arith.constant 64 : index
        %get3A_459 = tpu.vector_load %arg9[%get3A_457, %get3A_458] {strides = array<i32>} : memref<128x128xf32, #tpu.memory_space<vmem>>, vector<1x16xf32>,
        %get3A_460 = vector.shape_cast %get3A_459 : vector<1x16xf32> to vector<16xf32>
        %sub3A_461 = arith.subf %get3A_460, %get3A_456 : vector<16xf32>
        %mul3A_462 = arith.mulf %broadcast_in_dim3A_452, %sub3A_461 : vector<16xf32>
        %add3A_463 = arith.addf %get3A_456, %mul3A_462 : vector<16xf32>
        %swap3A_464 = arith.index_cast %add3A_449 : i32 to index
        %swap3A_465 = arith.constant 0 : index
        %swap3A_466 = tpu.vector_load %arg13[%swap3A_464, %swap3A_465] {strides = array<i32>} : memref<128x64xf32, #tpu.memory_space<vmem>>, vector<1x16xf32>,
        %swap3A_467 = vector.shape_cast %swap3A_466 : vector<1x16xf32> to vector<16xf32>
        %swap3A_468 = vector.shape_cast %add3A_463 : vector<16xf32> to vector<1x16xf32>
        tpu.vector_store %arg13[%swap3A_464, %swap3A_465], %swap3A_468 {strides = array<i32>} : memref<128x64xf32, #tpu.memory_space<vmem>>, vector<1x16xf32>,
        %get3A_469 = arith.index_cast %add3A_449 : i32 to index
        %get3A_470 = arith.constant 16 : index
        %get3A_471 = tpu.vector_load %arg9[%get3A_469, %get3A_470] {strides = array<i32>} : memref<128x128xf32, #tpu.memory_space<vmem>>, vector<1x16xf32>,
        %get3A_472 = vector.shape_cast %get3A_471 : vector<1x16xf32> to vector<16xf32>
        %get3A_473 = arith.index_cast %add3A_449 : i32 to index
        %get3A_474 = arith.constant 80 : index
        %get3A_475 = tpu.vector_load %arg9[%get3A_473, %get3A_474] {strides = array<i32>} : memref<128x128xf32, #tpu.memory_space<vmem>>, vector<1x16xf32>,
        %get3A_476 = vector.shape_cast %get3A_475 : vector<1x16xf32> to vector<16xf32>
        %sub3A_477 = arith.subf %get3A_476, %get3A_472 : vector<16xf32>
        %mul3A_478 = arith.mulf %broadcast_in_dim3A_452, %sub3A_477 : vector<16xf32>
        %add3A_479 = arith.addf %get3A_472, %mul3A_478 : vector<16xf32>
        %swap3A_480 = arith.index_cast %add3A_449 : i32 to index
        %swap3A_481 = arith.constant 16 : index
        %swap3A_482 = tpu.vector_load %arg13[%swap3A_480, %swap3A_481] {strides = array<i32>} : memref<128x64xf32, #tpu.memory_space<vmem>>, vector<1x16xf32>,
        %swap3A_483 = vector.shape_cast %swap3A_482 : vector<1x16xf32> to vector<16xf32>
        %swap3A_484 = vector.shape_cast %add3A_479 : vector<16xf32> to vector<1x16xf32>
        tpu.vector_store %arg13[%swap3A_480, %swap3A_481], %swap3A_484 {strides = array<i32>} : memref<128x64xf32, #tpu.memory_space<vmem>>, vector<1x16xf32>,
        %get3A_485 = arith.index_cast %add3A_449 : i32 to index
        %get3A_486 = arith.constant 32 : index
        %get3A_487 = tpu.vector_load %arg9[%get3A_485, %get3A_486] {strides = array<i32>} : memref<128x128xf32, #tpu.memory_space<vmem>>, vector<1x16xf32>,
        %get3A_488 = vector.shape_cast %get3A_487 : vector<1x16xf32> to vector<16xf32>
        %get3A_489 = arith.index_cast %add3A_449 : i32 to index
        %get3A_490 = arith.constant 96 : index
        %get3A_491 = tpu.vector_load %arg9[%get3A_489, %get3A_490] {strides = array<i32>} : memref<128x128xf32, #tpu.memory_space<vmem>>, vector<1x16xf32>,
        %get3A_492 = vector.shape_cast %get3A_491 : vector<1x16xf32> to vector<16xf32>
        %sub3A_493 = arith.subf %get3A_492, %get3A_488 : vector<16xf32>
        %mul3A_494 = arith.mulf %broadcast_in_dim3A_452, %sub3A_493 : vector<16xf32>
        %add3A_495 = arith.addf %get3A_488, %mul3A_494 : vector<16xf32>
        %swap3A_496 = arith.index_cast %add3A_449 : i32 to index
        %swap3A_497 = arith.constant 32 : index
        %swap3A_498 = tpu.vector_load %arg13[%swap3A_496, %swap3A_497] {strides = array<i32>} : memref<128x64xf32, #tpu.memory_space<vmem>>, vector<1x16xf32>,
        %swap3A_499 = vector.shape_cast %swap3A_498 : vector<1x16xf32> to vector<16xf32>
        %swap3A_500 = vector.shape_cast %add3A_495 : vector<16xf32> to vector<1x16xf32>
        tpu.vector_store %arg13[%swap3A_496, %swap3A_497], %swap3A_500 {strides = array<i32>} : memref<128x64xf32, #tpu.memory_space<vmem>>, vector<1x16xf32>,
        %get3A_501 = arith.index_cast %add3A_449 : i32 to index
        %get3A_502 = arith.constant 48 : index
        %get3A_503 = tpu.vector_load %arg9[%get3A_501, %get3A_502] {strides = array<i32>} : memref<128x128xf32, #tpu.memory_space<vmem>>, vector<1x16xf32>,
        %get3A_504 = vector.shape_cast %get3A_503 : vector<1x16xf32> to vector<16xf32>
        %get3A_505 = arith.index_cast %add3A_449 : i32 to index
        %get3A_506 = arith.constant 112 : index
        %get3A_507 = tpu.vector_load %arg9[%get3A_505, %get3A_506] {strides = array<i32>} : memref<128x128xf32, #tpu.memory_space<vmem>>, vector<1x16xf32>,
        %get3A_508 = vector.shape_cast %get3A_507 : vector<1x16xf32> to vector<16xf32>
        %sub3A_509 = arith.subf %get3A_508, %get3A_504 : vector<16xf32>
        %mul3A_510 = arith.mulf %broadcast_in_dim3A_452, %sub3A_509 : vector<16xf32>
        %add3A_511 = arith.addf %get3A_504, %mul3A_510 : vector<16xf32>
        %swap3A_512 = arith.index_cast %add3A_449 : i32 to index
        %swap3A_513 = arith.constant 48 : index
        %swap3A_514 = tpu.vector_load %arg13[%swap3A_512, %swap3A_513] {strides = array<i32>} : memref<128x64xf32, #tpu.memory_space<vmem>>, vector<1x16xf32>,
        %swap3A_515 = vector.shape_cast %swap3A_514 : vector<1x16xf32> to vector<16xf32>
        %swap3A_516 = vector.shape_cast %add3A_511 : vector<16xf32> to vector<1x16xf32>
        tpu.vector_store %arg13[%swap3A_512, %swap3A_513], %swap3A_516 {strides = array<i32>} : memref<128x64xf32, #tpu.memory_space<vmem>>, vector<1x16xf32>,
        %add3A_517 = arith.constant 4 : i32
        %add3A_518 = arith.addi %mul3A_236, %add3A_517 : i32
        %slice3A_519 = vector.extract_strided_slice %get3A_242 {offsets = [4], sizes = [1], strides = [1]} : vector<16xf32> to vector<1xf32>
        %squeeze3A_520 = vector.extract %slice3A_519[0] : f32 from vector<1xf32>
        %broadcast_in_dim3A_521 = vector.broadcast %squeeze3A_520 : f32 to vector<16xf32>
        %get3A_522 = arith.index_cast %add3A_518 : i32 to index
        %get3A_523 = arith.constant 0 : index
        %get3A_524 = tpu.vector_load %arg9[%get3A_522, %get3A_523] {strides = array<i32>} : memref<128x128xf32, #tpu.memory_space<vmem>>, vector<1x16xf32>,
        %get3A_525 = vector.shape_cast %get3A_524 : vector<1x16xf32> to vector<16xf32>
        %get3A_526 = arith.index_cast %add3A_518 : i32 to index
        %get3A_527 = arith.constant 64 : index
        %get3A_528 = tpu.vector_load %arg9[%get3A_526, %get3A_527] {strides = array<i32>} : memref<128x128xf32, #tpu.memory_space<vmem>>, vector<1x16xf32>,
        %get3A_529 = vector.shape_cast %get3A_528 : vector<1x16xf32> to vector<16xf32>
        %sub3A_530 = arith.subf %get3A_529, %get3A_525 : vector<16xf32>
        %mul3A_531 = arith.mulf %broadcast_in_dim3A_521, %sub3A_530 : vector<16xf32>
        %add3A_532 = arith.addf %get3A_525, %mul3A_531 : vector<16xf32>
        %swap3A_533 = arith.index_cast %add3A_518 : i32 to index
        %swap3A_534 = arith.constant 0 : index
        %swap3A_535 = tpu.vector_load %arg13[%swap3A_533, %swap3A_534] {strides = array<i32>} : memref<128x64xf32, #tpu.memory_space<vmem>>, vector<1x16xf32>,
        %swap3A_536 = vector.shape_cast %swap3A_535 : vector<1x16xf32> to vector<16xf32>
        %swap3A_537 = vector.shape_cast %add3A_532 : vector<16xf32> to vector<1x16xf32>
        tpu.vector_store %arg13[%swap3A_533, %swap3A_534], %swap3A_537 {strides = array<i32>} : memref<128x64xf32, #tpu.memory_space<vmem>>, vector<1x16xf32>,
        %get3A_538 = arith.index_cast %add3A_518 : i32 to index
        %get3A_539 = arith.constant 16 : index
        %get3A_540 = tpu.vector_load %arg9[%get3A_538, %get3A_539] {strides = array<i32>} : memref<128x128xf32, #tpu.memory_space<vmem>>, vector<1x16xf32>,
        %get3A_541 = vector.shape_cast %get3A_540 : vector<1x16xf32> to vector<16xf32>
        %get3A_542 = arith.index_cast %add3A_518 : i32 to index
        %get3A_543 = arith.constant 80 : index
        %get3A_544 = tpu.vector_load %arg9[%get3A_542, %get3A_543] {strides = array<i32>} : memref<128x128xf32, #tpu.memory_space<vmem>>, vector<1x16xf32>,
        %get3A_545 = vector.shape_cast %get3A_544 : vector<1x16xf32> to vector<16xf32>
        %sub3A_546 = arith.subf %get3A_545, %get3A_541 : vector<16xf32>
        %mul3A_547 = arith.mulf %broadcast_in_dim3A_521, %sub3A_546 : vector<16xf32>
        %add3A_548 = arith.addf %get3A_541, %mul3A_547 : vector<16xf32>
        %swap3A_549 = arith.index_cast %add3A_518 : i32 to index
        %swap3A_550 = arith.constant 16 : index
        %swap3A_551 = tpu.vector_load %arg13[%swap3A_549, %swap3A_550] {strides = array<i32>} : memref<128x64xf32, #tpu.memory_space<vmem>>, vector<1x16xf32>,
        %swap3A_552 = vector.shape_cast %swap3A_551 : vector<1x16xf32> to vector<16xf32>
        %swap3A_553 = vector.shape_cast %add3A_548 : vector<16xf32> to vector<1x16xf32>
        tpu.vector_store %arg13[%swap3A_549, %swap3A_550], %swap3A_553 {strides = array<i32>} : memref<128x64xf32, #tpu.memory_space<vmem>>, vector<1x16xf32>,
        %get3A_554 = arith.index_cast %add3A_518 : i32 to index
        %get3A_555 = arith.constant 32 : index
        %get3A_556 = tpu.vector_load %arg9[%get3A_554, %get3A_555] {strides = array<i32>} : memref<128x128xf32, #tpu.memory_space<vmem>>, vector<1x16xf32>,
        %get3A_557 = vector.shape_cast %get3A_556 : vector<1x16xf32> to vector<16xf32>
        %get3A_558 = arith.index_cast %add3A_518 : i32 to index
        %get3A_559 = arith.constant 96 : index
        %get3A_560 = tpu.vector_load %arg9[%get3A_558, %get3A_559] {strides = array<i32>} : memref<128x128xf32, #tpu.memory_space<vmem>>, vector<1x16xf32>,
        %get3A_561 = vector.shape_cast %get3A_560 : vector<1x16xf32> to vector<16xf32>
        %sub3A_562 = arith.subf %get3A_561, %get3A_557 : vector<16xf32>
        %mul3A_563 = arith.mulf %broadcast_in_dim3A_521, %sub3A_562 : vector<16xf32>
        %add3A_564 = arith.addf %get3A_557, %mul3A_563 : vector<16xf32>
        %swap3A_565 = arith.index_cast %add3A_518 : i32 to index
        %swap3A_566 = arith.constant 32 : index
        %swap3A_567 = tpu.vector_load %arg13[%swap3A_565, %swap3A_566] {strides = array<i32>} : memref<128x64xf32, #tpu.memory_space<vmem>>, vector<1x16xf32>,
        %swap3A_568 = vector.shape_cast %swap3A_567 : vector<1x16xf32> to vector<16xf32>
        %swap3A_569 = vector.shape_cast %add3A_564 : vector<16xf32> to vector<1x16xf32>
        tpu.vector_store %arg13[%swap3A_565, %swap3A_566], %swap3A_569 {strides = array<i32>} : memref<128x64xf32, #tpu.memory_space<vmem>>, vector<1x16xf32>,
        %get3A_570 = arith.index_cast %add3A_518 : i32 to index
        %get3A_571 = arith.constant 48 : index
        %get3A_572 = tpu.vector_load %arg9[%get3A_570, %get3A_571] {strides = array<i32>} : memref<128x128xf32, #tpu.memory_space<vmem>>, vector<1x16xf32>,
        %get3A_573 = vector.shape_cast %get3A_572 : vector<1x16xf32> to vector<16xf32>
        %get3A_574 = arith.index_cast %add3A_518 : i32 to index
        %get3A_575 = arith.constant 112 : index
        %get3A_576 = tpu.vector_load %arg9[%get3A_574, %get3A_575] {strides = array<i32>} : memref<128x128xf32, #tpu.memory_space<vmem>>, vector<1x16xf32>,
        %get3A_577 = vector.shape_cast %get3A_576 : vector<1x16xf32> to vector<16xf32>
        %sub3A_578 = arith.subf %get3A_577, %get3A_573 : vector<16xf32>
        %mul3A_579 = arith.mulf %broadcast_in_dim3A_521, %sub3A_578 : vector<16xf32>
        %add3A_580 = arith.addf %get3A_573, %mul3A_579 : vector<16xf32>
        %swap3A_581 = arith.index_cast %add3A_518 : i32 to index
        %swap3A_582 = arith.constant 48 : index
        %swap3A_583 = tpu.vector_load %arg13[%swap3A_581, %swap3A_582] {strides = array<i32>} : memref<128x64xf32, #tpu.memory_space<vmem>>, vector<1x16xf32>,
        %swap3A_584 = vector.shape_cast %swap3A_583 : vector<1x16xf32> to vector<16xf32>
        %swap3A_585 = vector.shape_cast %add3A_580 : vector<16xf32> to vector<1x16xf32>
        tpu.vector_store %arg13[%swap3A_581, %swap3A_582], %swap3A_585 {strides = array<i32>} : memref<128x64xf32, #tpu.memory_space<vmem>>, vector<1x16xf32>,
        %add3A_586 = arith.constant 5 : i32
        %add3A_587 = arith.addi %mul3A_236, %add3A_586 : i32
        %slice3A_588 = vector.extract_strided_slice %get3A_242 {offsets = [5], sizes = [1], strides = [1]} : vector<16xf32> to vector<1xf32>
        %squeeze3A_589 = vector.extract %slice3A_588[0] : f32 from vector<1xf32>
        %broadcast_in_dim3A_590 = vector.broadcast %squeeze3A_589 : f32 to vector<16xf32>
        %get3A_591 = arith.index_cast %add3A_587 : i32 to index
        %get3A_592 = arith.constant 0 : index
        %get3A_593 = tpu.vector_load %arg9[%get3A_591, %get3A_592] {strides = array<i32>} : memref<128x128xf32, #tpu.memory_space<vmem>>, vector<1x16xf32>,
        %get3A_594 = vector.shape_cast %get3A_593 : vector<1x16xf32> to vector<16xf32>
        %get3A_595 = arith.index_cast %add3A_587 : i32 to index
        %get3A_596 = arith.constant 64 : index
        %get3A_597 = tpu.vector_load %arg9[%get3A_595, %get3A_596] {strides = array<i32>} : memref<128x128xf32, #tpu.memory_space<vmem>>, vector<1x16xf32>,
        %get3A_598 = vector.shape_cast %get3A_597 : vector<1x16xf32> to vector<16xf32>
        %sub3A_599 = arith.subf %get3A_598, %get3A_594 : vector<16xf32>
        %mul3A_600 = arith.mulf %broadcast_in_dim3A_590, %sub3A_599 : vector<16xf32>
        %add3A_601 = arith.addf %get3A_594, %mul3A_600 : vector<16xf32>
        %swap3A_602 = arith.index_cast %add3A_587 : i32 to index
        %swap3A_603 = arith.constant 0 : index
        %swap3A_604 = tpu.vector_load %arg13[%swap3A_602, %swap3A_603] {strides = array<i32>} : memref<128x64xf32, #tpu.memory_space<vmem>>, vector<1x16xf32>,
        %swap3A_605 = vector.shape_cast %swap3A_604 : vector<1x16xf32> to vector<16xf32>
        %swap3A_606 = vector.shape_cast %add3A_601 : vector<16xf32> to vector<1x16xf32>
        tpu.vector_store %arg13[%swap3A_602, %swap3A_603], %swap3A_606 {strides = array<i32>} : memref<128x64xf32, #tpu.memory_space<vmem>>, vector<1x16xf32>,
        %get3A_607 = arith.index_cast %add3A_587 : i32 to index
        %get3A_608 = arith.constant 16 : index
        %get3A_609 = tpu.vector_load %arg9[%get3A_607, %get3A_608] {strides = array<i32>} : memref<128x128xf32, #tpu.memory_space<vmem>>, vector<1x16xf32>,
        %get3A_610 = vector.shape_cast %get3A_609 : vector<1x16xf32> to vector<16xf32>
        %get3A_611 = arith.index_cast %add3A_587 : i32 to index
        %get3A_612 = arith.constant 80 : index
        %get3A_613 = tpu.vector_load %arg9[%get3A_611, %get3A_612] {strides = array<i32>} : memref<128x128xf32, #tpu.memory_space<vmem>>, vector<1x16xf32>,
        %get3A_614 = vector.shape_cast %get3A_613 : vector<1x16xf32> to vector<16xf32>
        %sub3A_615 = arith.subf %get3A_614, %get3A_610 : vector<16xf32>
        %mul3A_616 = arith.mulf %broadcast_in_dim3A_590, %sub3A_615 : vector<16xf32>
        %add3A_617 = arith.addf %get3A_610, %mul3A_616 : vector<16xf32>
        %swap3A_618 = arith.index_cast %add3A_587 : i32 to index
        %swap3A_619 = arith.constant 16 : index
        %swap3A_620 = tpu.vector_load %arg13[%swap3A_618, %swap3A_619] {strides = array<i32>} : memref<128x64xf32, #tpu.memory_space<vmem>>, vector<1x16xf32>,
        %swap3A_621 = vector.shape_cast %swap3A_620 : vector<1x16xf32> to vector<16xf32>
        %swap3A_622 = vector.shape_cast %add3A_617 : vector<16xf32> to vector<1x16xf32>
        tpu.vector_store %arg13[%swap3A_618, %swap3A_619], %swap3A_622 {strides = array<i32>} : memref<128x64xf32, #tpu.memory_space<vmem>>, vector<1x16xf32>,
        %get3A_623 = arith.index_cast %add3A_587 : i32 to index
        %get3A_624 = arith.constant 32 : index
        %get3A_625 = tpu.vector_load %arg9[%get3A_623, %get3A_624] {strides = array<i32>} : memref<128x128xf32, #tpu.memory_space<vmem>>, vector<1x16xf32>,
        %get3A_626 = vector.shape_cast %get3A_625 : vector<1x16xf32> to vector<16xf32>
        %get3A_627 = arith.index_cast %add3A_587 : i32 to index
        %get3A_628 = arith.constant 96 : index
        %get3A_629 = tpu.vector_load %arg9[%get3A_627, %get3A_628] {strides = array<i32>} : memref<128x128xf32, #tpu.memory_space<vmem>>, vector<1x16xf32>,
        %get3A_630 = vector.shape_cast %get3A_629 : vector<1x16xf32> to vector<16xf32>
        %sub3A_631 = arith.subf %get3A_630, %get3A_626 : vector<16xf32>
        %mul3A_632 = arith.mulf %broadcast_in_dim3A_590, %sub3A_631 : vector<16xf32>
        %add3A_633 = arith.addf %get3A_626, %mul3A_632 : vector<16xf32>
        %swap3A_634 = arith.index_cast %add3A_587 : i32 to index
        %swap3A_635 = arith.constant 32 : index
        %swap3A_636 = tpu.vector_load %arg13[%swap3A_634, %swap3A_635] {strides = array<i32>} : memref<128x64xf32, #tpu.memory_space<vmem>>, vector<1x16xf32>,
        %swap3A_637 = vector.shape_cast %swap3A_636 : vector<1x16xf32> to vector<16xf32>
        %swap3A_638 = vector.shape_cast %add3A_633 : vector<16xf32> to vector<1x16xf32>
        tpu.vector_store %arg13[%swap3A_634, %swap3A_635], %swap3A_638 {strides = array<i32>} : memref<128x64xf32, #tpu.memory_space<vmem>>, vector<1x16xf32>,
        %get3A_639 = arith.index_cast %add3A_587 : i32 to index
        %get3A_640 = arith.constant 48 : index
        %get3A_641 = tpu.vector_load %arg9[%get3A_639, %get3A_640] {strides = array<i32>} : memref<128x128xf32, #tpu.memory_space<vmem>>, vector<1x16xf32>,
        %get3A_642 = vector.shape_cast %get3A_641 : vector<1x16xf32> to vector<16xf32>
        %get3A_643 = arith.index_cast %add3A_587 : i32 to index
        %get3A_644 = arith.constant 112 : index
        %get3A_645 = tpu.vector_load %arg9[%get3A_643, %get3A_644] {strides = array<i32>} : memref<128x128xf32, #tpu.memory_space<vmem>>, vector<1x16xf32>,
        %get3A_646 = vector.shape_cast %get3A_645 : vector<1x16xf32> to vector<16xf32>
        %sub3A_647 = arith.subf %get3A_646, %get3A_642 : vector<16xf32>
        %mul3A_648 = arith.mulf %broadcast_in_dim3A_590, %sub3A_647 : vector<16xf32>
        %add3A_649 = arith.addf %get3A_642, %mul3A_648 : vector<16xf32>
        %swap3A_650 = arith.index_cast %add3A_587 : i32 to index
        %swap3A_651 = arith.constant 48 : index
        %swap3A_652 = tpu.vector_load %arg13[%swap3A_650, %swap3A_651] {strides = array<i32>} : memref<128x64xf32, #tpu.memory_space<vmem>>, vector<1x16xf32>,
        %swap3A_653 = vector.shape_cast %swap3A_652 : vector<1x16xf32> to vector<16xf32>
        %swap3A_654 = vector.shape_cast %add3A_649 : vector<16xf32> to vector<1x16xf32>
        tpu.vector_store %arg13[%swap3A_650, %swap3A_651], %swap3A_654 {strides = array<i32>} : memref<128x64xf32, #tpu.memory_space<vmem>>, vector<1x16xf32>,
        %add3A_655 = arith.constant 6 : i32
        %add3A_656 = arith.addi %mul3A_236, %add3A_655 : i32
        %slice3A_657 = vector.extract_strided_slice %get3A_242 {offsets = [6], sizes = [1], strides = [1]} : vector<16xf32> to vector<1xf32>
        %squeeze3A_658 = vector.extract %slice3A_657[0] : f32 from vector<1xf32>
        %broadcast_in_dim3A_659 = vector.broadcast %squeeze3A_658 : f32 to vector<16xf32>
        %get3A_660 = arith.index_cast %add3A_656 : i32 to index
        %get3A_661 = arith.constant 0 : index
        %get3A_662 = tpu.vector_load %arg9[%get3A_660, %get3A_661] {strides = array<i32>} : memref<128x128xf32, #tpu.memory_space<vmem>>, vector<1x16xf32>,
        %get3A_663 = vector.shape_cast %get3A_662 : vector<1x16xf32> to vector<16xf32>
        %get3A_664 = arith.index_cast %add3A_656 : i32 to index
        %get3A_665 = arith.constant 64 : index
        %get3A_666 = tpu.vector_load %arg9[%get3A_664, %get3A_665] {strides = array<i32>} : memref<128x128xf32, #tpu.memory_space<vmem>>, vector<1x16xf32>,
        %get3A_667 = vector.shape_cast %get3A_666 : vector<1x16xf32> to vector<16xf32>
        %sub3A_668 = arith.subf %get3A_667, %get3A_663 : vector<16xf32>
        %mul3A_669 = arith.mulf %broadcast_in_dim3A_659, %sub3A_668 : vector<16xf32>
        %add3A_670 = arith.addf %get3A_663, %mul3A_669 : vector<16xf32>
        %swap3A_671 = arith.index_cast %add3A_656 : i32 to index
        %swap3A_672 = arith.constant 0 : index
        %swap3A_673 = tpu.vector_load %arg13[%swap3A_671, %swap3A_672] {strides = array<i32>} : memref<128x64xf32, #tpu.memory_space<vmem>>, vector<1x16xf32>,
        %swap3A_674 = vector.shape_cast %swap3A_673 : vector<1x16xf32> to vector<16xf32>
        %swap3A_675 = vector.shape_cast %add3A_670 : vector<16xf32> to vector<1x16xf32>
        tpu.vector_store %arg13[%swap3A_671, %swap3A_672], %swap3A_675 {strides = array<i32>} : memref<128x64xf32, #tpu.memory_space<vmem>>, vector<1x16xf32>,
        %get3A_676 = arith.index_cast %add3A_656 : i32 to index
        %get3A_677 = arith.constant 16 : index
        %get3A_678 = tpu.vector_load %arg9[%get3A_676, %get3A_677] {strides = array<i32>} : memref<128x128xf32, #tpu.memory_space<vmem>>, vector<1x16xf32>,
        %get3A_679 = vector.shape_cast %get3A_678 : vector<1x16xf32> to vector<16xf32>
        %get3A_680 = arith.index_cast %add3A_656 : i32 to index
        %get3A_681 = arith.constant 80 : index
        %get3A_682 = tpu.vector_load %arg9[%get3A_680, %get3A_681] {strides = array<i32>} : memref<128x128xf32, #tpu.memory_space<vmem>>, vector<1x16xf32>,
        %get3A_683 = vector.shape_cast %get3A_682 : vector<1x16xf32> to vector<16xf32>
        %sub3A_684 = arith.subf %get3A_683, %get3A_679 : vector<16xf32>
        %mul3A_685 = arith.mulf %broadcast_in_dim3A_659, %sub3A_684 : vector<16xf32>
        %add3A_686 = arith.addf %get3A_679, %mul3A_685 : vector<16xf32>
        %swap3A_687 = arith.index_cast %add3A_656 : i32 to index
        %swap3A_688 = arith.constant 16 : index
        %swap3A_689 = tpu.vector_load %arg13[%swap3A_687, %swap3A_688] {strides = array<i32>} : memref<128x64xf32, #tpu.memory_space<vmem>>, vector<1x16xf32>,
        %swap3A_690 = vector.shape_cast %swap3A_689 : vector<1x16xf32> to vector<16xf32>
        %swap3A_691 = vector.shape_cast %add3A_686 : vector<16xf32> to vector<1x16xf32>
        tpu.vector_store %arg13[%swap3A_687, %swap3A_688], %swap3A_691 {strides = array<i32>} : memref<128x64xf32, #tpu.memory_space<vmem>>, vector<1x16xf32>,
        %get3A_692 = arith.index_cast %add3A_656 : i32 to index
        %get3A_693 = arith.constant 32 : index
        %get3A_694 = tpu.vector_load %arg9[%get3A_692, %get3A_693] {strides = array<i32>} : memref<128x128xf32, #tpu.memory_space<vmem>>, vector<1x16xf32>,
        %get3A_695 = vector.shape_cast %get3A_694 : vector<1x16xf32> to vector<16xf32>
        %get3A_696 = arith.index_cast %add3A_656 : i32 to index
        %get3A_697 = arith.constant 96 : index
        %get3A_698 = tpu.vector_load %arg9[%get3A_696, %get3A_697] {strides = array<i32>} : memref<128x128xf32, #tpu.memory_space<vmem>>, vector<1x16xf32>,
        %get3A_699 = vector.shape_cast %get3A_698 : vector<1x16xf32> to vector<16xf32>
        %sub3A_700 = arith.subf %get3A_699, %get3A_695 : vector<16xf32>
        %mul3A_701 = arith.mulf %broadcast_in_dim3A_659, %sub3A_700 : vector<16xf32>
        %add3A_702 = arith.addf %get3A_695, %mul3A_701 : vector<16xf32>
        %swap3A_703 = arith.index_cast %add3A_656 : i32 to index
        %swap3A_704 = arith.constant 32 : index
        %swap3A_705 = tpu.vector_load %arg13[%swap3A_703, %swap3A_704] {strides = array<i32>} : memref<128x64xf32, #tpu.memory_space<vmem>>, vector<1x16xf32>,
        %swap3A_706 = vector.shape_cast %swap3A_705 : vector<1x16xf32> to vector<16xf32>
        %swap3A_707 = vector.shape_cast %add3A_702 : vector<16xf32> to vector<1x16xf32>
        tpu.vector_store %arg13[%swap3A_703, %swap3A_704], %swap3A_707 {strides = array<i32>} : memref<128x64xf32, #tpu.memory_space<vmem>>, vector<1x16xf32>,
        %get3A_708 = arith.index_cast %add3A_656 : i32 to index
        %get3A_709 = arith.constant 48 : index
        %get3A_710 = tpu.vector_load %arg9[%get3A_708, %get3A_709] {strides = array<i32>} : memref<128x128xf32, #tpu.memory_space<vmem>>, vector<1x16xf32>,
        %get3A_711 = vector.shape_cast %get3A_710 : vector<1x16xf32> to vector<16xf32>
        %get3A_712 = arith.index_cast %add3A_656 : i32 to index
        %get3A_713 = arith.constant 112 : index
        %get3A_714 = tpu.vector_load %arg9[%get3A_712, %get3A_713] {strides = array<i32>} : memref<128x128xf32, #tpu.memory_space<vmem>>, vector<1x16xf32>,
        %get3A_715 = vector.shape_cast %get3A_714 : vector<1x16xf32> to vector<16xf32>
        %sub3A_716 = arith.subf %get3A_715, %get3A_711 : vector<16xf32>
        %mul3A_717 = arith.mulf %broadcast_in_dim3A_659, %sub3A_716 : vector<16xf32>
        %add3A_718 = arith.addf %get3A_711, %mul3A_717 : vector<16xf32>
        %swap3A_719 = arith.index_cast %add3A_656 : i32 to index
        %swap3A_720 = arith.constant 48 : index
        %swap3A_721 = tpu.vector_load %arg13[%swap3A_719, %swap3A_720] {strides = array<i32>} : memref<128x64xf32, #tpu.memory_space<vmem>>, vector<1x16xf32>,
        %swap3A_722 = vector.shape_cast %swap3A_721 : vector<1x16xf32> to vector<16xf32>
        %swap3A_723 = vector.shape_cast %add3A_718 : vector<16xf32> to vector<1x16xf32>
        tpu.vector_store %arg13[%swap3A_719, %swap3A_720], %swap3A_723 {strides = array<i32>} : memref<128x64xf32, #tpu.memory_space<vmem>>, vector<1x16xf32>,
        %add3A_724 = arith.constant 7 : i32
        %add3A_725 = arith.addi %mul3A_236, %add3A_724 : i32
        %slice3A_726 = vector.extract_strided_slice %get3A_242 {offsets = [7], sizes = [1], strides = [1]} : vector<16xf32> to vector<1xf32>
        %squeeze3A_727 = vector.extract %slice3A_726[0] : f32 from vector<1xf32>
        %broadcast_in_dim3A_728 = vector.broadcast %squeeze3A_727 : f32 to vector<16xf32>
        %get3A_729 = arith.index_cast %add3A_725 : i32 to index
        %get3A_730 = arith.constant 0 : index
        %get3A_731 = tpu.vector_load %arg9[%get3A_729, %get3A_730] {strides = array<i32>} : memref<128x128xf32, #tpu.memory_space<vmem>>, vector<1x16xf32>,
        %get3A_732 = vector.shape_cast %get3A_731 : vector<1x16xf32> to vector<16xf32>
        %get3A_733 = arith.index_cast %add3A_725 : i32 to index
        %get3A_734 = arith.constant 64 : index
        %get3A_735 = tpu.vector_load %arg9[%get3A_733, %get3A_734] {strides = array<i32>} : memref<128x128xf32, #tpu.memory_space<vmem>>, vector<1x16xf32>,
        %get3A_736 = vector.shape_cast %get3A_735 : vector<1x16xf32> to vector<16xf32>
        %sub3A_737 = arith.subf %get3A_736, %get3A_732 : vector<16xf32>
        %mul3A_738 = arith.mulf %broadcast_in_dim3A_728, %sub3A_737 : vector<16xf32>
        %add3A_739 = arith.addf %get3A_732, %mul3A_738 : vector<16xf32>
        %swap3A_740 = arith.index_cast %add3A_725 : i32 to index
        %swap3A_741 = arith.constant 0 : index
        %swap3A_742 = tpu.vector_load %arg13[%swap3A_740, %swap3A_741] {strides = array<i32>} : memref<128x64xf32, #tpu.memory_space<vmem>>, vector<1x16xf32>,
        %swap3A_743 = vector.shape_cast %swap3A_742 : vector<1x16xf32> to vector<16xf32>
        %swap3A_744 = vector.shape_cast %add3A_739 : vector<16xf32> to vector<1x16xf32>
        tpu.vector_store %arg13[%swap3A_740, %swap3A_741], %swap3A_744 {strides = array<i32>} : memref<128x64xf32, #tpu.memory_space<vmem>>, vector<1x16xf32>,
        %get3A_745 = arith.index_cast %add3A_725 : i32 to index
        %get3A_746 = arith.constant 16 : index
        %get3A_747 = tpu.vector_load %arg9[%get3A_745, %get3A_746] {strides = array<i32>} : memref<128x128xf32, #tpu.memory_space<vmem>>, vector<1x16xf32>,
        %get3A_748 = vector.shape_cast %get3A_747 : vector<1x16xf32> to vector<16xf32>
        %get3A_749 = arith.index_cast %add3A_725 : i32 to index
        %get3A_750 = arith.constant 80 : index
        %get3A_751 = tpu.vector_load %arg9[%get3A_749, %get3A_750] {strides = array<i32>} : memref<128x128xf32, #tpu.memory_space<vmem>>, vector<1x16xf32>,
        %get3A_752 = vector.shape_cast %get3A_751 : vector<1x16xf32> to vector<16xf32>
        %sub3A_753 = arith.subf %get3A_752, %get3A_748 : vector<16xf32>
        %mul3A_754 = arith.mulf %broadcast_in_dim3A_728, %sub3A_753 : vector<16xf32>
        %add3A_755 = arith.addf %get3A_748, %mul3A_754 : vector<16xf32>
        %swap3A_756 = arith.index_cast %add3A_725 : i32 to index
        %swap3A_757 = arith.constant 16 : index
        %swap3A_758 = tpu.vector_load %arg13[%swap3A_756, %swap3A_757] {strides = array<i32>} : memref<128x64xf32, #tpu.memory_space<vmem>>, vector<1x16xf32>,
        %swap3A_759 = vector.shape_cast %swap3A_758 : vector<1x16xf32> to vector<16xf32>
        %swap3A_760 = vector.shape_cast %add3A_755 : vector<16xf32> to vector<1x16xf32>
        tpu.vector_store %arg13[%swap3A_756, %swap3A_757], %swap3A_760 {strides = array<i32>} : memref<128x64xf32, #tpu.memory_space<vmem>>, vector<1x16xf32>,
        %get3A_761 = arith.index_cast %add3A_725 : i32 to index
        %get3A_762 = arith.constant 32 : index
        %get3A_763 = tpu.vector_load %arg9[%get3A_761, %get3A_762] {strides = array<i32>} : memref<128x128xf32, #tpu.memory_space<vmem>>, vector<1x16xf32>,
        %get3A_764 = vector.shape_cast %get3A_763 : vector<1x16xf32> to vector<16xf32>
        %get3A_765 = arith.index_cast %add3A_725 : i32 to index
        %get3A_766 = arith.constant 96 : index
        %get3A_767 = tpu.vector_load %arg9[%get3A_765, %get3A_766] {strides = array<i32>} : memref<128x128xf32, #tpu.memory_space<vmem>>, vector<1x16xf32>,
        %get3A_768 = vector.shape_cast %get3A_767 : vector<1x16xf32> to vector<16xf32>
        %sub3A_769 = arith.subf %get3A_768, %get3A_764 : vector<16xf32>
        %mul3A_770 = arith.mulf %broadcast_in_dim3A_728, %sub3A_769 : vector<16xf32>
        %add3A_771 = arith.addf %get3A_764, %mul3A_770 : vector<16xf32>
        %swap3A_772 = arith.index_cast %add3A_725 : i32 to index
        %swap3A_773 = arith.constant 32 : index
        %swap3A_774 = tpu.vector_load %arg13[%swap3A_772, %swap3A_773] {strides = array<i32>} : memref<128x64xf32, #tpu.memory_space<vmem>>, vector<1x16xf32>,
        %swap3A_775 = vector.shape_cast %swap3A_774 : vector<1x16xf32> to vector<16xf32>
        %swap3A_776 = vector.shape_cast %add3A_771 : vector<16xf32> to vector<1x16xf32>
        tpu.vector_store %arg13[%swap3A_772, %swap3A_773], %swap3A_776 {strides = array<i32>} : memref<128x64xf32, #tpu.memory_space<vmem>>, vector<1x16xf32>,
        %get3A_777 = arith.index_cast %add3A_725 : i32 to index
        %get3A_778 = arith.constant 48 : index
        %get3A_779 = tpu.vector_load %arg9[%get3A_777, %get3A_778] {strides = array<i32>} : memref<128x128xf32, #tpu.memory_space<vmem>>, vector<1x16xf32>,
        %get3A_780 = vector.shape_cast %get3A_779 : vector<1x16xf32> to vector<16xf32>
        %get3A_781 = arith.index_cast %add3A_725 : i32 to index
        %get3A_782 = arith.constant 112 : index
        %get3A_783 = tpu.vector_load %arg9[%get3A_781, %get3A_782] {strides = array<i32>} : memref<128x128xf32, #tpu.memory_space<vmem>>, vector<1x16xf32>,
        %get3A_784 = vector.shape_cast %get3A_783 : vector<1x16xf32> to vector<16xf32>
        %sub3A_785 = arith.subf %get3A_784, %get3A_780 : vector<16xf32>
        %mul3A_786 = arith.mulf %broadcast_in_dim3A_728, %sub3A_785 : vector<16xf32>
        %add3A_787 = arith.addf %get3A_780, %mul3A_786 : vector<16xf32>
        %swap3A_788 = arith.index_cast %add3A_725 : i32 to index
        %swap3A_789 = arith.constant 48 : index
        %swap3A_790 = tpu.vector_load %arg13[%swap3A_788, %swap3A_789] {strides = array<i32>} : memref<128x64xf32, #tpu.memory_space<vmem>>, vector<1x16xf32>,
        %swap3A_791 = vector.shape_cast %swap3A_790 : vector<1x16xf32> to vector<16xf32>
        %swap3A_792 = vector.shape_cast %add3A_787 : vector<16xf32> to vector<1x16xf32>
        tpu.vector_store %arg13[%swap3A_788, %swap3A_789], %swap3A_792 {strides = array<i32>} : memref<128x64xf32, #tpu.memory_space<vmem>>, vector<1x16xf32>,
        %scan3A_793 = arith.constant 0 : i32
        scf.yield %scan3A_793 : i32
      }
      %scan3A_93 = arith.constant 16 : i32
      %mul3A_94 = arith.constant 128 : i32
      %mul3A_95 = arith.muli %add3A_74, %mul3A_94 : i32
      %add3A_96 = arith.addi %mul3A_4, %mul3A_95 : i32
      %multiple_of3A_97 = tpu.assume_multiple %add3A_96, 128 : i32
      %dma_start3A_98 = arith.constant 0 : i32
      %dma_start3A_99 = tpu.memref_slice %arg5[%multiple_of3A_97, %dma_start3A_98] : memref<262144x64xf32, #tpu.memory_space<hbm>> -> memref<128x64xf32, #tpu.memory_space<hbm>>
      %dma_start3A_100 = arith.constant 0 : i32
      %dma_start3A_101 = tpu.memref_slice %arg5[%multiple_of3A_97, %dma_start3A_100] : memref<262144x64xf32, #tpu.memory_space<hbm>> -> memref<128x64xf32, #tpu.memory_space<hbm>>
      tpu.enqueue_dma source(%arg13 : memref<128x64xf32, #tpu.memory_space<vmem>>) target(%dma_start3A_101 : memref<128x64xf32, #tpu.memory_space<hbm>>) target_semaphore(%arg19 : memref<!tpu.dma_semaphore, #tpu.memory_space<semaphore_mem>>)
      %lt3A = arith.constant 15 : i32
      %lt3A_102 = arith.cmpi slt, %scan3A_69, %lt3A : i32
      %convert_element_type3A_103 = arith.extui %lt3A_102 : i1 to i32
      %cond3A_104 = arith.constant 0 : i32
      %cond3A_105 = arith.cmpi ne, %convert_element_type3A_103, %cond3A_104 : i32
      scf.if %cond3A_105 {
        %add3A_233 = arith.constant 4 : i32
        %add3A_234 = arith.addi %add3A_74, %add3A_233 : i32
        %mul3A_235 = arith.constant 1 : i32
        %mul3A_236 = arith.muli %add3A_234, %mul3A_235 : i32
        %add3A_237 = arith.constant 0 : i32
        %add3A_238 = arith.addi %mul3A_236, %add3A_237 : i32
        %dma_start3A_239 = arith.constant 0 : i32
        %dma_start3A_240 = arith.constant 0 : i32
        %dma_start3A_241 = tpu.memref_slice %arg9[%dma_start3A_239, %dma_start3A_240] : memref<128x128xf32, #tpu.memory_space<vmem>> -> memref<128x128xf32, #tpu.memory_space<vmem>>
        %dma_start3A_242 = arith.constant 0 : i32
        %dma_start3A_243 = tpu.memref_slice %arg7[%add3A_238, %dma_start3A_242] : memref<64x128xi32, #tpu.memory_space<vmem>> -> memref<1x128xi32, #tpu.memory_space<vmem>>
        %dma_start3A_244 = tpu.memref_squeeze %dma_start3A_243 : memref<1x128xi32, #tpu.memory_space<vmem>> -> memref<128xi32, #tpu.memory_space<vmem>>
        %dma_start3A_245 = arith.constant 0 : i32
        %dma_start3A_246 = arith.constant 0 : i32
        %dma_start3A_247 = tpu.memref_slice %arg3[%dma_start3A_245, %dma_start3A_246] : memref<65536x128xf32, #tpu.memory_space<hbm>> -> memref<65536x128xf32, #tpu.memory_space<hbm>>
        tpu.enqueue_indirect_dma source(%dma_start3A_247 : memref<65536x128xf32, #tpu.memory_space<hbm>>) target(%dma_start3A_241 : memref<128x128xf32, #tpu.memory_space<vmem>>) offsets(%dma_start3A_244 : memref<128xi32, #tpu.memory_space<vmem>>) semaphore(%arg15 : memref<!tpu.dma_semaphore, #tpu.memory_space<semaphore_mem>>)
      } else {
      }
      %mul3A_106 = arith.constant 4 : i32
      %mul3A_107 = arith.muli %scan3A_69, %mul3A_106 : i32
      %add3A_108 = arith.constant 1 : i32
      %add3A_109 = arith.addi %mul3A_107, %add3A_108 : i32
      %dma_wait3A_110 = arith.constant 0 : i32
      %dma_wait3A_111 = arith.constant 0 : i32
      %dma_wait3A_112 = arith.constant 0 : i32
      %dma_wait3A_113 = tpu.memref_slice %arg10[%dma_wait3A_111, %dma_wait3A_112] : memref<128x128xf32, #tpu.memory_space<vmem>> -> memref<128x128xf32, #tpu.memory_space<vmem>>
      %dma_wait3A_114 = arith.constant 0 : i32
      %dma_wait3A_115 = tpu.memref_slice %arg7[%dma_wait3A_110, %dma_wait3A_114] : memref<64x128xi32, #tpu.memory_space<vmem>> -> memref<1x128xi32, #tpu.memory_space<vmem>>
      %dma_wait3A_116 = tpu.memref_squeeze %dma_wait3A_115 : memref<1x128xi32, #tpu.memory_space<vmem>> -> memref<128xi32, #tpu.memory_space<vmem>>
      %dma_wait3A_117 = arith.constant 0 : i32
      %dma_wait3A_118 = arith.constant 0 : i32
      %dma_wait3A_119 = tpu.memref_slice %arg3[%dma_wait3A_117, %dma_wait3A_118] : memref<65536x128xf32, #tpu.memory_space<hbm>> -> memref<65536x128xf32, #tpu.memory_space<hbm>>
      tpu.wait_indirect_dma semaphore(%arg16 : memref<!tpu.dma_semaphore, #tpu.memory_space<semaphore_mem>>) src(%dma_wait3A_119 : memref<65536x128xf32, #tpu.memory_space<hbm>>) dst(%dma_wait3A_113 : memref<128x128xf32, #tpu.memory_space<vmem>>)
      %ge3A_120 = arith.constant 1 : i32
      %ge3A_121 = arith.cmpi sge, %scan3A_69, %ge3A_120 : i32
      %convert_element_type3A_122 = arith.extui %ge3A_121 : i1 to i32
      %cond3A_123 = arith.constant 0 : i32
      %cond3A_124 = arith.cmpi ne, %convert_element_type3A_122, %cond3A_123 : i32
      scf.if %cond3A_124 {
        %sub3A_233 = arith.constant 2 : i32
        %sub3A_234 = arith.subi %add3A_109, %sub3A_233 : i32
        %mul3A_235 = arith.constant 128 : i32
        %mul3A_236 = arith.muli %sub3A_234, %mul3A_235 : i32
        %add3A_237 = arith.addi %mul3A_4, %mul3A_236 : i32
        %multiple_of3A_238 = tpu.assume_multiple %add3A_237, 128 : i32
        %dma_wait3A_239 = arith.constant 0 : i32
        %dma_wait3A_240 = tpu.memref_slice %arg5[%multiple_of3A_238, %dma_wait3A_239] : memref<262144x64xf32, #tpu.memory_space<hbm>> -> memref<128x64xf32, #tpu.memory_space<hbm>>
        %dma_wait3A_241 = arith.constant 0 : i32
        %dma_wait3A_242 = tpu.memref_slice %arg5[%multiple_of3A_238, %dma_wait3A_241] : memref<262144x64xf32, #tpu.memory_space<hbm>> -> memref<128x64xf32, #tpu.memory_space<hbm>>
        tpu.wait_dma2 semaphore(%arg20 : memref<!tpu.dma_semaphore, #tpu.memory_space<semaphore_mem>>) src(%arg14 : memref<128x64xf32, #tpu.memory_space<vmem>>) dst(%dma_wait3A_242 : memref<128x64xf32, #tpu.memory_space<hbm>>)
      } else {
      }
      %scan3A_125 = arith.constant 0 : i32
      %scan3A_126 = arith.constant 0 : i32
      %scan3A_127 = arith.constant 16 : i32
      %scan3A_128 = arith.addi %scan3A_126, %scan3A_127 : i32
      %scan3A_129 = arith.constant 1 : i32
      %scan3A_130 = scf.for %scan3A_233 = %scan3A_126 to %scan3A_128 step %scan3A_129 iter_args(%scan3A_234 = %scan3A_125) -> (i32)  : i32 {
        %mul3A_235 = arith.constant 8 : i32
        %mul3A_236 = arith.muli %scan3A_233, %mul3A_235 : i32
        %mul3A_237 = arith.constant 128 : i32
        %mul3A_238 = arith.muli %add3A_109, %mul3A_237 : i32
        %add3A_239 = arith.addi %mul3A_238, %mul3A_236 : i32
        %get3A_240 = arith.index_cast %add3A_239 : i32 to index
        %get3A_241 = tpu.vector_load %arg8[%get3A_240] {strides = array<i32>} : memref<8208xf32, #tpu.memory_space<vmem>>, vector<16xf32>,
        %get3A_242 = vector.shape_cast %get3A_241 : vector<16xf32> to vector<16xf32>
        %add3A_243 = arith.constant 0 : i32
        %add3A_244 = arith.addi %mul3A_236, %add3A_243 : i32
        %slice3A_245 = vector.extract_strided_slice %get3A_242 {offsets = [0], sizes = [1], strides = [1]} : vector<16xf32> to vector<1xf32>
        %squeeze3A_246 = vector.extract %slice3A_245[0] : f32 from vector<1xf32>
        %broadcast_in_dim3A = vector.broadcast %squeeze3A_246 : f32 to vector<16xf32>
        %get3A_247 = arith.index_cast %add3A_244 : i32 to index
        %get3A_248 = arith.constant 0 : index
        %get3A_249 = tpu.vector_load %arg10[%get3A_247, %get3A_248] {strides = array<i32>} : memref<128x128xf32, #tpu.memory_space<vmem>>, vector<1x16xf32>,
        %get3A_250 = vector.shape_cast %get3A_249 : vector<1x16xf32> to vector<16xf32>
        %get3A_251 = arith.index_cast %add3A_244 : i32 to index
        %get3A_252 = arith.constant 64 : index
        %get3A_253 = tpu.vector_load %arg10[%get3A_251, %get3A_252] {strides = array<i32>} : memref<128x128xf32, #tpu.memory_space<vmem>>, vector<1x16xf32>,
        %get3A_254 = vector.shape_cast %get3A_253 : vector<1x16xf32> to vector<16xf32>
        %sub3A_255 = arith.subf %get3A_254, %get3A_250 : vector<16xf32>
        %mul3A_256 = arith.mulf %broadcast_in_dim3A, %sub3A_255 : vector<16xf32>
        %add3A_257 = arith.addf %get3A_250, %mul3A_256 : vector<16xf32>
        %swap3A = arith.index_cast %add3A_244 : i32 to index
        %swap3A_258 = arith.constant 0 : index
        %swap3A_259 = tpu.vector_load %arg14[%swap3A, %swap3A_258] {strides = array<i32>} : memref<128x64xf32, #tpu.memory_space<vmem>>, vector<1x16xf32>,
        %swap3A_260 = vector.shape_cast %swap3A_259 : vector<1x16xf32> to vector<16xf32>
        %swap3A_261 = vector.shape_cast %add3A_257 : vector<16xf32> to vector<1x16xf32>
        tpu.vector_store %arg14[%swap3A, %swap3A_258], %swap3A_261 {strides = array<i32>} : memref<128x64xf32, #tpu.memory_space<vmem>>, vector<1x16xf32>,
        %get3A_262 = arith.index_cast %add3A_244 : i32 to index
        %get3A_263 = arith.constant 16 : index
        %get3A_264 = tpu.vector_load %arg10[%get3A_262, %get3A_263] {strides = array<i32>} : memref<128x128xf32, #tpu.memory_space<vmem>>, vector<1x16xf32>,
        %get3A_265 = vector.shape_cast %get3A_264 : vector<1x16xf32> to vector<16xf32>
        %get3A_266 = arith.index_cast %add3A_244 : i32 to index
        %get3A_267 = arith.constant 80 : index
        %get3A_268 = tpu.vector_load %arg10[%get3A_266, %get3A_267] {strides = array<i32>} : memref<128x128xf32, #tpu.memory_space<vmem>>, vector<1x16xf32>,
        %get3A_269 = vector.shape_cast %get3A_268 : vector<1x16xf32> to vector<16xf32>
        %sub3A_270 = arith.subf %get3A_269, %get3A_265 : vector<16xf32>
        %mul3A_271 = arith.mulf %broadcast_in_dim3A, %sub3A_270 : vector<16xf32>
        %add3A_272 = arith.addf %get3A_265, %mul3A_271 : vector<16xf32>
        %swap3A_273 = arith.index_cast %add3A_244 : i32 to index
        %swap3A_274 = arith.constant 16 : index
        %swap3A_275 = tpu.vector_load %arg14[%swap3A_273, %swap3A_274] {strides = array<i32>} : memref<128x64xf32, #tpu.memory_space<vmem>>, vector<1x16xf32>,
        %swap3A_276 = vector.shape_cast %swap3A_275 : vector<1x16xf32> to vector<16xf32>
        %swap3A_277 = vector.shape_cast %add3A_272 : vector<16xf32> to vector<1x16xf32>
        tpu.vector_store %arg14[%swap3A_273, %swap3A_274], %swap3A_277 {strides = array<i32>} : memref<128x64xf32, #tpu.memory_space<vmem>>, vector<1x16xf32>,
        %get3A_278 = arith.index_cast %add3A_244 : i32 to index
        %get3A_279 = arith.constant 32 : index
        %get3A_280 = tpu.vector_load %arg10[%get3A_278, %get3A_279] {strides = array<i32>} : memref<128x128xf32, #tpu.memory_space<vmem>>, vector<1x16xf32>,
        %get3A_281 = vector.shape_cast %get3A_280 : vector<1x16xf32> to vector<16xf32>
        %get3A_282 = arith.index_cast %add3A_244 : i32 to index
        %get3A_283 = arith.constant 96 : index
        %get3A_284 = tpu.vector_load %arg10[%get3A_282, %get3A_283] {strides = array<i32>} : memref<128x128xf32, #tpu.memory_space<vmem>>, vector<1x16xf32>,
        %get3A_285 = vector.shape_cast %get3A_284 : vector<1x16xf32> to vector<16xf32>
        %sub3A_286 = arith.subf %get3A_285, %get3A_281 : vector<16xf32>
        %mul3A_287 = arith.mulf %broadcast_in_dim3A, %sub3A_286 : vector<16xf32>
        %add3A_288 = arith.addf %get3A_281, %mul3A_287 : vector<16xf32>
        %swap3A_289 = arith.index_cast %add3A_244 : i32 to index
        %swap3A_290 = arith.constant 32 : index
        %swap3A_291 = tpu.vector_load %arg14[%swap3A_289, %swap3A_290] {strides = array<i32>} : memref<128x64xf32, #tpu.memory_space<vmem>>, vector<1x16xf32>,
        %swap3A_292 = vector.shape_cast %swap3A_291 : vector<1x16xf32> to vector<16xf32>
        %swap3A_293 = vector.shape_cast %add3A_288 : vector<16xf32> to vector<1x16xf32>
        tpu.vector_store %arg14[%swap3A_289, %swap3A_290], %swap3A_293 {strides = array<i32>} : memref<128x64xf32, #tpu.memory_space<vmem>>, vector<1x16xf32>,
        %get3A_294 = arith.index_cast %add3A_244 : i32 to index
        %get3A_295 = arith.constant 48 : index
        %get3A_296 = tpu.vector_load %arg10[%get3A_294, %get3A_295] {strides = array<i32>} : memref<128x128xf32, #tpu.memory_space<vmem>>, vector<1x16xf32>,
        %get3A_297 = vector.shape_cast %get3A_296 : vector<1x16xf32> to vector<16xf32>
        %get3A_298 = arith.index_cast %add3A_244 : i32 to index
        %get3A_299 = arith.constant 112 : index
        %get3A_300 = tpu.vector_load %arg10[%get3A_298, %get3A_299] {strides = array<i32>} : memref<128x128xf32, #tpu.memory_space<vmem>>, vector<1x16xf32>,
        %get3A_301 = vector.shape_cast %get3A_300 : vector<1x16xf32> to vector<16xf32>
        %sub3A_302 = arith.subf %get3A_301, %get3A_297 : vector<16xf32>
        %mul3A_303 = arith.mulf %broadcast_in_dim3A, %sub3A_302 : vector<16xf32>
        %add3A_304 = arith.addf %get3A_297, %mul3A_303 : vector<16xf32>
        %swap3A_305 = arith.index_cast %add3A_244 : i32 to index
        %swap3A_306 = arith.constant 48 : index
        %swap3A_307 = tpu.vector_load %arg14[%swap3A_305, %swap3A_306] {strides = array<i32>} : memref<128x64xf32, #tpu.memory_space<vmem>>, vector<1x16xf32>,
        %swap3A_308 = vector.shape_cast %swap3A_307 : vector<1x16xf32> to vector<16xf32>
        %swap3A_309 = vector.shape_cast %add3A_304 : vector<16xf32> to vector<1x16xf32>
        tpu.vector_store %arg14[%swap3A_305, %swap3A_306], %swap3A_309 {strides = array<i32>} : memref<128x64xf32, #tpu.memory_space<vmem>>, vector<1x16xf32>,
        %add3A_310 = arith.constant 1 : i32
        %add3A_311 = arith.addi %mul3A_236, %add3A_310 : i32
        %slice3A_312 = vector.extract_strided_slice %get3A_242 {offsets = [1], sizes = [1], strides = [1]} : vector<16xf32> to vector<1xf32>
        %squeeze3A_313 = vector.extract %slice3A_312[0] : f32 from vector<1xf32>
        %broadcast_in_dim3A_314 = vector.broadcast %squeeze3A_313 : f32 to vector<16xf32>
        %get3A_315 = arith.index_cast %add3A_311 : i32 to index
        %get3A_316 = arith.constant 0 : index
        %get3A_317 = tpu.vector_load %arg10[%get3A_315, %get3A_316] {strides = array<i32>} : memref<128x128xf32, #tpu.memory_space<vmem>>, vector<1x16xf32>,
        %get3A_318 = vector.shape_cast %get3A_317 : vector<1x16xf32> to vector<16xf32>
        %get3A_319 = arith.index_cast %add3A_311 : i32 to index
        %get3A_320 = arith.constant 64 : index
        %get3A_321 = tpu.vector_load %arg10[%get3A_319, %get3A_320] {strides = array<i32>} : memref<128x128xf32, #tpu.memory_space<vmem>>, vector<1x16xf32>,
        %get3A_322 = vector.shape_cast %get3A_321 : vector<1x16xf32> to vector<16xf32>
        %sub3A_323 = arith.subf %get3A_322, %get3A_318 : vector<16xf32>
        %mul3A_324 = arith.mulf %broadcast_in_dim3A_314, %sub3A_323 : vector<16xf32>
        %add3A_325 = arith.addf %get3A_318, %mul3A_324 : vector<16xf32>
        %swap3A_326 = arith.index_cast %add3A_311 : i32 to index
        %swap3A_327 = arith.constant 0 : index
        %swap3A_328 = tpu.vector_load %arg14[%swap3A_326, %swap3A_327] {strides = array<i32>} : memref<128x64xf32, #tpu.memory_space<vmem>>, vector<1x16xf32>,
        %swap3A_329 = vector.shape_cast %swap3A_328 : vector<1x16xf32> to vector<16xf32>
        %swap3A_330 = vector.shape_cast %add3A_325 : vector<16xf32> to vector<1x16xf32>
        tpu.vector_store %arg14[%swap3A_326, %swap3A_327], %swap3A_330 {strides = array<i32>} : memref<128x64xf32, #tpu.memory_space<vmem>>, vector<1x16xf32>,
        %get3A_331 = arith.index_cast %add3A_311 : i32 to index
        %get3A_332 = arith.constant 16 : index
        %get3A_333 = tpu.vector_load %arg10[%get3A_331, %get3A_332] {strides = array<i32>} : memref<128x128xf32, #tpu.memory_space<vmem>>, vector<1x16xf32>,
        %get3A_334 = vector.shape_cast %get3A_333 : vector<1x16xf32> to vector<16xf32>
        %get3A_335 = arith.index_cast %add3A_311 : i32 to index
        %get3A_336 = arith.constant 80 : index
        %get3A_337 = tpu.vector_load %arg10[%get3A_335, %get3A_336] {strides = array<i32>} : memref<128x128xf32, #tpu.memory_space<vmem>>, vector<1x16xf32>,
        %get3A_338 = vector.shape_cast %get3A_337 : vector<1x16xf32> to vector<16xf32>
        %sub3A_339 = arith.subf %get3A_338, %get3A_334 : vector<16xf32>
        %mul3A_340 = arith.mulf %broadcast_in_dim3A_314, %sub3A_339 : vector<16xf32>
        %add3A_341 = arith.addf %get3A_334, %mul3A_340 : vector<16xf32>
        %swap3A_342 = arith.index_cast %add3A_311 : i32 to index
        %swap3A_343 = arith.constant 16 : index
        %swap3A_344 = tpu.vector_load %arg14[%swap3A_342, %swap3A_343] {strides = array<i32>} : memref<128x64xf32, #tpu.memory_space<vmem>>, vector<1x16xf32>,
        %swap3A_345 = vector.shape_cast %swap3A_344 : vector<1x16xf32> to vector<16xf32>
        %swap3A_346 = vector.shape_cast %add3A_341 : vector<16xf32> to vector<1x16xf32>
        tpu.vector_store %arg14[%swap3A_342, %swap3A_343], %swap3A_346 {strides = array<i32>} : memref<128x64xf32, #tpu.memory_space<vmem>>, vector<1x16xf32>,
        %get3A_347 = arith.index_cast %add3A_311 : i32 to index
        %get3A_348 = arith.constant 32 : index
        %get3A_349 = tpu.vector_load %arg10[%get3A_347, %get3A_348] {strides = array<i32>} : memref<128x128xf32, #tpu.memory_space<vmem>>, vector<1x16xf32>,
        %get3A_350 = vector.shape_cast %get3A_349 : vector<1x16xf32> to vector<16xf32>
        %get3A_351 = arith.index_cast %add3A_311 : i32 to index
        %get3A_352 = arith.constant 96 : index
        %get3A_353 = tpu.vector_load %arg10[%get3A_351, %get3A_352] {strides = array<i32>} : memref<128x128xf32, #tpu.memory_space<vmem>>, vector<1x16xf32>,
        %get3A_354 = vector.shape_cast %get3A_353 : vector<1x16xf32> to vector<16xf32>
        %sub3A_355 = arith.subf %get3A_354, %get3A_350 : vector<16xf32>
        %mul3A_356 = arith.mulf %broadcast_in_dim3A_314, %sub3A_355 : vector<16xf32>
        %add3A_357 = arith.addf %get3A_350, %mul3A_356 : vector<16xf32>
        %swap3A_358 = arith.index_cast %add3A_311 : i32 to index
        %swap3A_359 = arith.constant 32 : index
        %swap3A_360 = tpu.vector_load %arg14[%swap3A_358, %swap3A_359] {strides = array<i32>} : memref<128x64xf32, #tpu.memory_space<vmem>>, vector<1x16xf32>,
        %swap3A_361 = vector.shape_cast %swap3A_360 : vector<1x16xf32> to vector<16xf32>
        %swap3A_362 = vector.shape_cast %add3A_357 : vector<16xf32> to vector<1x16xf32>
        tpu.vector_store %arg14[%swap3A_358, %swap3A_359], %swap3A_362 {strides = array<i32>} : memref<128x64xf32, #tpu.memory_space<vmem>>, vector<1x16xf32>,
        %get3A_363 = arith.index_cast %add3A_311 : i32 to index
        %get3A_364 = arith.constant 48 : index
        %get3A_365 = tpu.vector_load %arg10[%get3A_363, %get3A_364] {strides = array<i32>} : memref<128x128xf32, #tpu.memory_space<vmem>>, vector<1x16xf32>,
        %get3A_366 = vector.shape_cast %get3A_365 : vector<1x16xf32> to vector<16xf32>
        %get3A_367 = arith.index_cast %add3A_311 : i32 to index
        %get3A_368 = arith.constant 112 : index
        %get3A_369 = tpu.vector_load %arg10[%get3A_367, %get3A_368] {strides = array<i32>} : memref<128x128xf32, #tpu.memory_space<vmem>>, vector<1x16xf32>,
        %get3A_370 = vector.shape_cast %get3A_369 : vector<1x16xf32> to vector<16xf32>
        %sub3A_371 = arith.subf %get3A_370, %get3A_366 : vector<16xf32>
        %mul3A_372 = arith.mulf %broadcast_in_dim3A_314, %sub3A_371 : vector<16xf32>
        %add3A_373 = arith.addf %get3A_366, %mul3A_372 : vector<16xf32>
        %swap3A_374 = arith.index_cast %add3A_311 : i32 to index
        %swap3A_375 = arith.constant 48 : index
        %swap3A_376 = tpu.vector_load %arg14[%swap3A_374, %swap3A_375] {strides = array<i32>} : memref<128x64xf32, #tpu.memory_space<vmem>>, vector<1x16xf32>,
        %swap3A_377 = vector.shape_cast %swap3A_376 : vector<1x16xf32> to vector<16xf32>
        %swap3A_378 = vector.shape_cast %add3A_373 : vector<16xf32> to vector<1x16xf32>
        tpu.vector_store %arg14[%swap3A_374, %swap3A_375], %swap3A_378 {strides = array<i32>} : memref<128x64xf32, #tpu.memory_space<vmem>>, vector<1x16xf32>,
        %add3A_379 = arith.constant 2 : i32
        %add3A_380 = arith.addi %mul3A_236, %add3A_379 : i32
        %slice3A_381 = vector.extract_strided_slice %get3A_242 {offsets = [2], sizes = [1], strides = [1]} : vector<16xf32> to vector<1xf32>
        %squeeze3A_382 = vector.extract %slice3A_381[0] : f32 from vector<1xf32>
        %broadcast_in_dim3A_383 = vector.broadcast %squeeze3A_382 : f32 to vector<16xf32>
        %get3A_384 = arith.index_cast %add3A_380 : i32 to index
        %get3A_385 = arith.constant 0 : index
        %get3A_386 = tpu.vector_load %arg10[%get3A_384, %get3A_385] {strides = array<i32>} : memref<128x128xf32, #tpu.memory_space<vmem>>, vector<1x16xf32>,
        %get3A_387 = vector.shape_cast %get3A_386 : vector<1x16xf32> to vector<16xf32>
        %get3A_388 = arith.index_cast %add3A_380 : i32 to index
        %get3A_389 = arith.constant 64 : index
        %get3A_390 = tpu.vector_load %arg10[%get3A_388, %get3A_389] {strides = array<i32>} : memref<128x128xf32, #tpu.memory_space<vmem>>, vector<1x16xf32>,
        %get3A_391 = vector.shape_cast %get3A_390 : vector<1x16xf32> to vector<16xf32>
        %sub3A_392 = arith.subf %get3A_391, %get3A_387 : vector<16xf32>
        %mul3A_393 = arith.mulf %broadcast_in_dim3A_383, %sub3A_392 : vector<16xf32>
        %add3A_394 = arith.addf %get3A_387, %mul3A_393 : vector<16xf32>
        %swap3A_395 = arith.index_cast %add3A_380 : i32 to index
        %swap3A_396 = arith.constant 0 : index
        %swap3A_397 = tpu.vector_load %arg14[%swap3A_395, %swap3A_396] {strides = array<i32>} : memref<128x64xf32, #tpu.memory_space<vmem>>, vector<1x16xf32>,
        %swap3A_398 = vector.shape_cast %swap3A_397 : vector<1x16xf32> to vector<16xf32>
        %swap3A_399 = vector.shape_cast %add3A_394 : vector<16xf32> to vector<1x16xf32>
        tpu.vector_store %arg14[%swap3A_395, %swap3A_396], %swap3A_399 {strides = array<i32>} : memref<128x64xf32, #tpu.memory_space<vmem>>, vector<1x16xf32>,
        %get3A_400 = arith.index_cast %add3A_380 : i32 to index
        %get3A_401 = arith.constant 16 : index
        %get3A_402 = tpu.vector_load %arg10[%get3A_400, %get3A_401] {strides = array<i32>} : memref<128x128xf32, #tpu.memory_space<vmem>>, vector<1x16xf32>,
        %get3A_403 = vector.shape_cast %get3A_402 : vector<1x16xf32> to vector<16xf32>
        %get3A_404 = arith.index_cast %add3A_380 : i32 to index
        %get3A_405 = arith.constant 80 : index
        %get3A_406 = tpu.vector_load %arg10[%get3A_404, %get3A_405] {strides = array<i32>} : memref<128x128xf32, #tpu.memory_space<vmem>>, vector<1x16xf32>,
        %get3A_407 = vector.shape_cast %get3A_406 : vector<1x16xf32> to vector<16xf32>
        %sub3A_408 = arith.subf %get3A_407, %get3A_403 : vector<16xf32>
        %mul3A_409 = arith.mulf %broadcast_in_dim3A_383, %sub3A_408 : vector<16xf32>
        %add3A_410 = arith.addf %get3A_403, %mul3A_409 : vector<16xf32>
        %swap3A_411 = arith.index_cast %add3A_380 : i32 to index
        %swap3A_412 = arith.constant 16 : index
        %swap3A_413 = tpu.vector_load %arg14[%swap3A_411, %swap3A_412] {strides = array<i32>} : memref<128x64xf32, #tpu.memory_space<vmem>>, vector<1x16xf32>,
        %swap3A_414 = vector.shape_cast %swap3A_413 : vector<1x16xf32> to vector<16xf32>
        %swap3A_415 = vector.shape_cast %add3A_410 : vector<16xf32> to vector<1x16xf32>
        tpu.vector_store %arg14[%swap3A_411, %swap3A_412], %swap3A_415 {strides = array<i32>} : memref<128x64xf32, #tpu.memory_space<vmem>>, vector<1x16xf32>,
        %get3A_416 = arith.index_cast %add3A_380 : i32 to index
        %get3A_417 = arith.constant 32 : index
        %get3A_418 = tpu.vector_load %arg10[%get3A_416, %get3A_417] {strides = array<i32>} : memref<128x128xf32, #tpu.memory_space<vmem>>, vector<1x16xf32>,
        %get3A_419 = vector.shape_cast %get3A_418 : vector<1x16xf32> to vector<16xf32>
        %get3A_420 = arith.index_cast %add3A_380 : i32 to index
        %get3A_421 = arith.constant 96 : index
        %get3A_422 = tpu.vector_load %arg10[%get3A_420, %get3A_421] {strides = array<i32>} : memref<128x128xf32, #tpu.memory_space<vmem>>, vector<1x16xf32>,
        %get3A_423 = vector.shape_cast %get3A_422 : vector<1x16xf32> to vector<16xf32>
        %sub3A_424 = arith.subf %get3A_423, %get3A_419 : vector<16xf32>
        %mul3A_425 = arith.mulf %broadcast_in_dim3A_383, %sub3A_424 : vector<16xf32>
        %add3A_426 = arith.addf %get3A_419, %mul3A_425 : vector<16xf32>
        %swap3A_427 = arith.index_cast %add3A_380 : i32 to index
        %swap3A_428 = arith.constant 32 : index
        %swap3A_429 = tpu.vector_load %arg14[%swap3A_427, %swap3A_428] {strides = array<i32>} : memref<128x64xf32, #tpu.memory_space<vmem>>, vector<1x16xf32>,
        %swap3A_430 = vector.shape_cast %swap3A_429 : vector<1x16xf32> to vector<16xf32>
        %swap3A_431 = vector.shape_cast %add3A_426 : vector<16xf32> to vector<1x16xf32>
        tpu.vector_store %arg14[%swap3A_427, %swap3A_428], %swap3A_431 {strides = array<i32>} : memref<128x64xf32, #tpu.memory_space<vmem>>, vector<1x16xf32>,
        %get3A_432 = arith.index_cast %add3A_380 : i32 to index
        %get3A_433 = arith.constant 48 : index
        %get3A_434 = tpu.vector_load %arg10[%get3A_432, %get3A_433] {strides = array<i32>} : memref<128x128xf32, #tpu.memory_space<vmem>>, vector<1x16xf32>,
        %get3A_435 = vector.shape_cast %get3A_434 : vector<1x16xf32> to vector<16xf32>
        %get3A_436 = arith.index_cast %add3A_380 : i32 to index
        %get3A_437 = arith.constant 112 : index
        %get3A_438 = tpu.vector_load %arg10[%get3A_436, %get3A_437] {strides = array<i32>} : memref<128x128xf32, #tpu.memory_space<vmem>>, vector<1x16xf32>,
        %get3A_439 = vector.shape_cast %get3A_438 : vector<1x16xf32> to vector<16xf32>
        %sub3A_440 = arith.subf %get3A_439, %get3A_435 : vector<16xf32>
        %mul3A_441 = arith.mulf %broadcast_in_dim3A_383, %sub3A_440 : vector<16xf32>
        %add3A_442 = arith.addf %get3A_435, %mul3A_441 : vector<16xf32>
        %swap3A_443 = arith.index_cast %add3A_380 : i32 to index
        %swap3A_444 = arith.constant 48 : index
        %swap3A_445 = tpu.vector_load %arg14[%swap3A_443, %swap3A_444] {strides = array<i32>} : memref<128x64xf32, #tpu.memory_space<vmem>>, vector<1x16xf32>,
        %swap3A_446 = vector.shape_cast %swap3A_445 : vector<1x16xf32> to vector<16xf32>
        %swap3A_447 = vector.shape_cast %add3A_442 : vector<16xf32> to vector<1x16xf32>
        tpu.vector_store %arg14[%swap3A_443, %swap3A_444], %swap3A_447 {strides = array<i32>} : memref<128x64xf32, #tpu.memory_space<vmem>>, vector<1x16xf32>,
        %add3A_448 = arith.constant 3 : i32
        %add3A_449 = arith.addi %mul3A_236, %add3A_448 : i32
        %slice3A_450 = vector.extract_strided_slice %get3A_242 {offsets = [3], sizes = [1], strides = [1]} : vector<16xf32> to vector<1xf32>
        %squeeze3A_451 = vector.extract %slice3A_450[0] : f32 from vector<1xf32>
        %broadcast_in_dim3A_452 = vector.broadcast %squeeze3A_451 : f32 to vector<16xf32>
        %get3A_453 = arith.index_cast %add3A_449 : i32 to index
        %get3A_454 = arith.constant 0 : index
        %get3A_455 = tpu.vector_load %arg10[%get3A_453, %get3A_454] {strides = array<i32>} : memref<128x128xf32, #tpu.memory_space<vmem>>, vector<1x16xf32>,
        %get3A_456 = vector.shape_cast %get3A_455 : vector<1x16xf32> to vector<16xf32>
        %get3A_457 = arith.index_cast %add3A_449 : i32 to index
        %get3A_458 = arith.constant 64 : index
        %get3A_459 = tpu.vector_load %arg10[%get3A_457, %get3A_458] {strides = array<i32>} : memref<128x128xf32, #tpu.memory_space<vmem>>, vector<1x16xf32>,
        %get3A_460 = vector.shape_cast %get3A_459 : vector<1x16xf32> to vector<16xf32>
        %sub3A_461 = arith.subf %get3A_460, %get3A_456 : vector<16xf32>
        %mul3A_462 = arith.mulf %broadcast_in_dim3A_452, %sub3A_461 : vector<16xf32>
        %add3A_463 = arith.addf %get3A_456, %mul3A_462 : vector<16xf32>
        %swap3A_464 = arith.index_cast %add3A_449 : i32 to index
        %swap3A_465 = arith.constant 0 : index
        %swap3A_466 = tpu.vector_load %arg14[%swap3A_464, %swap3A_465] {strides = array<i32>} : memref<128x64xf32, #tpu.memory_space<vmem>>, vector<1x16xf32>,
        %swap3A_467 = vector.shape_cast %swap3A_466 : vector<1x16xf32> to vector<16xf32>
        %swap3A_468 = vector.shape_cast %add3A_463 : vector<16xf32> to vector<1x16xf32>
        tpu.vector_store %arg14[%swap3A_464, %swap3A_465], %swap3A_468 {strides = array<i32>} : memref<128x64xf32, #tpu.memory_space<vmem>>, vector<1x16xf32>,
        %get3A_469 = arith.index_cast %add3A_449 : i32 to index
        %get3A_470 = arith.constant 16 : index
        %get3A_471 = tpu.vector_load %arg10[%get3A_469, %get3A_470] {strides = array<i32>} : memref<128x128xf32, #tpu.memory_space<vmem>>, vector<1x16xf32>,
        %get3A_472 = vector.shape_cast %get3A_471 : vector<1x16xf32> to vector<16xf32>
        %get3A_473 = arith.index_cast %add3A_449 : i32 to index
        %get3A_474 = arith.constant 80 : index
        %get3A_475 = tpu.vector_load %arg10[%get3A_473, %get3A_474] {strides = array<i32>} : memref<128x128xf32, #tpu.memory_space<vmem>>, vector<1x16xf32>,
        %get3A_476 = vector.shape_cast %get3A_475 : vector<1x16xf32> to vector<16xf32>
        %sub3A_477 = arith.subf %get3A_476, %get3A_472 : vector<16xf32>
        %mul3A_478 = arith.mulf %broadcast_in_dim3A_452, %sub3A_477 : vector<16xf32>
        %add3A_479 = arith.addf %get3A_472, %mul3A_478 : vector<16xf32>
        %swap3A_480 = arith.index_cast %add3A_449 : i32 to index
        %swap3A_481 = arith.constant 16 : index
        %swap3A_482 = tpu.vector_load %arg14[%swap3A_480, %swap3A_481] {strides = array<i32>} : memref<128x64xf32, #tpu.memory_space<vmem>>, vector<1x16xf32>,
        %swap3A_483 = vector.shape_cast %swap3A_482 : vector<1x16xf32> to vector<16xf32>
        %swap3A_484 = vector.shape_cast %add3A_479 : vector<16xf32> to vector<1x16xf32>
        tpu.vector_store %arg14[%swap3A_480, %swap3A_481], %swap3A_484 {strides = array<i32>} : memref<128x64xf32, #tpu.memory_space<vmem>>, vector<1x16xf32>,
        %get3A_485 = arith.index_cast %add3A_449 : i32 to index
        %get3A_486 = arith.constant 32 : index
        %get3A_487 = tpu.vector_load %arg10[%get3A_485, %get3A_486] {strides = array<i32>} : memref<128x128xf32, #tpu.memory_space<vmem>>, vector<1x16xf32>,
        %get3A_488 = vector.shape_cast %get3A_487 : vector<1x16xf32> to vector<16xf32>
        %get3A_489 = arith.index_cast %add3A_449 : i32 to index
        %get3A_490 = arith.constant 96 : index
        %get3A_491 = tpu.vector_load %arg10[%get3A_489, %get3A_490] {strides = array<i32>} : memref<128x128xf32, #tpu.memory_space<vmem>>, vector<1x16xf32>,
        %get3A_492 = vector.shape_cast %get3A_491 : vector<1x16xf32> to vector<16xf32>
        %sub3A_493 = arith.subf %get3A_492, %get3A_488 : vector<16xf32>
        %mul3A_494 = arith.mulf %broadcast_in_dim3A_452, %sub3A_493 : vector<16xf32>
        %add3A_495 = arith.addf %get3A_488, %mul3A_494 : vector<16xf32>
        %swap3A_496 = arith.index_cast %add3A_449 : i32 to index
        %swap3A_497 = arith.constant 32 : index
        %swap3A_498 = tpu.vector_load %arg14[%swap3A_496, %swap3A_497] {strides = array<i32>} : memref<128x64xf32, #tpu.memory_space<vmem>>, vector<1x16xf32>,
        %swap3A_499 = vector.shape_cast %swap3A_498 : vector<1x16xf32> to vector<16xf32>
        %swap3A_500 = vector.shape_cast %add3A_495 : vector<16xf32> to vector<1x16xf32>
        tpu.vector_store %arg14[%swap3A_496, %swap3A_497], %swap3A_500 {strides = array<i32>} : memref<128x64xf32, #tpu.memory_space<vmem>>, vector<1x16xf32>,
        %get3A_501 = arith.index_cast %add3A_449 : i32 to index
        %get3A_502 = arith.constant 48 : index
        %get3A_503 = tpu.vector_load %arg10[%get3A_501, %get3A_502] {strides = array<i32>} : memref<128x128xf32, #tpu.memory_space<vmem>>, vector<1x16xf32>,
        %get3A_504 = vector.shape_cast %get3A_503 : vector<1x16xf32> to vector<16xf32>
        %get3A_505 = arith.index_cast %add3A_449 : i32 to index
        %get3A_506 = arith.constant 112 : index
        %get3A_507 = tpu.vector_load %arg10[%get3A_505, %get3A_506] {strides = array<i32>} : memref<128x128xf32, #tpu.memory_space<vmem>>, vector<1x16xf32>,
        %get3A_508 = vector.shape_cast %get3A_507 : vector<1x16xf32> to vector<16xf32>
        %sub3A_509 = arith.subf %get3A_508, %get3A_504 : vector<16xf32>
        %mul3A_510 = arith.mulf %broadcast_in_dim3A_452, %sub3A_509 : vector<16xf32>
        %add3A_511 = arith.addf %get3A_504, %mul3A_510 : vector<16xf32>
        %swap3A_512 = arith.index_cast %add3A_449 : i32 to index
        %swap3A_513 = arith.constant 48 : index
        %swap3A_514 = tpu.vector_load %arg14[%swap3A_512, %swap3A_513] {strides = array<i32>} : memref<128x64xf32, #tpu.memory_space<vmem>>, vector<1x16xf32>,
        %swap3A_515 = vector.shape_cast %swap3A_514 : vector<1x16xf32> to vector<16xf32>
        %swap3A_516 = vector.shape_cast %add3A_511 : vector<16xf32> to vector<1x16xf32>
        tpu.vector_store %arg14[%swap3A_512, %swap3A_513], %swap3A_516 {strides = array<i32>} : memref<128x64xf32, #tpu.memory_space<vmem>>, vector<1x16xf32>,
        %add3A_517 = arith.constant 4 : i32
        %add3A_518 = arith.addi %mul3A_236, %add3A_517 : i32
        %slice3A_519 = vector.extract_strided_slice %get3A_242 {offsets = [4], sizes = [1], strides = [1]} : vector<16xf32> to vector<1xf32>
        %squeeze3A_520 = vector.extract %slice3A_519[0] : f32 from vector<1xf32>
        %broadcast_in_dim3A_521 = vector.broadcast %squeeze3A_520 : f32 to vector<16xf32>
        %get3A_522 = arith.index_cast %add3A_518 : i32 to index
        %get3A_523 = arith.constant 0 : index
        %get3A_524 = tpu.vector_load %arg10[%get3A_522, %get3A_523] {strides = array<i32>} : memref<128x128xf32, #tpu.memory_space<vmem>>, vector<1x16xf32>,
        %get3A_525 = vector.shape_cast %get3A_524 : vector<1x16xf32> to vector<16xf32>
        %get3A_526 = arith.index_cast %add3A_518 : i32 to index
        %get3A_527 = arith.constant 64 : index
        %get3A_528 = tpu.vector_load %arg10[%get3A_526, %get3A_527] {strides = array<i32>} : memref<128x128xf32, #tpu.memory_space<vmem>>, vector<1x16xf32>,
        %get3A_529 = vector.shape_cast %get3A_528 : vector<1x16xf32> to vector<16xf32>
        %sub3A_530 = arith.subf %get3A_529, %get3A_525 : vector<16xf32>
        %mul3A_531 = arith.mulf %broadcast_in_dim3A_521, %sub3A_530 : vector<16xf32>
        %add3A_532 = arith.addf %get3A_525, %mul3A_531 : vector<16xf32>
        %swap3A_533 = arith.index_cast %add3A_518 : i32 to index
        %swap3A_534 = arith.constant 0 : index
        %swap3A_535 = tpu.vector_load %arg14[%swap3A_533, %swap3A_534] {strides = array<i32>} : memref<128x64xf32, #tpu.memory_space<vmem>>, vector<1x16xf32>,
        %swap3A_536 = vector.shape_cast %swap3A_535 : vector<1x16xf32> to vector<16xf32>
        %swap3A_537 = vector.shape_cast %add3A_532 : vector<16xf32> to vector<1x16xf32>
        tpu.vector_store %arg14[%swap3A_533, %swap3A_534], %swap3A_537 {strides = array<i32>} : memref<128x64xf32, #tpu.memory_space<vmem>>, vector<1x16xf32>,
        %get3A_538 = arith.index_cast %add3A_518 : i32 to index
        %get3A_539 = arith.constant 16 : index
        %get3A_540 = tpu.vector_load %arg10[%get3A_538, %get3A_539] {strides = array<i32>} : memref<128x128xf32, #tpu.memory_space<vmem>>, vector<1x16xf32>,
        %get3A_541 = vector.shape_cast %get3A_540 : vector<1x16xf32> to vector<16xf32>
        %get3A_542 = arith.index_cast %add3A_518 : i32 to index
        %get3A_543 = arith.constant 80 : index
        %get3A_544 = tpu.vector_load %arg10[%get3A_542, %get3A_543] {strides = array<i32>} : memref<128x128xf32, #tpu.memory_space<vmem>>, vector<1x16xf32>,
        %get3A_545 = vector.shape_cast %get3A_544 : vector<1x16xf32> to vector<16xf32>
        %sub3A_546 = arith.subf %get3A_545, %get3A_541 : vector<16xf32>
        %mul3A_547 = arith.mulf %broadcast_in_dim3A_521, %sub3A_546 : vector<16xf32>
        %add3A_548 = arith.addf %get3A_541, %mul3A_547 : vector<16xf32>
        %swap3A_549 = arith.index_cast %add3A_518 : i32 to index
        %swap3A_550 = arith.constant 16 : index
        %swap3A_551 = tpu.vector_load %arg14[%swap3A_549, %swap3A_550] {strides = array<i32>} : memref<128x64xf32, #tpu.memory_space<vmem>>, vector<1x16xf32>,
        %swap3A_552 = vector.shape_cast %swap3A_551 : vector<1x16xf32> to vector<16xf32>
        %swap3A_553 = vector.shape_cast %add3A_548 : vector<16xf32> to vector<1x16xf32>
        tpu.vector_store %arg14[%swap3A_549, %swap3A_550], %swap3A_553 {strides = array<i32>} : memref<128x64xf32, #tpu.memory_space<vmem>>, vector<1x16xf32>,
        %get3A_554 = arith.index_cast %add3A_518 : i32 to index
        %get3A_555 = arith.constant 32 : index
        %get3A_556 = tpu.vector_load %arg10[%get3A_554, %get3A_555] {strides = array<i32>} : memref<128x128xf32, #tpu.memory_space<vmem>>, vector<1x16xf32>,
        %get3A_557 = vector.shape_cast %get3A_556 : vector<1x16xf32> to vector<16xf32>
        %get3A_558 = arith.index_cast %add3A_518 : i32 to index
        %get3A_559 = arith.constant 96 : index
        %get3A_560 = tpu.vector_load %arg10[%get3A_558, %get3A_559] {strides = array<i32>} : memref<128x128xf32, #tpu.memory_space<vmem>>, vector<1x16xf32>,
        %get3A_561 = vector.shape_cast %get3A_560 : vector<1x16xf32> to vector<16xf32>
        %sub3A_562 = arith.subf %get3A_561, %get3A_557 : vector<16xf32>
        %mul3A_563 = arith.mulf %broadcast_in_dim3A_521, %sub3A_562 : vector<16xf32>
        %add3A_564 = arith.addf %get3A_557, %mul3A_563 : vector<16xf32>
        %swap3A_565 = arith.index_cast %add3A_518 : i32 to index
        %swap3A_566 = arith.constant 32 : index
        %swap3A_567 = tpu.vector_load %arg14[%swap3A_565, %swap3A_566] {strides = array<i32>} : memref<128x64xf32, #tpu.memory_space<vmem>>, vector<1x16xf32>,
        %swap3A_568 = vector.shape_cast %swap3A_567 : vector<1x16xf32> to vector<16xf32>
        %swap3A_569 = vector.shape_cast %add3A_564 : vector<16xf32> to vector<1x16xf32>
        tpu.vector_store %arg14[%swap3A_565, %swap3A_566], %swap3A_569 {strides = array<i32>} : memref<128x64xf32, #tpu.memory_space<vmem>>, vector<1x16xf32>,
        %get3A_570 = arith.index_cast %add3A_518 : i32 to index
        %get3A_571 = arith.constant 48 : index
        %get3A_572 = tpu.vector_load %arg10[%get3A_570, %get3A_571] {strides = array<i32>} : memref<128x128xf32, #tpu.memory_space<vmem>>, vector<1x16xf32>,
        %get3A_573 = vector.shape_cast %get3A_572 : vector<1x16xf32> to vector<16xf32>
        %get3A_574 = arith.index_cast %add3A_518 : i32 to index
        %get3A_575 = arith.constant 112 : index
        %get3A_576 = tpu.vector_load %arg10[%get3A_574, %get3A_575] {strides = array<i32>} : memref<128x128xf32, #tpu.memory_space<vmem>>, vector<1x16xf32>,
        %get3A_577 = vector.shape_cast %get3A_576 : vector<1x16xf32> to vector<16xf32>
        %sub3A_578 = arith.subf %get3A_577, %get3A_573 : vector<16xf32>
        %mul3A_579 = arith.mulf %broadcast_in_dim3A_521, %sub3A_578 : vector<16xf32>
        %add3A_580 = arith.addf %get3A_573, %mul3A_579 : vector<16xf32>
        %swap3A_581 = arith.index_cast %add3A_518 : i32 to index
        %swap3A_582 = arith.constant 48 : index
        %swap3A_583 = tpu.vector_load %arg14[%swap3A_581, %swap3A_582] {strides = array<i32>} : memref<128x64xf32, #tpu.memory_space<vmem>>, vector<1x16xf32>,
        %swap3A_584 = vector.shape_cast %swap3A_583 : vector<1x16xf32> to vector<16xf32>
        %swap3A_585 = vector.shape_cast %add3A_580 : vector<16xf32> to vector<1x16xf32>
        tpu.vector_store %arg14[%swap3A_581, %swap3A_582], %swap3A_585 {strides = array<i32>} : memref<128x64xf32, #tpu.memory_space<vmem>>, vector<1x16xf32>,
        %add3A_586 = arith.constant 5 : i32
        %add3A_587 = arith.addi %mul3A_236, %add3A_586 : i32
        %slice3A_588 = vector.extract_strided_slice %get3A_242 {offsets = [5], sizes = [1], strides = [1]} : vector<16xf32> to vector<1xf32>
        %squeeze3A_589 = vector.extract %slice3A_588[0] : f32 from vector<1xf32>
        %broadcast_in_dim3A_590 = vector.broadcast %squeeze3A_589 : f32 to vector<16xf32>
        %get3A_591 = arith.index_cast %add3A_587 : i32 to index
        %get3A_592 = arith.constant 0 : index
        %get3A_593 = tpu.vector_load %arg10[%get3A_591, %get3A_592] {strides = array<i32>} : memref<128x128xf32, #tpu.memory_space<vmem>>, vector<1x16xf32>,
        %get3A_594 = vector.shape_cast %get3A_593 : vector<1x16xf32> to vector<16xf32>
        %get3A_595 = arith.index_cast %add3A_587 : i32 to index
        %get3A_596 = arith.constant 64 : index
        %get3A_597 = tpu.vector_load %arg10[%get3A_595, %get3A_596] {strides = array<i32>} : memref<128x128xf32, #tpu.memory_space<vmem>>, vector<1x16xf32>,
        %get3A_598 = vector.shape_cast %get3A_597 : vector<1x16xf32> to vector<16xf32>
        %sub3A_599 = arith.subf %get3A_598, %get3A_594 : vector<16xf32>
        %mul3A_600 = arith.mulf %broadcast_in_dim3A_590, %sub3A_599 : vector<16xf32>
        %add3A_601 = arith.addf %get3A_594, %mul3A_600 : vector<16xf32>
        %swap3A_602 = arith.index_cast %add3A_587 : i32 to index
        %swap3A_603 = arith.constant 0 : index
        %swap3A_604 = tpu.vector_load %arg14[%swap3A_602, %swap3A_603] {strides = array<i32>} : memref<128x64xf32, #tpu.memory_space<vmem>>, vector<1x16xf32>,
        %swap3A_605 = vector.shape_cast %swap3A_604 : vector<1x16xf32> to vector<16xf32>
        %swap3A_606 = vector.shape_cast %add3A_601 : vector<16xf32> to vector<1x16xf32>
        tpu.vector_store %arg14[%swap3A_602, %swap3A_603], %swap3A_606 {strides = array<i32>} : memref<128x64xf32, #tpu.memory_space<vmem>>, vector<1x16xf32>,
        %get3A_607 = arith.index_cast %add3A_587 : i32 to index
        %get3A_608 = arith.constant 16 : index
        %get3A_609 = tpu.vector_load %arg10[%get3A_607, %get3A_608] {strides = array<i32>} : memref<128x128xf32, #tpu.memory_space<vmem>>, vector<1x16xf32>,
        %get3A_610 = vector.shape_cast %get3A_609 : vector<1x16xf32> to vector<16xf32>
        %get3A_611 = arith.index_cast %add3A_587 : i32 to index
        %get3A_612 = arith.constant 80 : index
        %get3A_613 = tpu.vector_load %arg10[%get3A_611, %get3A_612] {strides = array<i32>} : memref<128x128xf32, #tpu.memory_space<vmem>>, vector<1x16xf32>,
        %get3A_614 = vector.shape_cast %get3A_613 : vector<1x16xf32> to vector<16xf32>
        %sub3A_615 = arith.subf %get3A_614, %get3A_610 : vector<16xf32>
        %mul3A_616 = arith.mulf %broadcast_in_dim3A_590, %sub3A_615 : vector<16xf32>
        %add3A_617 = arith.addf %get3A_610, %mul3A_616 : vector<16xf32>
        %swap3A_618 = arith.index_cast %add3A_587 : i32 to index
        %swap3A_619 = arith.constant 16 : index
        %swap3A_620 = tpu.vector_load %arg14[%swap3A_618, %swap3A_619] {strides = array<i32>} : memref<128x64xf32, #tpu.memory_space<vmem>>, vector<1x16xf32>,
        %swap3A_621 = vector.shape_cast %swap3A_620 : vector<1x16xf32> to vector<16xf32>
        %swap3A_622 = vector.shape_cast %add3A_617 : vector<16xf32> to vector<1x16xf32>
        tpu.vector_store %arg14[%swap3A_618, %swap3A_619], %swap3A_622 {strides = array<i32>} : memref<128x64xf32, #tpu.memory_space<vmem>>, vector<1x16xf32>,
        %get3A_623 = arith.index_cast %add3A_587 : i32 to index
        %get3A_624 = arith.constant 32 : index
        %get3A_625 = tpu.vector_load %arg10[%get3A_623, %get3A_624] {strides = array<i32>} : memref<128x128xf32, #tpu.memory_space<vmem>>, vector<1x16xf32>,
        %get3A_626 = vector.shape_cast %get3A_625 : vector<1x16xf32> to vector<16xf32>
        %get3A_627 = arith.index_cast %add3A_587 : i32 to index
        %get3A_628 = arith.constant 96 : index
        %get3A_629 = tpu.vector_load %arg10[%get3A_627, %get3A_628] {strides = array<i32>} : memref<128x128xf32, #tpu.memory_space<vmem>>, vector<1x16xf32>,
        %get3A_630 = vector.shape_cast %get3A_629 : vector<1x16xf32> to vector<16xf32>
        %sub3A_631 = arith.subf %get3A_630, %get3A_626 : vector<16xf32>
        %mul3A_632 = arith.mulf %broadcast_in_dim3A_590, %sub3A_631 : vector<16xf32>
        %add3A_633 = arith.addf %get3A_626, %mul3A_632 : vector<16xf32>
        %swap3A_634 = arith.index_cast %add3A_587 : i32 to index
        %swap3A_635 = arith.constant 32 : index
        %swap3A_636 = tpu.vector_load %arg14[%swap3A_634, %swap3A_635] {strides = array<i32>} : memref<128x64xf32, #tpu.memory_space<vmem>>, vector<1x16xf32>,
        %swap3A_637 = vector.shape_cast %swap3A_636 : vector<1x16xf32> to vector<16xf32>
        %swap3A_638 = vector.shape_cast %add3A_633 : vector<16xf32> to vector<1x16xf32>
        tpu.vector_store %arg14[%swap3A_634, %swap3A_635], %swap3A_638 {strides = array<i32>} : memref<128x64xf32, #tpu.memory_space<vmem>>, vector<1x16xf32>,
        %get3A_639 = arith.index_cast %add3A_587 : i32 to index
        %get3A_640 = arith.constant 48 : index
        %get3A_641 = tpu.vector_load %arg10[%get3A_639, %get3A_640] {strides = array<i32>} : memref<128x128xf32, #tpu.memory_space<vmem>>, vector<1x16xf32>,
        %get3A_642 = vector.shape_cast %get3A_641 : vector<1x16xf32> to vector<16xf32>
        %get3A_643 = arith.index_cast %add3A_587 : i32 to index
        %get3A_644 = arith.constant 112 : index
        %get3A_645 = tpu.vector_load %arg10[%get3A_643, %get3A_644] {strides = array<i32>} : memref<128x128xf32, #tpu.memory_space<vmem>>, vector<1x16xf32>,
        %get3A_646 = vector.shape_cast %get3A_645 : vector<1x16xf32> to vector<16xf32>
        %sub3A_647 = arith.subf %get3A_646, %get3A_642 : vector<16xf32>
        %mul3A_648 = arith.mulf %broadcast_in_dim3A_590, %sub3A_647 : vector<16xf32>
        %add3A_649 = arith.addf %get3A_642, %mul3A_648 : vector<16xf32>
        %swap3A_650 = arith.index_cast %add3A_587 : i32 to index
        %swap3A_651 = arith.constant 48 : index
        %swap3A_652 = tpu.vector_load %arg14[%swap3A_650, %swap3A_651] {strides = array<i32>} : memref<128x64xf32, #tpu.memory_space<vmem>>, vector<1x16xf32>,
        %swap3A_653 = vector.shape_cast %swap3A_652 : vector<1x16xf32> to vector<16xf32>
        %swap3A_654 = vector.shape_cast %add3A_649 : vector<16xf32> to vector<1x16xf32>
        tpu.vector_store %arg14[%swap3A_650, %swap3A_651], %swap3A_654 {strides = array<i32>} : memref<128x64xf32, #tpu.memory_space<vmem>>, vector<1x16xf32>,
        %add3A_655 = arith.constant 6 : i32
        %add3A_656 = arith.addi %mul3A_236, %add3A_655 : i32
        %slice3A_657 = vector.extract_strided_slice %get3A_242 {offsets = [6], sizes = [1], strides = [1]} : vector<16xf32> to vector<1xf32>
        %squeeze3A_658 = vector.extract %slice3A_657[0] : f32 from vector<1xf32>
        %broadcast_in_dim3A_659 = vector.broadcast %squeeze3A_658 : f32 to vector<16xf32>
        %get3A_660 = arith.index_cast %add3A_656 : i32 to index
        %get3A_661 = arith.constant 0 : index
        %get3A_662 = tpu.vector_load %arg10[%get3A_660, %get3A_661] {strides = array<i32>} : memref<128x128xf32, #tpu.memory_space<vmem>>, vector<1x16xf32>,
        %get3A_663 = vector.shape_cast %get3A_662 : vector<1x16xf32> to vector<16xf32>
        %get3A_664 = arith.index_cast %add3A_656 : i32 to index
        %get3A_665 = arith.constant 64 : index
        %get3A_666 = tpu.vector_load %arg10[%get3A_664, %get3A_665] {strides = array<i32>} : memref<128x128xf32, #tpu.memory_space<vmem>>, vector<1x16xf32>,
        %get3A_667 = vector.shape_cast %get3A_666 : vector<1x16xf32> to vector<16xf32>
        %sub3A_668 = arith.subf %get3A_667, %get3A_663 : vector<16xf32>
        %mul3A_669 = arith.mulf %broadcast_in_dim3A_659, %sub3A_668 : vector<16xf32>
        %add3A_670 = arith.addf %get3A_663, %mul3A_669 : vector<16xf32>
        %swap3A_671 = arith.index_cast %add3A_656 : i32 to index
        %swap3A_672 = arith.constant 0 : index
        %swap3A_673 = tpu.vector_load %arg14[%swap3A_671, %swap3A_672] {strides = array<i32>} : memref<128x64xf32, #tpu.memory_space<vmem>>, vector<1x16xf32>,
        %swap3A_674 = vector.shape_cast %swap3A_673 : vector<1x16xf32> to vector<16xf32>
        %swap3A_675 = vector.shape_cast %add3A_670 : vector<16xf32> to vector<1x16xf32>
        tpu.vector_store %arg14[%swap3A_671, %swap3A_672], %swap3A_675 {strides = array<i32>} : memref<128x64xf32, #tpu.memory_space<vmem>>, vector<1x16xf32>,
        %get3A_676 = arith.index_cast %add3A_656 : i32 to index
        %get3A_677 = arith.constant 16 : index
        %get3A_678 = tpu.vector_load %arg10[%get3A_676, %get3A_677] {strides = array<i32>} : memref<128x128xf32, #tpu.memory_space<vmem>>, vector<1x16xf32>,
        %get3A_679 = vector.shape_cast %get3A_678 : vector<1x16xf32> to vector<16xf32>
        %get3A_680 = arith.index_cast %add3A_656 : i32 to index
        %get3A_681 = arith.constant 80 : index
        %get3A_682 = tpu.vector_load %arg10[%get3A_680, %get3A_681] {strides = array<i32>} : memref<128x128xf32, #tpu.memory_space<vmem>>, vector<1x16xf32>,
        %get3A_683 = vector.shape_cast %get3A_682 : vector<1x16xf32> to vector<16xf32>
        %sub3A_684 = arith.subf %get3A_683, %get3A_679 : vector<16xf32>
        %mul3A_685 = arith.mulf %broadcast_in_dim3A_659, %sub3A_684 : vector<16xf32>
        %add3A_686 = arith.addf %get3A_679, %mul3A_685 : vector<16xf32>
        %swap3A_687 = arith.index_cast %add3A_656 : i32 to index
        %swap3A_688 = arith.constant 16 : index
        %swap3A_689 = tpu.vector_load %arg14[%swap3A_687, %swap3A_688] {strides = array<i32>} : memref<128x64xf32, #tpu.memory_space<vmem>>, vector<1x16xf32>,
        %swap3A_690 = vector.shape_cast %swap3A_689 : vector<1x16xf32> to vector<16xf32>
        %swap3A_691 = vector.shape_cast %add3A_686 : vector<16xf32> to vector<1x16xf32>
        tpu.vector_store %arg14[%swap3A_687, %swap3A_688], %swap3A_691 {strides = array<i32>} : memref<128x64xf32, #tpu.memory_space<vmem>>, vector<1x16xf32>,
        %get3A_692 = arith.index_cast %add3A_656 : i32 to index
        %get3A_693 = arith.constant 32 : index
        %get3A_694 = tpu.vector_load %arg10[%get3A_692, %get3A_693] {strides = array<i32>} : memref<128x128xf32, #tpu.memory_space<vmem>>, vector<1x16xf32>,
        %get3A_695 = vector.shape_cast %get3A_694 : vector<1x16xf32> to vector<16xf32>
        %get3A_696 = arith.index_cast %add3A_656 : i32 to index
        %get3A_697 = arith.constant 96 : index
        %get3A_698 = tpu.vector_load %arg10[%get3A_696, %get3A_697] {strides = array<i32>} : memref<128x128xf32, #tpu.memory_space<vmem>>, vector<1x16xf32>,
        %get3A_699 = vector.shape_cast %get3A_698 : vector<1x16xf32> to vector<16xf32>
        %sub3A_700 = arith.subf %get3A_699, %get3A_695 : vector<16xf32>
        %mul3A_701 = arith.mulf %broadcast_in_dim3A_659, %sub3A_700 : vector<16xf32>
        %add3A_702 = arith.addf %get3A_695, %mul3A_701 : vector<16xf32>
        %swap3A_703 = arith.index_cast %add3A_656 : i32 to index
        %swap3A_704 = arith.constant 32 : index
        %swap3A_705 = tpu.vector_load %arg14[%swap3A_703, %swap3A_704] {strides = array<i32>} : memref<128x64xf32, #tpu.memory_space<vmem>>, vector<1x16xf32>,
        %swap3A_706 = vector.shape_cast %swap3A_705 : vector<1x16xf32> to vector<16xf32>
        %swap3A_707 = vector.shape_cast %add3A_702 : vector<16xf32> to vector<1x16xf32>
        tpu.vector_store %arg14[%swap3A_703, %swap3A_704], %swap3A_707 {strides = array<i32>} : memref<128x64xf32, #tpu.memory_space<vmem>>, vector<1x16xf32>,
        %get3A_708 = arith.index_cast %add3A_656 : i32 to index
        %get3A_709 = arith.constant 48 : index
        %get3A_710 = tpu.vector_load %arg10[%get3A_708, %get3A_709] {strides = array<i32>} : memref<128x128xf32, #tpu.memory_space<vmem>>, vector<1x16xf32>,
        %get3A_711 = vector.shape_cast %get3A_710 : vector<1x16xf32> to vector<16xf32>
        %get3A_712 = arith.index_cast %add3A_656 : i32 to index
        %get3A_713 = arith.constant 112 : index
        %get3A_714 = tpu.vector_load %arg10[%get3A_712, %get3A_713] {strides = array<i32>} : memref<128x128xf32, #tpu.memory_space<vmem>>, vector<1x16xf32>,
        %get3A_715 = vector.shape_cast %get3A_714 : vector<1x16xf32> to vector<16xf32>
        %sub3A_716 = arith.subf %get3A_715, %get3A_711 : vector<16xf32>
        %mul3A_717 = arith.mulf %broadcast_in_dim3A_659, %sub3A_716 : vector<16xf32>
        %add3A_718 = arith.addf %get3A_711, %mul3A_717 : vector<16xf32>
        %swap3A_719 = arith.index_cast %add3A_656 : i32 to index
        %swap3A_720 = arith.constant 48 : index
        %swap3A_721 = tpu.vector_load %arg14[%swap3A_719, %swap3A_720] {strides = array<i32>} : memref<128x64xf32, #tpu.memory_space<vmem>>, vector<1x16xf32>,
        %swap3A_722 = vector.shape_cast %swap3A_721 : vector<1x16xf32> to vector<16xf32>
        %swap3A_723 = vector.shape_cast %add3A_718 : vector<16xf32> to vector<1x16xf32>
        tpu.vector_store %arg14[%swap3A_719, %swap3A_720], %swap3A_723 {strides = array<i32>} : memref<128x64xf32, #tpu.memory_space<vmem>>, vector<1x16xf32>,
        %add3A_724 = arith.constant 7 : i32
        %add3A_725 = arith.addi %mul3A_236, %add3A_724 : i32
        %slice3A_726 = vector.extract_strided_slice %get3A_242 {offsets = [7], sizes = [1], strides = [1]} : vector<16xf32> to vector<1xf32>
        %squeeze3A_727 = vector.extract %slice3A_726[0] : f32 from vector<1xf32>
        %broadcast_in_dim3A_728 = vector.broadcast %squeeze3A_727 : f32 to vector<16xf32>
        %get3A_729 = arith.index_cast %add3A_725 : i32 to index
        %get3A_730 = arith.constant 0 : index
        %get3A_731 = tpu.vector_load %arg10[%get3A_729, %get3A_730] {strides = array<i32>} : memref<128x128xf32, #tpu.memory_space<vmem>>, vector<1x16xf32>,
        %get3A_732 = vector.shape_cast %get3A_731 : vector<1x16xf32> to vector<16xf32>
        %get3A_733 = arith.index_cast %add3A_725 : i32 to index
        %get3A_734 = arith.constant 64 : index
        %get3A_735 = tpu.vector_load %arg10[%get3A_733, %get3A_734] {strides = array<i32>} : memref<128x128xf32, #tpu.memory_space<vmem>>, vector<1x16xf32>,
        %get3A_736 = vector.shape_cast %get3A_735 : vector<1x16xf32> to vector<16xf32>
        %sub3A_737 = arith.subf %get3A_736, %get3A_732 : vector<16xf32>
        %mul3A_738 = arith.mulf %broadcast_in_dim3A_728, %sub3A_737 : vector<16xf32>
        %add3A_739 = arith.addf %get3A_732, %mul3A_738 : vector<16xf32>
        %swap3A_740 = arith.index_cast %add3A_725 : i32 to index
        %swap3A_741 = arith.constant 0 : index
        %swap3A_742 = tpu.vector_load %arg14[%swap3A_740, %swap3A_741] {strides = array<i32>} : memref<128x64xf32, #tpu.memory_space<vmem>>, vector<1x16xf32>,
        %swap3A_743 = vector.shape_cast %swap3A_742 : vector<1x16xf32> to vector<16xf32>
        %swap3A_744 = vector.shape_cast %add3A_739 : vector<16xf32> to vector<1x16xf32>
        tpu.vector_store %arg14[%swap3A_740, %swap3A_741], %swap3A_744 {strides = array<i32>} : memref<128x64xf32, #tpu.memory_space<vmem>>, vector<1x16xf32>,
        %get3A_745 = arith.index_cast %add3A_725 : i32 to index
        %get3A_746 = arith.constant 16 : index
        %get3A_747 = tpu.vector_load %arg10[%get3A_745, %get3A_746] {strides = array<i32>} : memref<128x128xf32, #tpu.memory_space<vmem>>, vector<1x16xf32>,
        %get3A_748 = vector.shape_cast %get3A_747 : vector<1x16xf32> to vector<16xf32>
        %get3A_749 = arith.index_cast %add3A_725 : i32 to index
        %get3A_750 = arith.constant 80 : index
        %get3A_751 = tpu.vector_load %arg10[%get3A_749, %get3A_750] {strides = array<i32>} : memref<128x128xf32, #tpu.memory_space<vmem>>, vector<1x16xf32>,
        %get3A_752 = vector.shape_cast %get3A_751 : vector<1x16xf32> to vector<16xf32>
        %sub3A_753 = arith.subf %get3A_752, %get3A_748 : vector<16xf32>
        %mul3A_754 = arith.mulf %broadcast_in_dim3A_728, %sub3A_753 : vector<16xf32>
        %add3A_755 = arith.addf %get3A_748, %mul3A_754 : vector<16xf32>
        %swap3A_756 = arith.index_cast %add3A_725 : i32 to index
        %swap3A_757 = arith.constant 16 : index
        %swap3A_758 = tpu.vector_load %arg14[%swap3A_756, %swap3A_757] {strides = array<i32>} : memref<128x64xf32, #tpu.memory_space<vmem>>, vector<1x16xf32>,
        %swap3A_759 = vector.shape_cast %swap3A_758 : vector<1x16xf32> to vector<16xf32>
        %swap3A_760 = vector.shape_cast %add3A_755 : vector<16xf32> to vector<1x16xf32>
        tpu.vector_store %arg14[%swap3A_756, %swap3A_757], %swap3A_760 {strides = array<i32>} : memref<128x64xf32, #tpu.memory_space<vmem>>, vector<1x16xf32>,
        %get3A_761 = arith.index_cast %add3A_725 : i32 to index
        %get3A_762 = arith.constant 32 : index
        %get3A_763 = tpu.vector_load %arg10[%get3A_761, %get3A_762] {strides = array<i32>} : memref<128x128xf32, #tpu.memory_space<vmem>>, vector<1x16xf32>,
        %get3A_764 = vector.shape_cast %get3A_763 : vector<1x16xf32> to vector<16xf32>
        %get3A_765 = arith.index_cast %add3A_725 : i32 to index
        %get3A_766 = arith.constant 96 : index
        %get3A_767 = tpu.vector_load %arg10[%get3A_765, %get3A_766] {strides = array<i32>} : memref<128x128xf32, #tpu.memory_space<vmem>>, vector<1x16xf32>,
        %get3A_768 = vector.shape_cast %get3A_767 : vector<1x16xf32> to vector<16xf32>
        %sub3A_769 = arith.subf %get3A_768, %get3A_764 : vector<16xf32>
        %mul3A_770 = arith.mulf %broadcast_in_dim3A_728, %sub3A_769 : vector<16xf32>
        %add3A_771 = arith.addf %get3A_764, %mul3A_770 : vector<16xf32>
        %swap3A_772 = arith.index_cast %add3A_725 : i32 to index
        %swap3A_773 = arith.constant 32 : index
        %swap3A_774 = tpu.vector_load %arg14[%swap3A_772, %swap3A_773] {strides = array<i32>} : memref<128x64xf32, #tpu.memory_space<vmem>>, vector<1x16xf32>,
        %swap3A_775 = vector.shape_cast %swap3A_774 : vector<1x16xf32> to vector<16xf32>
        %swap3A_776 = vector.shape_cast %add3A_771 : vector<16xf32> to vector<1x16xf32>
        tpu.vector_store %arg14[%swap3A_772, %swap3A_773], %swap3A_776 {strides = array<i32>} : memref<128x64xf32, #tpu.memory_space<vmem>>, vector<1x16xf32>,
        %get3A_777 = arith.index_cast %add3A_725 : i32 to index
        %get3A_778 = arith.constant 48 : index
        %get3A_779 = tpu.vector_load %arg10[%get3A_777, %get3A_778] {strides = array<i32>} : memref<128x128xf32, #tpu.memory_space<vmem>>, vector<1x16xf32>,
        %get3A_780 = vector.shape_cast %get3A_779 : vector<1x16xf32> to vector<16xf32>
        %get3A_781 = arith.index_cast %add3A_725 : i32 to index
        %get3A_782 = arith.constant 112 : index
        %get3A_783 = tpu.vector_load %arg10[%get3A_781, %get3A_782] {strides = array<i32>} : memref<128x128xf32, #tpu.memory_space<vmem>>, vector<1x16xf32>,
        %get3A_784 = vector.shape_cast %get3A_783 : vector<1x16xf32> to vector<16xf32>
        %sub3A_785 = arith.subf %get3A_784, %get3A_780 : vector<16xf32>
        %mul3A_786 = arith.mulf %broadcast_in_dim3A_728, %sub3A_785 : vector<16xf32>
        %add3A_787 = arith.addf %get3A_780, %mul3A_786 : vector<16xf32>
        %swap3A_788 = arith.index_cast %add3A_725 : i32 to index
        %swap3A_789 = arith.constant 48 : index
        %swap3A_790 = tpu.vector_load %arg14[%swap3A_788, %swap3A_789] {strides = array<i32>} : memref<128x64xf32, #tpu.memory_space<vmem>>, vector<1x16xf32>,
        %swap3A_791 = vector.shape_cast %swap3A_790 : vector<1x16xf32> to vector<16xf32>
        %swap3A_792 = vector.shape_cast %add3A_787 : vector<16xf32> to vector<1x16xf32>
        tpu.vector_store %arg14[%swap3A_788, %swap3A_789], %swap3A_792 {strides = array<i32>} : memref<128x64xf32, #tpu.memory_space<vmem>>, vector<1x16xf32>,
        %scan3A_793 = arith.constant 0 : i32
        scf.yield %scan3A_793 : i32
      }
      %scan3A_131 = arith.constant 16 : i32
      %mul3A_132 = arith.constant 128 : i32
      %mul3A_133 = arith.muli %add3A_109, %mul3A_132 : i32
      %add3A_134 = arith.addi %mul3A_4, %mul3A_133 : i32
      %multiple_of3A_135 = tpu.assume_multiple %add3A_134, 128 : i32
      %dma_start3A_136 = arith.constant 0 : i32
      %dma_start3A_137 = tpu.memref_slice %arg5[%multiple_of3A_135, %dma_start3A_136] : memref<262144x64xf32, #tpu.memory_space<hbm>> -> memref<128x64xf32, #tpu.memory_space<hbm>>
      %dma_start3A_138 = arith.constant 0 : i32
      %dma_start3A_139 = tpu.memref_slice %arg5[%multiple_of3A_135, %dma_start3A_138] : memref<262144x64xf32, #tpu.memory_space<hbm>> -> memref<128x64xf32, #tpu.memory_space<hbm>>
      tpu.enqueue_dma source(%arg14 : memref<128x64xf32, #tpu.memory_space<vmem>>) target(%dma_start3A_139 : memref<128x64xf32, #tpu.memory_space<hbm>>) target_semaphore(%arg20 : memref<!tpu.dma_semaphore, #tpu.memory_space<semaphore_mem>>)
      %lt3A_140 = arith.constant 15 : i32
      %lt3A_141 = arith.cmpi slt, %scan3A_69, %lt3A_140 : i32
      %convert_element_type3A_142 = arith.extui %lt3A_141 : i1 to i32
      %cond3A_143 = arith.constant 0 : i32
      %cond3A_144 = arith.cmpi ne, %convert_element_type3A_142, %cond3A_143 : i32
      scf.if %cond3A_144 {
        %add3A_233 = arith.constant 4 : i32
        %add3A_234 = arith.addi %add3A_109, %add3A_233 : i32
        %mul3A_235 = arith.constant 1 : i32
        %mul3A_236 = arith.muli %add3A_234, %mul3A_235 : i32
        %add3A_237 = arith.constant 0 : i32
        %add3A_238 = arith.addi %mul3A_236, %add3A_237 : i32
        %dma_start3A_239 = arith.constant 0 : i32
        %dma_start3A_240 = arith.constant 0 : i32
        %dma_start3A_241 = tpu.memref_slice %arg10[%dma_start3A_239, %dma_start3A_240] : memref<128x128xf32, #tpu.memory_space<vmem>> -> memref<128x128xf32, #tpu.memory_space<vmem>>
        %dma_start3A_242 = arith.constant 0 : i32
        %dma_start3A_243 = tpu.memref_slice %arg7[%add3A_238, %dma_start3A_242] : memref<64x128xi32, #tpu.memory_space<vmem>> -> memref<1x128xi32, #tpu.memory_space<vmem>>
        %dma_start3A_244 = tpu.memref_squeeze %dma_start3A_243 : memref<1x128xi32, #tpu.memory_space<vmem>> -> memref<128xi32, #tpu.memory_space<vmem>>
        %dma_start3A_245 = arith.constant 0 : i32
        %dma_start3A_246 = arith.constant 0 : i32
        %dma_start3A_247 = tpu.memref_slice %arg3[%dma_start3A_245, %dma_start3A_246] : memref<65536x128xf32, #tpu.memory_space<hbm>> -> memref<65536x128xf32, #tpu.memory_space<hbm>>
        tpu.enqueue_indirect_dma source(%dma_start3A_247 : memref<65536x128xf32, #tpu.memory_space<hbm>>) target(%dma_start3A_241 : memref<128x128xf32, #tpu.memory_space<vmem>>) offsets(%dma_start3A_244 : memref<128xi32, #tpu.memory_space<vmem>>) semaphore(%arg16 : memref<!tpu.dma_semaphore, #tpu.memory_space<semaphore_mem>>)
      } else {
      }
      %mul3A_145 = arith.constant 4 : i32
      %mul3A_146 = arith.muli %scan3A_69, %mul3A_145 : i32
      %add3A_147 = arith.constant 2 : i32
      %add3A_148 = arith.addi %mul3A_146, %add3A_147 : i32
      %dma_wait3A_149 = arith.constant 0 : i32
      %dma_wait3A_150 = arith.constant 0 : i32
      %dma_wait3A_151 = arith.constant 0 : i32
      %dma_wait3A_152 = tpu.memref_slice %arg11[%dma_wait3A_150, %dma_wait3A_151] : memref<128x128xf32, #tpu.memory_space<vmem>> -> memref<128x128xf32, #tpu.memory_space<vmem>>
      %dma_wait3A_153 = arith.constant 0 : i32
      %dma_wait3A_154 = tpu.memref_slice %arg7[%dma_wait3A_149, %dma_wait3A_153] : memref<64x128xi32, #tpu.memory_space<vmem>> -> memref<1x128xi32, #tpu.memory_space<vmem>>
      %dma_wait3A_155 = tpu.memref_squeeze %dma_wait3A_154 : memref<1x128xi32, #tpu.memory_space<vmem>> -> memref<128xi32, #tpu.memory_space<vmem>>
      %dma_wait3A_156 = arith.constant 0 : i32
      %dma_wait3A_157 = arith.constant 0 : i32
      %dma_wait3A_158 = tpu.memref_slice %arg3[%dma_wait3A_156, %dma_wait3A_157] : memref<65536x128xf32, #tpu.memory_space<hbm>> -> memref<65536x128xf32, #tpu.memory_space<hbm>>
      tpu.wait_indirect_dma semaphore(%arg17 : memref<!tpu.dma_semaphore, #tpu.memory_space<semaphore_mem>>) src(%dma_wait3A_158 : memref<65536x128xf32, #tpu.memory_space<hbm>>) dst(%dma_wait3A_152 : memref<128x128xf32, #tpu.memory_space<vmem>>)
      %sub3A = arith.constant 2 : i32
      %sub3A_159 = arith.subi %add3A_148, %sub3A : i32
      %mul3A_160 = arith.constant 128 : i32
      %mul3A_161 = arith.muli %sub3A_159, %mul3A_160 : i32
      %add3A_162 = arith.addi %mul3A_4, %mul3A_161 : i32
      %multiple_of3A_163 = tpu.assume_multiple %add3A_162, 128 : i32
      %dma_wait3A_164 = arith.constant 0 : i32
      %dma_wait3A_165 = tpu.memref_slice %arg5[%multiple_of3A_163, %dma_wait3A_164] : memref<262144x64xf32, #tpu.memory_space<hbm>> -> memref<128x64xf32, #tpu.memory_space<hbm>>
      %dma_wait3A_166 = arith.constant 0 : i32
      %dma_wait3A_167 = tpu.memref_slice %arg5[%multiple_of3A_163, %dma_wait3A_166] : memref<262144x64xf32, #tpu.memory_space<hbm>> -> memref<128x64xf32, #tpu.memory_space<hbm>>
      tpu.wait_dma2 semaphore(%arg19 : memref<!tpu.dma_semaphore, #tpu.memory_space<semaphore_mem>>) src(%arg13 : memref<128x64xf32, #tpu.memory_space<vmem>>) dst(%dma_wait3A_167 : memref<128x64xf32, #tpu.memory_space<hbm>>)
      %scan3A_168 = arith.constant 0 : i32
      %scan3A_169 = arith.constant 0 : i32
      %scan3A_170 = arith.constant 16 : i32
      %scan3A_171 = arith.addi %scan3A_169, %scan3A_170 : i32
      %scan3A_172 = arith.constant 1 : i32
      %scan3A_173 = scf.for %scan3A_233 = %scan3A_169 to %scan3A_171 step %scan3A_172 iter_args(%scan3A_234 = %scan3A_168) -> (i32)  : i32 {
        %mul3A_235 = arith.constant 8 : i32
        %mul3A_236 = arith.muli %scan3A_233, %mul3A_235 : i32
        %mul3A_237 = arith.constant 128 : i32
        %mul3A_238 = arith.muli %add3A_148, %mul3A_237 : i32
        %add3A_239 = arith.addi %mul3A_238, %mul3A_236 : i32
        %get3A_240 = arith.index_cast %add3A_239 : i32 to index
        %get3A_241 = tpu.vector_load %arg8[%get3A_240] {strides = array<i32>} : memref<8208xf32, #tpu.memory_space<vmem>>, vector<16xf32>,
        %get3A_242 = vector.shape_cast %get3A_241 : vector<16xf32> to vector<16xf32>
        %add3A_243 = arith.constant 0 : i32
        %add3A_244 = arith.addi %mul3A_236, %add3A_243 : i32
        %slice3A_245 = vector.extract_strided_slice %get3A_242 {offsets = [0], sizes = [1], strides = [1]} : vector<16xf32> to vector<1xf32>
        %squeeze3A_246 = vector.extract %slice3A_245[0] : f32 from vector<1xf32>
        %broadcast_in_dim3A = vector.broadcast %squeeze3A_246 : f32 to vector<16xf32>
        %get3A_247 = arith.index_cast %add3A_244 : i32 to index
        %get3A_248 = arith.constant 0 : index
        %get3A_249 = tpu.vector_load %arg11[%get3A_247, %get3A_248] {strides = array<i32>} : memref<128x128xf32, #tpu.memory_space<vmem>>, vector<1x16xf32>,
        %get3A_250 = vector.shape_cast %get3A_249 : vector<1x16xf32> to vector<16xf32>
        %get3A_251 = arith.index_cast %add3A_244 : i32 to index
        %get3A_252 = arith.constant 64 : index
        %get3A_253 = tpu.vector_load %arg11[%get3A_251, %get3A_252] {strides = array<i32>} : memref<128x128xf32, #tpu.memory_space<vmem>>, vector<1x16xf32>,
        %get3A_254 = vector.shape_cast %get3A_253 : vector<1x16xf32> to vector<16xf32>
        %sub3A_255 = arith.subf %get3A_254, %get3A_250 : vector<16xf32>
        %mul3A_256 = arith.mulf %broadcast_in_dim3A, %sub3A_255 : vector<16xf32>
        %add3A_257 = arith.addf %get3A_250, %mul3A_256 : vector<16xf32>
        %swap3A = arith.index_cast %add3A_244 : i32 to index
        %swap3A_258 = arith.constant 0 : index
        %swap3A_259 = tpu.vector_load %arg13[%swap3A, %swap3A_258] {strides = array<i32>} : memref<128x64xf32, #tpu.memory_space<vmem>>, vector<1x16xf32>,
        %swap3A_260 = vector.shape_cast %swap3A_259 : vector<1x16xf32> to vector<16xf32>
        %swap3A_261 = vector.shape_cast %add3A_257 : vector<16xf32> to vector<1x16xf32>
        tpu.vector_store %arg13[%swap3A, %swap3A_258], %swap3A_261 {strides = array<i32>} : memref<128x64xf32, #tpu.memory_space<vmem>>, vector<1x16xf32>,
        %get3A_262 = arith.index_cast %add3A_244 : i32 to index
        %get3A_263 = arith.constant 16 : index
        %get3A_264 = tpu.vector_load %arg11[%get3A_262, %get3A_263] {strides = array<i32>} : memref<128x128xf32, #tpu.memory_space<vmem>>, vector<1x16xf32>,
        %get3A_265 = vector.shape_cast %get3A_264 : vector<1x16xf32> to vector<16xf32>
        %get3A_266 = arith.index_cast %add3A_244 : i32 to index
        %get3A_267 = arith.constant 80 : index
        %get3A_268 = tpu.vector_load %arg11[%get3A_266, %get3A_267] {strides = array<i32>} : memref<128x128xf32, #tpu.memory_space<vmem>>, vector<1x16xf32>,
        %get3A_269 = vector.shape_cast %get3A_268 : vector<1x16xf32> to vector<16xf32>
        %sub3A_270 = arith.subf %get3A_269, %get3A_265 : vector<16xf32>
        %mul3A_271 = arith.mulf %broadcast_in_dim3A, %sub3A_270 : vector<16xf32>
        %add3A_272 = arith.addf %get3A_265, %mul3A_271 : vector<16xf32>
        %swap3A_273 = arith.index_cast %add3A_244 : i32 to index
        %swap3A_274 = arith.constant 16 : index
        %swap3A_275 = tpu.vector_load %arg13[%swap3A_273, %swap3A_274] {strides = array<i32>} : memref<128x64xf32, #tpu.memory_space<vmem>>, vector<1x16xf32>,
        %swap3A_276 = vector.shape_cast %swap3A_275 : vector<1x16xf32> to vector<16xf32>
        %swap3A_277 = vector.shape_cast %add3A_272 : vector<16xf32> to vector<1x16xf32>
        tpu.vector_store %arg13[%swap3A_273, %swap3A_274], %swap3A_277 {strides = array<i32>} : memref<128x64xf32, #tpu.memory_space<vmem>>, vector<1x16xf32>,
        %get3A_278 = arith.index_cast %add3A_244 : i32 to index
        %get3A_279 = arith.constant 32 : index
        %get3A_280 = tpu.vector_load %arg11[%get3A_278, %get3A_279] {strides = array<i32>} : memref<128x128xf32, #tpu.memory_space<vmem>>, vector<1x16xf32>,
        %get3A_281 = vector.shape_cast %get3A_280 : vector<1x16xf32> to vector<16xf32>
        %get3A_282 = arith.index_cast %add3A_244 : i32 to index
        %get3A_283 = arith.constant 96 : index
        %get3A_284 = tpu.vector_load %arg11[%get3A_282, %get3A_283] {strides = array<i32>} : memref<128x128xf32, #tpu.memory_space<vmem>>, vector<1x16xf32>,
        %get3A_285 = vector.shape_cast %get3A_284 : vector<1x16xf32> to vector<16xf32>
        %sub3A_286 = arith.subf %get3A_285, %get3A_281 : vector<16xf32>
        %mul3A_287 = arith.mulf %broadcast_in_dim3A, %sub3A_286 : vector<16xf32>
        %add3A_288 = arith.addf %get3A_281, %mul3A_287 : vector<16xf32>
        %swap3A_289 = arith.index_cast %add3A_244 : i32 to index
        %swap3A_290 = arith.constant 32 : index
        %swap3A_291 = tpu.vector_load %arg13[%swap3A_289, %swap3A_290] {strides = array<i32>} : memref<128x64xf32, #tpu.memory_space<vmem>>, vector<1x16xf32>,
        %swap3A_292 = vector.shape_cast %swap3A_291 : vector<1x16xf32> to vector<16xf32>
        %swap3A_293 = vector.shape_cast %add3A_288 : vector<16xf32> to vector<1x16xf32>
        tpu.vector_store %arg13[%swap3A_289, %swap3A_290], %swap3A_293 {strides = array<i32>} : memref<128x64xf32, #tpu.memory_space<vmem>>, vector<1x16xf32>,
        %get3A_294 = arith.index_cast %add3A_244 : i32 to index
        %get3A_295 = arith.constant 48 : index
        %get3A_296 = tpu.vector_load %arg11[%get3A_294, %get3A_295] {strides = array<i32>} : memref<128x128xf32, #tpu.memory_space<vmem>>, vector<1x16xf32>,
        %get3A_297 = vector.shape_cast %get3A_296 : vector<1x16xf32> to vector<16xf32>
        %get3A_298 = arith.index_cast %add3A_244 : i32 to index
        %get3A_299 = arith.constant 112 : index
        %get3A_300 = tpu.vector_load %arg11[%get3A_298, %get3A_299] {strides = array<i32>} : memref<128x128xf32, #tpu.memory_space<vmem>>, vector<1x16xf32>,
        %get3A_301 = vector.shape_cast %get3A_300 : vector<1x16xf32> to vector<16xf32>
        %sub3A_302 = arith.subf %get3A_301, %get3A_297 : vector<16xf32>
        %mul3A_303 = arith.mulf %broadcast_in_dim3A, %sub3A_302 : vector<16xf32>
        %add3A_304 = arith.addf %get3A_297, %mul3A_303 : vector<16xf32>
        %swap3A_305 = arith.index_cast %add3A_244 : i32 to index
        %swap3A_306 = arith.constant 48 : index
        %swap3A_307 = tpu.vector_load %arg13[%swap3A_305, %swap3A_306] {strides = array<i32>} : memref<128x64xf32, #tpu.memory_space<vmem>>, vector<1x16xf32>,
        %swap3A_308 = vector.shape_cast %swap3A_307 : vector<1x16xf32> to vector<16xf32>
        %swap3A_309 = vector.shape_cast %add3A_304 : vector<16xf32> to vector<1x16xf32>
        tpu.vector_store %arg13[%swap3A_305, %swap3A_306], %swap3A_309 {strides = array<i32>} : memref<128x64xf32, #tpu.memory_space<vmem>>, vector<1x16xf32>,
        %add3A_310 = arith.constant 1 : i32
        %add3A_311 = arith.addi %mul3A_236, %add3A_310 : i32
        %slice3A_312 = vector.extract_strided_slice %get3A_242 {offsets = [1], sizes = [1], strides = [1]} : vector<16xf32> to vector<1xf32>
        %squeeze3A_313 = vector.extract %slice3A_312[0] : f32 from vector<1xf32>
        %broadcast_in_dim3A_314 = vector.broadcast %squeeze3A_313 : f32 to vector<16xf32>
        %get3A_315 = arith.index_cast %add3A_311 : i32 to index
        %get3A_316 = arith.constant 0 : index
        %get3A_317 = tpu.vector_load %arg11[%get3A_315, %get3A_316] {strides = array<i32>} : memref<128x128xf32, #tpu.memory_space<vmem>>, vector<1x16xf32>,
        %get3A_318 = vector.shape_cast %get3A_317 : vector<1x16xf32> to vector<16xf32>
        %get3A_319 = arith.index_cast %add3A_311 : i32 to index
        %get3A_320 = arith.constant 64 : index
        %get3A_321 = tpu.vector_load %arg11[%get3A_319, %get3A_320] {strides = array<i32>} : memref<128x128xf32, #tpu.memory_space<vmem>>, vector<1x16xf32>,
        %get3A_322 = vector.shape_cast %get3A_321 : vector<1x16xf32> to vector<16xf32>
        %sub3A_323 = arith.subf %get3A_322, %get3A_318 : vector<16xf32>
        %mul3A_324 = arith.mulf %broadcast_in_dim3A_314, %sub3A_323 : vector<16xf32>
        %add3A_325 = arith.addf %get3A_318, %mul3A_324 : vector<16xf32>
        %swap3A_326 = arith.index_cast %add3A_311 : i32 to index
        %swap3A_327 = arith.constant 0 : index
        %swap3A_328 = tpu.vector_load %arg13[%swap3A_326, %swap3A_327] {strides = array<i32>} : memref<128x64xf32, #tpu.memory_space<vmem>>, vector<1x16xf32>,
        %swap3A_329 = vector.shape_cast %swap3A_328 : vector<1x16xf32> to vector<16xf32>
        %swap3A_330 = vector.shape_cast %add3A_325 : vector<16xf32> to vector<1x16xf32>
        tpu.vector_store %arg13[%swap3A_326, %swap3A_327], %swap3A_330 {strides = array<i32>} : memref<128x64xf32, #tpu.memory_space<vmem>>, vector<1x16xf32>,
        %get3A_331 = arith.index_cast %add3A_311 : i32 to index
        %get3A_332 = arith.constant 16 : index
        %get3A_333 = tpu.vector_load %arg11[%get3A_331, %get3A_332] {strides = array<i32>} : memref<128x128xf32, #tpu.memory_space<vmem>>, vector<1x16xf32>,
        %get3A_334 = vector.shape_cast %get3A_333 : vector<1x16xf32> to vector<16xf32>
        %get3A_335 = arith.index_cast %add3A_311 : i32 to index
        %get3A_336 = arith.constant 80 : index
        %get3A_337 = tpu.vector_load %arg11[%get3A_335, %get3A_336] {strides = array<i32>} : memref<128x128xf32, #tpu.memory_space<vmem>>, vector<1x16xf32>,
        %get3A_338 = vector.shape_cast %get3A_337 : vector<1x16xf32> to vector<16xf32>
        %sub3A_339 = arith.subf %get3A_338, %get3A_334 : vector<16xf32>
        %mul3A_340 = arith.mulf %broadcast_in_dim3A_314, %sub3A_339 : vector<16xf32>
        %add3A_341 = arith.addf %get3A_334, %mul3A_340 : vector<16xf32>
        %swap3A_342 = arith.index_cast %add3A_311 : i32 to index
        %swap3A_343 = arith.constant 16 : index
        %swap3A_344 = tpu.vector_load %arg13[%swap3A_342, %swap3A_343] {strides = array<i32>} : memref<128x64xf32, #tpu.memory_space<vmem>>, vector<1x16xf32>,
        %swap3A_345 = vector.shape_cast %swap3A_344 : vector<1x16xf32> to vector<16xf32>
        %swap3A_346 = vector.shape_cast %add3A_341 : vector<16xf32> to vector<1x16xf32>
        tpu.vector_store %arg13[%swap3A_342, %swap3A_343], %swap3A_346 {strides = array<i32>} : memref<128x64xf32, #tpu.memory_space<vmem>>, vector<1x16xf32>,
        %get3A_347 = arith.index_cast %add3A_311 : i32 to index
        %get3A_348 = arith.constant 32 : index
        %get3A_349 = tpu.vector_load %arg11[%get3A_347, %get3A_348] {strides = array<i32>} : memref<128x128xf32, #tpu.memory_space<vmem>>, vector<1x16xf32>,
        %get3A_350 = vector.shape_cast %get3A_349 : vector<1x16xf32> to vector<16xf32>
        %get3A_351 = arith.index_cast %add3A_311 : i32 to index
        %get3A_352 = arith.constant 96 : index
        %get3A_353 = tpu.vector_load %arg11[%get3A_351, %get3A_352] {strides = array<i32>} : memref<128x128xf32, #tpu.memory_space<vmem>>, vector<1x16xf32>,
        %get3A_354 = vector.shape_cast %get3A_353 : vector<1x16xf32> to vector<16xf32>
        %sub3A_355 = arith.subf %get3A_354, %get3A_350 : vector<16xf32>
        %mul3A_356 = arith.mulf %broadcast_in_dim3A_314, %sub3A_355 : vector<16xf32>
        %add3A_357 = arith.addf %get3A_350, %mul3A_356 : vector<16xf32>
        %swap3A_358 = arith.index_cast %add3A_311 : i32 to index
        %swap3A_359 = arith.constant 32 : index
        %swap3A_360 = tpu.vector_load %arg13[%swap3A_358, %swap3A_359] {strides = array<i32>} : memref<128x64xf32, #tpu.memory_space<vmem>>, vector<1x16xf32>,
        %swap3A_361 = vector.shape_cast %swap3A_360 : vector<1x16xf32> to vector<16xf32>
        %swap3A_362 = vector.shape_cast %add3A_357 : vector<16xf32> to vector<1x16xf32>
        tpu.vector_store %arg13[%swap3A_358, %swap3A_359], %swap3A_362 {strides = array<i32>} : memref<128x64xf32, #tpu.memory_space<vmem>>, vector<1x16xf32>,
        %get3A_363 = arith.index_cast %add3A_311 : i32 to index
        %get3A_364 = arith.constant 48 : index
        %get3A_365 = tpu.vector_load %arg11[%get3A_363, %get3A_364] {strides = array<i32>} : memref<128x128xf32, #tpu.memory_space<vmem>>, vector<1x16xf32>,
        %get3A_366 = vector.shape_cast %get3A_365 : vector<1x16xf32> to vector<16xf32>
        %get3A_367 = arith.index_cast %add3A_311 : i32 to index
        %get3A_368 = arith.constant 112 : index
        %get3A_369 = tpu.vector_load %arg11[%get3A_367, %get3A_368] {strides = array<i32>} : memref<128x128xf32, #tpu.memory_space<vmem>>, vector<1x16xf32>,
        %get3A_370 = vector.shape_cast %get3A_369 : vector<1x16xf32> to vector<16xf32>
        %sub3A_371 = arith.subf %get3A_370, %get3A_366 : vector<16xf32>
        %mul3A_372 = arith.mulf %broadcast_in_dim3A_314, %sub3A_371 : vector<16xf32>
        %add3A_373 = arith.addf %get3A_366, %mul3A_372 : vector<16xf32>
        %swap3A_374 = arith.index_cast %add3A_311 : i32 to index
        %swap3A_375 = arith.constant 48 : index
        %swap3A_376 = tpu.vector_load %arg13[%swap3A_374, %swap3A_375] {strides = array<i32>} : memref<128x64xf32, #tpu.memory_space<vmem>>, vector<1x16xf32>,
        %swap3A_377 = vector.shape_cast %swap3A_376 : vector<1x16xf32> to vector<16xf32>
        %swap3A_378 = vector.shape_cast %add3A_373 : vector<16xf32> to vector<1x16xf32>
        tpu.vector_store %arg13[%swap3A_374, %swap3A_375], %swap3A_378 {strides = array<i32>} : memref<128x64xf32, #tpu.memory_space<vmem>>, vector<1x16xf32>,
        %add3A_379 = arith.constant 2 : i32
        %add3A_380 = arith.addi %mul3A_236, %add3A_379 : i32
        %slice3A_381 = vector.extract_strided_slice %get3A_242 {offsets = [2], sizes = [1], strides = [1]} : vector<16xf32> to vector<1xf32>
        %squeeze3A_382 = vector.extract %slice3A_381[0] : f32 from vector<1xf32>
        %broadcast_in_dim3A_383 = vector.broadcast %squeeze3A_382 : f32 to vector<16xf32>
        %get3A_384 = arith.index_cast %add3A_380 : i32 to index
        %get3A_385 = arith.constant 0 : index
        %get3A_386 = tpu.vector_load %arg11[%get3A_384, %get3A_385] {strides = array<i32>} : memref<128x128xf32, #tpu.memory_space<vmem>>, vector<1x16xf32>,
        %get3A_387 = vector.shape_cast %get3A_386 : vector<1x16xf32> to vector<16xf32>
        %get3A_388 = arith.index_cast %add3A_380 : i32 to index
        %get3A_389 = arith.constant 64 : index
        %get3A_390 = tpu.vector_load %arg11[%get3A_388, %get3A_389] {strides = array<i32>} : memref<128x128xf32, #tpu.memory_space<vmem>>, vector<1x16xf32>,
        %get3A_391 = vector.shape_cast %get3A_390 : vector<1x16xf32> to vector<16xf32>
        %sub3A_392 = arith.subf %get3A_391, %get3A_387 : vector<16xf32>
        %mul3A_393 = arith.mulf %broadcast_in_dim3A_383, %sub3A_392 : vector<16xf32>
        %add3A_394 = arith.addf %get3A_387, %mul3A_393 : vector<16xf32>
        %swap3A_395 = arith.index_cast %add3A_380 : i32 to index
        %swap3A_396 = arith.constant 0 : index
        %swap3A_397 = tpu.vector_load %arg13[%swap3A_395, %swap3A_396] {strides = array<i32>} : memref<128x64xf32, #tpu.memory_space<vmem>>, vector<1x16xf32>,
        %swap3A_398 = vector.shape_cast %swap3A_397 : vector<1x16xf32> to vector<16xf32>
        %swap3A_399 = vector.shape_cast %add3A_394 : vector<16xf32> to vector<1x16xf32>
        tpu.vector_store %arg13[%swap3A_395, %swap3A_396], %swap3A_399 {strides = array<i32>} : memref<128x64xf32, #tpu.memory_space<vmem>>, vector<1x16xf32>,
        %get3A_400 = arith.index_cast %add3A_380 : i32 to index
        %get3A_401 = arith.constant 16 : index
        %get3A_402 = tpu.vector_load %arg11[%get3A_400, %get3A_401] {strides = array<i32>} : memref<128x128xf32, #tpu.memory_space<vmem>>, vector<1x16xf32>,
        %get3A_403 = vector.shape_cast %get3A_402 : vector<1x16xf32> to vector<16xf32>
        %get3A_404 = arith.index_cast %add3A_380 : i32 to index
        %get3A_405 = arith.constant 80 : index
        %get3A_406 = tpu.vector_load %arg11[%get3A_404, %get3A_405] {strides = array<i32>} : memref<128x128xf32, #tpu.memory_space<vmem>>, vector<1x16xf32>,
        %get3A_407 = vector.shape_cast %get3A_406 : vector<1x16xf32> to vector<16xf32>
        %sub3A_408 = arith.subf %get3A_407, %get3A_403 : vector<16xf32>
        %mul3A_409 = arith.mulf %broadcast_in_dim3A_383, %sub3A_408 : vector<16xf32>
        %add3A_410 = arith.addf %get3A_403, %mul3A_409 : vector<16xf32>
        %swap3A_411 = arith.index_cast %add3A_380 : i32 to index
        %swap3A_412 = arith.constant 16 : index
        %swap3A_413 = tpu.vector_load %arg13[%swap3A_411, %swap3A_412] {strides = array<i32>} : memref<128x64xf32, #tpu.memory_space<vmem>>, vector<1x16xf32>,
        %swap3A_414 = vector.shape_cast %swap3A_413 : vector<1x16xf32> to vector<16xf32>
        %swap3A_415 = vector.shape_cast %add3A_410 : vector<16xf32> to vector<1x16xf32>
        tpu.vector_store %arg13[%swap3A_411, %swap3A_412], %swap3A_415 {strides = array<i32>} : memref<128x64xf32, #tpu.memory_space<vmem>>, vector<1x16xf32>,
        %get3A_416 = arith.index_cast %add3A_380 : i32 to index
        %get3A_417 = arith.constant 32 : index
        %get3A_418 = tpu.vector_load %arg11[%get3A_416, %get3A_417] {strides = array<i32>} : memref<128x128xf32, #tpu.memory_space<vmem>>, vector<1x16xf32>,
        %get3A_419 = vector.shape_cast %get3A_418 : vector<1x16xf32> to vector<16xf32>
        %get3A_420 = arith.index_cast %add3A_380 : i32 to index
        %get3A_421 = arith.constant 96 : index
        %get3A_422 = tpu.vector_load %arg11[%get3A_420, %get3A_421] {strides = array<i32>} : memref<128x128xf32, #tpu.memory_space<vmem>>, vector<1x16xf32>,
        %get3A_423 = vector.shape_cast %get3A_422 : vector<1x16xf32> to vector<16xf32>
        %sub3A_424 = arith.subf %get3A_423, %get3A_419 : vector<16xf32>
        %mul3A_425 = arith.mulf %broadcast_in_dim3A_383, %sub3A_424 : vector<16xf32>
        %add3A_426 = arith.addf %get3A_419, %mul3A_425 : vector<16xf32>
        %swap3A_427 = arith.index_cast %add3A_380 : i32 to index
        %swap3A_428 = arith.constant 32 : index
        %swap3A_429 = tpu.vector_load %arg13[%swap3A_427, %swap3A_428] {strides = array<i32>} : memref<128x64xf32, #tpu.memory_space<vmem>>, vector<1x16xf32>,
        %swap3A_430 = vector.shape_cast %swap3A_429 : vector<1x16xf32> to vector<16xf32>
        %swap3A_431 = vector.shape_cast %add3A_426 : vector<16xf32> to vector<1x16xf32>
        tpu.vector_store %arg13[%swap3A_427, %swap3A_428], %swap3A_431 {strides = array<i32>} : memref<128x64xf32, #tpu.memory_space<vmem>>, vector<1x16xf32>,
        %get3A_432 = arith.index_cast %add3A_380 : i32 to index
        %get3A_433 = arith.constant 48 : index
        %get3A_434 = tpu.vector_load %arg11[%get3A_432, %get3A_433] {strides = array<i32>} : memref<128x128xf32, #tpu.memory_space<vmem>>, vector<1x16xf32>,
        %get3A_435 = vector.shape_cast %get3A_434 : vector<1x16xf32> to vector<16xf32>
        %get3A_436 = arith.index_cast %add3A_380 : i32 to index
        %get3A_437 = arith.constant 112 : index
        %get3A_438 = tpu.vector_load %arg11[%get3A_436, %get3A_437] {strides = array<i32>} : memref<128x128xf32, #tpu.memory_space<vmem>>, vector<1x16xf32>,
        %get3A_439 = vector.shape_cast %get3A_438 : vector<1x16xf32> to vector<16xf32>
        %sub3A_440 = arith.subf %get3A_439, %get3A_435 : vector<16xf32>
        %mul3A_441 = arith.mulf %broadcast_in_dim3A_383, %sub3A_440 : vector<16xf32>
        %add3A_442 = arith.addf %get3A_435, %mul3A_441 : vector<16xf32>
        %swap3A_443 = arith.index_cast %add3A_380 : i32 to index
        %swap3A_444 = arith.constant 48 : index
        %swap3A_445 = tpu.vector_load %arg13[%swap3A_443, %swap3A_444] {strides = array<i32>} : memref<128x64xf32, #tpu.memory_space<vmem>>, vector<1x16xf32>,
        %swap3A_446 = vector.shape_cast %swap3A_445 : vector<1x16xf32> to vector<16xf32>
        %swap3A_447 = vector.shape_cast %add3A_442 : vector<16xf32> to vector<1x16xf32>
        tpu.vector_store %arg13[%swap3A_443, %swap3A_444], %swap3A_447 {strides = array<i32>} : memref<128x64xf32, #tpu.memory_space<vmem>>, vector<1x16xf32>,
        %add3A_448 = arith.constant 3 : i32
        %add3A_449 = arith.addi %mul3A_236, %add3A_448 : i32
        %slice3A_450 = vector.extract_strided_slice %get3A_242 {offsets = [3], sizes = [1], strides = [1]} : vector<16xf32> to vector<1xf32>
        %squeeze3A_451 = vector.extract %slice3A_450[0] : f32 from vector<1xf32>
        %broadcast_in_dim3A_452 = vector.broadcast %squeeze3A_451 : f32 to vector<16xf32>
        %get3A_453 = arith.index_cast %add3A_449 : i32 to index
        %get3A_454 = arith.constant 0 : index
        %get3A_455 = tpu.vector_load %arg11[%get3A_453, %get3A_454] {strides = array<i32>} : memref<128x128xf32, #tpu.memory_space<vmem>>, vector<1x16xf32>,
        %get3A_456 = vector.shape_cast %get3A_455 : vector<1x16xf32> to vector<16xf32>
        %get3A_457 = arith.index_cast %add3A_449 : i32 to index
        %get3A_458 = arith.constant 64 : index
        %get3A_459 = tpu.vector_load %arg11[%get3A_457, %get3A_458] {strides = array<i32>} : memref<128x128xf32, #tpu.memory_space<vmem>>, vector<1x16xf32>,
        %get3A_460 = vector.shape_cast %get3A_459 : vector<1x16xf32> to vector<16xf32>
        %sub3A_461 = arith.subf %get3A_460, %get3A_456 : vector<16xf32>
        %mul3A_462 = arith.mulf %broadcast_in_dim3A_452, %sub3A_461 : vector<16xf32>
        %add3A_463 = arith.addf %get3A_456, %mul3A_462 : vector<16xf32>
        %swap3A_464 = arith.index_cast %add3A_449 : i32 to index
        %swap3A_465 = arith.constant 0 : index
        %swap3A_466 = tpu.vector_load %arg13[%swap3A_464, %swap3A_465] {strides = array<i32>} : memref<128x64xf32, #tpu.memory_space<vmem>>, vector<1x16xf32>,
        %swap3A_467 = vector.shape_cast %swap3A_466 : vector<1x16xf32> to vector<16xf32>
        %swap3A_468 = vector.shape_cast %add3A_463 : vector<16xf32> to vector<1x16xf32>
        tpu.vector_store %arg13[%swap3A_464, %swap3A_465], %swap3A_468 {strides = array<i32>} : memref<128x64xf32, #tpu.memory_space<vmem>>, vector<1x16xf32>,
        %get3A_469 = arith.index_cast %add3A_449 : i32 to index
        %get3A_470 = arith.constant 16 : index
        %get3A_471 = tpu.vector_load %arg11[%get3A_469, %get3A_470] {strides = array<i32>} : memref<128x128xf32, #tpu.memory_space<vmem>>, vector<1x16xf32>,
        %get3A_472 = vector.shape_cast %get3A_471 : vector<1x16xf32> to vector<16xf32>
        %get3A_473 = arith.index_cast %add3A_449 : i32 to index
        %get3A_474 = arith.constant 80 : index
        %get3A_475 = tpu.vector_load %arg11[%get3A_473, %get3A_474] {strides = array<i32>} : memref<128x128xf32, #tpu.memory_space<vmem>>, vector<1x16xf32>,
        %get3A_476 = vector.shape_cast %get3A_475 : vector<1x16xf32> to vector<16xf32>
        %sub3A_477 = arith.subf %get3A_476, %get3A_472 : vector<16xf32>
        %mul3A_478 = arith.mulf %broadcast_in_dim3A_452, %sub3A_477 : vector<16xf32>
        %add3A_479 = arith.addf %get3A_472, %mul3A_478 : vector<16xf32>
        %swap3A_480 = arith.index_cast %add3A_449 : i32 to index
        %swap3A_481 = arith.constant 16 : index
        %swap3A_482 = tpu.vector_load %arg13[%swap3A_480, %swap3A_481] {strides = array<i32>} : memref<128x64xf32, #tpu.memory_space<vmem>>, vector<1x16xf32>,
        %swap3A_483 = vector.shape_cast %swap3A_482 : vector<1x16xf32> to vector<16xf32>
        %swap3A_484 = vector.shape_cast %add3A_479 : vector<16xf32> to vector<1x16xf32>
        tpu.vector_store %arg13[%swap3A_480, %swap3A_481], %swap3A_484 {strides = array<i32>} : memref<128x64xf32, #tpu.memory_space<vmem>>, vector<1x16xf32>,
        %get3A_485 = arith.index_cast %add3A_449 : i32 to index
        %get3A_486 = arith.constant 32 : index
        %get3A_487 = tpu.vector_load %arg11[%get3A_485, %get3A_486] {strides = array<i32>} : memref<128x128xf32, #tpu.memory_space<vmem>>, vector<1x16xf32>,
        %get3A_488 = vector.shape_cast %get3A_487 : vector<1x16xf32> to vector<16xf32>
        %get3A_489 = arith.index_cast %add3A_449 : i32 to index
        %get3A_490 = arith.constant 96 : index
        %get3A_491 = tpu.vector_load %arg11[%get3A_489, %get3A_490] {strides = array<i32>} : memref<128x128xf32, #tpu.memory_space<vmem>>, vector<1x16xf32>,
        %get3A_492 = vector.shape_cast %get3A_491 : vector<1x16xf32> to vector<16xf32>
        %sub3A_493 = arith.subf %get3A_492, %get3A_488 : vector<16xf32>
        %mul3A_494 = arith.mulf %broadcast_in_dim3A_452, %sub3A_493 : vector<16xf32>
        %add3A_495 = arith.addf %get3A_488, %mul3A_494 : vector<16xf32>
        %swap3A_496 = arith.index_cast %add3A_449 : i32 to index
        %swap3A_497 = arith.constant 32 : index
        %swap3A_498 = tpu.vector_load %arg13[%swap3A_496, %swap3A_497] {strides = array<i32>} : memref<128x64xf32, #tpu.memory_space<vmem>>, vector<1x16xf32>,
        %swap3A_499 = vector.shape_cast %swap3A_498 : vector<1x16xf32> to vector<16xf32>
        %swap3A_500 = vector.shape_cast %add3A_495 : vector<16xf32> to vector<1x16xf32>
        tpu.vector_store %arg13[%swap3A_496, %swap3A_497], %swap3A_500 {strides = array<i32>} : memref<128x64xf32, #tpu.memory_space<vmem>>, vector<1x16xf32>,
        %get3A_501 = arith.index_cast %add3A_449 : i32 to index
        %get3A_502 = arith.constant 48 : index
        %get3A_503 = tpu.vector_load %arg11[%get3A_501, %get3A_502] {strides = array<i32>} : memref<128x128xf32, #tpu.memory_space<vmem>>, vector<1x16xf32>,
        %get3A_504 = vector.shape_cast %get3A_503 : vector<1x16xf32> to vector<16xf32>
        %get3A_505 = arith.index_cast %add3A_449 : i32 to index
        %get3A_506 = arith.constant 112 : index
        %get3A_507 = tpu.vector_load %arg11[%get3A_505, %get3A_506] {strides = array<i32>} : memref<128x128xf32, #tpu.memory_space<vmem>>, vector<1x16xf32>,
        %get3A_508 = vector.shape_cast %get3A_507 : vector<1x16xf32> to vector<16xf32>
        %sub3A_509 = arith.subf %get3A_508, %get3A_504 : vector<16xf32>
        %mul3A_510 = arith.mulf %broadcast_in_dim3A_452, %sub3A_509 : vector<16xf32>
        %add3A_511 = arith.addf %get3A_504, %mul3A_510 : vector<16xf32>
        %swap3A_512 = arith.index_cast %add3A_449 : i32 to index
        %swap3A_513 = arith.constant 48 : index
        %swap3A_514 = tpu.vector_load %arg13[%swap3A_512, %swap3A_513] {strides = array<i32>} : memref<128x64xf32, #tpu.memory_space<vmem>>, vector<1x16xf32>,
        %swap3A_515 = vector.shape_cast %swap3A_514 : vector<1x16xf32> to vector<16xf32>
        %swap3A_516 = vector.shape_cast %add3A_511 : vector<16xf32> to vector<1x16xf32>
        tpu.vector_store %arg13[%swap3A_512, %swap3A_513], %swap3A_516 {strides = array<i32>} : memref<128x64xf32, #tpu.memory_space<vmem>>, vector<1x16xf32>,
        %add3A_517 = arith.constant 4 : i32
        %add3A_518 = arith.addi %mul3A_236, %add3A_517 : i32
        %slice3A_519 = vector.extract_strided_slice %get3A_242 {offsets = [4], sizes = [1], strides = [1]} : vector<16xf32> to vector<1xf32>
        %squeeze3A_520 = vector.extract %slice3A_519[0] : f32 from vector<1xf32>
        %broadcast_in_dim3A_521 = vector.broadcast %squeeze3A_520 : f32 to vector<16xf32>
        %get3A_522 = arith.index_cast %add3A_518 : i32 to index
        %get3A_523 = arith.constant 0 : index
        %get3A_524 = tpu.vector_load %arg11[%get3A_522, %get3A_523] {strides = array<i32>} : memref<128x128xf32, #tpu.memory_space<vmem>>, vector<1x16xf32>,
        %get3A_525 = vector.shape_cast %get3A_524 : vector<1x16xf32> to vector<16xf32>
        %get3A_526 = arith.index_cast %add3A_518 : i32 to index
        %get3A_527 = arith.constant 64 : index
        %get3A_528 = tpu.vector_load %arg11[%get3A_526, %get3A_527] {strides = array<i32>} : memref<128x128xf32, #tpu.memory_space<vmem>>, vector<1x16xf32>,
        %get3A_529 = vector.shape_cast %get3A_528 : vector<1x16xf32> to vector<16xf32>
        %sub3A_530 = arith.subf %get3A_529, %get3A_525 : vector<16xf32>
        %mul3A_531 = arith.mulf %broadcast_in_dim3A_521, %sub3A_530 : vector<16xf32>
        %add3A_532 = arith.addf %get3A_525, %mul3A_531 : vector<16xf32>
        %swap3A_533 = arith.index_cast %add3A_518 : i32 to index
        %swap3A_534 = arith.constant 0 : index
        %swap3A_535 = tpu.vector_load %arg13[%swap3A_533, %swap3A_534] {strides = array<i32>} : memref<128x64xf32, #tpu.memory_space<vmem>>, vector<1x16xf32>,
        %swap3A_536 = vector.shape_cast %swap3A_535 : vector<1x16xf32> to vector<16xf32>
        %swap3A_537 = vector.shape_cast %add3A_532 : vector<16xf32> to vector<1x16xf32>
        tpu.vector_store %arg13[%swap3A_533, %swap3A_534], %swap3A_537 {strides = array<i32>} : memref<128x64xf32, #tpu.memory_space<vmem>>, vector<1x16xf32>,
        %get3A_538 = arith.index_cast %add3A_518 : i32 to index
        %get3A_539 = arith.constant 16 : index
        %get3A_540 = tpu.vector_load %arg11[%get3A_538, %get3A_539] {strides = array<i32>} : memref<128x128xf32, #tpu.memory_space<vmem>>, vector<1x16xf32>,
        %get3A_541 = vector.shape_cast %get3A_540 : vector<1x16xf32> to vector<16xf32>
        %get3A_542 = arith.index_cast %add3A_518 : i32 to index
        %get3A_543 = arith.constant 80 : index
        %get3A_544 = tpu.vector_load %arg11[%get3A_542, %get3A_543] {strides = array<i32>} : memref<128x128xf32, #tpu.memory_space<vmem>>, vector<1x16xf32>,
        %get3A_545 = vector.shape_cast %get3A_544 : vector<1x16xf32> to vector<16xf32>
        %sub3A_546 = arith.subf %get3A_545, %get3A_541 : vector<16xf32>
        %mul3A_547 = arith.mulf %broadcast_in_dim3A_521, %sub3A_546 : vector<16xf32>
        %add3A_548 = arith.addf %get3A_541, %mul3A_547 : vector<16xf32>
        %swap3A_549 = arith.index_cast %add3A_518 : i32 to index
        %swap3A_550 = arith.constant 16 : index
        %swap3A_551 = tpu.vector_load %arg13[%swap3A_549, %swap3A_550] {strides = array<i32>} : memref<128x64xf32, #tpu.memory_space<vmem>>, vector<1x16xf32>,
        %swap3A_552 = vector.shape_cast %swap3A_551 : vector<1x16xf32> to vector<16xf32>
        %swap3A_553 = vector.shape_cast %add3A_548 : vector<16xf32> to vector<1x16xf32>
        tpu.vector_store %arg13[%swap3A_549, %swap3A_550], %swap3A_553 {strides = array<i32>} : memref<128x64xf32, #tpu.memory_space<vmem>>, vector<1x16xf32>,
        %get3A_554 = arith.index_cast %add3A_518 : i32 to index
        %get3A_555 = arith.constant 32 : index
        %get3A_556 = tpu.vector_load %arg11[%get3A_554, %get3A_555] {strides = array<i32>} : memref<128x128xf32, #tpu.memory_space<vmem>>, vector<1x16xf32>,
        %get3A_557 = vector.shape_cast %get3A_556 : vector<1x16xf32> to vector<16xf32>
        %get3A_558 = arith.index_cast %add3A_518 : i32 to index
        %get3A_559 = arith.constant 96 : index
        %get3A_560 = tpu.vector_load %arg11[%get3A_558, %get3A_559] {strides = array<i32>} : memref<128x128xf32, #tpu.memory_space<vmem>>, vector<1x16xf32>,
        %get3A_561 = vector.shape_cast %get3A_560 : vector<1x16xf32> to vector<16xf32>
        %sub3A_562 = arith.subf %get3A_561, %get3A_557 : vector<16xf32>
        %mul3A_563 = arith.mulf %broadcast_in_dim3A_521, %sub3A_562 : vector<16xf32>
        %add3A_564 = arith.addf %get3A_557, %mul3A_563 : vector<16xf32>
        %swap3A_565 = arith.index_cast %add3A_518 : i32 to index
        %swap3A_566 = arith.constant 32 : index
        %swap3A_567 = tpu.vector_load %arg13[%swap3A_565, %swap3A_566] {strides = array<i32>} : memref<128x64xf32, #tpu.memory_space<vmem>>, vector<1x16xf32>,
        %swap3A_568 = vector.shape_cast %swap3A_567 : vector<1x16xf32> to vector<16xf32>
        %swap3A_569 = vector.shape_cast %add3A_564 : vector<16xf32> to vector<1x16xf32>
        tpu.vector_store %arg13[%swap3A_565, %swap3A_566], %swap3A_569 {strides = array<i32>} : memref<128x64xf32, #tpu.memory_space<vmem>>, vector<1x16xf32>,
        %get3A_570 = arith.index_cast %add3A_518 : i32 to index
        %get3A_571 = arith.constant 48 : index
        %get3A_572 = tpu.vector_load %arg11[%get3A_570, %get3A_571] {strides = array<i32>} : memref<128x128xf32, #tpu.memory_space<vmem>>, vector<1x16xf32>,
        %get3A_573 = vector.shape_cast %get3A_572 : vector<1x16xf32> to vector<16xf32>
        %get3A_574 = arith.index_cast %add3A_518 : i32 to index
        %get3A_575 = arith.constant 112 : index
        %get3A_576 = tpu.vector_load %arg11[%get3A_574, %get3A_575] {strides = array<i32>} : memref<128x128xf32, #tpu.memory_space<vmem>>, vector<1x16xf32>,
        %get3A_577 = vector.shape_cast %get3A_576 : vector<1x16xf32> to vector<16xf32>
        %sub3A_578 = arith.subf %get3A_577, %get3A_573 : vector<16xf32>
        %mul3A_579 = arith.mulf %broadcast_in_dim3A_521, %sub3A_578 : vector<16xf32>
        %add3A_580 = arith.addf %get3A_573, %mul3A_579 : vector<16xf32>
        %swap3A_581 = arith.index_cast %add3A_518 : i32 to index
        %swap3A_582 = arith.constant 48 : index
        %swap3A_583 = tpu.vector_load %arg13[%swap3A_581, %swap3A_582] {strides = array<i32>} : memref<128x64xf32, #tpu.memory_space<vmem>>, vector<1x16xf32>,
        %swap3A_584 = vector.shape_cast %swap3A_583 : vector<1x16xf32> to vector<16xf32>
        %swap3A_585 = vector.shape_cast %add3A_580 : vector<16xf32> to vector<1x16xf32>
        tpu.vector_store %arg13[%swap3A_581, %swap3A_582], %swap3A_585 {strides = array<i32>} : memref<128x64xf32, #tpu.memory_space<vmem>>, vector<1x16xf32>,
        %add3A_586 = arith.constant 5 : i32
        %add3A_587 = arith.addi %mul3A_236, %add3A_586 : i32
        %slice3A_588 = vector.extract_strided_slice %get3A_242 {offsets = [5], sizes = [1], strides = [1]} : vector<16xf32> to vector<1xf32>
        %squeeze3A_589 = vector.extract %slice3A_588[0] : f32 from vector<1xf32>
        %broadcast_in_dim3A_590 = vector.broadcast %squeeze3A_589 : f32 to vector<16xf32>
        %get3A_591 = arith.index_cast %add3A_587 : i32 to index
        %get3A_592 = arith.constant 0 : index
        %get3A_593 = tpu.vector_load %arg11[%get3A_591, %get3A_592] {strides = array<i32>} : memref<128x128xf32, #tpu.memory_space<vmem>>, vector<1x16xf32>,
        %get3A_594 = vector.shape_cast %get3A_593 : vector<1x16xf32> to vector<16xf32>
        %get3A_595 = arith.index_cast %add3A_587 : i32 to index
        %get3A_596 = arith.constant 64 : index
        %get3A_597 = tpu.vector_load %arg11[%get3A_595, %get3A_596] {strides = array<i32>} : memref<128x128xf32, #tpu.memory_space<vmem>>, vector<1x16xf32>,
        %get3A_598 = vector.shape_cast %get3A_597 : vector<1x16xf32> to vector<16xf32>
        %sub3A_599 = arith.subf %get3A_598, %get3A_594 : vector<16xf32>
        %mul3A_600 = arith.mulf %broadcast_in_dim3A_590, %sub3A_599 : vector<16xf32>
        %add3A_601 = arith.addf %get3A_594, %mul3A_600 : vector<16xf32>
        %swap3A_602 = arith.index_cast %add3A_587 : i32 to index
        %swap3A_603 = arith.constant 0 : index
        %swap3A_604 = tpu.vector_load %arg13[%swap3A_602, %swap3A_603] {strides = array<i32>} : memref<128x64xf32, #tpu.memory_space<vmem>>, vector<1x16xf32>,
        %swap3A_605 = vector.shape_cast %swap3A_604 : vector<1x16xf32> to vector<16xf32>
        %swap3A_606 = vector.shape_cast %add3A_601 : vector<16xf32> to vector<1x16xf32>
        tpu.vector_store %arg13[%swap3A_602, %swap3A_603], %swap3A_606 {strides = array<i32>} : memref<128x64xf32, #tpu.memory_space<vmem>>, vector<1x16xf32>,
        %get3A_607 = arith.index_cast %add3A_587 : i32 to index
        %get3A_608 = arith.constant 16 : index
        %get3A_609 = tpu.vector_load %arg11[%get3A_607, %get3A_608] {strides = array<i32>} : memref<128x128xf32, #tpu.memory_space<vmem>>, vector<1x16xf32>,
        %get3A_610 = vector.shape_cast %get3A_609 : vector<1x16xf32> to vector<16xf32>
        %get3A_611 = arith.index_cast %add3A_587 : i32 to index
        %get3A_612 = arith.constant 80 : index
        %get3A_613 = tpu.vector_load %arg11[%get3A_611, %get3A_612] {strides = array<i32>} : memref<128x128xf32, #tpu.memory_space<vmem>>, vector<1x16xf32>,
        %get3A_614 = vector.shape_cast %get3A_613 : vector<1x16xf32> to vector<16xf32>
        %sub3A_615 = arith.subf %get3A_614, %get3A_610 : vector<16xf32>
        %mul3A_616 = arith.mulf %broadcast_in_dim3A_590, %sub3A_615 : vector<16xf32>
        %add3A_617 = arith.addf %get3A_610, %mul3A_616 : vector<16xf32>
        %swap3A_618 = arith.index_cast %add3A_587 : i32 to index
        %swap3A_619 = arith.constant 16 : index
        %swap3A_620 = tpu.vector_load %arg13[%swap3A_618, %swap3A_619] {strides = array<i32>} : memref<128x64xf32, #tpu.memory_space<vmem>>, vector<1x16xf32>,
        %swap3A_621 = vector.shape_cast %swap3A_620 : vector<1x16xf32> to vector<16xf32>
        %swap3A_622 = vector.shape_cast %add3A_617 : vector<16xf32> to vector<1x16xf32>
        tpu.vector_store %arg13[%swap3A_618, %swap3A_619], %swap3A_622 {strides = array<i32>} : memref<128x64xf32, #tpu.memory_space<vmem>>, vector<1x16xf32>,
        %get3A_623 = arith.index_cast %add3A_587 : i32 to index
        %get3A_624 = arith.constant 32 : index
        %get3A_625 = tpu.vector_load %arg11[%get3A_623, %get3A_624] {strides = array<i32>} : memref<128x128xf32, #tpu.memory_space<vmem>>, vector<1x16xf32>,
        %get3A_626 = vector.shape_cast %get3A_625 : vector<1x16xf32> to vector<16xf32>
        %get3A_627 = arith.index_cast %add3A_587 : i32 to index
        %get3A_628 = arith.constant 96 : index
        %get3A_629 = tpu.vector_load %arg11[%get3A_627, %get3A_628] {strides = array<i32>} : memref<128x128xf32, #tpu.memory_space<vmem>>, vector<1x16xf32>,
        %get3A_630 = vector.shape_cast %get3A_629 : vector<1x16xf32> to vector<16xf32>
        %sub3A_631 = arith.subf %get3A_630, %get3A_626 : vector<16xf32>
        %mul3A_632 = arith.mulf %broadcast_in_dim3A_590, %sub3A_631 : vector<16xf32>
        %add3A_633 = arith.addf %get3A_626, %mul3A_632 : vector<16xf32>
        %swap3A_634 = arith.index_cast %add3A_587 : i32 to index
        %swap3A_635 = arith.constant 32 : index
        %swap3A_636 = tpu.vector_load %arg13[%swap3A_634, %swap3A_635] {strides = array<i32>} : memref<128x64xf32, #tpu.memory_space<vmem>>, vector<1x16xf32>,
        %swap3A_637 = vector.shape_cast %swap3A_636 : vector<1x16xf32> to vector<16xf32>
        %swap3A_638 = vector.shape_cast %add3A_633 : vector<16xf32> to vector<1x16xf32>
        tpu.vector_store %arg13[%swap3A_634, %swap3A_635], %swap3A_638 {strides = array<i32>} : memref<128x64xf32, #tpu.memory_space<vmem>>, vector<1x16xf32>,
        %get3A_639 = arith.index_cast %add3A_587 : i32 to index
        %get3A_640 = arith.constant 48 : index
        %get3A_641 = tpu.vector_load %arg11[%get3A_639, %get3A_640] {strides = array<i32>} : memref<128x128xf32, #tpu.memory_space<vmem>>, vector<1x16xf32>,
        %get3A_642 = vector.shape_cast %get3A_641 : vector<1x16xf32> to vector<16xf32>
        %get3A_643 = arith.index_cast %add3A_587 : i32 to index
        %get3A_644 = arith.constant 112 : index
        %get3A_645 = tpu.vector_load %arg11[%get3A_643, %get3A_644] {strides = array<i32>} : memref<128x128xf32, #tpu.memory_space<vmem>>, vector<1x16xf32>,
        %get3A_646 = vector.shape_cast %get3A_645 : vector<1x16xf32> to vector<16xf32>
        %sub3A_647 = arith.subf %get3A_646, %get3A_642 : vector<16xf32>
        %mul3A_648 = arith.mulf %broadcast_in_dim3A_590, %sub3A_647 : vector<16xf32>
        %add3A_649 = arith.addf %get3A_642, %mul3A_648 : vector<16xf32>
        %swap3A_650 = arith.index_cast %add3A_587 : i32 to index
        %swap3A_651 = arith.constant 48 : index
        %swap3A_652 = tpu.vector_load %arg13[%swap3A_650, %swap3A_651] {strides = array<i32>} : memref<128x64xf32, #tpu.memory_space<vmem>>, vector<1x16xf32>,
        %swap3A_653 = vector.shape_cast %swap3A_652 : vector<1x16xf32> to vector<16xf32>
        %swap3A_654 = vector.shape_cast %add3A_649 : vector<16xf32> to vector<1x16xf32>
        tpu.vector_store %arg13[%swap3A_650, %swap3A_651], %swap3A_654 {strides = array<i32>} : memref<128x64xf32, #tpu.memory_space<vmem>>, vector<1x16xf32>,
        %add3A_655 = arith.constant 6 : i32
        %add3A_656 = arith.addi %mul3A_236, %add3A_655 : i32
        %slice3A_657 = vector.extract_strided_slice %get3A_242 {offsets = [6], sizes = [1], strides = [1]} : vector<16xf32> to vector<1xf32>
        %squeeze3A_658 = vector.extract %slice3A_657[0] : f32 from vector<1xf32>
        %broadcast_in_dim3A_659 = vector.broadcast %squeeze3A_658 : f32 to vector<16xf32>
        %get3A_660 = arith.index_cast %add3A_656 : i32 to index
        %get3A_661 = arith.constant 0 : index
        %get3A_662 = tpu.vector_load %arg11[%get3A_660, %get3A_661] {strides = array<i32>} : memref<128x128xf32, #tpu.memory_space<vmem>>, vector<1x16xf32>,
        %get3A_663 = vector.shape_cast %get3A_662 : vector<1x16xf32> to vector<16xf32>
        %get3A_664 = arith.index_cast %add3A_656 : i32 to index
        %get3A_665 = arith.constant 64 : index
        %get3A_666 = tpu.vector_load %arg11[%get3A_664, %get3A_665] {strides = array<i32>} : memref<128x128xf32, #tpu.memory_space<vmem>>, vector<1x16xf32>,
        %get3A_667 = vector.shape_cast %get3A_666 : vector<1x16xf32> to vector<16xf32>
        %sub3A_668 = arith.subf %get3A_667, %get3A_663 : vector<16xf32>
        %mul3A_669 = arith.mulf %broadcast_in_dim3A_659, %sub3A_668 : vector<16xf32>
        %add3A_670 = arith.addf %get3A_663, %mul3A_669 : vector<16xf32>
        %swap3A_671 = arith.index_cast %add3A_656 : i32 to index
        %swap3A_672 = arith.constant 0 : index
        %swap3A_673 = tpu.vector_load %arg13[%swap3A_671, %swap3A_672] {strides = array<i32>} : memref<128x64xf32, #tpu.memory_space<vmem>>, vector<1x16xf32>,
        %swap3A_674 = vector.shape_cast %swap3A_673 : vector<1x16xf32> to vector<16xf32>
        %swap3A_675 = vector.shape_cast %add3A_670 : vector<16xf32> to vector<1x16xf32>
        tpu.vector_store %arg13[%swap3A_671, %swap3A_672], %swap3A_675 {strides = array<i32>} : memref<128x64xf32, #tpu.memory_space<vmem>>, vector<1x16xf32>,
        %get3A_676 = arith.index_cast %add3A_656 : i32 to index
        %get3A_677 = arith.constant 16 : index
        %get3A_678 = tpu.vector_load %arg11[%get3A_676, %get3A_677] {strides = array<i32>} : memref<128x128xf32, #tpu.memory_space<vmem>>, vector<1x16xf32>,
        %get3A_679 = vector.shape_cast %get3A_678 : vector<1x16xf32> to vector<16xf32>
        %get3A_680 = arith.index_cast %add3A_656 : i32 to index
        %get3A_681 = arith.constant 80 : index
        %get3A_682 = tpu.vector_load %arg11[%get3A_680, %get3A_681] {strides = array<i32>} : memref<128x128xf32, #tpu.memory_space<vmem>>, vector<1x16xf32>,
        %get3A_683 = vector.shape_cast %get3A_682 : vector<1x16xf32> to vector<16xf32>
        %sub3A_684 = arith.subf %get3A_683, %get3A_679 : vector<16xf32>
        %mul3A_685 = arith.mulf %broadcast_in_dim3A_659, %sub3A_684 : vector<16xf32>
        %add3A_686 = arith.addf %get3A_679, %mul3A_685 : vector<16xf32>
        %swap3A_687 = arith.index_cast %add3A_656 : i32 to index
        %swap3A_688 = arith.constant 16 : index
        %swap3A_689 = tpu.vector_load %arg13[%swap3A_687, %swap3A_688] {strides = array<i32>} : memref<128x64xf32, #tpu.memory_space<vmem>>, vector<1x16xf32>,
        %swap3A_690 = vector.shape_cast %swap3A_689 : vector<1x16xf32> to vector<16xf32>
        %swap3A_691 = vector.shape_cast %add3A_686 : vector<16xf32> to vector<1x16xf32>
        tpu.vector_store %arg13[%swap3A_687, %swap3A_688], %swap3A_691 {strides = array<i32>} : memref<128x64xf32, #tpu.memory_space<vmem>>, vector<1x16xf32>,
        %get3A_692 = arith.index_cast %add3A_656 : i32 to index
        %get3A_693 = arith.constant 32 : index
        %get3A_694 = tpu.vector_load %arg11[%get3A_692, %get3A_693] {strides = array<i32>} : memref<128x128xf32, #tpu.memory_space<vmem>>, vector<1x16xf32>,
        %get3A_695 = vector.shape_cast %get3A_694 : vector<1x16xf32> to vector<16xf32>
        %get3A_696 = arith.index_cast %add3A_656 : i32 to index
        %get3A_697 = arith.constant 96 : index
        %get3A_698 = tpu.vector_load %arg11[%get3A_696, %get3A_697] {strides = array<i32>} : memref<128x128xf32, #tpu.memory_space<vmem>>, vector<1x16xf32>,
        %get3A_699 = vector.shape_cast %get3A_698 : vector<1x16xf32> to vector<16xf32>
        %sub3A_700 = arith.subf %get3A_699, %get3A_695 : vector<16xf32>
        %mul3A_701 = arith.mulf %broadcast_in_dim3A_659, %sub3A_700 : vector<16xf32>
        %add3A_702 = arith.addf %get3A_695, %mul3A_701 : vector<16xf32>
        %swap3A_703 = arith.index_cast %add3A_656 : i32 to index
        %swap3A_704 = arith.constant 32 : index
        %swap3A_705 = tpu.vector_load %arg13[%swap3A_703, %swap3A_704] {strides = array<i32>} : memref<128x64xf32, #tpu.memory_space<vmem>>, vector<1x16xf32>,
        %swap3A_706 = vector.shape_cast %swap3A_705 : vector<1x16xf32> to vector<16xf32>
        %swap3A_707 = vector.shape_cast %add3A_702 : vector<16xf32> to vector<1x16xf32>
        tpu.vector_store %arg13[%swap3A_703, %swap3A_704], %swap3A_707 {strides = array<i32>} : memref<128x64xf32, #tpu.memory_space<vmem>>, vector<1x16xf32>,
        %get3A_708 = arith.index_cast %add3A_656 : i32 to index
        %get3A_709 = arith.constant 48 : index
        %get3A_710 = tpu.vector_load %arg11[%get3A_708, %get3A_709] {strides = array<i32>} : memref<128x128xf32, #tpu.memory_space<vmem>>, vector<1x16xf32>,
        %get3A_711 = vector.shape_cast %get3A_710 : vector<1x16xf32> to vector<16xf32>
        %get3A_712 = arith.index_cast %add3A_656 : i32 to index
        %get3A_713 = arith.constant 112 : index
        %get3A_714 = tpu.vector_load %arg11[%get3A_712, %get3A_713] {strides = array<i32>} : memref<128x128xf32, #tpu.memory_space<vmem>>, vector<1x16xf32>,
        %get3A_715 = vector.shape_cast %get3A_714 : vector<1x16xf32> to vector<16xf32>
        %sub3A_716 = arith.subf %get3A_715, %get3A_711 : vector<16xf32>
        %mul3A_717 = arith.mulf %broadcast_in_dim3A_659, %sub3A_716 : vector<16xf32>
        %add3A_718 = arith.addf %get3A_711, %mul3A_717 : vector<16xf32>
        %swap3A_719 = arith.index_cast %add3A_656 : i32 to index
        %swap3A_720 = arith.constant 48 : index
        %swap3A_721 = tpu.vector_load %arg13[%swap3A_719, %swap3A_720] {strides = array<i32>} : memref<128x64xf32, #tpu.memory_space<vmem>>, vector<1x16xf32>,
        %swap3A_722 = vector.shape_cast %swap3A_721 : vector<1x16xf32> to vector<16xf32>
        %swap3A_723 = vector.shape_cast %add3A_718 : vector<16xf32> to vector<1x16xf32>
        tpu.vector_store %arg13[%swap3A_719, %swap3A_720], %swap3A_723 {strides = array<i32>} : memref<128x64xf32, #tpu.memory_space<vmem>>, vector<1x16xf32>,
        %add3A_724 = arith.constant 7 : i32
        %add3A_725 = arith.addi %mul3A_236, %add3A_724 : i32
        %slice3A_726 = vector.extract_strided_slice %get3A_242 {offsets = [7], sizes = [1], strides = [1]} : vector<16xf32> to vector<1xf32>
        %squeeze3A_727 = vector.extract %slice3A_726[0] : f32 from vector<1xf32>
        %broadcast_in_dim3A_728 = vector.broadcast %squeeze3A_727 : f32 to vector<16xf32>
        %get3A_729 = arith.index_cast %add3A_725 : i32 to index
        %get3A_730 = arith.constant 0 : index
        %get3A_731 = tpu.vector_load %arg11[%get3A_729, %get3A_730] {strides = array<i32>} : memref<128x128xf32, #tpu.memory_space<vmem>>, vector<1x16xf32>,
        %get3A_732 = vector.shape_cast %get3A_731 : vector<1x16xf32> to vector<16xf32>
        %get3A_733 = arith.index_cast %add3A_725 : i32 to index
        %get3A_734 = arith.constant 64 : index
        %get3A_735 = tpu.vector_load %arg11[%get3A_733, %get3A_734] {strides = array<i32>} : memref<128x128xf32, #tpu.memory_space<vmem>>, vector<1x16xf32>,
        %get3A_736 = vector.shape_cast %get3A_735 : vector<1x16xf32> to vector<16xf32>
        %sub3A_737 = arith.subf %get3A_736, %get3A_732 : vector<16xf32>
        %mul3A_738 = arith.mulf %broadcast_in_dim3A_728, %sub3A_737 : vector<16xf32>
        %add3A_739 = arith.addf %get3A_732, %mul3A_738 : vector<16xf32>
        %swap3A_740 = arith.index_cast %add3A_725 : i32 to index
        %swap3A_741 = arith.constant 0 : index
        %swap3A_742 = tpu.vector_load %arg13[%swap3A_740, %swap3A_741] {strides = array<i32>} : memref<128x64xf32, #tpu.memory_space<vmem>>, vector<1x16xf32>,
        %swap3A_743 = vector.shape_cast %swap3A_742 : vector<1x16xf32> to vector<16xf32>
        %swap3A_744 = vector.shape_cast %add3A_739 : vector<16xf32> to vector<1x16xf32>
        tpu.vector_store %arg13[%swap3A_740, %swap3A_741], %swap3A_744 {strides = array<i32>} : memref<128x64xf32, #tpu.memory_space<vmem>>, vector<1x16xf32>,
        %get3A_745 = arith.index_cast %add3A_725 : i32 to index
        %get3A_746 = arith.constant 16 : index
        %get3A_747 = tpu.vector_load %arg11[%get3A_745, %get3A_746] {strides = array<i32>} : memref<128x128xf32, #tpu.memory_space<vmem>>, vector<1x16xf32>,
        %get3A_748 = vector.shape_cast %get3A_747 : vector<1x16xf32> to vector<16xf32>
        %get3A_749 = arith.index_cast %add3A_725 : i32 to index
        %get3A_750 = arith.constant 80 : index
        %get3A_751 = tpu.vector_load %arg11[%get3A_749, %get3A_750] {strides = array<i32>} : memref<128x128xf32, #tpu.memory_space<vmem>>, vector<1x16xf32>,
        %get3A_752 = vector.shape_cast %get3A_751 : vector<1x16xf32> to vector<16xf32>
        %sub3A_753 = arith.subf %get3A_752, %get3A_748 : vector<16xf32>
        %mul3A_754 = arith.mulf %broadcast_in_dim3A_728, %sub3A_753 : vector<16xf32>
        %add3A_755 = arith.addf %get3A_748, %mul3A_754 : vector<16xf32>
        %swap3A_756 = arith.index_cast %add3A_725 : i32 to index
        %swap3A_757 = arith.constant 16 : index
        %swap3A_758 = tpu.vector_load %arg13[%swap3A_756, %swap3A_757] {strides = array<i32>} : memref<128x64xf32, #tpu.memory_space<vmem>>, vector<1x16xf32>,
        %swap3A_759 = vector.shape_cast %swap3A_758 : vector<1x16xf32> to vector<16xf32>
        %swap3A_760 = vector.shape_cast %add3A_755 : vector<16xf32> to vector<1x16xf32>
        tpu.vector_store %arg13[%swap3A_756, %swap3A_757], %swap3A_760 {strides = array<i32>} : memref<128x64xf32, #tpu.memory_space<vmem>>, vector<1x16xf32>,
        %get3A_761 = arith.index_cast %add3A_725 : i32 to index
        %get3A_762 = arith.constant 32 : index
        %get3A_763 = tpu.vector_load %arg11[%get3A_761, %get3A_762] {strides = array<i32>} : memref<128x128xf32, #tpu.memory_space<vmem>>, vector<1x16xf32>,
        %get3A_764 = vector.shape_cast %get3A_763 : vector<1x16xf32> to vector<16xf32>
        %get3A_765 = arith.index_cast %add3A_725 : i32 to index
        %get3A_766 = arith.constant 96 : index
        %get3A_767 = tpu.vector_load %arg11[%get3A_765, %get3A_766] {strides = array<i32>} : memref<128x128xf32, #tpu.memory_space<vmem>>, vector<1x16xf32>,
        %get3A_768 = vector.shape_cast %get3A_767 : vector<1x16xf32> to vector<16xf32>
        %sub3A_769 = arith.subf %get3A_768, %get3A_764 : vector<16xf32>
        %mul3A_770 = arith.mulf %broadcast_in_dim3A_728, %sub3A_769 : vector<16xf32>
        %add3A_771 = arith.addf %get3A_764, %mul3A_770 : vector<16xf32>
        %swap3A_772 = arith.index_cast %add3A_725 : i32 to index
        %swap3A_773 = arith.constant 32 : index
        %swap3A_774 = tpu.vector_load %arg13[%swap3A_772, %swap3A_773] {strides = array<i32>} : memref<128x64xf32, #tpu.memory_space<vmem>>, vector<1x16xf32>,
        %swap3A_775 = vector.shape_cast %swap3A_774 : vector<1x16xf32> to vector<16xf32>
        %swap3A_776 = vector.shape_cast %add3A_771 : vector<16xf32> to vector<1x16xf32>
        tpu.vector_store %arg13[%swap3A_772, %swap3A_773], %swap3A_776 {strides = array<i32>} : memref<128x64xf32, #tpu.memory_space<vmem>>, vector<1x16xf32>,
        %get3A_777 = arith.index_cast %add3A_725 : i32 to index
        %get3A_778 = arith.constant 48 : index
        %get3A_779 = tpu.vector_load %arg11[%get3A_777, %get3A_778] {strides = array<i32>} : memref<128x128xf32, #tpu.memory_space<vmem>>, vector<1x16xf32>,
        %get3A_780 = vector.shape_cast %get3A_779 : vector<1x16xf32> to vector<16xf32>
        %get3A_781 = arith.index_cast %add3A_725 : i32 to index
        %get3A_782 = arith.constant 112 : index
        %get3A_783 = tpu.vector_load %arg11[%get3A_781, %get3A_782] {strides = array<i32>} : memref<128x128xf32, #tpu.memory_space<vmem>>, vector<1x16xf32>,
        %get3A_784 = vector.shape_cast %get3A_783 : vector<1x16xf32> to vector<16xf32>
        %sub3A_785 = arith.subf %get3A_784, %get3A_780 : vector<16xf32>
        %mul3A_786 = arith.mulf %broadcast_in_dim3A_728, %sub3A_785 : vector<16xf32>
        %add3A_787 = arith.addf %get3A_780, %mul3A_786 : vector<16xf32>
        %swap3A_788 = arith.index_cast %add3A_725 : i32 to index
        %swap3A_789 = arith.constant 48 : index
        %swap3A_790 = tpu.vector_load %arg13[%swap3A_788, %swap3A_789] {strides = array<i32>} : memref<128x64xf32, #tpu.memory_space<vmem>>, vector<1x16xf32>,
        %swap3A_791 = vector.shape_cast %swap3A_790 : vector<1x16xf32> to vector<16xf32>
        %swap3A_792 = vector.shape_cast %add3A_787 : vector<16xf32> to vector<1x16xf32>
        tpu.vector_store %arg13[%swap3A_788, %swap3A_789], %swap3A_792 {strides = array<i32>} : memref<128x64xf32, #tpu.memory_space<vmem>>, vector<1x16xf32>,
        %scan3A_793 = arith.constant 0 : i32
        scf.yield %scan3A_793 : i32
      }
      %scan3A_174 = arith.constant 16 : i32
      %mul3A_175 = arith.constant 128 : i32
      %mul3A_176 = arith.muli %add3A_148, %mul3A_175 : i32
      %add3A_177 = arith.addi %mul3A_4, %mul3A_176 : i32
      %multiple_of3A_178 = tpu.assume_multiple %add3A_177, 128 : i32
      %dma_start3A_179 = arith.constant 0 : i32
      %dma_start3A_180 = tpu.memref_slice %arg5[%multiple_of3A_178, %dma_start3A_179] : memref<262144x64xf32, #tpu.memory_space<hbm>> -> memref<128x64xf32, #tpu.memory_space<hbm>>
      %dma_start3A_181 = arith.constant 0 : i32
      %dma_start3A_182 = tpu.memref_slice %arg5[%multiple_of3A_178, %dma_start3A_181] : memref<262144x64xf32, #tpu.memory_space<hbm>> -> memref<128x64xf32, #tpu.memory_space<hbm>>
      tpu.enqueue_dma source(%arg13 : memref<128x64xf32, #tpu.memory_space<vmem>>) target(%dma_start3A_182 : memref<128x64xf32, #tpu.memory_space<hbm>>) target_semaphore(%arg19 : memref<!tpu.dma_semaphore, #tpu.memory_space<semaphore_mem>>)
      %lt3A_183 = arith.constant 15 : i32
      %lt3A_184 = arith.cmpi slt, %scan3A_69, %lt3A_183 : i32
      %convert_element_type3A_185 = arith.extui %lt3A_184 : i1 to i32
      %cond3A_186 = arith.constant 0 : i32
      %cond3A_187 = arith.cmpi ne, %convert_element_type3A_185, %cond3A_186 : i32
      scf.if %cond3A_187 {
        %add3A_233 = arith.constant 4 : i32
        %add3A_234 = arith.addi %add3A_148, %add3A_233 : i32
        %mul3A_235 = arith.constant 1 : i32
        %mul3A_236 = arith.muli %add3A_234, %mul3A_235 : i32
        %add3A_237 = arith.constant 0 : i32
        %add3A_238 = arith.addi %mul3A_236, %add3A_237 : i32
        %dma_start3A_239 = arith.constant 0 : i32
        %dma_start3A_240 = arith.constant 0 : i32
        %dma_start3A_241 = tpu.memref_slice %arg11[%dma_start3A_239, %dma_start3A_240] : memref<128x128xf32, #tpu.memory_space<vmem>> -> memref<128x128xf32, #tpu.memory_space<vmem>>
        %dma_start3A_242 = arith.constant 0 : i32
        %dma_start3A_243 = tpu.memref_slice %arg7[%add3A_238, %dma_start3A_242] : memref<64x128xi32, #tpu.memory_space<vmem>> -> memref<1x128xi32, #tpu.memory_space<vmem>>
        %dma_start3A_244 = tpu.memref_squeeze %dma_start3A_243 : memref<1x128xi32, #tpu.memory_space<vmem>> -> memref<128xi32, #tpu.memory_space<vmem>>
        %dma_start3A_245 = arith.constant 0 : i32
        %dma_start3A_246 = arith.constant 0 : i32
        %dma_start3A_247 = tpu.memref_slice %arg3[%dma_start3A_245, %dma_start3A_246] : memref<65536x128xf32, #tpu.memory_space<hbm>> -> memref<65536x128xf32, #tpu.memory_space<hbm>>
        tpu.enqueue_indirect_dma source(%dma_start3A_247 : memref<65536x128xf32, #tpu.memory_space<hbm>>) target(%dma_start3A_241 : memref<128x128xf32, #tpu.memory_space<vmem>>) offsets(%dma_start3A_244 : memref<128xi32, #tpu.memory_space<vmem>>) semaphore(%arg17 : memref<!tpu.dma_semaphore, #tpu.memory_space<semaphore_mem>>)
      } else {
      }
      %mul3A_188 = arith.constant 4 : i32
      %mul3A_189 = arith.muli %scan3A_69, %mul3A_188 : i32
      %add3A_190 = arith.constant 3 : i32
      %add3A_191 = arith.addi %mul3A_189, %add3A_190 : i32
      %dma_wait3A_192 = arith.constant 0 : i32
      %dma_wait3A_193 = arith.constant 0 : i32
      %dma_wait3A_194 = arith.constant 0 : i32
      %dma_wait3A_195 = tpu.memref_slice %arg12[%dma_wait3A_193, %dma_wait3A_194] : memref<128x128xf32, #tpu.memory_space<vmem>> -> memref<128x128xf32, #tpu.memory_space<vmem>>
      %dma_wait3A_196 = arith.constant 0 : i32
      %dma_wait3A_197 = tpu.memref_slice %arg7[%dma_wait3A_192, %dma_wait3A_196] : memref<64x128xi32, #tpu.memory_space<vmem>> -> memref<1x128xi32, #tpu.memory_space<vmem>>
      %dma_wait3A_198 = tpu.memref_squeeze %dma_wait3A_197 : memref<1x128xi32, #tpu.memory_space<vmem>> -> memref<128xi32, #tpu.memory_space<vmem>>
      %dma_wait3A_199 = arith.constant 0 : i32
      %dma_wait3A_200 = arith.constant 0 : i32
      %dma_wait3A_201 = tpu.memref_slice %arg3[%dma_wait3A_199, %dma_wait3A_200] : memref<65536x128xf32, #tpu.memory_space<hbm>> -> memref<65536x128xf32, #tpu.memory_space<hbm>>
      tpu.wait_indirect_dma semaphore(%arg18 : memref<!tpu.dma_semaphore, #tpu.memory_space<semaphore_mem>>) src(%dma_wait3A_201 : memref<65536x128xf32, #tpu.memory_space<hbm>>) dst(%dma_wait3A_195 : memref<128x128xf32, #tpu.memory_space<vmem>>)
      %sub3A_202 = arith.constant 2 : i32
      %sub3A_203 = arith.subi %add3A_191, %sub3A_202 : i32
      %mul3A_204 = arith.constant 128 : i32
      %mul3A_205 = arith.muli %sub3A_203, %mul3A_204 : i32
      %add3A_206 = arith.addi %mul3A_4, %mul3A_205 : i32
      %multiple_of3A_207 = tpu.assume_multiple %add3A_206, 128 : i32
      %dma_wait3A_208 = arith.constant 0 : i32
      %dma_wait3A_209 = tpu.memref_slice %arg5[%multiple_of3A_207, %dma_wait3A_208] : memref<262144x64xf32, #tpu.memory_space<hbm>> -> memref<128x64xf32, #tpu.memory_space<hbm>>
      %dma_wait3A_210 = arith.constant 0 : i32
      %dma_wait3A_211 = tpu.memref_slice %arg5[%multiple_of3A_207, %dma_wait3A_210] : memref<262144x64xf32, #tpu.memory_space<hbm>> -> memref<128x64xf32, #tpu.memory_space<hbm>>
      tpu.wait_dma2 semaphore(%arg20 : memref<!tpu.dma_semaphore, #tpu.memory_space<semaphore_mem>>) src(%arg14 : memref<128x64xf32, #tpu.memory_space<vmem>>) dst(%dma_wait3A_211 : memref<128x64xf32, #tpu.memory_space<hbm>>)
      %scan3A_212 = arith.constant 0 : i32
      %scan3A_213 = arith.constant 0 : i32
      %scan3A_214 = arith.constant 16 : i32
      %scan3A_215 = arith.addi %scan3A_213, %scan3A_214 : i32
      %scan3A_216 = arith.constant 1 : i32
      %scan3A_217 = scf.for %scan3A_233 = %scan3A_213 to %scan3A_215 step %scan3A_216 iter_args(%scan3A_234 = %scan3A_212) -> (i32)  : i32 {
        %mul3A_235 = arith.constant 8 : i32
        %mul3A_236 = arith.muli %scan3A_233, %mul3A_235 : i32
        %mul3A_237 = arith.constant 128 : i32
        %mul3A_238 = arith.muli %add3A_191, %mul3A_237 : i32
        %add3A_239 = arith.addi %mul3A_238, %mul3A_236 : i32
        %get3A_240 = arith.index_cast %add3A_239 : i32 to index
        %get3A_241 = tpu.vector_load %arg8[%get3A_240] {strides = array<i32>} : memref<8208xf32, #tpu.memory_space<vmem>>, vector<16xf32>,
        %get3A_242 = vector.shape_cast %get3A_241 : vector<16xf32> to vector<16xf32>
        %add3A_243 = arith.constant 0 : i32
        %add3A_244 = arith.addi %mul3A_236, %add3A_243 : i32
        %slice3A_245 = vector.extract_strided_slice %get3A_242 {offsets = [0], sizes = [1], strides = [1]} : vector<16xf32> to vector<1xf32>
        %squeeze3A_246 = vector.extract %slice3A_245[0] : f32 from vector<1xf32>
        %broadcast_in_dim3A = vector.broadcast %squeeze3A_246 : f32 to vector<16xf32>
        %get3A_247 = arith.index_cast %add3A_244 : i32 to index
        %get3A_248 = arith.constant 0 : index
        %get3A_249 = tpu.vector_load %arg12[%get3A_247, %get3A_248] {strides = array<i32>} : memref<128x128xf32, #tpu.memory_space<vmem>>, vector<1x16xf32>,
        %get3A_250 = vector.shape_cast %get3A_249 : vector<1x16xf32> to vector<16xf32>
        %get3A_251 = arith.index_cast %add3A_244 : i32 to index
        %get3A_252 = arith.constant 64 : index
        %get3A_253 = tpu.vector_load %arg12[%get3A_251, %get3A_252] {strides = array<i32>} : memref<128x128xf32, #tpu.memory_space<vmem>>, vector<1x16xf32>,
        %get3A_254 = vector.shape_cast %get3A_253 : vector<1x16xf32> to vector<16xf32>
        %sub3A_255 = arith.subf %get3A_254, %get3A_250 : vector<16xf32>
        %mul3A_256 = arith.mulf %broadcast_in_dim3A, %sub3A_255 : vector<16xf32>
        %add3A_257 = arith.addf %get3A_250, %mul3A_256 : vector<16xf32>
        %swap3A = arith.index_cast %add3A_244 : i32 to index
        %swap3A_258 = arith.constant 0 : index
        %swap3A_259 = tpu.vector_load %arg14[%swap3A, %swap3A_258] {strides = array<i32>} : memref<128x64xf32, #tpu.memory_space<vmem>>, vector<1x16xf32>,
        %swap3A_260 = vector.shape_cast %swap3A_259 : vector<1x16xf32> to vector<16xf32>
        %swap3A_261 = vector.shape_cast %add3A_257 : vector<16xf32> to vector<1x16xf32>
        tpu.vector_store %arg14[%swap3A, %swap3A_258], %swap3A_261 {strides = array<i32>} : memref<128x64xf32, #tpu.memory_space<vmem>>, vector<1x16xf32>,
        %get3A_262 = arith.index_cast %add3A_244 : i32 to index
        %get3A_263 = arith.constant 16 : index
        %get3A_264 = tpu.vector_load %arg12[%get3A_262, %get3A_263] {strides = array<i32>} : memref<128x128xf32, #tpu.memory_space<vmem>>, vector<1x16xf32>,
        %get3A_265 = vector.shape_cast %get3A_264 : vector<1x16xf32> to vector<16xf32>
        %get3A_266 = arith.index_cast %add3A_244 : i32 to index
        %get3A_267 = arith.constant 80 : index
        %get3A_268 = tpu.vector_load %arg12[%get3A_266, %get3A_267] {strides = array<i32>} : memref<128x128xf32, #tpu.memory_space<vmem>>, vector<1x16xf32>,
        %get3A_269 = vector.shape_cast %get3A_268 : vector<1x16xf32> to vector<16xf32>
        %sub3A_270 = arith.subf %get3A_269, %get3A_265 : vector<16xf32>
        %mul3A_271 = arith.mulf %broadcast_in_dim3A, %sub3A_270 : vector<16xf32>
        %add3A_272 = arith.addf %get3A_265, %mul3A_271 : vector<16xf32>
        %swap3A_273 = arith.index_cast %add3A_244 : i32 to index
        %swap3A_274 = arith.constant 16 : index
        %swap3A_275 = tpu.vector_load %arg14[%swap3A_273, %swap3A_274] {strides = array<i32>} : memref<128x64xf32, #tpu.memory_space<vmem>>, vector<1x16xf32>,
        %swap3A_276 = vector.shape_cast %swap3A_275 : vector<1x16xf32> to vector<16xf32>
        %swap3A_277 = vector.shape_cast %add3A_272 : vector<16xf32> to vector<1x16xf32>
        tpu.vector_store %arg14[%swap3A_273, %swap3A_274], %swap3A_277 {strides = array<i32>} : memref<128x64xf32, #tpu.memory_space<vmem>>, vector<1x16xf32>,
        %get3A_278 = arith.index_cast %add3A_244 : i32 to index
        %get3A_279 = arith.constant 32 : index
        %get3A_280 = tpu.vector_load %arg12[%get3A_278, %get3A_279] {strides = array<i32>} : memref<128x128xf32, #tpu.memory_space<vmem>>, vector<1x16xf32>,
        %get3A_281 = vector.shape_cast %get3A_280 : vector<1x16xf32> to vector<16xf32>
        %get3A_282 = arith.index_cast %add3A_244 : i32 to index
        %get3A_283 = arith.constant 96 : index
        %get3A_284 = tpu.vector_load %arg12[%get3A_282, %get3A_283] {strides = array<i32>} : memref<128x128xf32, #tpu.memory_space<vmem>>, vector<1x16xf32>,
        %get3A_285 = vector.shape_cast %get3A_284 : vector<1x16xf32> to vector<16xf32>
        %sub3A_286 = arith.subf %get3A_285, %get3A_281 : vector<16xf32>
        %mul3A_287 = arith.mulf %broadcast_in_dim3A, %sub3A_286 : vector<16xf32>
        %add3A_288 = arith.addf %get3A_281, %mul3A_287 : vector<16xf32>
        %swap3A_289 = arith.index_cast %add3A_244 : i32 to index
        %swap3A_290 = arith.constant 32 : index
        %swap3A_291 = tpu.vector_load %arg14[%swap3A_289, %swap3A_290] {strides = array<i32>} : memref<128x64xf32, #tpu.memory_space<vmem>>, vector<1x16xf32>,
        %swap3A_292 = vector.shape_cast %swap3A_291 : vector<1x16xf32> to vector<16xf32>
        %swap3A_293 = vector.shape_cast %add3A_288 : vector<16xf32> to vector<1x16xf32>
        tpu.vector_store %arg14[%swap3A_289, %swap3A_290], %swap3A_293 {strides = array<i32>} : memref<128x64xf32, #tpu.memory_space<vmem>>, vector<1x16xf32>,
        %get3A_294 = arith.index_cast %add3A_244 : i32 to index
        %get3A_295 = arith.constant 48 : index
        %get3A_296 = tpu.vector_load %arg12[%get3A_294, %get3A_295] {strides = array<i32>} : memref<128x128xf32, #tpu.memory_space<vmem>>, vector<1x16xf32>,
        %get3A_297 = vector.shape_cast %get3A_296 : vector<1x16xf32> to vector<16xf32>
        %get3A_298 = arith.index_cast %add3A_244 : i32 to index
        %get3A_299 = arith.constant 112 : index
        %get3A_300 = tpu.vector_load %arg12[%get3A_298, %get3A_299] {strides = array<i32>} : memref<128x128xf32, #tpu.memory_space<vmem>>, vector<1x16xf32>,
        %get3A_301 = vector.shape_cast %get3A_300 : vector<1x16xf32> to vector<16xf32>
        %sub3A_302 = arith.subf %get3A_301, %get3A_297 : vector<16xf32>
        %mul3A_303 = arith.mulf %broadcast_in_dim3A, %sub3A_302 : vector<16xf32>
        %add3A_304 = arith.addf %get3A_297, %mul3A_303 : vector<16xf32>
        %swap3A_305 = arith.index_cast %add3A_244 : i32 to index
        %swap3A_306 = arith.constant 48 : index
        %swap3A_307 = tpu.vector_load %arg14[%swap3A_305, %swap3A_306] {strides = array<i32>} : memref<128x64xf32, #tpu.memory_space<vmem>>, vector<1x16xf32>,
        %swap3A_308 = vector.shape_cast %swap3A_307 : vector<1x16xf32> to vector<16xf32>
        %swap3A_309 = vector.shape_cast %add3A_304 : vector<16xf32> to vector<1x16xf32>
        tpu.vector_store %arg14[%swap3A_305, %swap3A_306], %swap3A_309 {strides = array<i32>} : memref<128x64xf32, #tpu.memory_space<vmem>>, vector<1x16xf32>,
        %add3A_310 = arith.constant 1 : i32
        %add3A_311 = arith.addi %mul3A_236, %add3A_310 : i32
        %slice3A_312 = vector.extract_strided_slice %get3A_242 {offsets = [1], sizes = [1], strides = [1]} : vector<16xf32> to vector<1xf32>
        %squeeze3A_313 = vector.extract %slice3A_312[0] : f32 from vector<1xf32>
        %broadcast_in_dim3A_314 = vector.broadcast %squeeze3A_313 : f32 to vector<16xf32>
        %get3A_315 = arith.index_cast %add3A_311 : i32 to index
        %get3A_316 = arith.constant 0 : index
        %get3A_317 = tpu.vector_load %arg12[%get3A_315, %get3A_316] {strides = array<i32>} : memref<128x128xf32, #tpu.memory_space<vmem>>, vector<1x16xf32>,
        %get3A_318 = vector.shape_cast %get3A_317 : vector<1x16xf32> to vector<16xf32>
        %get3A_319 = arith.index_cast %add3A_311 : i32 to index
        %get3A_320 = arith.constant 64 : index
        %get3A_321 = tpu.vector_load %arg12[%get3A_319, %get3A_320] {strides = array<i32>} : memref<128x128xf32, #tpu.memory_space<vmem>>, vector<1x16xf32>,
        %get3A_322 = vector.shape_cast %get3A_321 : vector<1x16xf32> to vector<16xf32>
        %sub3A_323 = arith.subf %get3A_322, %get3A_318 : vector<16xf32>
        %mul3A_324 = arith.mulf %broadcast_in_dim3A_314, %sub3A_323 : vector<16xf32>
        %add3A_325 = arith.addf %get3A_318, %mul3A_324 : vector<16xf32>
        %swap3A_326 = arith.index_cast %add3A_311 : i32 to index
        %swap3A_327 = arith.constant 0 : index
        %swap3A_328 = tpu.vector_load %arg14[%swap3A_326, %swap3A_327] {strides = array<i32>} : memref<128x64xf32, #tpu.memory_space<vmem>>, vector<1x16xf32>,
        %swap3A_329 = vector.shape_cast %swap3A_328 : vector<1x16xf32> to vector<16xf32>
        %swap3A_330 = vector.shape_cast %add3A_325 : vector<16xf32> to vector<1x16xf32>
        tpu.vector_store %arg14[%swap3A_326, %swap3A_327], %swap3A_330 {strides = array<i32>} : memref<128x64xf32, #tpu.memory_space<vmem>>, vector<1x16xf32>,
        %get3A_331 = arith.index_cast %add3A_311 : i32 to index
        %get3A_332 = arith.constant 16 : index
        %get3A_333 = tpu.vector_load %arg12[%get3A_331, %get3A_332] {strides = array<i32>} : memref<128x128xf32, #tpu.memory_space<vmem>>, vector<1x16xf32>,
        %get3A_334 = vector.shape_cast %get3A_333 : vector<1x16xf32> to vector<16xf32>
        %get3A_335 = arith.index_cast %add3A_311 : i32 to index
        %get3A_336 = arith.constant 80 : index
        %get3A_337 = tpu.vector_load %arg12[%get3A_335, %get3A_336] {strides = array<i32>} : memref<128x128xf32, #tpu.memory_space<vmem>>, vector<1x16xf32>,
        %get3A_338 = vector.shape_cast %get3A_337 : vector<1x16xf32> to vector<16xf32>
        %sub3A_339 = arith.subf %get3A_338, %get3A_334 : vector<16xf32>
        %mul3A_340 = arith.mulf %broadcast_in_dim3A_314, %sub3A_339 : vector<16xf32>
        %add3A_341 = arith.addf %get3A_334, %mul3A_340 : vector<16xf32>
        %swap3A_342 = arith.index_cast %add3A_311 : i32 to index
        %swap3A_343 = arith.constant 16 : index
        %swap3A_344 = tpu.vector_load %arg14[%swap3A_342, %swap3A_343] {strides = array<i32>} : memref<128x64xf32, #tpu.memory_space<vmem>>, vector<1x16xf32>,
        %swap3A_345 = vector.shape_cast %swap3A_344 : vector<1x16xf32> to vector<16xf32>
        %swap3A_346 = vector.shape_cast %add3A_341 : vector<16xf32> to vector<1x16xf32>
        tpu.vector_store %arg14[%swap3A_342, %swap3A_343], %swap3A_346 {strides = array<i32>} : memref<128x64xf32, #tpu.memory_space<vmem>>, vector<1x16xf32>,
        %get3A_347 = arith.index_cast %add3A_311 : i32 to index
        %get3A_348 = arith.constant 32 : index
        %get3A_349 = tpu.vector_load %arg12[%get3A_347, %get3A_348] {strides = array<i32>} : memref<128x128xf32, #tpu.memory_space<vmem>>, vector<1x16xf32>,
        %get3A_350 = vector.shape_cast %get3A_349 : vector<1x16xf32> to vector<16xf32>
        %get3A_351 = arith.index_cast %add3A_311 : i32 to index
        %get3A_352 = arith.constant 96 : index
        %get3A_353 = tpu.vector_load %arg12[%get3A_351, %get3A_352] {strides = array<i32>} : memref<128x128xf32, #tpu.memory_space<vmem>>, vector<1x16xf32>,
        %get3A_354 = vector.shape_cast %get3A_353 : vector<1x16xf32> to vector<16xf32>
        %sub3A_355 = arith.subf %get3A_354, %get3A_350 : vector<16xf32>
        %mul3A_356 = arith.mulf %broadcast_in_dim3A_314, %sub3A_355 : vector<16xf32>
        %add3A_357 = arith.addf %get3A_350, %mul3A_356 : vector<16xf32>
        %swap3A_358 = arith.index_cast %add3A_311 : i32 to index
        %swap3A_359 = arith.constant 32 : index
        %swap3A_360 = tpu.vector_load %arg14[%swap3A_358, %swap3A_359] {strides = array<i32>} : memref<128x64xf32, #tpu.memory_space<vmem>>, vector<1x16xf32>,
        %swap3A_361 = vector.shape_cast %swap3A_360 : vector<1x16xf32> to vector<16xf32>
        %swap3A_362 = vector.shape_cast %add3A_357 : vector<16xf32> to vector<1x16xf32>
        tpu.vector_store %arg14[%swap3A_358, %swap3A_359], %swap3A_362 {strides = array<i32>} : memref<128x64xf32, #tpu.memory_space<vmem>>, vector<1x16xf32>,
        %get3A_363 = arith.index_cast %add3A_311 : i32 to index
        %get3A_364 = arith.constant 48 : index
        %get3A_365 = tpu.vector_load %arg12[%get3A_363, %get3A_364] {strides = array<i32>} : memref<128x128xf32, #tpu.memory_space<vmem>>, vector<1x16xf32>,
        %get3A_366 = vector.shape_cast %get3A_365 : vector<1x16xf32> to vector<16xf32>
        %get3A_367 = arith.index_cast %add3A_311 : i32 to index
        %get3A_368 = arith.constant 112 : index
        %get3A_369 = tpu.vector_load %arg12[%get3A_367, %get3A_368] {strides = array<i32>} : memref<128x128xf32, #tpu.memory_space<vmem>>, vector<1x16xf32>,
        %get3A_370 = vector.shape_cast %get3A_369 : vector<1x16xf32> to vector<16xf32>
        %sub3A_371 = arith.subf %get3A_370, %get3A_366 : vector<16xf32>
        %mul3A_372 = arith.mulf %broadcast_in_dim3A_314, %sub3A_371 : vector<16xf32>
        %add3A_373 = arith.addf %get3A_366, %mul3A_372 : vector<16xf32>
        %swap3A_374 = arith.index_cast %add3A_311 : i32 to index
        %swap3A_375 = arith.constant 48 : index
        %swap3A_376 = tpu.vector_load %arg14[%swap3A_374, %swap3A_375] {strides = array<i32>} : memref<128x64xf32, #tpu.memory_space<vmem>>, vector<1x16xf32>,
        %swap3A_377 = vector.shape_cast %swap3A_376 : vector<1x16xf32> to vector<16xf32>
        %swap3A_378 = vector.shape_cast %add3A_373 : vector<16xf32> to vector<1x16xf32>
        tpu.vector_store %arg14[%swap3A_374, %swap3A_375], %swap3A_378 {strides = array<i32>} : memref<128x64xf32, #tpu.memory_space<vmem>>, vector<1x16xf32>,
        %add3A_379 = arith.constant 2 : i32
        %add3A_380 = arith.addi %mul3A_236, %add3A_379 : i32
        %slice3A_381 = vector.extract_strided_slice %get3A_242 {offsets = [2], sizes = [1], strides = [1]} : vector<16xf32> to vector<1xf32>
        %squeeze3A_382 = vector.extract %slice3A_381[0] : f32 from vector<1xf32>
        %broadcast_in_dim3A_383 = vector.broadcast %squeeze3A_382 : f32 to vector<16xf32>
        %get3A_384 = arith.index_cast %add3A_380 : i32 to index
        %get3A_385 = arith.constant 0 : index
        %get3A_386 = tpu.vector_load %arg12[%get3A_384, %get3A_385] {strides = array<i32>} : memref<128x128xf32, #tpu.memory_space<vmem>>, vector<1x16xf32>,
        %get3A_387 = vector.shape_cast %get3A_386 : vector<1x16xf32> to vector<16xf32>
        %get3A_388 = arith.index_cast %add3A_380 : i32 to index
        %get3A_389 = arith.constant 64 : index
        %get3A_390 = tpu.vector_load %arg12[%get3A_388, %get3A_389] {strides = array<i32>} : memref<128x128xf32, #tpu.memory_space<vmem>>, vector<1x16xf32>,
        %get3A_391 = vector.shape_cast %get3A_390 : vector<1x16xf32> to vector<16xf32>
        %sub3A_392 = arith.subf %get3A_391, %get3A_387 : vector<16xf32>
        %mul3A_393 = arith.mulf %broadcast_in_dim3A_383, %sub3A_392 : vector<16xf32>
        %add3A_394 = arith.addf %get3A_387, %mul3A_393 : vector<16xf32>
        %swap3A_395 = arith.index_cast %add3A_380 : i32 to index
        %swap3A_396 = arith.constant 0 : index
        %swap3A_397 = tpu.vector_load %arg14[%swap3A_395, %swap3A_396] {strides = array<i32>} : memref<128x64xf32, #tpu.memory_space<vmem>>, vector<1x16xf32>,
        %swap3A_398 = vector.shape_cast %swap3A_397 : vector<1x16xf32> to vector<16xf32>
        %swap3A_399 = vector.shape_cast %add3A_394 : vector<16xf32> to vector<1x16xf32>
        tpu.vector_store %arg14[%swap3A_395, %swap3A_396], %swap3A_399 {strides = array<i32>} : memref<128x64xf32, #tpu.memory_space<vmem>>, vector<1x16xf32>,
        %get3A_400 = arith.index_cast %add3A_380 : i32 to index
        %get3A_401 = arith.constant 16 : index
        %get3A_402 = tpu.vector_load %arg12[%get3A_400, %get3A_401] {strides = array<i32>} : memref<128x128xf32, #tpu.memory_space<vmem>>, vector<1x16xf32>,
        %get3A_403 = vector.shape_cast %get3A_402 : vector<1x16xf32> to vector<16xf32>
        %get3A_404 = arith.index_cast %add3A_380 : i32 to index
        %get3A_405 = arith.constant 80 : index
        %get3A_406 = tpu.vector_load %arg12[%get3A_404, %get3A_405] {strides = array<i32>} : memref<128x128xf32, #tpu.memory_space<vmem>>, vector<1x16xf32>,
        %get3A_407 = vector.shape_cast %get3A_406 : vector<1x16xf32> to vector<16xf32>
        %sub3A_408 = arith.subf %get3A_407, %get3A_403 : vector<16xf32>
        %mul3A_409 = arith.mulf %broadcast_in_dim3A_383, %sub3A_408 : vector<16xf32>
        %add3A_410 = arith.addf %get3A_403, %mul3A_409 : vector<16xf32>
        %swap3A_411 = arith.index_cast %add3A_380 : i32 to index
        %swap3A_412 = arith.constant 16 : index
        %swap3A_413 = tpu.vector_load %arg14[%swap3A_411, %swap3A_412] {strides = array<i32>} : memref<128x64xf32, #tpu.memory_space<vmem>>, vector<1x16xf32>,
        %swap3A_414 = vector.shape_cast %swap3A_413 : vector<1x16xf32> to vector<16xf32>
        %swap3A_415 = vector.shape_cast %add3A_410 : vector<16xf32> to vector<1x16xf32>
        tpu.vector_store %arg14[%swap3A_411, %swap3A_412], %swap3A_415 {strides = array<i32>} : memref<128x64xf32, #tpu.memory_space<vmem>>, vector<1x16xf32>,
        %get3A_416 = arith.index_cast %add3A_380 : i32 to index
        %get3A_417 = arith.constant 32 : index
        %get3A_418 = tpu.vector_load %arg12[%get3A_416, %get3A_417] {strides = array<i32>} : memref<128x128xf32, #tpu.memory_space<vmem>>, vector<1x16xf32>,
        %get3A_419 = vector.shape_cast %get3A_418 : vector<1x16xf32> to vector<16xf32>
        %get3A_420 = arith.index_cast %add3A_380 : i32 to index
        %get3A_421 = arith.constant 96 : index
        %get3A_422 = tpu.vector_load %arg12[%get3A_420, %get3A_421] {strides = array<i32>} : memref<128x128xf32, #tpu.memory_space<vmem>>, vector<1x16xf32>,
        %get3A_423 = vector.shape_cast %get3A_422 : vector<1x16xf32> to vector<16xf32>
        %sub3A_424 = arith.subf %get3A_423, %get3A_419 : vector<16xf32>
        %mul3A_425 = arith.mulf %broadcast_in_dim3A_383, %sub3A_424 : vector<16xf32>
        %add3A_426 = arith.addf %get3A_419, %mul3A_425 : vector<16xf32>
        %swap3A_427 = arith.index_cast %add3A_380 : i32 to index
        %swap3A_428 = arith.constant 32 : index
        %swap3A_429 = tpu.vector_load %arg14[%swap3A_427, %swap3A_428] {strides = array<i32>} : memref<128x64xf32, #tpu.memory_space<vmem>>, vector<1x16xf32>,
        %swap3A_430 = vector.shape_cast %swap3A_429 : vector<1x16xf32> to vector<16xf32>
        %swap3A_431 = vector.shape_cast %add3A_426 : vector<16xf32> to vector<1x16xf32>
        tpu.vector_store %arg14[%swap3A_427, %swap3A_428], %swap3A_431 {strides = array<i32>} : memref<128x64xf32, #tpu.memory_space<vmem>>, vector<1x16xf32>,
        %get3A_432 = arith.index_cast %add3A_380 : i32 to index
        %get3A_433 = arith.constant 48 : index
        %get3A_434 = tpu.vector_load %arg12[%get3A_432, %get3A_433] {strides = array<i32>} : memref<128x128xf32, #tpu.memory_space<vmem>>, vector<1x16xf32>,
        %get3A_435 = vector.shape_cast %get3A_434 : vector<1x16xf32> to vector<16xf32>
        %get3A_436 = arith.index_cast %add3A_380 : i32 to index
        %get3A_437 = arith.constant 112 : index
        %get3A_438 = tpu.vector_load %arg12[%get3A_436, %get3A_437] {strides = array<i32>} : memref<128x128xf32, #tpu.memory_space<vmem>>, vector<1x16xf32>,
        %get3A_439 = vector.shape_cast %get3A_438 : vector<1x16xf32> to vector<16xf32>
        %sub3A_440 = arith.subf %get3A_439, %get3A_435 : vector<16xf32>
        %mul3A_441 = arith.mulf %broadcast_in_dim3A_383, %sub3A_440 : vector<16xf32>
        %add3A_442 = arith.addf %get3A_435, %mul3A_441 : vector<16xf32>
        %swap3A_443 = arith.index_cast %add3A_380 : i32 to index
        %swap3A_444 = arith.constant 48 : index
        %swap3A_445 = tpu.vector_load %arg14[%swap3A_443, %swap3A_444] {strides = array<i32>} : memref<128x64xf32, #tpu.memory_space<vmem>>, vector<1x16xf32>,
        %swap3A_446 = vector.shape_cast %swap3A_445 : vector<1x16xf32> to vector<16xf32>
        %swap3A_447 = vector.shape_cast %add3A_442 : vector<16xf32> to vector<1x16xf32>
        tpu.vector_store %arg14[%swap3A_443, %swap3A_444], %swap3A_447 {strides = array<i32>} : memref<128x64xf32, #tpu.memory_space<vmem>>, vector<1x16xf32>,
        %add3A_448 = arith.constant 3 : i32
        %add3A_449 = arith.addi %mul3A_236, %add3A_448 : i32
        %slice3A_450 = vector.extract_strided_slice %get3A_242 {offsets = [3], sizes = [1], strides = [1]} : vector<16xf32> to vector<1xf32>
        %squeeze3A_451 = vector.extract %slice3A_450[0] : f32 from vector<1xf32>
        %broadcast_in_dim3A_452 = vector.broadcast %squeeze3A_451 : f32 to vector<16xf32>
        %get3A_453 = arith.index_cast %add3A_449 : i32 to index
        %get3A_454 = arith.constant 0 : index
        %get3A_455 = tpu.vector_load %arg12[%get3A_453, %get3A_454] {strides = array<i32>} : memref<128x128xf32, #tpu.memory_space<vmem>>, vector<1x16xf32>,
        %get3A_456 = vector.shape_cast %get3A_455 : vector<1x16xf32> to vector<16xf32>
        %get3A_457 = arith.index_cast %add3A_449 : i32 to index
        %get3A_458 = arith.constant 64 : index
        %get3A_459 = tpu.vector_load %arg12[%get3A_457, %get3A_458] {strides = array<i32>} : memref<128x128xf32, #tpu.memory_space<vmem>>, vector<1x16xf32>,
        %get3A_460 = vector.shape_cast %get3A_459 : vector<1x16xf32> to vector<16xf32>
        %sub3A_461 = arith.subf %get3A_460, %get3A_456 : vector<16xf32>
        %mul3A_462 = arith.mulf %broadcast_in_dim3A_452, %sub3A_461 : vector<16xf32>
        %add3A_463 = arith.addf %get3A_456, %mul3A_462 : vector<16xf32>
        %swap3A_464 = arith.index_cast %add3A_449 : i32 to index
        %swap3A_465 = arith.constant 0 : index
        %swap3A_466 = tpu.vector_load %arg14[%swap3A_464, %swap3A_465] {strides = array<i32>} : memref<128x64xf32, #tpu.memory_space<vmem>>, vector<1x16xf32>,
        %swap3A_467 = vector.shape_cast %swap3A_466 : vector<1x16xf32> to vector<16xf32>
        %swap3A_468 = vector.shape_cast %add3A_463 : vector<16xf32> to vector<1x16xf32>
        tpu.vector_store %arg14[%swap3A_464, %swap3A_465], %swap3A_468 {strides = array<i32>} : memref<128x64xf32, #tpu.memory_space<vmem>>, vector<1x16xf32>,
        %get3A_469 = arith.index_cast %add3A_449 : i32 to index
        %get3A_470 = arith.constant 16 : index
        %get3A_471 = tpu.vector_load %arg12[%get3A_469, %get3A_470] {strides = array<i32>} : memref<128x128xf32, #tpu.memory_space<vmem>>, vector<1x16xf32>,
        %get3A_472 = vector.shape_cast %get3A_471 : vector<1x16xf32> to vector<16xf32>
        %get3A_473 = arith.index_cast %add3A_449 : i32 to index
        %get3A_474 = arith.constant 80 : index
        %get3A_475 = tpu.vector_load %arg12[%get3A_473, %get3A_474] {strides = array<i32>} : memref<128x128xf32, #tpu.memory_space<vmem>>, vector<1x16xf32>,
        %get3A_476 = vector.shape_cast %get3A_475 : vector<1x16xf32> to vector<16xf32>
        %sub3A_477 = arith.subf %get3A_476, %get3A_472 : vector<16xf32>
        %mul3A_478 = arith.mulf %broadcast_in_dim3A_452, %sub3A_477 : vector<16xf32>
        %add3A_479 = arith.addf %get3A_472, %mul3A_478 : vector<16xf32>
        %swap3A_480 = arith.index_cast %add3A_449 : i32 to index
        %swap3A_481 = arith.constant 16 : index
        %swap3A_482 = tpu.vector_load %arg14[%swap3A_480, %swap3A_481] {strides = array<i32>} : memref<128x64xf32, #tpu.memory_space<vmem>>, vector<1x16xf32>,
        %swap3A_483 = vector.shape_cast %swap3A_482 : vector<1x16xf32> to vector<16xf32>
        %swap3A_484 = vector.shape_cast %add3A_479 : vector<16xf32> to vector<1x16xf32>
        tpu.vector_store %arg14[%swap3A_480, %swap3A_481], %swap3A_484 {strides = array<i32>} : memref<128x64xf32, #tpu.memory_space<vmem>>, vector<1x16xf32>,
        %get3A_485 = arith.index_cast %add3A_449 : i32 to index
        %get3A_486 = arith.constant 32 : index
        %get3A_487 = tpu.vector_load %arg12[%get3A_485, %get3A_486] {strides = array<i32>} : memref<128x128xf32, #tpu.memory_space<vmem>>, vector<1x16xf32>,
        %get3A_488 = vector.shape_cast %get3A_487 : vector<1x16xf32> to vector<16xf32>
        %get3A_489 = arith.index_cast %add3A_449 : i32 to index
        %get3A_490 = arith.constant 96 : index
        %get3A_491 = tpu.vector_load %arg12[%get3A_489, %get3A_490] {strides = array<i32>} : memref<128x128xf32, #tpu.memory_space<vmem>>, vector<1x16xf32>,
        %get3A_492 = vector.shape_cast %get3A_491 : vector<1x16xf32> to vector<16xf32>
        %sub3A_493 = arith.subf %get3A_492, %get3A_488 : vector<16xf32>
        %mul3A_494 = arith.mulf %broadcast_in_dim3A_452, %sub3A_493 : vector<16xf32>
        %add3A_495 = arith.addf %get3A_488, %mul3A_494 : vector<16xf32>
        %swap3A_496 = arith.index_cast %add3A_449 : i32 to index
        %swap3A_497 = arith.constant 32 : index
        %swap3A_498 = tpu.vector_load %arg14[%swap3A_496, %swap3A_497] {strides = array<i32>} : memref<128x64xf32, #tpu.memory_space<vmem>>, vector<1x16xf32>,
        %swap3A_499 = vector.shape_cast %swap3A_498 : vector<1x16xf32> to vector<16xf32>
        %swap3A_500 = vector.shape_cast %add3A_495 : vector<16xf32> to vector<1x16xf32>
        tpu.vector_store %arg14[%swap3A_496, %swap3A_497], %swap3A_500 {strides = array<i32>} : memref<128x64xf32, #tpu.memory_space<vmem>>, vector<1x16xf32>,
        %get3A_501 = arith.index_cast %add3A_449 : i32 to index
        %get3A_502 = arith.constant 48 : index
        %get3A_503 = tpu.vector_load %arg12[%get3A_501, %get3A_502] {strides = array<i32>} : memref<128x128xf32, #tpu.memory_space<vmem>>, vector<1x16xf32>,
        %get3A_504 = vector.shape_cast %get3A_503 : vector<1x16xf32> to vector<16xf32>
        %get3A_505 = arith.index_cast %add3A_449 : i32 to index
        %get3A_506 = arith.constant 112 : index
        %get3A_507 = tpu.vector_load %arg12[%get3A_505, %get3A_506] {strides = array<i32>} : memref<128x128xf32, #tpu.memory_space<vmem>>, vector<1x16xf32>,
        %get3A_508 = vector.shape_cast %get3A_507 : vector<1x16xf32> to vector<16xf32>
        %sub3A_509 = arith.subf %get3A_508, %get3A_504 : vector<16xf32>
        %mul3A_510 = arith.mulf %broadcast_in_dim3A_452, %sub3A_509 : vector<16xf32>
        %add3A_511 = arith.addf %get3A_504, %mul3A_510 : vector<16xf32>
        %swap3A_512 = arith.index_cast %add3A_449 : i32 to index
        %swap3A_513 = arith.constant 48 : index
        %swap3A_514 = tpu.vector_load %arg14[%swap3A_512, %swap3A_513] {strides = array<i32>} : memref<128x64xf32, #tpu.memory_space<vmem>>, vector<1x16xf32>,
        %swap3A_515 = vector.shape_cast %swap3A_514 : vector<1x16xf32> to vector<16xf32>
        %swap3A_516 = vector.shape_cast %add3A_511 : vector<16xf32> to vector<1x16xf32>
        tpu.vector_store %arg14[%swap3A_512, %swap3A_513], %swap3A_516 {strides = array<i32>} : memref<128x64xf32, #tpu.memory_space<vmem>>, vector<1x16xf32>,
        %add3A_517 = arith.constant 4 : i32
        %add3A_518 = arith.addi %mul3A_236, %add3A_517 : i32
        %slice3A_519 = vector.extract_strided_slice %get3A_242 {offsets = [4], sizes = [1], strides = [1]} : vector<16xf32> to vector<1xf32>
        %squeeze3A_520 = vector.extract %slice3A_519[0] : f32 from vector<1xf32>
        %broadcast_in_dim3A_521 = vector.broadcast %squeeze3A_520 : f32 to vector<16xf32>
        %get3A_522 = arith.index_cast %add3A_518 : i32 to index
        %get3A_523 = arith.constant 0 : index
        %get3A_524 = tpu.vector_load %arg12[%get3A_522, %get3A_523] {strides = array<i32>} : memref<128x128xf32, #tpu.memory_space<vmem>>, vector<1x16xf32>,
        %get3A_525 = vector.shape_cast %get3A_524 : vector<1x16xf32> to vector<16xf32>
        %get3A_526 = arith.index_cast %add3A_518 : i32 to index
        %get3A_527 = arith.constant 64 : index
        %get3A_528 = tpu.vector_load %arg12[%get3A_526, %get3A_527] {strides = array<i32>} : memref<128x128xf32, #tpu.memory_space<vmem>>, vector<1x16xf32>,
        %get3A_529 = vector.shape_cast %get3A_528 : vector<1x16xf32> to vector<16xf32>
        %sub3A_530 = arith.subf %get3A_529, %get3A_525 : vector<16xf32>
        %mul3A_531 = arith.mulf %broadcast_in_dim3A_521, %sub3A_530 : vector<16xf32>
        %add3A_532 = arith.addf %get3A_525, %mul3A_531 : vector<16xf32>
        %swap3A_533 = arith.index_cast %add3A_518 : i32 to index
        %swap3A_534 = arith.constant 0 : index
        %swap3A_535 = tpu.vector_load %arg14[%swap3A_533, %swap3A_534] {strides = array<i32>} : memref<128x64xf32, #tpu.memory_space<vmem>>, vector<1x16xf32>,
        %swap3A_536 = vector.shape_cast %swap3A_535 : vector<1x16xf32> to vector<16xf32>
        %swap3A_537 = vector.shape_cast %add3A_532 : vector<16xf32> to vector<1x16xf32>
        tpu.vector_store %arg14[%swap3A_533, %swap3A_534], %swap3A_537 {strides = array<i32>} : memref<128x64xf32, #tpu.memory_space<vmem>>, vector<1x16xf32>,
        %get3A_538 = arith.index_cast %add3A_518 : i32 to index
        %get3A_539 = arith.constant 16 : index
        %get3A_540 = tpu.vector_load %arg12[%get3A_538, %get3A_539] {strides = array<i32>} : memref<128x128xf32, #tpu.memory_space<vmem>>, vector<1x16xf32>,
        %get3A_541 = vector.shape_cast %get3A_540 : vector<1x16xf32> to vector<16xf32>
        %get3A_542 = arith.index_cast %add3A_518 : i32 to index
        %get3A_543 = arith.constant 80 : index
        %get3A_544 = tpu.vector_load %arg12[%get3A_542, %get3A_543] {strides = array<i32>} : memref<128x128xf32, #tpu.memory_space<vmem>>, vector<1x16xf32>,
        %get3A_545 = vector.shape_cast %get3A_544 : vector<1x16xf32> to vector<16xf32>
        %sub3A_546 = arith.subf %get3A_545, %get3A_541 : vector<16xf32>
        %mul3A_547 = arith.mulf %broadcast_in_dim3A_521, %sub3A_546 : vector<16xf32>
        %add3A_548 = arith.addf %get3A_541, %mul3A_547 : vector<16xf32>
        %swap3A_549 = arith.index_cast %add3A_518 : i32 to index
        %swap3A_550 = arith.constant 16 : index
        %swap3A_551 = tpu.vector_load %arg14[%swap3A_549, %swap3A_550] {strides = array<i32>} : memref<128x64xf32, #tpu.memory_space<vmem>>, vector<1x16xf32>,
        %swap3A_552 = vector.shape_cast %swap3A_551 : vector<1x16xf32> to vector<16xf32>
        %swap3A_553 = vector.shape_cast %add3A_548 : vector<16xf32> to vector<1x16xf32>
        tpu.vector_store %arg14[%swap3A_549, %swap3A_550], %swap3A_553 {strides = array<i32>} : memref<128x64xf32, #tpu.memory_space<vmem>>, vector<1x16xf32>,
        %get3A_554 = arith.index_cast %add3A_518 : i32 to index
        %get3A_555 = arith.constant 32 : index
        %get3A_556 = tpu.vector_load %arg12[%get3A_554, %get3A_555] {strides = array<i32>} : memref<128x128xf32, #tpu.memory_space<vmem>>, vector<1x16xf32>,
        %get3A_557 = vector.shape_cast %get3A_556 : vector<1x16xf32> to vector<16xf32>
        %get3A_558 = arith.index_cast %add3A_518 : i32 to index
        %get3A_559 = arith.constant 96 : index
        %get3A_560 = tpu.vector_load %arg12[%get3A_558, %get3A_559] {strides = array<i32>} : memref<128x128xf32, #tpu.memory_space<vmem>>, vector<1x16xf32>,
        %get3A_561 = vector.shape_cast %get3A_560 : vector<1x16xf32> to vector<16xf32>
        %sub3A_562 = arith.subf %get3A_561, %get3A_557 : vector<16xf32>
        %mul3A_563 = arith.mulf %broadcast_in_dim3A_521, %sub3A_562 : vector<16xf32>
        %add3A_564 = arith.addf %get3A_557, %mul3A_563 : vector<16xf32>
        %swap3A_565 = arith.index_cast %add3A_518 : i32 to index
        %swap3A_566 = arith.constant 32 : index
        %swap3A_567 = tpu.vector_load %arg14[%swap3A_565, %swap3A_566] {strides = array<i32>} : memref<128x64xf32, #tpu.memory_space<vmem>>, vector<1x16xf32>,
        %swap3A_568 = vector.shape_cast %swap3A_567 : vector<1x16xf32> to vector<16xf32>
        %swap3A_569 = vector.shape_cast %add3A_564 : vector<16xf32> to vector<1x16xf32>
        tpu.vector_store %arg14[%swap3A_565, %swap3A_566], %swap3A_569 {strides = array<i32>} : memref<128x64xf32, #tpu.memory_space<vmem>>, vector<1x16xf32>,
        %get3A_570 = arith.index_cast %add3A_518 : i32 to index
        %get3A_571 = arith.constant 48 : index
        %get3A_572 = tpu.vector_load %arg12[%get3A_570, %get3A_571] {strides = array<i32>} : memref<128x128xf32, #tpu.memory_space<vmem>>, vector<1x16xf32>,
        %get3A_573 = vector.shape_cast %get3A_572 : vector<1x16xf32> to vector<16xf32>
        %get3A_574 = arith.index_cast %add3A_518 : i32 to index
        %get3A_575 = arith.constant 112 : index
        %get3A_576 = tpu.vector_load %arg12[%get3A_574, %get3A_575] {strides = array<i32>} : memref<128x128xf32, #tpu.memory_space<vmem>>, vector<1x16xf32>,
        %get3A_577 = vector.shape_cast %get3A_576 : vector<1x16xf32> to vector<16xf32>
        %sub3A_578 = arith.subf %get3A_577, %get3A_573 : vector<16xf32>
        %mul3A_579 = arith.mulf %broadcast_in_dim3A_521, %sub3A_578 : vector<16xf32>
        %add3A_580 = arith.addf %get3A_573, %mul3A_579 : vector<16xf32>
        %swap3A_581 = arith.index_cast %add3A_518 : i32 to index
        %swap3A_582 = arith.constant 48 : index
        %swap3A_583 = tpu.vector_load %arg14[%swap3A_581, %swap3A_582] {strides = array<i32>} : memref<128x64xf32, #tpu.memory_space<vmem>>, vector<1x16xf32>,
        %swap3A_584 = vector.shape_cast %swap3A_583 : vector<1x16xf32> to vector<16xf32>
        %swap3A_585 = vector.shape_cast %add3A_580 : vector<16xf32> to vector<1x16xf32>
        tpu.vector_store %arg14[%swap3A_581, %swap3A_582], %swap3A_585 {strides = array<i32>} : memref<128x64xf32, #tpu.memory_space<vmem>>, vector<1x16xf32>,
        %add3A_586 = arith.constant 5 : i32
        %add3A_587 = arith.addi %mul3A_236, %add3A_586 : i32
        %slice3A_588 = vector.extract_strided_slice %get3A_242 {offsets = [5], sizes = [1], strides = [1]} : vector<16xf32> to vector<1xf32>
        %squeeze3A_589 = vector.extract %slice3A_588[0] : f32 from vector<1xf32>
        %broadcast_in_dim3A_590 = vector.broadcast %squeeze3A_589 : f32 to vector<16xf32>
        %get3A_591 = arith.index_cast %add3A_587 : i32 to index
        %get3A_592 = arith.constant 0 : index
        %get3A_593 = tpu.vector_load %arg12[%get3A_591, %get3A_592] {strides = array<i32>} : memref<128x128xf32, #tpu.memory_space<vmem>>, vector<1x16xf32>,
        %get3A_594 = vector.shape_cast %get3A_593 : vector<1x16xf32> to vector<16xf32>
        %get3A_595 = arith.index_cast %add3A_587 : i32 to index
        %get3A_596 = arith.constant 64 : index
        %get3A_597 = tpu.vector_load %arg12[%get3A_595, %get3A_596] {strides = array<i32>} : memref<128x128xf32, #tpu.memory_space<vmem>>, vector<1x16xf32>,
        %get3A_598 = vector.shape_cast %get3A_597 : vector<1x16xf32> to vector<16xf32>
        %sub3A_599 = arith.subf %get3A_598, %get3A_594 : vector<16xf32>
        %mul3A_600 = arith.mulf %broadcast_in_dim3A_590, %sub3A_599 : vector<16xf32>
        %add3A_601 = arith.addf %get3A_594, %mul3A_600 : vector<16xf32>
        %swap3A_602 = arith.index_cast %add3A_587 : i32 to index
        %swap3A_603 = arith.constant 0 : index
        %swap3A_604 = tpu.vector_load %arg14[%swap3A_602, %swap3A_603] {strides = array<i32>} : memref<128x64xf32, #tpu.memory_space<vmem>>, vector<1x16xf32>,
        %swap3A_605 = vector.shape_cast %swap3A_604 : vector<1x16xf32> to vector<16xf32>
        %swap3A_606 = vector.shape_cast %add3A_601 : vector<16xf32> to vector<1x16xf32>
        tpu.vector_store %arg14[%swap3A_602, %swap3A_603], %swap3A_606 {strides = array<i32>} : memref<128x64xf32, #tpu.memory_space<vmem>>, vector<1x16xf32>,
        %get3A_607 = arith.index_cast %add3A_587 : i32 to index
        %get3A_608 = arith.constant 16 : index
        %get3A_609 = tpu.vector_load %arg12[%get3A_607, %get3A_608] {strides = array<i32>} : memref<128x128xf32, #tpu.memory_space<vmem>>, vector<1x16xf32>,
        %get3A_610 = vector.shape_cast %get3A_609 : vector<1x16xf32> to vector<16xf32>
        %get3A_611 = arith.index_cast %add3A_587 : i32 to index
        %get3A_612 = arith.constant 80 : index
        %get3A_613 = tpu.vector_load %arg12[%get3A_611, %get3A_612] {strides = array<i32>} : memref<128x128xf32, #tpu.memory_space<vmem>>, vector<1x16xf32>,
        %get3A_614 = vector.shape_cast %get3A_613 : vector<1x16xf32> to vector<16xf32>
        %sub3A_615 = arith.subf %get3A_614, %get3A_610 : vector<16xf32>
        %mul3A_616 = arith.mulf %broadcast_in_dim3A_590, %sub3A_615 : vector<16xf32>
        %add3A_617 = arith.addf %get3A_610, %mul3A_616 : vector<16xf32>
        %swap3A_618 = arith.index_cast %add3A_587 : i32 to index
        %swap3A_619 = arith.constant 16 : index
        %swap3A_620 = tpu.vector_load %arg14[%swap3A_618, %swap3A_619] {strides = array<i32>} : memref<128x64xf32, #tpu.memory_space<vmem>>, vector<1x16xf32>,
        %swap3A_621 = vector.shape_cast %swap3A_620 : vector<1x16xf32> to vector<16xf32>
        %swap3A_622 = vector.shape_cast %add3A_617 : vector<16xf32> to vector<1x16xf32>
        tpu.vector_store %arg14[%swap3A_618, %swap3A_619], %swap3A_622 {strides = array<i32>} : memref<128x64xf32, #tpu.memory_space<vmem>>, vector<1x16xf32>,
        %get3A_623 = arith.index_cast %add3A_587 : i32 to index
        %get3A_624 = arith.constant 32 : index
        %get3A_625 = tpu.vector_load %arg12[%get3A_623, %get3A_624] {strides = array<i32>} : memref<128x128xf32, #tpu.memory_space<vmem>>, vector<1x16xf32>,
        %get3A_626 = vector.shape_cast %get3A_625 : vector<1x16xf32> to vector<16xf32>
        %get3A_627 = arith.index_cast %add3A_587 : i32 to index
        %get3A_628 = arith.constant 96 : index
        %get3A_629 = tpu.vector_load %arg12[%get3A_627, %get3A_628] {strides = array<i32>} : memref<128x128xf32, #tpu.memory_space<vmem>>, vector<1x16xf32>,
        %get3A_630 = vector.shape_cast %get3A_629 : vector<1x16xf32> to vector<16xf32>
        %sub3A_631 = arith.subf %get3A_630, %get3A_626 : vector<16xf32>
        %mul3A_632 = arith.mulf %broadcast_in_dim3A_590, %sub3A_631 : vector<16xf32>
        %add3A_633 = arith.addf %get3A_626, %mul3A_632 : vector<16xf32>
        %swap3A_634 = arith.index_cast %add3A_587 : i32 to index
        %swap3A_635 = arith.constant 32 : index
        %swap3A_636 = tpu.vector_load %arg14[%swap3A_634, %swap3A_635] {strides = array<i32>} : memref<128x64xf32, #tpu.memory_space<vmem>>, vector<1x16xf32>,
        %swap3A_637 = vector.shape_cast %swap3A_636 : vector<1x16xf32> to vector<16xf32>
        %swap3A_638 = vector.shape_cast %add3A_633 : vector<16xf32> to vector<1x16xf32>
        tpu.vector_store %arg14[%swap3A_634, %swap3A_635], %swap3A_638 {strides = array<i32>} : memref<128x64xf32, #tpu.memory_space<vmem>>, vector<1x16xf32>,
        %get3A_639 = arith.index_cast %add3A_587 : i32 to index
        %get3A_640 = arith.constant 48 : index
        %get3A_641 = tpu.vector_load %arg12[%get3A_639, %get3A_640] {strides = array<i32>} : memref<128x128xf32, #tpu.memory_space<vmem>>, vector<1x16xf32>,
        %get3A_642 = vector.shape_cast %get3A_641 : vector<1x16xf32> to vector<16xf32>
        %get3A_643 = arith.index_cast %add3A_587 : i32 to index
        %get3A_644 = arith.constant 112 : index
        %get3A_645 = tpu.vector_load %arg12[%get3A_643, %get3A_644] {strides = array<i32>} : memref<128x128xf32, #tpu.memory_space<vmem>>, vector<1x16xf32>,
        %get3A_646 = vector.shape_cast %get3A_645 : vector<1x16xf32> to vector<16xf32>
        %sub3A_647 = arith.subf %get3A_646, %get3A_642 : vector<16xf32>
        %mul3A_648 = arith.mulf %broadcast_in_dim3A_590, %sub3A_647 : vector<16xf32>
        %add3A_649 = arith.addf %get3A_642, %mul3A_648 : vector<16xf32>
        %swap3A_650 = arith.index_cast %add3A_587 : i32 to index
        %swap3A_651 = arith.constant 48 : index
        %swap3A_652 = tpu.vector_load %arg14[%swap3A_650, %swap3A_651] {strides = array<i32>} : memref<128x64xf32, #tpu.memory_space<vmem>>, vector<1x16xf32>,
        %swap3A_653 = vector.shape_cast %swap3A_652 : vector<1x16xf32> to vector<16xf32>
        %swap3A_654 = vector.shape_cast %add3A_649 : vector<16xf32> to vector<1x16xf32>
        tpu.vector_store %arg14[%swap3A_650, %swap3A_651], %swap3A_654 {strides = array<i32>} : memref<128x64xf32, #tpu.memory_space<vmem>>, vector<1x16xf32>,
        %add3A_655 = arith.constant 6 : i32
        %add3A_656 = arith.addi %mul3A_236, %add3A_655 : i32
        %slice3A_657 = vector.extract_strided_slice %get3A_242 {offsets = [6], sizes = [1], strides = [1]} : vector<16xf32> to vector<1xf32>
        %squeeze3A_658 = vector.extract %slice3A_657[0] : f32 from vector<1xf32>
        %broadcast_in_dim3A_659 = vector.broadcast %squeeze3A_658 : f32 to vector<16xf32>
        %get3A_660 = arith.index_cast %add3A_656 : i32 to index
        %get3A_661 = arith.constant 0 : index
        %get3A_662 = tpu.vector_load %arg12[%get3A_660, %get3A_661] {strides = array<i32>} : memref<128x128xf32, #tpu.memory_space<vmem>>, vector<1x16xf32>,
        %get3A_663 = vector.shape_cast %get3A_662 : vector<1x16xf32> to vector<16xf32>
        %get3A_664 = arith.index_cast %add3A_656 : i32 to index
        %get3A_665 = arith.constant 64 : index
        %get3A_666 = tpu.vector_load %arg12[%get3A_664, %get3A_665] {strides = array<i32>} : memref<128x128xf32, #tpu.memory_space<vmem>>, vector<1x16xf32>,
        %get3A_667 = vector.shape_cast %get3A_666 : vector<1x16xf32> to vector<16xf32>
        %sub3A_668 = arith.subf %get3A_667, %get3A_663 : vector<16xf32>
        %mul3A_669 = arith.mulf %broadcast_in_dim3A_659, %sub3A_668 : vector<16xf32>
        %add3A_670 = arith.addf %get3A_663, %mul3A_669 : vector<16xf32>
        %swap3A_671 = arith.index_cast %add3A_656 : i32 to index
        %swap3A_672 = arith.constant 0 : index
        %swap3A_673 = tpu.vector_load %arg14[%swap3A_671, %swap3A_672] {strides = array<i32>} : memref<128x64xf32, #tpu.memory_space<vmem>>, vector<1x16xf32>,
        %swap3A_674 = vector.shape_cast %swap3A_673 : vector<1x16xf32> to vector<16xf32>
        %swap3A_675 = vector.shape_cast %add3A_670 : vector<16xf32> to vector<1x16xf32>
        tpu.vector_store %arg14[%swap3A_671, %swap3A_672], %swap3A_675 {strides = array<i32>} : memref<128x64xf32, #tpu.memory_space<vmem>>, vector<1x16xf32>,
        %get3A_676 = arith.index_cast %add3A_656 : i32 to index
        %get3A_677 = arith.constant 16 : index
        %get3A_678 = tpu.vector_load %arg12[%get3A_676, %get3A_677] {strides = array<i32>} : memref<128x128xf32, #tpu.memory_space<vmem>>, vector<1x16xf32>,
        %get3A_679 = vector.shape_cast %get3A_678 : vector<1x16xf32> to vector<16xf32>
        %get3A_680 = arith.index_cast %add3A_656 : i32 to index
        %get3A_681 = arith.constant 80 : index
        %get3A_682 = tpu.vector_load %arg12[%get3A_680, %get3A_681] {strides = array<i32>} : memref<128x128xf32, #tpu.memory_space<vmem>>, vector<1x16xf32>,
        %get3A_683 = vector.shape_cast %get3A_682 : vector<1x16xf32> to vector<16xf32>
        %sub3A_684 = arith.subf %get3A_683, %get3A_679 : vector<16xf32>
        %mul3A_685 = arith.mulf %broadcast_in_dim3A_659, %sub3A_684 : vector<16xf32>
        %add3A_686 = arith.addf %get3A_679, %mul3A_685 : vector<16xf32>
        %swap3A_687 = arith.index_cast %add3A_656 : i32 to index
        %swap3A_688 = arith.constant 16 : index
        %swap3A_689 = tpu.vector_load %arg14[%swap3A_687, %swap3A_688] {strides = array<i32>} : memref<128x64xf32, #tpu.memory_space<vmem>>, vector<1x16xf32>,
        %swap3A_690 = vector.shape_cast %swap3A_689 : vector<1x16xf32> to vector<16xf32>
        %swap3A_691 = vector.shape_cast %add3A_686 : vector<16xf32> to vector<1x16xf32>
        tpu.vector_store %arg14[%swap3A_687, %swap3A_688], %swap3A_691 {strides = array<i32>} : memref<128x64xf32, #tpu.memory_space<vmem>>, vector<1x16xf32>,
        %get3A_692 = arith.index_cast %add3A_656 : i32 to index
        %get3A_693 = arith.constant 32 : index
        %get3A_694 = tpu.vector_load %arg12[%get3A_692, %get3A_693] {strides = array<i32>} : memref<128x128xf32, #tpu.memory_space<vmem>>, vector<1x16xf32>,
        %get3A_695 = vector.shape_cast %get3A_694 : vector<1x16xf32> to vector<16xf32>
        %get3A_696 = arith.index_cast %add3A_656 : i32 to index
        %get3A_697 = arith.constant 96 : index
        %get3A_698 = tpu.vector_load %arg12[%get3A_696, %get3A_697] {strides = array<i32>} : memref<128x128xf32, #tpu.memory_space<vmem>>, vector<1x16xf32>,
        %get3A_699 = vector.shape_cast %get3A_698 : vector<1x16xf32> to vector<16xf32>
        %sub3A_700 = arith.subf %get3A_699, %get3A_695 : vector<16xf32>
        %mul3A_701 = arith.mulf %broadcast_in_dim3A_659, %sub3A_700 : vector<16xf32>
        %add3A_702 = arith.addf %get3A_695, %mul3A_701 : vector<16xf32>
        %swap3A_703 = arith.index_cast %add3A_656 : i32 to index
        %swap3A_704 = arith.constant 32 : index
        %swap3A_705 = tpu.vector_load %arg14[%swap3A_703, %swap3A_704] {strides = array<i32>} : memref<128x64xf32, #tpu.memory_space<vmem>>, vector<1x16xf32>,
        %swap3A_706 = vector.shape_cast %swap3A_705 : vector<1x16xf32> to vector<16xf32>
        %swap3A_707 = vector.shape_cast %add3A_702 : vector<16xf32> to vector<1x16xf32>
        tpu.vector_store %arg14[%swap3A_703, %swap3A_704], %swap3A_707 {strides = array<i32>} : memref<128x64xf32, #tpu.memory_space<vmem>>, vector<1x16xf32>,
        %get3A_708 = arith.index_cast %add3A_656 : i32 to index
        %get3A_709 = arith.constant 48 : index
        %get3A_710 = tpu.vector_load %arg12[%get3A_708, %get3A_709] {strides = array<i32>} : memref<128x128xf32, #tpu.memory_space<vmem>>, vector<1x16xf32>,
        %get3A_711 = vector.shape_cast %get3A_710 : vector<1x16xf32> to vector<16xf32>
        %get3A_712 = arith.index_cast %add3A_656 : i32 to index
        %get3A_713 = arith.constant 112 : index
        %get3A_714 = tpu.vector_load %arg12[%get3A_712, %get3A_713] {strides = array<i32>} : memref<128x128xf32, #tpu.memory_space<vmem>>, vector<1x16xf32>,
        %get3A_715 = vector.shape_cast %get3A_714 : vector<1x16xf32> to vector<16xf32>
        %sub3A_716 = arith.subf %get3A_715, %get3A_711 : vector<16xf32>
        %mul3A_717 = arith.mulf %broadcast_in_dim3A_659, %sub3A_716 : vector<16xf32>
        %add3A_718 = arith.addf %get3A_711, %mul3A_717 : vector<16xf32>
        %swap3A_719 = arith.index_cast %add3A_656 : i32 to index
        %swap3A_720 = arith.constant 48 : index
        %swap3A_721 = tpu.vector_load %arg14[%swap3A_719, %swap3A_720] {strides = array<i32>} : memref<128x64xf32, #tpu.memory_space<vmem>>, vector<1x16xf32>,
        %swap3A_722 = vector.shape_cast %swap3A_721 : vector<1x16xf32> to vector<16xf32>
        %swap3A_723 = vector.shape_cast %add3A_718 : vector<16xf32> to vector<1x16xf32>
        tpu.vector_store %arg14[%swap3A_719, %swap3A_720], %swap3A_723 {strides = array<i32>} : memref<128x64xf32, #tpu.memory_space<vmem>>, vector<1x16xf32>,
        %add3A_724 = arith.constant 7 : i32
        %add3A_725 = arith.addi %mul3A_236, %add3A_724 : i32
        %slice3A_726 = vector.extract_strided_slice %get3A_242 {offsets = [7], sizes = [1], strides = [1]} : vector<16xf32> to vector<1xf32>
        %squeeze3A_727 = vector.extract %slice3A_726[0] : f32 from vector<1xf32>
        %broadcast_in_dim3A_728 = vector.broadcast %squeeze3A_727 : f32 to vector<16xf32>
        %get3A_729 = arith.index_cast %add3A_725 : i32 to index
        %get3A_730 = arith.constant 0 : index
        %get3A_731 = tpu.vector_load %arg12[%get3A_729, %get3A_730] {strides = array<i32>} : memref<128x128xf32, #tpu.memory_space<vmem>>, vector<1x16xf32>,
        %get3A_732 = vector.shape_cast %get3A_731 : vector<1x16xf32> to vector<16xf32>
        %get3A_733 = arith.index_cast %add3A_725 : i32 to index
        %get3A_734 = arith.constant 64 : index
        %get3A_735 = tpu.vector_load %arg12[%get3A_733, %get3A_734] {strides = array<i32>} : memref<128x128xf32, #tpu.memory_space<vmem>>, vector<1x16xf32>,
        %get3A_736 = vector.shape_cast %get3A_735 : vector<1x16xf32> to vector<16xf32>
        %sub3A_737 = arith.subf %get3A_736, %get3A_732 : vector<16xf32>
        %mul3A_738 = arith.mulf %broadcast_in_dim3A_728, %sub3A_737 : vector<16xf32>
        %add3A_739 = arith.addf %get3A_732, %mul3A_738 : vector<16xf32>
        %swap3A_740 = arith.index_cast %add3A_725 : i32 to index
        %swap3A_741 = arith.constant 0 : index
        %swap3A_742 = tpu.vector_load %arg14[%swap3A_740, %swap3A_741] {strides = array<i32>} : memref<128x64xf32, #tpu.memory_space<vmem>>, vector<1x16xf32>,
        %swap3A_743 = vector.shape_cast %swap3A_742 : vector<1x16xf32> to vector<16xf32>
        %swap3A_744 = vector.shape_cast %add3A_739 : vector<16xf32> to vector<1x16xf32>
        tpu.vector_store %arg14[%swap3A_740, %swap3A_741], %swap3A_744 {strides = array<i32>} : memref<128x64xf32, #tpu.memory_space<vmem>>, vector<1x16xf32>,
        %get3A_745 = arith.index_cast %add3A_725 : i32 to index
        %get3A_746 = arith.constant 16 : index
        %get3A_747 = tpu.vector_load %arg12[%get3A_745, %get3A_746] {strides = array<i32>} : memref<128x128xf32, #tpu.memory_space<vmem>>, vector<1x16xf32>,
        %get3A_748 = vector.shape_cast %get3A_747 : vector<1x16xf32> to vector<16xf32>
        %get3A_749 = arith.index_cast %add3A_725 : i32 to index
        %get3A_750 = arith.constant 80 : index
        %get3A_751 = tpu.vector_load %arg12[%get3A_749, %get3A_750] {strides = array<i32>} : memref<128x128xf32, #tpu.memory_space<vmem>>, vector<1x16xf32>,
        %get3A_752 = vector.shape_cast %get3A_751 : vector<1x16xf32> to vector<16xf32>
        %sub3A_753 = arith.subf %get3A_752, %get3A_748 : vector<16xf32>
        %mul3A_754 = arith.mulf %broadcast_in_dim3A_728, %sub3A_753 : vector<16xf32>
        %add3A_755 = arith.addf %get3A_748, %mul3A_754 : vector<16xf32>
        %swap3A_756 = arith.index_cast %add3A_725 : i32 to index
        %swap3A_757 = arith.constant 16 : index
        %swap3A_758 = tpu.vector_load %arg14[%swap3A_756, %swap3A_757] {strides = array<i32>} : memref<128x64xf32, #tpu.memory_space<vmem>>, vector<1x16xf32>,
        %swap3A_759 = vector.shape_cast %swap3A_758 : vector<1x16xf32> to vector<16xf32>
        %swap3A_760 = vector.shape_cast %add3A_755 : vector<16xf32> to vector<1x16xf32>
        tpu.vector_store %arg14[%swap3A_756, %swap3A_757], %swap3A_760 {strides = array<i32>} : memref<128x64xf32, #tpu.memory_space<vmem>>, vector<1x16xf32>,
        %get3A_761 = arith.index_cast %add3A_725 : i32 to index
        %get3A_762 = arith.constant 32 : index
        %get3A_763 = tpu.vector_load %arg12[%get3A_761, %get3A_762] {strides = array<i32>} : memref<128x128xf32, #tpu.memory_space<vmem>>, vector<1x16xf32>,
        %get3A_764 = vector.shape_cast %get3A_763 : vector<1x16xf32> to vector<16xf32>
        %get3A_765 = arith.index_cast %add3A_725 : i32 to index
        %get3A_766 = arith.constant 96 : index
        %get3A_767 = tpu.vector_load %arg12[%get3A_765, %get3A_766] {strides = array<i32>} : memref<128x128xf32, #tpu.memory_space<vmem>>, vector<1x16xf32>,
        %get3A_768 = vector.shape_cast %get3A_767 : vector<1x16xf32> to vector<16xf32>
        %sub3A_769 = arith.subf %get3A_768, %get3A_764 : vector<16xf32>
        %mul3A_770 = arith.mulf %broadcast_in_dim3A_728, %sub3A_769 : vector<16xf32>
        %add3A_771 = arith.addf %get3A_764, %mul3A_770 : vector<16xf32>
        %swap3A_772 = arith.index_cast %add3A_725 : i32 to index
        %swap3A_773 = arith.constant 32 : index
        %swap3A_774 = tpu.vector_load %arg14[%swap3A_772, %swap3A_773] {strides = array<i32>} : memref<128x64xf32, #tpu.memory_space<vmem>>, vector<1x16xf32>,
        %swap3A_775 = vector.shape_cast %swap3A_774 : vector<1x16xf32> to vector<16xf32>
        %swap3A_776 = vector.shape_cast %add3A_771 : vector<16xf32> to vector<1x16xf32>
        tpu.vector_store %arg14[%swap3A_772, %swap3A_773], %swap3A_776 {strides = array<i32>} : memref<128x64xf32, #tpu.memory_space<vmem>>, vector<1x16xf32>,
        %get3A_777 = arith.index_cast %add3A_725 : i32 to index
        %get3A_778 = arith.constant 48 : index
        %get3A_779 = tpu.vector_load %arg12[%get3A_777, %get3A_778] {strides = array<i32>} : memref<128x128xf32, #tpu.memory_space<vmem>>, vector<1x16xf32>,
        %get3A_780 = vector.shape_cast %get3A_779 : vector<1x16xf32> to vector<16xf32>
        %get3A_781 = arith.index_cast %add3A_725 : i32 to index
        %get3A_782 = arith.constant 112 : index
        %get3A_783 = tpu.vector_load %arg12[%get3A_781, %get3A_782] {strides = array<i32>} : memref<128x128xf32, #tpu.memory_space<vmem>>, vector<1x16xf32>,
        %get3A_784 = vector.shape_cast %get3A_783 : vector<1x16xf32> to vector<16xf32>
        %sub3A_785 = arith.subf %get3A_784, %get3A_780 : vector<16xf32>
        %mul3A_786 = arith.mulf %broadcast_in_dim3A_728, %sub3A_785 : vector<16xf32>
        %add3A_787 = arith.addf %get3A_780, %mul3A_786 : vector<16xf32>
        %swap3A_788 = arith.index_cast %add3A_725 : i32 to index
        %swap3A_789 = arith.constant 48 : index
        %swap3A_790 = tpu.vector_load %arg14[%swap3A_788, %swap3A_789] {strides = array<i32>} : memref<128x64xf32, #tpu.memory_space<vmem>>, vector<1x16xf32>,
        %swap3A_791 = vector.shape_cast %swap3A_790 : vector<1x16xf32> to vector<16xf32>
        %swap3A_792 = vector.shape_cast %add3A_787 : vector<16xf32> to vector<1x16xf32>
        tpu.vector_store %arg14[%swap3A_788, %swap3A_789], %swap3A_792 {strides = array<i32>} : memref<128x64xf32, #tpu.memory_space<vmem>>, vector<1x16xf32>,
        %scan3A_793 = arith.constant 0 : i32
        scf.yield %scan3A_793 : i32
      }
      %scan3A_218 = arith.constant 16 : i32
      %mul3A_219 = arith.constant 128 : i32
      %mul3A_220 = arith.muli %add3A_191, %mul3A_219 : i32
      %add3A_221 = arith.addi %mul3A_4, %mul3A_220 : i32
      %multiple_of3A_222 = tpu.assume_multiple %add3A_221, 128 : i32
      %dma_start3A_223 = arith.constant 0 : i32
      %dma_start3A_224 = tpu.memref_slice %arg5[%multiple_of3A_222, %dma_start3A_223] : memref<262144x64xf32, #tpu.memory_space<hbm>> -> memref<128x64xf32, #tpu.memory_space<hbm>>
      %dma_start3A_225 = arith.constant 0 : i32
      %dma_start3A_226 = tpu.memref_slice %arg5[%multiple_of3A_222, %dma_start3A_225] : memref<262144x64xf32, #tpu.memory_space<hbm>> -> memref<128x64xf32, #tpu.memory_space<hbm>>
      tpu.enqueue_dma source(%arg14 : memref<128x64xf32, #tpu.memory_space<vmem>>) target(%dma_start3A_226 : memref<128x64xf32, #tpu.memory_space<hbm>>) target_semaphore(%arg20 : memref<!tpu.dma_semaphore, #tpu.memory_space<semaphore_mem>>)
      %lt3A_227 = arith.constant 15 : i32
      %lt3A_228 = arith.cmpi slt, %scan3A_69, %lt3A_227 : i32
      %convert_element_type3A_229 = arith.extui %lt3A_228 : i1 to i32
      %cond3A_230 = arith.constant 0 : i32
      %cond3A_231 = arith.cmpi ne, %convert_element_type3A_229, %cond3A_230 : i32
      scf.if %cond3A_231 {
        %add3A_233 = arith.constant 4 : i32
        %add3A_234 = arith.addi %add3A_191, %add3A_233 : i32
        %mul3A_235 = arith.constant 1 : i32
        %mul3A_236 = arith.muli %add3A_234, %mul3A_235 : i32
        %add3A_237 = arith.constant 0 : i32
        %add3A_238 = arith.addi %mul3A_236, %add3A_237 : i32
        %dma_start3A_239 = arith.constant 0 : i32
        %dma_start3A_240 = arith.constant 0 : i32
        %dma_start3A_241 = tpu.memref_slice %arg12[%dma_start3A_239, %dma_start3A_240] : memref<128x128xf32, #tpu.memory_space<vmem>> -> memref<128x128xf32, #tpu.memory_space<vmem>>
        %dma_start3A_242 = arith.constant 0 : i32
        %dma_start3A_243 = tpu.memref_slice %arg7[%add3A_238, %dma_start3A_242] : memref<64x128xi32, #tpu.memory_space<vmem>> -> memref<1x128xi32, #tpu.memory_space<vmem>>
        %dma_start3A_244 = tpu.memref_squeeze %dma_start3A_243 : memref<1x128xi32, #tpu.memory_space<vmem>> -> memref<128xi32, #tpu.memory_space<vmem>>
        %dma_start3A_245 = arith.constant 0 : i32
        %dma_start3A_246 = arith.constant 0 : i32
        %dma_start3A_247 = tpu.memref_slice %arg3[%dma_start3A_245, %dma_start3A_246] : memref<65536x128xf32, #tpu.memory_space<hbm>> -> memref<65536x128xf32, #tpu.memory_space<hbm>>
        tpu.enqueue_indirect_dma source(%dma_start3A_247 : memref<65536x128xf32, #tpu.memory_space<hbm>>) target(%dma_start3A_241 : memref<128x128xf32, #tpu.memory_space<vmem>>) offsets(%dma_start3A_244 : memref<128xi32, #tpu.memory_space<vmem>>) semaphore(%arg18 : memref<!tpu.dma_semaphore, #tpu.memory_space<semaphore_mem>>)
      } else {
      }
      %scan3A_232 = arith.constant 0 : i32
      scf.yield %scan3A_232 : i32
    }
    %scan3A_56 = arith.constant 16 : i32
    %add3A_57 = arith.constant 7936 : i32
    %add3A_58 = arith.addi %mul3A_4, %add3A_57 : i32
    %multiple_of3A = tpu.assume_multiple %add3A_58, 128 : i32
    %dma_wait3A = arith.constant 0 : i32
    %dma_wait3A_59 = tpu.memref_slice %arg5[%multiple_of3A, %dma_wait3A] : memref<262144x64xf32, #tpu.memory_space<hbm>> -> memref<128x64xf32, #tpu.memory_space<hbm>>
    %dma_wait3A_60 = arith.constant 0 : i32
    %dma_wait3A_61 = tpu.memref_slice %arg5[%multiple_of3A, %dma_wait3A_60] : memref<262144x64xf32, #tpu.memory_space<hbm>> -> memref<128x64xf32, #tpu.memory_space<hbm>>
    tpu.wait_dma2 semaphore(%arg19 : memref<!tpu.dma_semaphore, #tpu.memory_space<semaphore_mem>>) src(%arg13 : memref<128x64xf32, #tpu.memory_space<vmem>>) dst(%dma_wait3A_61 : memref<128x64xf32, #tpu.memory_space<hbm>>)
    %add3A_62 = arith.constant 8064 : i32
    %add3A_63 = arith.addi %mul3A_4, %add3A_62 : i32
    %multiple_of3A_64 = tpu.assume_multiple %add3A_63, 128 : i32
    %dma_wait3A_65 = arith.constant 0 : i32
    %dma_wait3A_66 = tpu.memref_slice %arg5[%multiple_of3A_64, %dma_wait3A_65] : memref<262144x64xf32, #tpu.memory_space<hbm>> -> memref<128x64xf32, #tpu.memory_space<hbm>>
    %dma_wait3A_67 = arith.constant 0 : i32
    %dma_wait3A_68 = tpu.memref_slice %arg5[%multiple_of3A_64, %dma_wait3A_67] : memref<262144x64xf32, #tpu.memory_space<hbm>> -> memref<128x64xf32, #tpu.memory_space<hbm>>
    tpu.wait_dma2 semaphore(%arg20 : memref<!tpu.dma_semaphore, #tpu.memory_space<semaphore_mem>>) src(%arg14 : memref<128x64xf32, #tpu.memory_space<vmem>>) dst(%dma_wait3A_68 : memref<128x64xf32, #tpu.memory_space<hbm>>)
    return
  }
}

</mosaic_0001>

<sc_bundles>
// kernel: kernel.3.cloned.1.call-start
scs
__scs_entry_jumppad:
0x0: {  	(pc) =	sbr.rel $0x88, $3  }
0x1: {  	(tag) =	ssettag $0x0;
	lr =	simm.s32 $0x1  }
0x2: {  	[smem:$0x3F9F] =	sst lr;
	_ =	strace $0xD0000000  }
0x3: {  	_ = 	snop  }
0x4: {  	_ = 	snop  }
0x5: {  	_ = 	snop  }
0x6: {  	_ = 	snop  }
0x7: {  	_ = 	snop  }
__scs_overlays_trampoline_lowered:
0x8: {  	[smem:$0x3FAE] =	sst s0  }
0x9: {  	[smem:$0x3FAF] =	sst s1  }
0xa: {  	[smem:$0x3FB0] =	sst s2  }
0xb: {  	[smem:$0x3FB1] =	sst s3  }
0xc: {  	[smem:$0x3FB2] =	sst s4  }
0xd: {  	[smem:$0x3FB3] =	sst s5  }
0xe: {  	[smem:$0x3FB4] =	sst s6  }
0xf: {  	[smem:$0x3FB5] =	sst s7  }
0x10: {  	[smem:$0x3FB6] =	sst s8  }
0x11: {  	[smem:$0x3FB7] =	sst s9;
	s0 =	simm.s32 @!p0 $0x0  }
0x12: {  	s1 =	sld [smem:$0x3F9D];
	s0 =	simm.s32 @p0 $0x1  }
0x13: {  	[smem:$0x3FB8] =	sst s0;
	s0 =	simm.s32 @!p1 $0x0  }
0x14: {  	s2 =	sld [smem:$0x3F9C];
	s0 =	simm.s32 @p1 $0x1  }
0x15: {  	[smem:$0x3FB9] =	sst s0;
	s0 =	simm.s32 @!p2 $0x0  }
0x16: {  	s3 =	sld [smem:$0x3FDB];
	s0 =	simm.s32 @p2 $0x1  }
0x17: {  	s4 =	simm.s32 $0x1BF5;
	[smem:$0x3FBB] =	sst s0  }
0x18: {  	s0 =	sld [smem:$0x3F9E];
	_ =	swait.ge [sflag:s4], $0x0  }
0x19: {  	s7 =	sld [smem:$0x3F9F]  }
0x1a: {  	s8 =	sadd.s32 $0xFFFFE003, lr  }
0x1b: {  	s9 =	sadd.s32 $0xFFFFFEF7, lr;
	s5 =	simm.s32 $0xFFFFFFFF;
	p2 =	slt.u32 s8, $0xFFFFF086  }
0x1c: {  	p1 =	slt.u32 s9, $0xF7A;
	s5 =	simm.s32 @!p2 $0x0  }
0x1d: {  	s5 =	simm.s32 @p1 $0x1;
	p0 =	seq.s32 s7, s2  }
0x1e: {  	s7 =	smul.u32 @!p0 $0xF7A, s2;
	p2 =	seq.s32 @!p0 s5, $0x0  }
0x1f: {  	s9 =	smul.u32 $0xF7A, s1;
	s8 =	simm.s32 @!p0 $0x1BF5;
	p2 =	por !p2, p0  }
0x20: {  	[sflag:s8] =	ssyncset.s32 @!p0 $0xFFFFF086;
	s6 =	sadd.s32 @!p0 s3, s7;
	s7 =	simm.s32 @!p0 $0x108  }
0x21: {  	s3 =	sadd.s32 s3, s9;
	s6 =	sadd.s32 @!p0 $0x88, s6;
	s7 =	simm.s32 @p2 $0x1082  }
0x22: {  	[simem:s7], [sflag:s8] =	dma.local @!p0 [hbm:s6], $0xF7A  }
0x23: {  	s9 =	sor.u32 $0xD0000000, s2;
	s6 =	simm.s32 $0x108;
	_ =	swait.ge @!p0 [sflag:s8], $0x0  }
0x24: {  	s3 =	sadd.s32 $0x88, s3;
	s6 =	simm.s32 @!p1 $0x1082;
	[sflag:s4] =	ssyncset.s32 $0xFFFFF086  }
0x25: {  	[simem:s6], [sflag:s4] =	dma.local [hbm:s3], $0xF7A  }
0x26: {  	[smem:$0x3F9F] =	sst s1;
	(tag) =	ssettag s2;
	_ =	strace s9  }
0x27: {  	s1 =	sld [smem:$0x3FAF]  }
0x28: {  	s2 =	sld [smem:$0x3FB0]  }
0x29: {  	s4 =	sld [smem:$0x3FB2]  }
0x2a: {  	p0 =	seq.s32 s5, $0x0;
	s5 =	sld [smem:$0x3FB3]  }
0x2b: {  	s6 =	sld [smem:$0x3FB4]  }
0x2c: {  	s7 =	sld [smem:$0x3FB5]  }
0x2d: {  	s3 =	simm.s32 $0x108;
	s8 =	sld [smem:$0x3FB6]  }
0x2e: {  	s3 =	simm.s32 @!p0 $0x1082;
	s9 =	sld [smem:$0x3FB7]  }
0x2f: {  	lr =	sadd.s32 s0, s3;
	s0 =	sld [smem:$0x3FAE]  }
0x30: {  	s3 =	sld [smem:$0x3FB1]  }
0x31: {  	[smem:$0x3FBA] =	sst s10  }
0x32: {  	s10 =	sld [smem:$0x3FB8];
	_ =	sdelay $0x3  }
0x33: {  	p0 =	seq.s32 s10, $0x1;
	s10 =	sld [smem:$0x3FBA];
	_ =	sdelay $0x3  }
0x34: {  	[smem:$0x3FBA] =	sst s10  }
0x35: {  	s10 =	sld [smem:$0x3FB9];
	_ =	sdelay $0x3  }
0x36: {  	p1 =	seq.s32 s10, $0x1;
	s10 =	sld [smem:$0x3FBA];
	_ =	sdelay $0x3  }
0x37: {  	[smem:$0x3FBA] =	sst s10  }
0x38: {  	s10 =	sld [smem:$0x3FBB]  }
0x39: {  	_ = 	snop;
	(pc) =	sbr.ind lr, $3  }
0x3a: {  	_ = 	snop  }
0x3b: {  	_ = 	snop  }
0x3c: {  	p2 =	seq.s32 s10, $0x1;
	s10 =	sld [smem:$0x3FBA]  }
0x3d: {  	_ =	shalt  }
0x3e: {  	_ =	shalt  }
0x3f: {  	_ =	shalt  }
0x40: {  	_ =	shalt  }
0x41: {  	_ =	shalt  }
0x42: {  	_ =	shalt  }
0x43: {  	_ =	shalt  }
0x44: {  	_ =	shalt  }
0x45: {  	_ =	shalt  }
0x46: {  	_ =	shalt  }
0x47: {  	_ =	shalt  }
0x48: {  	_ =	shalt  }
0x49: {  	_ =	shalt  }
0x4a: {  	_ =	shalt  }
0x4b: {  	_ =	shalt  }
0x4c: {  	_ =	shalt  }
0x4d: {  	_ =	shalt  }
0x4e: {  	_ =	shalt  }
0x4f: {  	_ =	shalt  }
0x50: {  	_ =	shalt  }
0x51: {  	_ =	shalt  }
0x52: {  	_ =	shalt  }
0x53: {  	_ =	shalt  }
0x54: {  	_ =	shalt  }
0x55: {  	_ =	shalt  }
0x56: {  	_ =	shalt  }
0x57: {  	_ =	shalt  }
0x58: {  	_ =	shalt  }
0x59: {  	_ =	shalt  }
0x5a: {  	_ =	shalt  }
0x5b: {  	_ =	shalt  }
0x5c: {  	_ =	shalt  }
0x5d: {  	_ =	shalt  }
0x5e: {  	_ =	shalt  }
0x5f: {  	_ =	shalt  }
0x60: {  	_ =	shalt  }
0x61: {  	_ =	shalt  }
0x62: {  	_ =	shalt  }
0x63: {  	_ =	shalt  }
0x64: {  	_ =	shalt  }
0x65: {  	_ =	shalt  }
0x66: {  	_ =	shalt  }
0x67: {  	_ =	shalt  }
0x68: {  	_ =	shalt  }
0x69: {  	_ =	shalt  }
0x6a: {  	_ =	shalt  }
0x6b: {  	_ =	shalt  }
0x6c: {  	_ =	shalt  }
0x6d: {  	_ =	shalt  }
0x6e: {  	_ =	shalt  }
0x6f: {  	_ =	shalt  }
0x70: {  	_ =	shalt  }
0x71: {  	_ =	shalt  }
0x72: {  	_ =	shalt  }
0x73: {  	_ =	shalt  }
0x74: {  	_ =	shalt  }
0x75: {  	_ =	shalt  }
0x76: {  	_ =	shalt  }
0x77: {  	_ =	shalt  }
0x78: {  	_ =	shalt  }
0x79: {  	_ =	shalt  }
0x7a: {  	_ =	shalt  }
0x7b: {  	_ =	shalt  }
0x7c: {  	_ =	shalt  }
0x7d: {  	_ =	shalt  }
0x7e: {  	_ =	shalt  }
0x7f: {  	_ =	shalt  }
0x80: {  	_ =	shalt  }
0x81: {  	_ =	shalt  }
0x82: {  	_ =	shalt  }
0x83: {  	_ =	shalt  }
0x84: {  	_ =	shalt  }
0x85: {  	_ =	shalt  }
0x86: {  	_ =	shalt  }
0x87: {  	_ =	shalt  }
.Lfunc_end0:
.L_simem_size_0:
called_computation_lowered:
.L_overlay_start_0:
0x88: {  	s2 =	sld [smem:$0x3FD9]  }
0x89: {  	s3 =	sld [smem:$0x3FFE];
	_ =	sdelay $0x1  }
0x8a: {  	s1 =	srdreg.scid  }
0x8b: {  	s0 =	sand.u32 $0x1, s1  }
0x8c: {  	s17 =	sshll.u32 s0, $0xA;
	s2 =	sadd.s32 s3, s2  }
0x8d: {  	s2 =	sadd.s32 s2, s17  }
0x8e: {  	[smem:$0x3FC6] =	sst s2  }
0x8f: {  	_ = 	snop  }
0x90: {  	s2 =	sld [smem:$0x3FC9]  }
0x91: {  	s18 =	sld [smem:$0x3FD0];
	(tm) =	ssettm $0x1  }
0x92: {  	s4 =	sld [smem:$0x3FFB];
	_ =	sdelay $0x3  }
0x93: {  	_ =	strace s4  }
0x94: {  	s4 =	sld [smem:$0x3FFC];
	_ =	sdelay $0x3  }
0x95: {  	_ =	strace s4  }
0x96: {  	s4 =	sld [smem:$0x3FFD];
	_ =	sdelay $0x3  }
0x97: {  	_ =	strace s4  }
0x98: {  	_ =	strace $0x8FFFFFFF  }
0x99: {  	s19 =	sld [smem:$0x3FDB];
	_ =	sdelay $0x1  }
0x9a: {  	s5 =	simm.s32 $_scs_section_size  }
0x9b: {  	s6 =	simm.s32 $_size__tile_overlayer_lowered;
	s7 =	simm.s32 $_tile_overlayer_lowered  }
0x9c: {  	s22 =	simm.s32 $0x1BFF;
	s21 =	sshll.u32 s7, $0x1;
	s4 =	sadd.s32 s5, s19  }
0x9d: {  	s8 =	simm.s32 $0x0;
	s20 =	sshll.u32 s6, $0x1;
	s6 =	sadd.s32 s21, s4  }
0x9e: {  	[timem:s8], [sflag:s22] =	dma.local [hbm:s6], s20  }
0x9f: {  	_ =	swait.ge [sflag:s22], s20  }
0xa0: {  	s5 =	ssub.s32 $0x0, s20;
	[sflag:s22] =	ssyncset.done $0x0  }
0xa1: {  	[sflag:s22] =	ssyncadd.s32 s5;
	_ =	sdelay $0x1  }
0xa2: {  	s23 =	simm.s32 $0x1B8B  }
0xa3: {  	_ =	swait.ge [sflag:s23], $0x1  }
0xa4: {  	[sflag:s23] =	ssyncset.done $0x0  }
0xa5: {  	s25 =	simm.s32 $0x1B8E;
	s24 =	sld [smem:$0x3FFE];
	[sflag:s23] =	ssyncadd.s32 $0xFFFFFFFF  }
0xa6: {  	s26 =	simm.s32 $execute0_lowered;
	[smem:$0x3FD2] =	sst s25  }
0xa7: {  	s6 =	sshll.u32 s26, $0x1;
	_ =	strace $0x80000046;
	[dreg:$0x1] =	wrdreg $0xFFFFFFFF  }
0xa8: {  	s28 =	simm.s32 $_size_execute0_lowered;
	s4 =	sadd.s32 s4, s6;
	[dreg:$0x0] =	wrdreg $0x0  }
0xa9: {  	s6 =	sshll.u32 s28, $0x1;
	[dreg:$0x2] =	wrdreg s4  }
0xaa: {  	[dreg:$0x3] =	wrdreg s6  }
0xab: {  	[dreg:$0x4] =	wrdreg $0xC0  }
0xac: {  	_ =	task [dreg:s8], $0x5FFFF  }
0xad: {  	[dreg:$0x1] =	wrdreg $0xFFFFFFFF  }
0xae: {  	[dreg:$0x0] =	wrdreg $0x60  }
0xaf: {  	[dreg:$0x2] =	wrdreg s2  }
0xb0: {  	[dreg:$0x3] =	wrdreg s18  }
0xb1: {  	[dreg:$0x4] =	wrdreg s24  }
0xb2: {  	[dreg:$0x5] =	wrdreg $0x9  }
0xb3: {  	_ =	task.clear_ibuf [dreg:s8], $0x6FFFF;
	_ =	strace $0x90000046  }
0xb4: {  	s29 =	simm.s32 $0x9;
	_ =	strace $0x80000048  }
0xb5: {  	_ =	swait.ge [sflag:s29], $0x1  }
0xb6: {  	[sflag:s29] =	ssyncadd.s32 $0xFFFFFFFF  }
0xb7: {  	_ =	strace $0x90000048  }
0xb8: {  	_ =	sfence  }
0xb9: {  	s30 =	sld [smem:$0x0];
	_ =	sdelay $0x2  }
0xba: {  	s31 =	sshll.u32 s1, $0xD;
	s1 =	sshrl.u32 s1, $0x2  }
0xbb: {  	s3 =	sand.u32 $0x4000, s31;
	s1 =	sadd.s32 s1, s30  }
0xbc: {  	s0 =	sor.u32 s3, s0;
	s1 =	sshll.u32 s1, $0x11  }
0xbd: {  	s0 =	sor.u32 s1, s0  }
0xbe: {  	s0 =	sadd.s32 $0x8F2B, s0  }
0xbf: {  	[sflag:s0] =	ssyncadd.remote.s32 $0x1  }
0xc0: {  	_ =	sfence.sel $0xFFFF  }
0xc1: {  	[dreg:$0x0] =	wrdreg $0xFFFFFFFF;
	(pc) =	sbr.abs _section_cstart, $3  }
0xc2: {  	[dreg:$0x1] =	wrdreg $0xFFFFFFFF  }
0xc3: {  	_ =	task.clear_ibuf [dreg:s8], $0x2FFFF;
	_ =	strace $0x9FFFFFFF  }
0xc4: {  	(tm) =	ssettm $0x7FFFFFFF  }
0xc5: {  	_ =	shalt  }
tec
execute0_lowered:
.L_overlay_start_1:
0x0: {  	(tag) =	ssettag $0x1  }
0x1: {  	s1 =	rddreg [dreg:$0x0];
	s0 =	srdreg.scid  }
0x2: {  	s3 =	rddreg [dreg:$0x1];
	s4 =	stileid.u32  }
0x3: {  	s2 =	rddreg [dreg:$0x2];
	s10 =	simm.s32 $0x7;
	s11 =	simm.s32 $0x1  }
0x4: {  	s12 =	simm.s32 $0x80;
	s20 =	simm.s32 $0x10480;
	s21 =	simm.s32 $0x14480  }
0x5: {  	s22 =	simm.s32 $0x2;
	s23 =	simm.s32 $0x18480;
	s24 =	simm.s32 $0x3  }
0x6: {  	s25 =	simm.s32 $0x5;
	s26 =	simm.s32 $0x4;
	s28 =	simm.s32 $0x6  }
0x7: {  	s29 =	simm.s32 $0x0;
	s0 =	sand.u32 $0x1, s0;
	s5 =	sshll.u32 s4, $0xE  }
.Ltmp0:
0x8: {  	s4 =	simm.s32 $0x0;
	s6 =	sshll.u32 s0, $0xD;
	(pc) =	sbr.rel .LBB2_1-.Ltmp0, $4  }
0x9: {  	[smem:$0x7FF] =	sst s4;
	s0 =	ssub.s32 $0x2, s0;
	s5 =	sor.u32 s6, s5  }
0xa: {  	_ =	strace $0x80000047;
	s7 =	sshrl.u32 s0, $0x1;
	s6 =	sshll.u32 s5, $0x4  }
0xb: {  	s0 =	ssub.s32 s0, s7;
	s6 =	sadd.s32 s6, s2;
	s2 =	sadd.s32 $0x600, s2  }
0xc: {  	s8 =	smax.u32 s0, $0x1;
	[dreg:$0x4] =	wrdreg s2;
	s7 =	sadd.s32 $0x800, s6  }
.LBB2_16:
0xd: {  	s29 =	sadd.s32 $0x1, s29  }
0xe: {  	_ =	swait.ge [sflag:s25], $0x4000;
	p0 =	sne.s32 s29, s8  }
.Ltmp1:
0xf: {  	[sflag:s25] =	ssyncset.done $0x0;
	(pc) =	sbr.rel @!p0 .LBB2_17-.Ltmp1, $4  }
0x10: {  	[sflag:s25] =	ssyncadd.s32 $0xFFFFC000  }
0x11: {  	_ =	swait.ge [sflag:s28], $0x4000  }
0x12: {  	[sflag:s28] =	ssyncset.done $0x0  }
0x13: {  	[sflag:s28] =	ssyncadd.s32 $0xFFFFC000  }
.LBB2_1:
0x14: {  	s0 =	rddreg [dreg:$0x4];
	s2 =	simm.s32 $0x1C480  }
0x15: {  	[tilespmem:s2], [sflag:$0x7] =	stream.linear.gather [hbm4b:s0+s4], $0x1, $0x38;
	[tilespmem:$0x1C500] =	vst v63  }
0x16: {  	_ =	swait.ge [sflag:s10], $0x1  }
0x17: {  	[sflag:s10] =	ssyncset.done $0x0  }
0x18: {  	[sflag:s10] =	ssyncadd.s32 $0xFFFFFFFF  }
0x19: {  	s6 =	simm.s32 $0x0;
	s0 =	simm.s32 $0x2400;
	s2 =	simm.s32 $0x0;
	v0 =	vld.msk [tilespmem:$0x1C480 ss:$0x0], $0xffff  }
.LBB2_2:
0x1a: {  	s9 =	sshll.u32 s6, $0xA  }
0x1b: {  	s9 =	sadd.s32 s5, s9  }
0x1c: {  	s9 =	sshrl.u32 s9, $0x3  }
0x1d: {  	s13 =	simm.s32 $0x0;
	s9 =	sadd.s32 s1, s9  }
0x1e: {  	[tilespmem:s13], [sflag:$0x7] =	stream.linear.gather [hbm4b:s9+s13], $0x400, $0x38;
	[tilespmem:$0x1C500] =	vst v63  }
0x1f: {  	s19 =	sand.u32 $0xE00, s13;
	_ =	swait.ge [sflag:s10], $0x400  }
0x20: {  	s14 =	sand.u32 $0x70, s13;
	s9 =	sshrl.u32 s19, $0x2;
	[sflag:s10] =	ssyncset.done $0x0  }
0x21: {  	s9 =	sor.u32 s14, s9;
	[sflag:s10] =	ssyncadd.s32 $0xFFFFFC00  }
0x22: {  	v1 =	vld [tilespmem:s9+$0x0];
	_ =	sdelay $0x4  }
0x23: {  	v1 =	vmul.f32 v1, v0;
	_ =	sdelay $0x1  }
0x24: {  	v2 =	vtrunc.f32 v1  }
0x25: {  	v2 =	vcvt.f32.s32 v2  }
0x26: {  	s30 =	sadd.s32 $0x0, s2;
	s15 =	sand.u32 $0x7, s13  }
0x27: {  	p0 =	seq.s32 s30, $0x0;
	p1 =	sne.s32 s15, $0x0;
	vm0 =	vgt.s32 v2, $0x0  }
0x28: {  	p0 =	por !p0, !p1;
	v2 =	vnsel vm0, $0x0, v2  }
0x29: {  	s15 =	simm.s32 $0x1;
	p0 =	por !p0, !p0;
	v2 =	vmin.u32 v2, $0xFFFE  }
0x2a: {  	s15 =	simm.s32 @!p0 $0x0;
	s9 =	sshrl.u32 s30, $0x3;
	v3 =	vcvt.s32.f32 v2  }
0x2b: {  	s9 =	ssub.s32 s9, s15  }
0x2c: {  	s9 =	sshll.u32 s9, $0x9;
	v3 =	vsub.f32 v1, v3;
	v1 =	vmov s0  }
0x2d: {  	s31 =	simm.s32 $0x10;
	s9 =	sshra.s32 s9, $0x2  }
0x2e: {  	s15 =	simm.s32 $0x0;
	s16 =	sor.u32 s14, s9;
	s9 =	simm.s32 $0x40  }
0x2f: {  	s14 =	sand.u32 $0x70, s31;
	s17 =	sand.u32 $0xE00, s9;
	[tilespmem:s16+$0x400] =	vst v2;
	s16 =	simm.s32 $0x20;
	v2 =	vmax.f32 v3, $0.0e+00  }
.LBB2_3:
0x30: {  	p0 =	sne.s32 s16, $0x3F0;
	s17 =	sshrl.u32 s17, $0x2;
	v2 =	vmin.f32 v2, $1.000000000e+00;
	s13 =	sshra.s32 s13, $0x2  }
0x31: {  	s17 =	sor.u32 s14, s17;
	[tilespmem:v1+s13+$0x0 ss:$0x1] =	vst.idx.msk $0xffff, v2;
	s13 =	smov.u32 s9  }
0x32: {  	v2 =	vld [tilespmem:s17+$0x0];
	_ =	sdelay $0x2  }
0x33: {  	s15 =	sadd.s32 $0x1, s15  }
0x34: {  	s18 =	sand.u32 $0x7, s15;
	s17 =	sadd.s32 s15, s2  }
0x35: {  	p2 =	sne.s32 s18, $0x0;
	p1 =	seq.s32 s17, $0x0;
	v2 =	vmul.f32 v2, v0  }
0x36: {  	p1 =	por !p1, !p2  }
0x37: {  	s18 =	simm.s32 $0x1;
	p1 =	por !p1, !p1;
	v3 =	vtrunc.f32 v2  }
0x38: {  	s17 =	sshrl.u32 s17, $0x3;
	s18 =	simm.s32 @!p1 $0x0;
	v3 =	vcvt.f32.s32 v3  }
0x39: {  	s17 =	ssub.s32 s17, s18  }
0x3a: {  	s17 =	sshll.u32 s17, $0x9;
	vm0 =	vgt.s32 v3, $0x0  }
0x3b: {  	s17 =	sshra.s32 s17, $0x2;
	v3 =	vnsel vm0, $0x0, v3  }
0x3c: {  	s14 =	sor.u32 s14, s17;
	v3 =	vmin.u32 v3, $0xFFFE  }
.Ltmp2:
0x3d: {  	v4 =	vcvt.s32.f32 v3;
	[tilespmem:s14+$0x400] =	vst v3;
	(pc) =	sbr.rel @p0 .LBB2_3-.Ltmp2, $4  }
0x3e: {  	_ = 	snop  }
0x3f: {  	v2 =	vsub.f32 v2, v4  }
0x40: {  	s9 =	sadd.s32 $0x40, s9  }
0x41: {  	s17 =	sand.u32 $0xE00, s9;
	s14 =	sand.u32 $0x70, s16;
	s16 =	sadd.s32 $0x10, s16;
	v2 =	vmax.f32 v2, $0.0e+00  }
0x42: {  	_ =	sdelay $0x2  }
0x43: {  	s16 =	sshrl.u32 s17, $0x2;
	v2 =	vmin.f32 v2, $1.000000000e+00;
	s13 =	sshra.s32 s13, $0x2  }
0x44: {  	s16 =	sor.u32 s14, s16;
	[tilespmem:v1+s13+$0x0 ss:$0x1] =	vst.idx.msk $0xffff, v2  }
0x45: {  	v2 =	vld [tilespmem:s16+$0x0];
	_ =	sdelay $0x4  }
0x46: {  	v2 =	vmul.f32 v2, v0;
	_ =	sdelay $0x1  }
0x47: {  	v3 =	vtrunc.f32 v2  }
0x48: {  	s31 =	sadd.s32 $0x1, s15;
	v3 =	vcvt.f32.s32 v3  }
0x49: {  	s15 =	sadd.s32 s31, s2;
	s13 =	sand.u32 $0x7, s31  }
0x4a: {  	p0 =	seq.s32 s15, $0x0;
	p1 =	sne.s32 s13, $0x0;
	vm0 =	vgt.s32 v3, $0x0  }
0x4b: {  	p0 =	por !p0, !p1;
	v3 =	vnsel vm0, $0x0, v3  }
0x4c: {  	s13 =	simm.s32 $0x1;
	p0 =	por !p0, !p0;
	v3 =	vmin.u32 v3, $0xFFFE  }
0x4d: {  	s6 =	sadd.s32 $0x1, s6;
	s15 =	sshrl.u32 s15, $0x3;
	s13 =	simm.s32 @!p0 $0x0;
	v4 =	vcvt.s32.f32 v3  }
0x4e: {  	p0 =	sne.s32 s6, $0x8;
	s13 =	ssub.s32 s15, s13  }
.Ltmp3:
0x4f: {  	s13 =	sshll.u32 s13, $0x9;
	v2 =	vsub.f32 v2, v4;
	(pc) =	sbr.rel @p0 .LBB2_2-.Ltmp3, $4  }
0x50: {  	s13 =	sshra.s32 s13, $0x2  }
0x51: {  	s13 =	sor.u32 s14, s13;
	v2 =	vmax.f32 v2, $0.0e+00  }
0x52: {  	s9 =	sshra.s32 s9, $0x2;
	[tilespmem:s13+$0x400] =	vst v3;
	v2 =	vmin.f32 v2, $1.000000000e+00  }
0x53: {  	s0 =	sadd.s32 $0x400, s0;
	s2 =	sadd.s32 $0x40, s2;
	[tilespmem:v1+s9+$0x0 ss:$0x1] =	vst.idx.msk $0xffff, v2  }
0x54: {  	s0 =	simm.s32 $0x400;
	s2 =	simm.s32 $0x4480;
	s15 =	simm.s32 $0x480  }
0x55: {  	[tilespmem:s2], [sflag:$0x1] =	stream.indirect.gather [hbm4b:s3+s12], $0x80, s0, s12, $0xb8;
	[tilespmem:$0x1C500] =	vst v63  }
0x56: {  	s16 =	simm.s32 $0x8480;
	s17 =	simm.s32 $0x500;
	s18 =	simm.s32 $0xC480  }
0x57: {  	[tilespmem:s16], [sflag:$0x2] =	stream.indirect.gather [hbm4b:s3+s12], $0x80, s15, s12, $0xb8;
	[tilespmem:$0x1C500] =	vst v63  }
0x58: {  	s19 =	simm.s32 $0x580;
	s30 =	simm.s32 $0x0;
	s31 =	simm.s32 $0x2400  }
0x59: {  	[tilespmem:s18], [sflag:$0x3] =	stream.indirect.gather [hbm4b:s3+s12], $0x80, s17, s12, $0xb8;
	[tilespmem:$0x1C500] =	vst v63  }
0x5a: {  	s9 =	simm.s32 $0x2580;
	s0 =	simm.s32 $0x2500;
	s18 =	simm.s32 $0x2480  }
0x5b: {  	[tilespmem:s20], [sflag:$0x4] =	stream.indirect.gather [hbm4b:s3+s12], $0x80, s19, s12, $0xb8;
	[tilespmem:$0x1C500] =	vst v63  }
.LBB2_6:
0x5c: {  	_ =	swait.ge [sflag:s11], $0x4000  }
0x5d: {  	p1 =	seq.s32 s30, $0x0;
	[sflag:s11] =	ssyncset.done $0x0  }
0x5e: {  	s2 =	simm.s32 @!p1 $0x5;
	[sflag:s11] =	ssyncadd.s32 $0xFFFFC000  }
0x5f: {  	_ =	swait.ge @!p1 [sflag:s2], $0x4000  }
0x60: {  	[sflag:s2] =	ssyncset.done @!p1 $0x0  }
0x61: {  	s15 =	simm.s32 $0x0;
	[sflag:s2] =	ssyncadd.s32 @!p1 $0xFFFFC000  }
0x62: {  	v0 =	vld [tilespmem:s15+$0x4480]  }
0x63: {  	v4 =	vld [tilespmem:s15+$0x44C0]  }
0x64: {  	v5 =	vld [tilespmem:s15+$0x4490]  }
0x65: {  	v9 =	vld [tilespmem:s15+$0x44D0]  }
0x66: {  	v6 =	vld [tilespmem:s15+$0x44A0]  }
0x67: {  	v11 =	vld [tilespmem:s15+$0x44E0]  }
0x68: {  	v57 =	vld [tilespmem:s15+$0x44B0]  }
0x69: {  	v17 =	vld [tilespmem:s15+$0x44F0]  }
0x6a: {  	v61 =	vld [tilespmem:s15+$0x4500]  }
0x6b: {  	v1 =	vld [tilespmem:s15+$0x4540]  }
0x6c: {  	v3 =	vld [tilespmem:s15+$0x4510]  }
0x6d: {  	v29 =	vld [tilespmem:s15+$0x4550]  }
0x6e: {  	v10 =	vld [tilespmem:s15+$0x4520]  }
0x6f: {  	v31 =	vld [tilespmem:s15+$0x4560]  }
0x70: {  	v18 =	vld [tilespmem:s15+$0x4530]  }
0x71: {  	v41 =	vld [tilespmem:s15+$0x4570]  }
0x72: {  	v19 =	vld [tilespmem:s15+$0x4580]  }
0x73: {  	v42 =	vld [tilespmem:s15+$0x45C0]  }
0x74: {  	v25 =	vld [tilespmem:s15+$0x4590]  }
0x75: {  	v43 =	vld [tilespmem:s15+$0x45D0]  }
0x76: {  	v26 =	vld [tilespmem:s15+$0x45A0]  }
0x77: {  	v44 =	vld [tilespmem:s15+$0x45E0]  }
0x78: {  	v24 =	vld [tilespmem:s15+$0x45B0]  }
0x79: {  	v54 =	vld [tilespmem:s15+$0x45F0]  }
0x7a: {  	v20 =	vld [tilespmem:s15+$0x4600]  }
0x7b: {  	v55 =	vld [tilespmem:s15+$0x4640]  }
0x7c: {  	v22 =	vld [tilespmem:s15+$0x4610]  }
0x7d: {  	v56 =	vld [tilespmem:s15+$0x4650]  }
0x7e: {  	v21 =	vld [tilespmem:s15+$0x4620]  }
0x7f: {  	v32 =	vld [tilespmem:s15+$0x4660]  }
0x80: {  	v23 =	vld [tilespmem:s15+$0x4630]  }
0x81: {  	v33 =	vld [tilespmem:s15+$0x4670]  }
0x82: {  	v14 =	vld [tilespmem:s15+$0x4680]  }
0x83: {  	v34 =	vld [tilespmem:s15+$0x46C0]  }
0x84: {  	v16 =	vld [tilespmem:s15+$0x4690]  }
0x85: {  	v39 =	vld [tilespmem:s15+$0x46D0]  }
0x86: {  	v13 =	vld [tilespmem:s15+$0x46A0]  }
0x87: {  	v37 =	vld [tilespmem:s15+$0x46E0]  }
0x88: {  	v15 =	vld [tilespmem:s15+$0x46B0]  }
0x89: {  	v40 =	vld [tilespmem:s15+$0x46F0]  }
0x8a: {  	v12 =	vld [tilespmem:s15+$0x4700]  }
0x8b: {  	v36 =	vld [tilespmem:s15+$0x4740]  }
0x8c: {  	v8 =	vld [tilespmem:s15+$0x4710]  }
0x8d: {  	v38 =	vld [tilespmem:s15+$0x4750]  }
0x8e: {  	v7 =	vld [tilespmem:s15+$0x4720]  }
0x8f: {  	v35 =	vld [tilespmem:s15+$0x4760]  }
0x90: {  	v27 =	vld [tilespmem:s15+$0x4770];
	v53 =	vsub.f32 v4, v0;
	v52 =	vsub.f32 v9, v5  }
0x91: {  	v62 =	vld [tilespmem:s15+$0x47C0];
	v51 =	vsub.f32 v11, v6;
	v50 =	vsub.f32 v17, v57  }
0x92: {  	v9 =	vld [tilespmem:s15+$0x4730];
	v49 =	vsub.f32 v1, v61;
	v30 =	vsub.f32 v29, v3  }
0x93: {  	v4 =	vld [tilespmem:s15+$0x4780];
	v48 =	vsub.f32 v31, v10;
	v47 =	vsub.f32 v41, v18  }
0x94: {  	v46 =	vsub.f32 v42, v19;
	v45 =	vsub.f32 v43, v25;
	v11 =	vld [tilespmem:s15+$0x4790]  }
0x95: {  	s14 =	sshll.u32 s30, $0x2;
	v44 =	vsub.f32 v44, v26;
	v42 =	vsub.f32 v54, v24;
	v29 =	vld [tilespmem:s15+$0x47D0]  }
0x96: {  	s13 =	sshll.u32 s30, $0xB;
	s16 =	smov.u32 s31;
	s2 =	simm.s32 $0x1000;
	v28 =	vmov v0;
	v41 =	vsub.f32 v55, v20;
	v31 =	vsub.f32 v56, v22;
	v17 =	vld [tilespmem:s15+$0x47A0]  }
.LBB2_7:
0x97: {  	v43 =	vld [tilespmem:s16+$0x0];
	_ =	sdelay $0x3  }
0x98: {  	v55 =	vld [tilespmem:s15+$0x47E0]  }
0x99: {  	s17 =	sshra.s32 s2, $0x2;
	v56 =	vld [tilespmem:s15+$0x47F0];
	v59 =	vbroadcast v43, $0x0  }
0x9a: {  	v0 =	vld [tilespmem:s17+$0x44C0]  }
0x9b: {  	v1 =	vld [tilespmem:s17+$0x44D0];
	v54 =	vsub.f32 v32, v21;
	v53 =	vmul.f32 v53, v59;
	v52 =	vmul.f32 v52, v59  }
0x9c: {  	v33 =	vsub.f32 v33, v23;
	v51 =	vmul.f32 v51, v59;
	v59 =	vmul.f32 v50, v59;
	v50 =	vld [tilespmem:s17+$0x44E0]  }
0x9d: {  	v2 =	vmov v57;
	v57 =	vld [tilespmem:s17+$0x4480];
	v34 =	vsub.f32 v34, v14;
	v39 =	vsub.f32 v39, v16  }
0x9e: {  	v32 =	vld [tilespmem:s15+$0x47B0];
	v37 =	vsub.f32 v37, v13;
	v40 =	vsub.f32 v40, v15  }
0x9f: {  	v58 =	vsub.f32 v27, v9;
	v27 =	vsub.f32 v62, v4;
	v62 =	vld [tilespmem:s17+$0x4490];
	v60 =	vbroadcast v43, $0x1;
	[tilespmem:$0x1FFD0] =	vst v0  }
0xa0: {  	[tilespmem:$0x1FFE0] =	vst v1;
	v1 =	vld [tilespmem:s17+$0x44A0];
	v53 =	vadd.f32 v53, v28;
	v5 =	vadd.f32 v52, v5  }
0xa1: {  	v6 =	vadd.f32 v51, v6;
	v51 =	vadd.f32 v59, v2;
	v59 =	vmul.f32 v30, v60;
	v30 =	vld [tilespmem:s17+$0x44F0];
	[tilespmem:$0x1FFF0] =	vst v50  }
0xa2: {  	v36 =	vsub.f32 v36, v12;
	v63 =	vbroadcast v43, $0x2;
	v49 =	vmul.f32 v49, v60;
	v50 =	vmovc v57;
	v57 =	vld [tilespmem:s17+$0x44B0];
	[tilespmem:s15+$0x14480] =	vst v53  }
0xa3: {  	v38 =	vsub.f32 v38, v8;
	v48 =	vmul.f32 v48, v60;
	v47 =	vmul.f32 v47, v60;
	v60 =	vld [tilespmem:s15+$0x4830];
	[tilespmem:s15+$0x14490] =	vst v5  }
0xa4: {  	v0 =	vbroadcast v43, $0x3;
	v2 =	vadd.f32 v49, v61;
	v3 =	vadd.f32 v59, v3;
	v59 =	vld [tilespmem:s15+$0x4840];
	[tilespmem:s15+$0x144A0] =	vst v6  }
0xa5: {  	v35 =	vsub.f32 v35, v7;
	v45 =	vmul.f32 v45, v63;
	v5 =	vmul.f32 v46, v63;
	v46 =	vld [tilespmem:s15+$0x4800];
	[tilespmem:s15+$0x144B0] =	vst v51  }
0xa6: {  	v6 =	vadd.f32 v48, v10;
	v10 =	vadd.f32 v47, v18;
	v18 =	vmul.f32 v44, v63;
	v48 =	vld [tilespmem:s15+$0x4810];
	[tilespmem:s15+$0x14500] =	vst v2  }
0xa7: {  	v29 =	vsub.f32 v29, v11;
	v25 =	vadd.f32 v45, v25;
	v28 =	vmul.f32 v42, v63;
	v61 =	vld [tilespmem:s17+$0x4500];
	[tilespmem:s15+$0x14510] =	vst v3  }
0xa8: {  	v49 =	vmul.f32 v31, v0;
	v18 =	vadd.f32 v18, v26;
	v26 =	vmul.f32 v41, v0;
	v31 =	vld [tilespmem:s17+$0x4540];
	[tilespmem:s15+$0x14520] =	vst v6  }
0xa9: {  	v55 =	vsub.f32 v55, v17;
	v52 =	vmul.f32 v54, v0;
	v24 =	vadd.f32 v28, v24;
	v3 =	vld [tilespmem:s17+$0x4510];
	[tilespmem:s15+$0x14530] =	vst v10  }
0xaa: {  	v51 =	vld [tilespmem:s15+$0x4850];
	v19 =	vadd.f32 v5, v19;
	[tilespmem:s15+$0x14590] =	vst v25;
	v20 =	vadd.f32 v26, v20;
	v26 =	vbroadcast v43, $0x4  }
0xab: {  	v22 =	vadd.f32 v49, v22;
	v53 =	vld [tilespmem:s15+$0x4820];
	v0 =	vmul.f32 v33, v0;
	v10 =	vbroadcast v43, $0x5;
	[tilespmem:s15+$0x145B0] =	vst v24  }
0xac: {  	v2 =	vld [tilespmem:$0x1FFD0];
	v6 =	vmov v1;
	[tilespmem:s15+$0x14580] =	vst v19;
	v1 =	vmul.f32 v34, v26;
	v19 =	vmul.f32 v39, v26  }
0xad: {  	v0 =	vadd.f32 v0, v23;
	[tilespmem:s15+$0x145A0] =	vst v18;
	v23 =	vsub.f32 v59, v46;
	v59 =	vld [tilespmem:s15+$0x4860];
	v18 =	vmul.f32 v38, v10  }
0xae: {  	v5 =	vmovc v62;
	v62 =	vld [tilespmem:s17+$0x4550];
	v1 =	vadd.f32 v1, v14;
	v14 =	vadd.f32 v19, v16;
	v16 =	vmul.f32 v36, v10  }
0xaf: {  	v21 =	vadd.f32 v52, v21;
	v25 =	vmul.f32 v37, v26;
	v26 =	vmul.f32 v40, v26;
	[tilespmem:s15+$0x14600] =	vst v20;
	v19 =	vld [tilespmem:s15+$0x4870]  }
0xb0: {  	v20 =	vmul.f32 v58, v10;
	v12 =	vadd.f32 v16, v12;
	v16 =	vmul.f32 v35, v10;
	v10 =	vld [tilespmem:s17+$0x4520];
	[tilespmem:s15+$0x14610] =	vst v22  }
0xb1: {  	v56 =	vsub.f32 v56, v32;
	v8 =	vadd.f32 v18, v8;
	v22 =	vbroadcast v43, $0x6;
	v63 =	vld [tilespmem:s17+$0x4560];
	[tilespmem:s15+$0x14620] =	vst v21  }
0xb2: {  	v13 =	vadd.f32 v25, v13;
	v15 =	vadd.f32 v26, v15;
	v18 =	vld [tilespmem:s17+$0x4530];
	[tilespmem:s15+$0x14630] =	vst v0  }
0xb3: {  	v7 =	vadd.f32 v16, v7;
	v0 =	vmul.f32 v27, v22;
	v16 =	vmul.f32 v29, v22;
	v29 =	vld [tilespmem:s17+$0x4570];
	[tilespmem:s15+$0x14680] =	vst v1  }
0xb4: {  	v21 =	vmul.f32 v56, v22;
	v1 =	vmul.f32 v55, v22;
	v22 =	vsub.f32 v19, v60;
	v19 =	vld [tilespmem:s17+$0x4580];
	[tilespmem:s15+$0x14690] =	vst v14  }
0xb5: {  	v24 =	vbroadcast v43, $0x7;
	v9 =	vadd.f32 v20, v9;
	v20 =	vsub.f32 v59, v53;
	v44 =	vld [tilespmem:s17+$0x45C0];
	[tilespmem:s15+$0x146A0] =	vst v13  }
0xb6: {  	v25 =	vld [tilespmem:s17+$0x4590];
	[tilespmem:s15+$0x146B0] =	vst v15  }
0xb7: {  	v1 =	vadd.f32 v1, v17;
	v15 =	vmul.f32 v20, v24;
	v17 =	vld [tilespmem:s17+$0x45D0];
	[tilespmem:s15+$0x14700] =	vst v12  }
0xb8: {  	v54 =	vsub.f32 v51, v48;
	v26 =	vld [tilespmem:s17+$0x45A0]  }
0xb9: {  	[tilespmem:s15+$0x14710] =	vst v8;
	v8 =	vadd.f32 v15, v53;
	v53 =	vsub.f32 v2, v50;
	v2 =	vld [tilespmem:$0x1FFE0]  }
0xba: {  	v0 =	vadd.f32 v0, v4;
	v4 =	vadd.f32 v16, v11;
	v11 =	vmul.f32 v23, v24;
	v58 =	vld [tilespmem:s17+$0x45E0];
	[tilespmem:s15+$0x14720] =	vst v7  }
0xbb: {  	v14 =	vmul.f32 v54, v24;
	v16 =	vmul.f32 v22, v24;
	v24 =	vld [tilespmem:s17+$0x45B0];
	[tilespmem:s15+$0x14730] =	vst v9  }
0xbc: {  	v59 =	vld [tilespmem:s17+$0x45F0];
	[tilespmem:s15+$0x14780] =	vst v0  }
0xbd: {  	v20 =	vld [tilespmem:s17+$0x4600];
	[tilespmem:s15+$0x14790] =	vst v4  }
0xbe: {  	v13 =	vadd.f32 v21, v32;
	v0 =	vld [tilespmem:s17+$0x4640]  }
0xbf: {  	v11 =	vadd.f32 v11, v46;
	[tilespmem:s15+$0x147A0] =	vst v1;
	v52 =	vsub.f32 v2, v5;
	v2 =	vld [tilespmem:$0x1FFF0]  }
0xc0: {  	v12 =	vadd.f32 v14, v48;
	v22 =	vld [tilespmem:s17+$0x4610];
	[tilespmem:s15+$0x147B0] =	vst v13  }
0xc1: {  	v1 =	vld [tilespmem:s17+$0x4650];
	[tilespmem:s15+$0x14800] =	vst v11  }
0xc2: {  	v14 =	vadd.f32 v16, v60;
	v21 =	vld [tilespmem:s17+$0x4620];
	[tilespmem:s15+$0x14810] =	vst v12  }
0xc3: {  	v32 =	vld [tilespmem:s17+$0x4660];
	[tilespmem:s15+$0x14820] =	vst v8  }
0xc4: {  	v23 =	vld [tilespmem:s17+$0x4630];
	[tilespmem:s15+$0x14830] =	vst v14;
	s15 =	smov.u32 s17  }
0xc5: {  	v33 =	vld [tilespmem:s15+$0x4670]  }
0xc6: {  	v14 =	vld [tilespmem:s15+$0x4680]  }
0xc7: {  	v34 =	vld [tilespmem:s15+$0x46C0]  }
0xc8: {  	v16 =	vld [tilespmem:s15+$0x4690]  }
0xc9: {  	v39 =	vld [tilespmem:s15+$0x46D0]  }
0xca: {  	v13 =	vld [tilespmem:s15+$0x46A0]  }
0xcb: {  	v37 =	vld [tilespmem:s15+$0x46E0]  }
0xcc: {  	v15 =	vld [tilespmem:s15+$0x46B0]  }
0xcd: {  	v40 =	vld [tilespmem:s15+$0x46F0]  }
0xce: {  	v12 =	vld [tilespmem:s15+$0x4700]  }
0xcf: {  	v36 =	vld [tilespmem:s15+$0x4740]  }
0xd0: {  	v8 =	vld [tilespmem:s15+$0x4710]  }
0xd1: {  	v38 =	vld [tilespmem:s15+$0x4750]  }
0xd2: {  	v7 =	vld [tilespmem:s15+$0x4720]  }
0xd3: {  	v35 =	vld [tilespmem:s15+$0x4760]  }
0xd4: {  	v9 =	vld [tilespmem:s15+$0x4730]  }
0xd5: {  	p0 =	sne.s32 s2, $0xF000;
	v49 =	vsub.f32 v31, v61;
	v48 =	vsub.f32 v63, v10;
	v27 =	vld [tilespmem:s15+$0x4770]  }
.Ltmp4:
0xd6: {  	v28 =	vmov v50;
	v50 =	vsub.f32 v30, v57;
	v30 =	vsub.f32 v62, v3;
	v4 =	vld [tilespmem:s15+$0x4780];
	(pc) =	sbr.rel @p0 .LBB2_7-.Ltmp4, $4  }
0xd7: {  	v47 =	vsub.f32 v29, v18;
	v46 =	vsub.f32 v44, v19;
	v62 =	vld [tilespmem:s15+$0x47C0]  }
0xd8: {  	v45 =	vsub.f32 v17, v25;
	v44 =	vsub.f32 v58, v26;
	v11 =	vld [tilespmem:s15+$0x4790]  }
0xd9: {  	v42 =	vsub.f32 v59, v24;
	v51 =	vsub.f32 v2, v6;
	v29 =	vld [tilespmem:s15+$0x47D0]  }
0xda: {  	s2 =	sadd.s32 $0x1000, s2;
	s16 =	sadd.s32 $0x8, s16;
	v41 =	vsub.f32 v0, v20;
	v17 =	vld [tilespmem:s15+$0x47A0];
	v31 =	vsub.f32 v1, v22  }
0xdb: {  	v0 =	vld [tilespmem:s16+$0x0];
	_ =	sdelay $0x4  }
0xdc: {  	v1 =	vbroadcast v0, $0x0;
	_ =	sdelay $0x1  }
0xdd: {  	v43 =	vmul.f32 v53, v1  }
0xde: {  	v56 =	vbroadcast v0, $0x1;
	v52 =	vmul.f32 v52, v1  }
0xdf: {  	v51 =	vmul.f32 v51, v1;
	v1 =	vmul.f32 v50, v1;
	v43 =	vadd.f32 v43, v28  }
0xe0: {  	v49 =	vmul.f32 v49, v56;
	v5 =	vadd.f32 v52, v5  }
0xe1: {  	v30 =	vmul.f32 v30, v56;
	v1 =	vadd.f32 v1, v57;
	[tilespmem:s15+$0x14480] =	vst v43  }
0xe2: {  	v48 =	vmul.f32 v48, v56;
	v2 =	vadd.f32 v49, v61;
	[tilespmem:s15+$0x14490] =	vst v5  }
0xe3: {  	v3 =	vadd.f32 v30, v3;
	[tilespmem:s15+$0x144B0] =	vst v1;
	v1 =	vbroadcast v0, $0x2  }
0xe4: {  	v58 =	vsub.f32 v39, v16;
	v10 =	vadd.f32 v48, v10;
	v43 =	vmul.f32 v47, v56;
	[tilespmem:s15+$0x14500] =	vst v2  }
0xe5: {  	v6 =	vadd.f32 v51, v6;
	[tilespmem:s15+$0x14510] =	vst v3;
	v2 =	vmul.f32 v46, v1;
	v3 =	vmul.f32 v45, v1  }
0xe6: {  	[tilespmem:s15+$0x14520] =	vst v10;
	v18 =	vadd.f32 v43, v18;
	v10 =	vmul.f32 v44, v1;
	v1 =	vmul.f32 v42, v1  }
0xe7: {  	[tilespmem:s15+$0x144A0] =	vst v6;
	v2 =	vadd.f32 v2, v19;
	v3 =	vadd.f32 v3, v25;
	v19 =	vbroadcast v0, $0x3  }
0xe8: {  	v61 =	vbroadcast v0, $0x4;
	[tilespmem:s15+$0x14530] =	vst v18;
	v10 =	vadd.f32 v10, v26;
	v25 =	vsub.f32 v34, v14  }
0xe9: {  	v1 =	vadd.f32 v1, v24;
	[tilespmem:s15+$0x14580] =	vst v2;
	v2 =	vsub.f32 v32, v21;
	v59 =	vmul.f32 v41, v19  }
0xea: {  	v24 =	vsub.f32 v40, v15;
	[tilespmem:s15+$0x14590] =	vst v3;
	v3 =	vsub.f32 v33, v23;
	v31 =	vmul.f32 v31, v19  }
0xeb: {  	v63 =	vld [tilespmem:s15+$0x47E0];
	[tilespmem:s15+$0x145A0] =	vst v10;
	v10 =	vsub.f32 v37, v13;
	v2 =	vmul.f32 v2, v19;
	v20 =	vadd.f32 v59, v20  }
0xec: {  	v54 =	vld [tilespmem:s15+$0x47B0];
	[tilespmem:s15+$0x145B0] =	vst v1;
	v1 =	vsub.f32 v36, v12;
	v3 =	vmul.f32 v3, v19;
	v19 =	vadd.f32 v31, v22  }
0xed: {  	v55 =	vld [tilespmem:s15+$0x47F0];
	v31 =	vsub.f32 v38, v8;
	v10 =	vmul.f32 v10, v61;
	v2 =	vadd.f32 v2, v21;
	[tilespmem:s15+$0x14600] =	vst v20  }
0xee: {  	v60 =	vld [tilespmem:s15+$0x4830];
	v21 =	vmul.f32 v25, v61;
	v20 =	vsub.f32 v35, v7;
	v3 =	vadd.f32 v3, v23;
	[tilespmem:s15+$0x14610] =	vst v19  }
0xef: {  	v57 =	vld [tilespmem:s15+$0x4810];
	v23 =	vmul.f32 v58, v61;
	v19 =	vbroadcast v0, $0x5;
	v10 =	vadd.f32 v10, v13;
	[tilespmem:s15+$0x14620] =	vst v2  }
0xf0: {  	v5 =	vld [tilespmem:s15+$0x4800];
	v13 =	vsub.f32 v29, v11;
	v14 =	vadd.f32 v21, v14;
	v21 =	vmul.f32 v24, v61;
	[tilespmem:s15+$0x14630] =	vst v3  }
0xf1: {  	v6 =	vld [tilespmem:s15+$0x4840];
	v2 =	vsub.f32 v27, v9;
	v16 =	vadd.f32 v23, v16;
	v1 =	vmul.f32 v1, v19;
	[tilespmem:s15+$0x146A0] =	vst v10  }
0xf2: {  	v30 =	vld [tilespmem:s15+$0x4850];
	v3 =	vsub.f32 v62, v4;
	[tilespmem:s15+$0x14680] =	vst v14;
	v14 =	vadd.f32 v21, v15;
	v15 =	vmul.f32 v31, v19  }
0xf3: {  	v18 =	vld [tilespmem:s15+$0x4820];
	[tilespmem:s15+$0x14690] =	vst v16;
	v1 =	vadd.f32 v1, v12;
	v12 =	vmul.f32 v20, v19;
	v16 =	vbroadcast v0, $0x6  }
0xf4: {  	v26 =	vld [tilespmem:s15+$0x4860];
	v10 =	vsub.f32 v63, v17;
	v2 =	vmul.f32 v2, v19;
	v8 =	vadd.f32 v15, v8;
	[tilespmem:s15+$0x146B0] =	vst v14  }
0xf5: {  	v22 =	vld [tilespmem:s15+$0x4870];
	v14 =	vsub.f32 v55, v54;
	v7 =	vadd.f32 v12, v7;
	v3 =	vmul.f32 v3, v16;
	[tilespmem:s15+$0x14700] =	vst v1  }
0xf6: {  	v1 =	vsub.f32 v6, v5;
	v2 =	vadd.f32 v2, v9;
	v6 =	vmul.f32 v13, v16;
	[tilespmem:s15+$0x14710] =	vst v8  }
0xf7: {  	v0 =	vbroadcast v0, $0x7;
	v8 =	vmul.f32 v10, v16;
	v3 =	vadd.f32 v3, v4;
	[tilespmem:s15+$0x14720] =	vst v7  }
0xf8: {  	v4 =	vsub.f32 v30, v57;
	v7 =	vmul.f32 v14, v16;
	v6 =	vadd.f32 v6, v11;
	[tilespmem:s15+$0x14730] =	vst v2  }
0xf9: {  	v2 =	vsub.f32 v26, v18;
	v1 =	vmul.f32 v1, v0;
	v8 =	vadd.f32 v8, v17;
	[tilespmem:s15+$0x14780] =	vst v3  }
0xfa: {  	v3 =	vsub.f32 v22, v60;
	v7 =	vadd.f32 v7, v54;
	v4 =	vmul.f32 v4, v0;
	[tilespmem:s15+$0x14790] =	vst v6  }
0xfb: {  	v1 =	vadd.f32 v1, v5;
	v2 =	vmul.f32 v2, v0;
	[tilespmem:s15+$0x147A0] =	vst v8  }
0xfc: {  	v0 =	vmul.f32 v3, v0;
	v3 =	vadd.f32 v4, v57;
	[tilespmem:s15+$0x147B0] =	vst v7  }
0xfd: {  	v2 =	vadd.f32 v2, v18;
	[tilespmem:s15+$0x14800] =	vst v1  }
0xfe: {  	v0 =	vadd.f32 v0, v60;
	[tilespmem:s15+$0x14810] =	vst v3  }
0xff: {  	s2 =	sshll.u32 s30, $0xD;
	p0 =	seq.s32 s30, $0xF;
	[tilespmem:s15+$0x14820] =	vst v2  }
0x100: {  	s2 =	sadd.s32 s2, s7;
	[tilespmem:s15+$0x14830] =	vst v0;
	s15 =	sshrl.u32 @!p0 s13, $0x2  }
0x101: {  	[hbm4b:s2+s4] =	stream.linear.scatter [tilespmem:s21], [sflag:$0x5], $0x4000, $0x38;
	[tilespmem:$0x1C500] =	vst v63  }
0x102: {  	s6 =	simm.s32 @!p0 $0x80;
	s16 =	simm.s32 @!p0 $0x4480;
	s2 =	sadd.s32 @!p0 $0x600, s15  }
0x103: {  	[tilespmem:s16], [sflag:$0x1] =	stream.indirect.gather @!p0 [hbm4b:s3+s6], $0x80, s2, s6, $0xb8;
	[tilespmem:$0x1C500] =	vst v63  }
0x104: {  	_ =	swait.ge [sflag:s22], $0x4000  }
0x105: {  	[sflag:s22] =	ssyncset.done $0x0  }
0x106: {  	s2 =	simm.s32 @!p1 $0x6;
	[sflag:s22] =	ssyncadd.s32 $0xFFFFC000  }
0x107: {  	_ =	swait.ge @!p1 [sflag:s2], $0x4000  }
0x108: {  	[sflag:s2] =	ssyncset.done @!p1 $0x0  }
0x109: {  	s16 =	simm.s32 $0x0;
	[sflag:s2] =	ssyncadd.s32 @!p1 $0xFFFFC000  }
0x10a: {  	v0 =	vld [tilespmem:s16+$0x8480]  }
0x10b: {  	v4 =	vld [tilespmem:s16+$0x84C0]  }
0x10c: {  	v5 =	vld [tilespmem:s16+$0x8490]  }
0x10d: {  	v9 =	vld [tilespmem:s16+$0x84D0]  }
0x10e: {  	v6 =	vld [tilespmem:s16+$0x84A0]  }
0x10f: {  	v11 =	vld [tilespmem:s16+$0x84E0]  }
0x110: {  	v57 =	vld [tilespmem:s16+$0x84B0]  }
0x111: {  	v17 =	vld [tilespmem:s16+$0x84F0]  }
0x112: {  	v61 =	vld [tilespmem:s16+$0x8500]  }
0x113: {  	v1 =	vld [tilespmem:s16+$0x8540]  }
0x114: {  	v3 =	vld [tilespmem:s16+$0x8510]  }
0x115: {  	v29 =	vld [tilespmem:s16+$0x8550]  }
0x116: {  	v10 =	vld [tilespmem:s16+$0x8520]  }
0x117: {  	v31 =	vld [tilespmem:s16+$0x8560]  }
0x118: {  	v18 =	vld [tilespmem:s16+$0x8530]  }
0x119: {  	v63 =	vld [tilespmem:s16+$0x8570]  }
0x11a: {  	v19 =	vld [tilespmem:s16+$0x8580]  }
0x11b: {  	v42 =	vld [tilespmem:s16+$0x85C0]  }
0x11c: {  	v25 =	vld [tilespmem:s16+$0x8590]  }
0x11d: {  	v43 =	vld [tilespmem:s16+$0x85D0]  }
0x11e: {  	v26 =	vld [tilespmem:s16+$0x85A0]  }
0x11f: {  	v44 =	vld [tilespmem:s16+$0x85E0]  }
0x120: {  	v24 =	vld [tilespmem:s16+$0x85B0]  }
0x121: {  	v54 =	vld [tilespmem:s16+$0x85F0]  }
0x122: {  	v20 =	vld [tilespmem:s16+$0x8600]  }
0x123: {  	v55 =	vld [tilespmem:s16+$0x8640]  }
0x124: {  	v22 =	vld [tilespmem:s16+$0x8610]  }
0x125: {  	v56 =	vld [tilespmem:s16+$0x8650]  }
0x126: {  	v21 =	vld [tilespmem:s16+$0x8620]  }
0x127: {  	v32 =	vld [tilespmem:s16+$0x8660]  }
0x128: {  	v23 =	vld [tilespmem:s16+$0x8630]  }
0x129: {  	v33 =	vld [tilespmem:s16+$0x8670]  }
0x12a: {  	v14 =	vld [tilespmem:s16+$0x8680]  }
0x12b: {  	v34 =	vld [tilespmem:s16+$0x86C0]  }
0x12c: {  	v16 =	vld [tilespmem:s16+$0x8690]  }
0x12d: {  	v39 =	vld [tilespmem:s16+$0x86D0]  }
0x12e: {  	v13 =	vld [tilespmem:s16+$0x86A0]  }
0x12f: {  	v37 =	vld [tilespmem:s16+$0x86E0]  }
0x130: {  	v15 =	vld [tilespmem:s16+$0x86B0]  }
0x131: {  	v41 =	vld [tilespmem:s16+$0x86F0]  }
0x132: {  	v12 =	vld [tilespmem:s16+$0x8700]  }
0x133: {  	v36 =	vld [tilespmem:s16+$0x8740]  }
0x134: {  	v8 =	vld [tilespmem:s16+$0x8710]  }
0x135: {  	v38 =	vld [tilespmem:s16+$0x8750]  }
0x136: {  	v7 =	vld [tilespmem:s16+$0x8720]  }
0x137: {  	v35 =	vld [tilespmem:s16+$0x8760]  }
0x138: {  	v27 =	vld [tilespmem:s16+$0x8770];
	v53 =	vsub.f32 v4, v0;
	v52 =	vsub.f32 v9, v5  }
0x139: {  	v62 =	vld [tilespmem:s16+$0x87C0];
	v51 =	vsub.f32 v11, v6;
	v50 =	vsub.f32 v17, v57  }
0x13a: {  	v9 =	vld [tilespmem:s16+$0x8730];
	v49 =	vsub.f32 v1, v61;
	v30 =	vsub.f32 v29, v3  }
0x13b: {  	v4 =	vld [tilespmem:s16+$0x8780];
	v48 =	vsub.f32 v31, v10;
	v47 =	vsub.f32 v63, v18  }
0x13c: {  	v46 =	vsub.f32 v42, v19;
	v45 =	vsub.f32 v43, v25;
	v11 =	vld [tilespmem:s16+$0x8790]  }
0x13d: {  	v44 =	vsub.f32 v44, v26;
	v42 =	vsub.f32 v54, v24;
	v29 =	vld [tilespmem:s16+$0x87D0]  }
0x13e: {  	s17 =	sor.u32 $0x1, s14;
	s19 =	simm.s32 $0x1000;
	s2 =	smov.u32 s18;
	v28 =	vmov v0;
	v40 =	vsub.f32 v55, v20;
	v31 =	vsub.f32 v56, v22;
	v17 =	vld [tilespmem:s16+$0x87A0]  }
.LBB2_9:
0x13f: {  	v43 =	vld [tilespmem:s2+$0x0];
	_ =	sdelay $0x3  }
0x140: {  	v55 =	vld [tilespmem:s16+$0x87E0]  }
0x141: {  	s6 =	sshra.s32 s19, $0x2;
	v56 =	vld [tilespmem:s16+$0x87F0];
	v59 =	vbroadcast v43, $0x0  }
0x142: {  	v0 =	vld [tilespmem:s6+$0x84C0]  }
0x143: {  	v1 =	vld [tilespmem:s6+$0x84D0];
	v54 =	vsub.f32 v32, v21;
	v53 =	vmul.f32 v53, v59;
	v52 =	vmul.f32 v52, v59  }
0x144: {  	v33 =	vsub.f32 v33, v23;
	v51 =	vmul.f32 v51, v59;
	v59 =	vmul.f32 v50, v59;
	v50 =	vld [tilespmem:s6+$0x84E0]  }
0x145: {  	v2 =	vmov v57;
	v57 =	vld [tilespmem:s6+$0x8480];
	v34 =	vsub.f32 v34, v14;
	v39 =	vsub.f32 v39, v16  }
0x146: {  	v32 =	vld [tilespmem:s16+$0x87B0];
	v37 =	vsub.f32 v37, v13;
	v41 =	vsub.f32 v41, v15  }
0x147: {  	v58 =	vsub.f32 v27, v9;
	v27 =	vsub.f32 v62, v4;
	v62 =	vld [tilespmem:s6+$0x8490];
	v60 =	vbroadcast v43, $0x1;
	[tilespmem:$0x1FFA0] =	vst v0  }
0x148: {  	[tilespmem:$0x1FFB0] =	vst v1;
	v1 =	vld [tilespmem:s6+$0x84A0];
	v53 =	vadd.f32 v53, v28;
	v5 =	vadd.f32 v52, v5  }
0x149: {  	v6 =	vadd.f32 v51, v6;
	v51 =	vadd.f32 v59, v2;
	v59 =	vmul.f32 v30, v60;
	v30 =	vld [tilespmem:s6+$0x84F0];
	[tilespmem:$0x1FFC0] =	vst v50  }
0x14a: {  	v36 =	vsub.f32 v36, v12;
	v63 =	vbroadcast v43, $0x2;
	v49 =	vmul.f32 v49, v60;
	v50 =	vmovc v57;
	v57 =	vld [tilespmem:s6+$0x84B0];
	[tilespmem:s16+$0x18480] =	vst v53  }
0x14b: {  	v38 =	vsub.f32 v38, v8;
	v48 =	vmul.f32 v48, v60;
	v47 =	vmul.f32 v47, v60;
	v60 =	vld [tilespmem:s16+$0x8830];
	[tilespmem:s16+$0x18490] =	vst v5  }
0x14c: {  	v0 =	vbroadcast v43, $0x3;
	v2 =	vadd.f32 v49, v61;
	v3 =	vadd.f32 v59, v3;
	v59 =	vld [tilespmem:s16+$0x8840];
	[tilespmem:s16+$0x184A0] =	vst v6  }
0x14d: {  	v35 =	vsub.f32 v35, v7;
	v45 =	vmul.f32 v45, v63;
	v5 =	vmul.f32 v46, v63;
	v46 =	vld [tilespmem:s16+$0x8800];
	[tilespmem:s16+$0x184B0] =	vst v51  }
0x14e: {  	v6 =	vadd.f32 v48, v10;
	v10 =	vadd.f32 v47, v18;
	v18 =	vmul.f32 v44, v63;
	v48 =	vld [tilespmem:s16+$0x8810];
	[tilespmem:s16+$0x18500] =	vst v2  }
0x14f: {  	v29 =	vsub.f32 v29, v11;
	v25 =	vadd.f32 v45, v25;
	v28 =	vmul.f32 v42, v63;
	v61 =	vld [tilespmem:s6+$0x8500];
	[tilespmem:s16+$0x18510] =	vst v3  }
0x150: {  	v49 =	vmul.f32 v31, v0;
	v18 =	vadd.f32 v18, v26;
	v26 =	vmul.f32 v40, v0;
	v31 =	vld [tilespmem:s6+$0x8540];
	[tilespmem:s16+$0x18520] =	vst v6  }
0x151: {  	v55 =	vsub.f32 v55, v17;
	v52 =	vmul.f32 v54, v0;
	v24 =	vadd.f32 v28, v24;
	v3 =	vld [tilespmem:s6+$0x8510];
	[tilespmem:s16+$0x18530] =	vst v10  }
0x152: {  	v51 =	vld [tilespmem:s16+$0x8850];
	v19 =	vadd.f32 v5, v19;
	[tilespmem:s16+$0x18590] =	vst v25;
	v20 =	vadd.f32 v26, v20;
	v26 =	vbroadcast v43, $0x4  }
0x153: {  	v22 =	vadd.f32 v49, v22;
	v53 =	vld [tilespmem:s16+$0x8820];
	v0 =	vmul.f32 v33, v0;
	v10 =	vbroadcast v43, $0x5;
	[tilespmem:s16+$0x185B0] =	vst v24  }
0x154: {  	v2 =	vld [tilespmem:$0x1FFA0];
	v6 =	vmov v1;
	[tilespmem:s16+$0x18580] =	vst v19;
	v1 =	vmul.f32 v34, v26;
	v19 =	vmul.f32 v39, v26  }
0x155: {  	v0 =	vadd.f32 v0, v23;
	[tilespmem:s16+$0x185A0] =	vst v18;
	v23 =	vsub.f32 v59, v46;
	v59 =	vld [tilespmem:s16+$0x8860];
	v18 =	vmul.f32 v38, v10  }
0x156: {  	v5 =	vmovc v62;
	v62 =	vld [tilespmem:s6+$0x8550];
	v1 =	vadd.f32 v1, v14;
	v14 =	vadd.f32 v19, v16;
	v16 =	vmul.f32 v36, v10  }
0x157: {  	v21 =	vadd.f32 v52, v21;
	v25 =	vmul.f32 v37, v26;
	v26 =	vmul.f32 v41, v26;
	[tilespmem:s16+$0x18600] =	vst v20;
	v19 =	vld [tilespmem:s16+$0x8870]  }
0x158: {  	v20 =	vmul.f32 v58, v10;
	v12 =	vadd.f32 v16, v12;
	v16 =	vmul.f32 v35, v10;
	v10 =	vld [tilespmem:s6+$0x8520];
	[tilespmem:s16+$0x18610] =	vst v22  }
0x159: {  	v56 =	vsub.f32 v56, v32;
	v8 =	vadd.f32 v18, v8;
	v22 =	vbroadcast v43, $0x6;
	v63 =	vld [tilespmem:s6+$0x8560];
	[tilespmem:s16+$0x18620] =	vst v21  }
0x15a: {  	v13 =	vadd.f32 v25, v13;
	v15 =	vadd.f32 v26, v15;
	v18 =	vld [tilespmem:s6+$0x8530];
	[tilespmem:s16+$0x18630] =	vst v0  }
0x15b: {  	v7 =	vadd.f32 v16, v7;
	v0 =	vmul.f32 v27, v22;
	v16 =	vmul.f32 v29, v22;
	v29 =	vld [tilespmem:s6+$0x8570];
	[tilespmem:s16+$0x18680] =	vst v1  }
0x15c: {  	v21 =	vmul.f32 v56, v22;
	v1 =	vmul.f32 v55, v22;
	v22 =	vsub.f32 v19, v60;
	v19 =	vld [tilespmem:s6+$0x8580];
	[tilespmem:s16+$0x18690] =	vst v14  }
0x15d: {  	v24 =	vbroadcast v43, $0x7;
	v9 =	vadd.f32 v20, v9;
	v20 =	vsub.f32 v59, v53;
	v44 =	vld [tilespmem:s6+$0x85C0];
	[tilespmem:s16+$0x186A0] =	vst v13  }
0x15e: {  	v25 =	vld [tilespmem:s6+$0x8590];
	[tilespmem:s16+$0x186B0] =	vst v15  }
0x15f: {  	v1 =	vadd.f32 v1, v17;
	v15 =	vmul.f32 v20, v24;
	v17 =	vld [tilespmem:s6+$0x85D0];
	[tilespmem:s16+$0x18700] =	vst v12  }
0x160: {  	v54 =	vsub.f32 v51, v48;
	v26 =	vld [tilespmem:s6+$0x85A0]  }
0x161: {  	[tilespmem:s16+$0x18710] =	vst v8;
	v8 =	vadd.f32 v15, v53;
	v53 =	vsub.f32 v2, v50;
	v2 =	vld [tilespmem:$0x1FFB0]  }
0x162: {  	v0 =	vadd.f32 v0, v4;
	v4 =	vadd.f32 v16, v11;
	v11 =	vmul.f32 v23, v24;
	v58 =	vld [tilespmem:s6+$0x85E0];
	[tilespmem:s16+$0x18720] =	vst v7  }
0x163: {  	v14 =	vmul.f32 v54, v24;
	v16 =	vmul.f32 v22, v24;
	v24 =	vld [tilespmem:s6+$0x85B0];
	[tilespmem:s16+$0x18730] =	vst v9  }
0x164: {  	v59 =	vld [tilespmem:s6+$0x85F0];
	[tilespmem:s16+$0x18780] =	vst v0  }
0x165: {  	v20 =	vld [tilespmem:s6+$0x8600];
	[tilespmem:s16+$0x18790] =	vst v4  }
0x166: {  	v13 =	vadd.f32 v21, v32;
	v0 =	vld [tilespmem:s6+$0x8640]  }
0x167: {  	v11 =	vadd.f32 v11, v46;
	[tilespmem:s16+$0x187A0] =	vst v1;
	v52 =	vsub.f32 v2, v5;
	v2 =	vld [tilespmem:$0x1FFC0]  }
0x168: {  	v12 =	vadd.f32 v14, v48;
	v22 =	vld [tilespmem:s6+$0x8610];
	[tilespmem:s16+$0x187B0] =	vst v13  }
0x169: {  	v1 =	vld [tilespmem:s6+$0x8650];
	[tilespmem:s16+$0x18800] =	vst v11  }
0x16a: {  	v14 =	vadd.f32 v16, v60;
	v21 =	vld [tilespmem:s6+$0x8620];
	[tilespmem:s16+$0x18810] =	vst v12  }
0x16b: {  	v32 =	vld [tilespmem:s6+$0x8660];
	[tilespmem:s16+$0x18820] =	vst v8  }
0x16c: {  	v23 =	vld [tilespmem:s6+$0x8630];
	[tilespmem:s16+$0x18830] =	vst v14;
	s16 =	smov.u32 s6  }
0x16d: {  	v33 =	vld [tilespmem:s16+$0x8670]  }
0x16e: {  	v14 =	vld [tilespmem:s16+$0x8680]  }
0x16f: {  	v34 =	vld [tilespmem:s16+$0x86C0]  }
0x170: {  	v16 =	vld [tilespmem:s16+$0x8690]  }
0x171: {  	v39 =	vld [tilespmem:s16+$0x86D0]  }
0x172: {  	v13 =	vld [tilespmem:s16+$0x86A0]  }
0x173: {  	v37 =	vld [tilespmem:s16+$0x86E0]  }
0x174: {  	v15 =	vld [tilespmem:s16+$0x86B0]  }
0x175: {  	v41 =	vld [tilespmem:s16+$0x86F0]  }
0x176: {  	v12 =	vld [tilespmem:s16+$0x8700]  }
0x177: {  	v36 =	vld [tilespmem:s16+$0x8740]  }
0x178: {  	v8 =	vld [tilespmem:s16+$0x8710]  }
0x179: {  	v38 =	vld [tilespmem:s16+$0x8750]  }
0x17a: {  	v7 =	vld [tilespmem:s16+$0x8720]  }
0x17b: {  	v35 =	vld [tilespmem:s16+$0x8760]  }
0x17c: {  	v9 =	vld [tilespmem:s16+$0x8730]  }
0x17d: {  	p1 =	sne.s32 s19, $0xF000;
	v49 =	vsub.f32 v31, v61;
	v48 =	vsub.f32 v63, v10;
	v27 =	vld [tilespmem:s16+$0x8770]  }
.Ltmp5:
0x17e: {  	v28 =	vmov v50;
	v50 =	vsub.f32 v30, v57;
	v30 =	vsub.f32 v62, v3;
	v4 =	vld [tilespmem:s16+$0x8780];
	(pc) =	sbr.rel @p1 .LBB2_9-.Ltmp5, $4  }
0x17f: {  	v47 =	vsub.f32 v29, v18;
	v46 =	vsub.f32 v44, v19;
	v62 =	vld [tilespmem:s16+$0x87C0]  }
0x180: {  	v45 =	vsub.f32 v17, v25;
	v44 =	vsub.f32 v58, v26;
	v11 =	vld [tilespmem:s16+$0x8790]  }
0x181: {  	v42 =	vsub.f32 v59, v24;
	v51 =	vsub.f32 v2, v6;
	v29 =	vld [tilespmem:s16+$0x87D0]  }
0x182: {  	s19 =	sadd.s32 $0x1000, s19;
	s2 =	sadd.s32 $0x8, s2;
	v40 =	vsub.f32 v0, v20;
	v17 =	vld [tilespmem:s16+$0x87A0];
	v31 =	vsub.f32 v1, v22  }
0x183: {  	v0 =	vld [tilespmem:s2+$0x0];
	_ =	sdelay $0x4  }
0x184: {  	v1 =	vbroadcast v0, $0x0;
	_ =	sdelay $0x1  }
0x185: {  	v43 =	vmul.f32 v53, v1  }
0x186: {  	v56 =	vbroadcast v0, $0x1;
	v52 =	vmul.f32 v52, v1  }
0x187: {  	v51 =	vmul.f32 v51, v1;
	v1 =	vmul.f32 v50, v1;
	v43 =	vadd.f32 v43, v28  }
0x188: {  	v49 =	vmul.f32 v49, v56;
	v5 =	vadd.f32 v52, v5  }
0x189: {  	v30 =	vmul.f32 v30, v56;
	v1 =	vadd.f32 v1, v57;
	[tilespmem:s16+$0x18480] =	vst v43  }
0x18a: {  	v48 =	vmul.f32 v48, v56;
	v2 =	vadd.f32 v49, v61;
	[tilespmem:s16+$0x18490] =	vst v5  }
0x18b: {  	v3 =	vadd.f32 v30, v3;
	[tilespmem:s16+$0x184B0] =	vst v1;
	v1 =	vbroadcast v0, $0x2  }
0x18c: {  	v58 =	vsub.f32 v39, v16;
	v10 =	vadd.f32 v48, v10;
	v43 =	vmul.f32 v47, v56;
	[tilespmem:s16+$0x18500] =	vst v2  }
0x18d: {  	v6 =	vadd.f32 v51, v6;
	[tilespmem:s16+$0x18510] =	vst v3;
	v2 =	vmul.f32 v46, v1;
	v3 =	vmul.f32 v45, v1  }
0x18e: {  	[tilespmem:s16+$0x18520] =	vst v10;
	v18 =	vadd.f32 v43, v18;
	v10 =	vmul.f32 v44, v1;
	v1 =	vmul.f32 v42, v1  }
0x18f: {  	[tilespmem:s16+$0x184A0] =	vst v6;
	v2 =	vadd.f32 v2, v19;
	v3 =	vadd.f32 v3, v25;
	v19 =	vbroadcast v0, $0x3  }
0x190: {  	v61 =	vbroadcast v0, $0x4;
	[tilespmem:s16+$0x18530] =	vst v18;
	v10 =	vadd.f32 v10, v26;
	v25 =	vsub.f32 v34, v14  }
0x191: {  	v1 =	vadd.f32 v1, v24;
	[tilespmem:s16+$0x18580] =	vst v2;
	v2 =	vsub.f32 v32, v21;
	v59 =	vmul.f32 v40, v19  }
0x192: {  	v24 =	vsub.f32 v41, v15;
	[tilespmem:s16+$0x18590] =	vst v3;
	v3 =	vsub.f32 v33, v23;
	v31 =	vmul.f32 v31, v19  }
0x193: {  	v63 =	vld [tilespmem:s16+$0x87E0];
	[tilespmem:s16+$0x185A0] =	vst v10;
	v10 =	vsub.f32 v37, v13;
	v2 =	vmul.f32 v2, v19;
	v20 =	vadd.f32 v59, v20  }
0x194: {  	v54 =	vld [tilespmem:s16+$0x87B0];
	[tilespmem:s16+$0x185B0] =	vst v1;
	v1 =	vsub.f32 v36, v12;
	v3 =	vmul.f32 v3, v19;
	v19 =	vadd.f32 v31, v22  }
0x195: {  	v55 =	vld [tilespmem:s16+$0x87F0];
	v31 =	vsub.f32 v38, v8;
	v10 =	vmul.f32 v10, v61;
	v2 =	vadd.f32 v2, v21;
	[tilespmem:s16+$0x18600] =	vst v20  }
0x196: {  	v60 =	vld [tilespmem:s16+$0x8830];
	v21 =	vmul.f32 v25, v61;
	v20 =	vsub.f32 v35, v7;
	v3 =	vadd.f32 v3, v23;
	[tilespmem:s16+$0x18610] =	vst v19  }
0x197: {  	v57 =	vld [tilespmem:s16+$0x8810];
	v23 =	vmul.f32 v58, v61;
	v19 =	vbroadcast v0, $0x5;
	v10 =	vadd.f32 v10, v13;
	[tilespmem:s16+$0x18620] =	vst v2  }
0x198: {  	v5 =	vld [tilespmem:s16+$0x8800];
	v13 =	vsub.f32 v29, v11;
	v14 =	vadd.f32 v21, v14;
	v21 =	vmul.f32 v24, v61;
	[tilespmem:s16+$0x18630] =	vst v3  }
0x199: {  	v6 =	vld [tilespmem:s16+$0x8840];
	v2 =	vsub.f32 v27, v9;
	v16 =	vadd.f32 v23, v16;
	v1 =	vmul.f32 v1, v19;
	[tilespmem:s16+$0x186A0] =	vst v10  }
0x19a: {  	v30 =	vld [tilespmem:s16+$0x8850];
	v3 =	vsub.f32 v62, v4;
	[tilespmem:s16+$0x18680] =	vst v14;
	v14 =	vadd.f32 v21, v15;
	v15 =	vmul.f32 v31, v19  }
0x19b: {  	v18 =	vld [tilespmem:s16+$0x8820];
	[tilespmem:s16+$0x18690] =	vst v16;
	v1 =	vadd.f32 v1, v12;
	v12 =	vmul.f32 v20, v19;
	v16 =	vbroadcast v0, $0x6  }
0x19c: {  	v26 =	vld [tilespmem:s16+$0x8860];
	v10 =	vsub.f32 v63, v17;
	v2 =	vmul.f32 v2, v19;
	v8 =	vadd.f32 v15, v8;
	[tilespmem:s16+$0x186B0] =	vst v14  }
0x19d: {  	v22 =	vld [tilespmem:s16+$0x8870];
	v14 =	vsub.f32 v55, v54;
	v7 =	vadd.f32 v12, v7;
	v3 =	vmul.f32 v3, v16;
	[tilespmem:s16+$0x18700] =	vst v1  }
0x19e: {  	v1 =	vsub.f32 v6, v5;
	v2 =	vadd.f32 v2, v9;
	v6 =	vmul.f32 v13, v16;
	[tilespmem:s16+$0x18710] =	vst v8  }
0x19f: {  	v0 =	vbroadcast v0, $0x7;
	v8 =	vmul.f32 v10, v16;
	v3 =	vadd.f32 v3, v4;
	[tilespmem:s16+$0x18720] =	vst v7  }
0x1a0: {  	v4 =	vsub.f32 v30, v57;
	v7 =	vmul.f32 v14, v16;
	v6 =	vadd.f32 v6, v11;
	[tilespmem:s16+$0x18730] =	vst v2  }
0x1a1: {  	v2 =	vsub.f32 v26, v18;
	v1 =	vmul.f32 v1, v0;
	v8 =	vadd.f32 v8, v17;
	[tilespmem:s16+$0x18780] =	vst v3  }
0x1a2: {  	v3 =	vsub.f32 v22, v60;
	v7 =	vadd.f32 v7, v54;
	v4 =	vmul.f32 v4, v0;
	[tilespmem:s16+$0x18790] =	vst v6  }
0x1a3: {  	v1 =	vadd.f32 v1, v5;
	v2 =	vmul.f32 v2, v0;
	[tilespmem:s16+$0x187A0] =	vst v8  }
0x1a4: {  	v0 =	vmul.f32 v3, v0;
	v3 =	vadd.f32 v4, v57;
	[tilespmem:s16+$0x187B0] =	vst v7  }
0x1a5: {  	v2 =	vadd.f32 v2, v18;
	[tilespmem:s16+$0x18800] =	vst v1  }
0x1a6: {  	v0 =	vadd.f32 v0, v60;
	[tilespmem:s16+$0x18810] =	vst v3  }
0x1a7: {  	s19 =	sshll.u32 s17, $0xB;
	[tilespmem:s16+$0x18820] =	vst v2  }
0x1a8: {  	s2 =	sadd.s32 s19, s7;
	[tilespmem:s16+$0x18830] =	vst v0  }
0x1a9: {  	[hbm4b:s2+s4] =	stream.linear.scatter [tilespmem:s23], [sflag:$0x6], $0x4000, $0x38;
	[tilespmem:$0x1C500] =	vst v63  }
0x1aa: {  	s6 =	simm.s32 @!p0 $0x80;
	s16 =	simm.s32 @!p0 $0x8480;
	s2 =	sadd.s32 @!p0 $0x680, s15  }
0x1ab: {  	[tilespmem:s16], [sflag:$0x2] =	stream.indirect.gather @!p0 [hbm4b:s3+s6], $0x80, s2, s6, $0xb8;
	[tilespmem:$0x1C500] =	vst v63  }
0x1ac: {  	_ =	swait.ge [sflag:s24], $0x4000  }
0x1ad: {  	[sflag:s24] =	ssyncset.done $0x0  }
0x1ae: {  	[sflag:s24] =	ssyncadd.s32 $0xFFFFC000  }
0x1af: {  	_ =	swait.ge [sflag:s25], $0x4000  }
0x1b0: {  	[sflag:s25] =	ssyncset.done $0x0  }
0x1b1: {  	s16 =	simm.s32 $0x0;
	[sflag:s25] =	ssyncadd.s32 $0xFFFFC000  }
0x1b2: {  	v0 =	vld [tilespmem:s16+$0xC480]  }
0x1b3: {  	v4 =	vld [tilespmem:s16+$0xC4C0]  }
0x1b4: {  	v5 =	vld [tilespmem:s16+$0xC490]  }
0x1b5: {  	v9 =	vld [tilespmem:s16+$0xC4D0]  }
0x1b6: {  	v6 =	vld [tilespmem:s16+$0xC4A0]  }
0x1b7: {  	v11 =	vld [tilespmem:s16+$0xC4E0]  }
0x1b8: {  	v57 =	vld [tilespmem:s16+$0xC4B0]  }
0x1b9: {  	v17 =	vld [tilespmem:s16+$0xC4F0]  }
0x1ba: {  	v61 =	vld [tilespmem:s16+$0xC500]  }
0x1bb: {  	v1 =	vld [tilespmem:s16+$0xC540]  }
0x1bc: {  	v3 =	vld [tilespmem:s16+$0xC510]  }
0x1bd: {  	v29 =	vld [tilespmem:s16+$0xC550]  }
0x1be: {  	v10 =	vld [tilespmem:s16+$0xC520]  }
0x1bf: {  	v31 =	vld [tilespmem:s16+$0xC560]  }
0x1c0: {  	v18 =	vld [tilespmem:s16+$0xC530]  }
0x1c1: {  	v63 =	vld [tilespmem:s16+$0xC570]  }
0x1c2: {  	v19 =	vld [tilespmem:s16+$0xC580]  }
0x1c3: {  	v42 =	vld [tilespmem:s16+$0xC5C0]  }
0x1c4: {  	v25 =	vld [tilespmem:s16+$0xC590]  }
0x1c5: {  	v43 =	vld [tilespmem:s16+$0xC5D0]  }
0x1c6: {  	v26 =	vld [tilespmem:s16+$0xC5A0]  }
0x1c7: {  	v44 =	vld [tilespmem:s16+$0xC5E0]  }
0x1c8: {  	v24 =	vld [tilespmem:s16+$0xC5B0]  }
0x1c9: {  	v54 =	vld [tilespmem:s16+$0xC5F0]  }
0x1ca: {  	v20 =	vld [tilespmem:s16+$0xC600]  }
0x1cb: {  	v55 =	vld [tilespmem:s16+$0xC640]  }
0x1cc: {  	v22 =	vld [tilespmem:s16+$0xC610]  }
0x1cd: {  	v56 =	vld [tilespmem:s16+$0xC650]  }
0x1ce: {  	v21 =	vld [tilespmem:s16+$0xC620]  }
0x1cf: {  	v32 =	vld [tilespmem:s16+$0xC660]  }
0x1d0: {  	v23 =	vld [tilespmem:s16+$0xC630]  }
0x1d1: {  	v33 =	vld [tilespmem:s16+$0xC670]  }
0x1d2: {  	v14 =	vld [tilespmem:s16+$0xC680]  }
0x1d3: {  	v34 =	vld [tilespmem:s16+$0xC6C0]  }
0x1d4: {  	v16 =	vld [tilespmem:s16+$0xC690]  }
0x1d5: {  	v39 =	vld [tilespmem:s16+$0xC6D0]  }
0x1d6: {  	v13 =	vld [tilespmem:s16+$0xC6A0]  }
0x1d7: {  	v37 =	vld [tilespmem:s16+$0xC6E0]  }
0x1d8: {  	v15 =	vld [tilespmem:s16+$0xC6B0]  }
0x1d9: {  	v41 =	vld [tilespmem:s16+$0xC6F0]  }
0x1da: {  	v12 =	vld [tilespmem:s16+$0xC700]  }
0x1db: {  	v36 =	vld [tilespmem:s16+$0xC740]  }
0x1dc: {  	v8 =	vld [tilespmem:s16+$0xC710]  }
0x1dd: {  	v38 =	vld [tilespmem:s16+$0xC750]  }
0x1de: {  	v7 =	vld [tilespmem:s16+$0xC720]  }
0x1df: {  	v35 =	vld [tilespmem:s16+$0xC760]  }
0x1e0: {  	v27 =	vld [tilespmem:s16+$0xC770];
	v53 =	vsub.f32 v4, v0;
	v52 =	vsub.f32 v9, v5  }
0x1e1: {  	v62 =	vld [tilespmem:s16+$0xC7C0];
	v51 =	vsub.f32 v11, v6;
	v50 =	vsub.f32 v17, v57  }
0x1e2: {  	v9 =	vld [tilespmem:s16+$0xC730];
	v49 =	vsub.f32 v1, v61;
	v30 =	vsub.f32 v29, v3  }
0x1e3: {  	v4 =	vld [tilespmem:s16+$0xC780];
	v48 =	vsub.f32 v31, v10;
	v47 =	vsub.f32 v63, v18  }
0x1e4: {  	v46 =	vsub.f32 v42, v19;
	v45 =	vsub.f32 v43, v25;
	v11 =	vld [tilespmem:s16+$0xC790]  }
0x1e5: {  	v44 =	vsub.f32 v44, v26;
	v42 =	vsub.f32 v54, v24;
	v29 =	vld [tilespmem:s16+$0xC7D0]  }
0x1e6: {  	s17 =	sor.u32 $0x2, s14;
	s19 =	simm.s32 $0x1000;
	s2 =	smov.u32 s0;
	v28 =	vmov v0;
	v40 =	vsub.f32 v55, v20;
	v31 =	vsub.f32 v56, v22;
	v17 =	vld [tilespmem:s16+$0xC7A0]  }
.LBB2_11:
0x1e7: {  	v43 =	vld [tilespmem:s2+$0x0];
	_ =	sdelay $0x3  }
0x1e8: {  	v55 =	vld [tilespmem:s16+$0xC7E0]  }
0x1e9: {  	s6 =	sshra.s32 s19, $0x2;
	v56 =	vld [tilespmem:s16+$0xC7F0];
	v59 =	vbroadcast v43, $0x0  }
0x1ea: {  	v0 =	vld [tilespmem:s6+$0xC4C0]  }
0x1eb: {  	v1 =	vld [tilespmem:s6+$0xC4D0];
	v54 =	vsub.f32 v32, v21;
	v53 =	vmul.f32 v53, v59;
	v52 =	vmul.f32 v52, v59  }
0x1ec: {  	v33 =	vsub.f32 v33, v23;
	v51 =	vmul.f32 v51, v59;
	v59 =	vmul.f32 v50, v59;
	v50 =	vld [tilespmem:s6+$0xC4E0]  }
0x1ed: {  	v2 =	vmov v57;
	v57 =	vld [tilespmem:s6+$0xC480];
	v34 =	vsub.f32 v34, v14;
	v39 =	vsub.f32 v39, v16  }
0x1ee: {  	v32 =	vld [tilespmem:s16+$0xC7B0];
	v37 =	vsub.f32 v37, v13;
	v41 =	vsub.f32 v41, v15  }
0x1ef: {  	v58 =	vsub.f32 v27, v9;
	v27 =	vsub.f32 v62, v4;
	v62 =	vld [tilespmem:s6+$0xC490];
	v60 =	vbroadcast v43, $0x1;
	[tilespmem:$0x1FF70] =	vst v0  }
0x1f0: {  	[tilespmem:$0x1FF80] =	vst v1;
	v1 =	vld [tilespmem:s6+$0xC4A0];
	v53 =	vadd.f32 v53, v28;
	v5 =	vadd.f32 v52, v5  }
0x1f1: {  	v6 =	vadd.f32 v51, v6;
	v51 =	vadd.f32 v59, v2;
	v59 =	vmul.f32 v30, v60;
	v30 =	vld [tilespmem:s6+$0xC4F0];
	[tilespmem:$0x1FF90] =	vst v50  }
0x1f2: {  	v36 =	vsub.f32 v36, v12;
	v63 =	vbroadcast v43, $0x2;
	v49 =	vmul.f32 v49, v60;
	v50 =	vmovc v57;
	v57 =	vld [tilespmem:s6+$0xC4B0];
	[tilespmem:s16+$0x14480] =	vst v53  }
0x1f3: {  	v38 =	vsub.f32 v38, v8;
	v48 =	vmul.f32 v48, v60;
	v47 =	vmul.f32 v47, v60;
	v60 =	vld [tilespmem:s16+$0xC830];
	[tilespmem:s16+$0x14490] =	vst v5  }
0x1f4: {  	v0 =	vbroadcast v43, $0x3;
	v2 =	vadd.f32 v49, v61;
	v3 =	vadd.f32 v59, v3;
	v59 =	vld [tilespmem:s16+$0xC840];
	[tilespmem:s16+$0x144A0] =	vst v6  }
0x1f5: {  	v35 =	vsub.f32 v35, v7;
	v45 =	vmul.f32 v45, v63;
	v5 =	vmul.f32 v46, v63;
	v46 =	vld [tilespmem:s16+$0xC800];
	[tilespmem:s16+$0x144B0] =	vst v51  }
0x1f6: {  	v6 =	vadd.f32 v48, v10;
	v10 =	vadd.f32 v47, v18;
	v18 =	vmul.f32 v44, v63;
	v48 =	vld [tilespmem:s16+$0xC810];
	[tilespmem:s16+$0x14500] =	vst v2  }
0x1f7: {  	v29 =	vsub.f32 v29, v11;
	v25 =	vadd.f32 v45, v25;
	v28 =	vmul.f32 v42, v63;
	v61 =	vld [tilespmem:s6+$0xC500];
	[tilespmem:s16+$0x14510] =	vst v3  }
0x1f8: {  	v49 =	vmul.f32 v31, v0;
	v18 =	vadd.f32 v18, v26;
	v26 =	vmul.f32 v40, v0;
	v31 =	vld [tilespmem:s6+$0xC540];
	[tilespmem:s16+$0x14520] =	vst v6  }
0x1f9: {  	v55 =	vsub.f32 v55, v17;
	v52 =	vmul.f32 v54, v0;
	v24 =	vadd.f32 v28, v24;
	v3 =	vld [tilespmem:s6+$0xC510];
	[tilespmem:s16+$0x14530] =	vst v10  }
0x1fa: {  	v51 =	vld [tilespmem:s16+$0xC850];
	v19 =	vadd.f32 v5, v19;
	[tilespmem:s16+$0x14590] =	vst v25;
	v20 =	vadd.f32 v26, v20;
	v26 =	vbroadcast v43, $0x4  }
0x1fb: {  	v22 =	vadd.f32 v49, v22;
	v53 =	vld [tilespmem:s16+$0xC820];
	v0 =	vmul.f32 v33, v0;
	v10 =	vbroadcast v43, $0x5;
	[tilespmem:s16+$0x145B0] =	vst v24  }
0x1fc: {  	v2 =	vld [tilespmem:$0x1FF70];
	v6 =	vmov v1;
	[tilespmem:s16+$0x14580] =	vst v19;
	v1 =	vmul.f32 v34, v26;
	v19 =	vmul.f32 v39, v26  }
0x1fd: {  	v0 =	vadd.f32 v0, v23;
	[tilespmem:s16+$0x145A0] =	vst v18;
	v23 =	vsub.f32 v59, v46;
	v59 =	vld [tilespmem:s16+$0xC860];
	v18 =	vmul.f32 v38, v10  }
0x1fe: {  	v5 =	vmovc v62;
	v62 =	vld [tilespmem:s6+$0xC550];
	v1 =	vadd.f32 v1, v14;
	v14 =	vadd.f32 v19, v16;
	v16 =	vmul.f32 v36, v10  }
0x1ff: {  	v21 =	vadd.f32 v52, v21;
	v25 =	vmul.f32 v37, v26;
	v26 =	vmul.f32 v41, v26;
	[tilespmem:s16+$0x14600] =	vst v20;
	v19 =	vld [tilespmem:s16+$0xC870]  }
0x200: {  	v20 =	vmul.f32 v58, v10;
	v12 =	vadd.f32 v16, v12;
	v16 =	vmul.f32 v35, v10;
	v10 =	vld [tilespmem:s6+$0xC520];
	[tilespmem:s16+$0x14610] =	vst v22  }
0x201: {  	v56 =	vsub.f32 v56, v32;
	v8 =	vadd.f32 v18, v8;
	v22 =	vbroadcast v43, $0x6;
	v63 =	vld [tilespmem:s6+$0xC560];
	[tilespmem:s16+$0x14620] =	vst v21  }
0x202: {  	v13 =	vadd.f32 v25, v13;
	v15 =	vadd.f32 v26, v15;
	v18 =	vld [tilespmem:s6+$0xC530];
	[tilespmem:s16+$0x14630] =	vst v0  }
0x203: {  	v7 =	vadd.f32 v16, v7;
	v0 =	vmul.f32 v27, v22;
	v16 =	vmul.f32 v29, v22;
	v29 =	vld [tilespmem:s6+$0xC570];
	[tilespmem:s16+$0x14680] =	vst v1  }
0x204: {  	v21 =	vmul.f32 v56, v22;
	v1 =	vmul.f32 v55, v22;
	v22 =	vsub.f32 v19, v60;
	v19 =	vld [tilespmem:s6+$0xC580];
	[tilespmem:s16+$0x14690] =	vst v14  }
0x205: {  	v24 =	vbroadcast v43, $0x7;
	v9 =	vadd.f32 v20, v9;
	v20 =	vsub.f32 v59, v53;
	v44 =	vld [tilespmem:s6+$0xC5C0];
	[tilespmem:s16+$0x146A0] =	vst v13  }
0x206: {  	v25 =	vld [tilespmem:s6+$0xC590];
	[tilespmem:s16+$0x146B0] =	vst v15  }
0x207: {  	v1 =	vadd.f32 v1, v17;
	v15 =	vmul.f32 v20, v24;
	v17 =	vld [tilespmem:s6+$0xC5D0];
	[tilespmem:s16+$0x14700] =	vst v12  }
0x208: {  	v54 =	vsub.f32 v51, v48;
	v26 =	vld [tilespmem:s6+$0xC5A0]  }
0x209: {  	[tilespmem:s16+$0x14710] =	vst v8;
	v8 =	vadd.f32 v15, v53;
	v53 =	vsub.f32 v2, v50;
	v2 =	vld [tilespmem:$0x1FF80]  }
0x20a: {  	v0 =	vadd.f32 v0, v4;
	v4 =	vadd.f32 v16, v11;
	v11 =	vmul.f32 v23, v24;
	v58 =	vld [tilespmem:s6+$0xC5E0];
	[tilespmem:s16+$0x14720] =	vst v7  }
0x20b: {  	v14 =	vmul.f32 v54, v24;
	v16 =	vmul.f32 v22, v24;
	v24 =	vld [tilespmem:s6+$0xC5B0];
	[tilespmem:s16+$0x14730] =	vst v9  }
0x20c: {  	v59 =	vld [tilespmem:s6+$0xC5F0];
	[tilespmem:s16+$0x14780] =	vst v0  }
0x20d: {  	v20 =	vld [tilespmem:s6+$0xC600];
	[tilespmem:s16+$0x14790] =	vst v4  }
0x20e: {  	v13 =	vadd.f32 v21, v32;
	v0 =	vld [tilespmem:s6+$0xC640]  }
0x20f: {  	v11 =	vadd.f32 v11, v46;
	[tilespmem:s16+$0x147A0] =	vst v1;
	v52 =	vsub.f32 v2, v5;
	v2 =	vld [tilespmem:$0x1FF90]  }
0x210: {  	v12 =	vadd.f32 v14, v48;
	v22 =	vld [tilespmem:s6+$0xC610];
	[tilespmem:s16+$0x147B0] =	vst v13  }
0x211: {  	v1 =	vld [tilespmem:s6+$0xC650];
	[tilespmem:s16+$0x14800] =	vst v11  }
0x212: {  	v14 =	vadd.f32 v16, v60;
	v21 =	vld [tilespmem:s6+$0xC620];
	[tilespmem:s16+$0x14810] =	vst v12  }
0x213: {  	v32 =	vld [tilespmem:s6+$0xC660];
	[tilespmem:s16+$0x14820] =	vst v8  }
0x214: {  	v23 =	vld [tilespmem:s6+$0xC630];
	[tilespmem:s16+$0x14830] =	vst v14;
	s16 =	smov.u32 s6  }
0x215: {  	v33 =	vld [tilespmem:s16+$0xC670]  }
0x216: {  	v14 =	vld [tilespmem:s16+$0xC680]  }
0x217: {  	v34 =	vld [tilespmem:s16+$0xC6C0]  }
0x218: {  	v16 =	vld [tilespmem:s16+$0xC690]  }
0x219: {  	v39 =	vld [tilespmem:s16+$0xC6D0]  }
0x21a: {  	v13 =	vld [tilespmem:s16+$0xC6A0]  }
0x21b: {  	v37 =	vld [tilespmem:s16+$0xC6E0]  }
0x21c: {  	v15 =	vld [tilespmem:s16+$0xC6B0]  }
0x21d: {  	v41 =	vld [tilespmem:s16+$0xC6F0]  }
0x21e: {  	v12 =	vld [tilespmem:s16+$0xC700]  }
0x21f: {  	v36 =	vld [tilespmem:s16+$0xC740]  }
0x220: {  	v8 =	vld [tilespmem:s16+$0xC710]  }
0x221: {  	v38 =	vld [tilespmem:s16+$0xC750]  }
0x222: {  	v7 =	vld [tilespmem:s16+$0xC720]  }
0x223: {  	v35 =	vld [tilespmem:s16+$0xC760]  }
0x224: {  	v9 =	vld [tilespmem:s16+$0xC730]  }
0x225: {  	p1 =	sne.s32 s19, $0xF000;
	v49 =	vsub.f32 v31, v61;
	v48 =	vsub.f32 v63, v10;
	v27 =	vld [tilespmem:s16+$0xC770]  }
.Ltmp6:
0x226: {  	v28 =	vmov v50;
	v50 =	vsub.f32 v30, v57;
	v30 =	vsub.f32 v62, v3;
	v4 =	vld [tilespmem:s16+$0xC780];
	(pc) =	sbr.rel @p1 .LBB2_11-.Ltmp6, $4  }
0x227: {  	v47 =	vsub.f32 v29, v18;
	v46 =	vsub.f32 v44, v19;
	v62 =	vld [tilespmem:s16+$0xC7C0]  }
0x228: {  	v45 =	vsub.f32 v17, v25;
	v44 =	vsub.f32 v58, v26;
	v11 =	vld [tilespmem:s16+$0xC790]  }
0x229: {  	v42 =	vsub.f32 v59, v24;
	v51 =	vsub.f32 v2, v6;
	v29 =	vld [tilespmem:s16+$0xC7D0]  }
0x22a: {  	s19 =	sadd.s32 $0x1000, s19;
	s2 =	sadd.s32 $0x8, s2;
	v40 =	vsub.f32 v0, v20;
	v17 =	vld [tilespmem:s16+$0xC7A0];
	v31 =	vsub.f32 v1, v22  }
0x22b: {  	v0 =	vld [tilespmem:s2+$0x0];
	_ =	sdelay $0x4  }
0x22c: {  	v1 =	vbroadcast v0, $0x0;
	_ =	sdelay $0x1  }
0x22d: {  	v43 =	vmul.f32 v53, v1  }
0x22e: {  	v56 =	vbroadcast v0, $0x1;
	v52 =	vmul.f32 v52, v1  }
0x22f: {  	v51 =	vmul.f32 v51, v1;
	v1 =	vmul.f32 v50, v1;
	v43 =	vadd.f32 v43, v28  }
0x230: {  	v49 =	vmul.f32 v49, v56;
	v5 =	vadd.f32 v52, v5  }
0x231: {  	v30 =	vmul.f32 v30, v56;
	v1 =	vadd.f32 v1, v57;
	[tilespmem:s16+$0x14480] =	vst v43  }
0x232: {  	v48 =	vmul.f32 v48, v56;
	v2 =	vadd.f32 v49, v61;
	[tilespmem:s16+$0x14490] =	vst v5  }
0x233: {  	v3 =	vadd.f32 v30, v3;
	[tilespmem:s16+$0x144B0] =	vst v1;
	v1 =	vbroadcast v0, $0x2  }
0x234: {  	v58 =	vsub.f32 v39, v16;
	v10 =	vadd.f32 v48, v10;
	v43 =	vmul.f32 v47, v56;
	[tilespmem:s16+$0x14500] =	vst v2  }
0x235: {  	v6 =	vadd.f32 v51, v6;
	[tilespmem:s16+$0x14510] =	vst v3;
	v2 =	vmul.f32 v46, v1;
	v3 =	vmul.f32 v45, v1  }
0x236: {  	[tilespmem:s16+$0x14520] =	vst v10;
	v18 =	vadd.f32 v43, v18;
	v10 =	vmul.f32 v44, v1;
	v1 =	vmul.f32 v42, v1  }
0x237: {  	[tilespmem:s16+$0x144A0] =	vst v6;
	v2 =	vadd.f32 v2, v19;
	v3 =	vadd.f32 v3, v25;
	v19 =	vbroadcast v0, $0x3  }
0x238: {  	v61 =	vbroadcast v0, $0x4;
	[tilespmem:s16+$0x14530] =	vst v18;
	v10 =	vadd.f32 v10, v26;
	v25 =	vsub.f32 v34, v14  }
0x239: {  	v1 =	vadd.f32 v1, v24;
	[tilespmem:s16+$0x14580] =	vst v2;
	v2 =	vsub.f32 v32, v21;
	v59 =	vmul.f32 v40, v19  }
0x23a: {  	v24 =	vsub.f32 v41, v15;
	[tilespmem:s16+$0x14590] =	vst v3;
	v3 =	vsub.f32 v33, v23;
	v31 =	vmul.f32 v31, v19  }
0x23b: {  	v63 =	vld [tilespmem:s16+$0xC7E0];
	[tilespmem:s16+$0x145A0] =	vst v10;
	v10 =	vsub.f32 v37, v13;
	v2 =	vmul.f32 v2, v19;
	v20 =	vadd.f32 v59, v20  }
0x23c: {  	v54 =	vld [tilespmem:s16+$0xC7B0];
	[tilespmem:s16+$0x145B0] =	vst v1;
	v1 =	vsub.f32 v36, v12;
	v3 =	vmul.f32 v3, v19;
	v19 =	vadd.f32 v31, v22  }
0x23d: {  	v55 =	vld [tilespmem:s16+$0xC7F0];
	v31 =	vsub.f32 v38, v8;
	v10 =	vmul.f32 v10, v61;
	v2 =	vadd.f32 v2, v21;
	[tilespmem:s16+$0x14600] =	vst v20  }
0x23e: {  	v60 =	vld [tilespmem:s16+$0xC830];
	v21 =	vmul.f32 v25, v61;
	v20 =	vsub.f32 v35, v7;
	v3 =	vadd.f32 v3, v23;
	[tilespmem:s16+$0x14610] =	vst v19  }
0x23f: {  	v57 =	vld [tilespmem:s16+$0xC810];
	v23 =	vmul.f32 v58, v61;
	v19 =	vbroadcast v0, $0x5;
	v10 =	vadd.f32 v10, v13;
	[tilespmem:s16+$0x14620] =	vst v2  }
0x240: {  	v5 =	vld [tilespmem:s16+$0xC800];
	v13 =	vsub.f32 v29, v11;
	v14 =	vadd.f32 v21, v14;
	v21 =	vmul.f32 v24, v61;
	[tilespmem:s16+$0x14630] =	vst v3  }
0x241: {  	v6 =	vld [tilespmem:s16+$0xC840];
	v2 =	vsub.f32 v27, v9;
	v16 =	vadd.f32 v23, v16;
	v1 =	vmul.f32 v1, v19;
	[tilespmem:s16+$0x146A0] =	vst v10  }
0x242: {  	v30 =	vld [tilespmem:s16+$0xC850];
	v3 =	vsub.f32 v62, v4;
	[tilespmem:s16+$0x14680] =	vst v14;
	v14 =	vadd.f32 v21, v15;
	v15 =	vmul.f32 v31, v19  }
0x243: {  	v18 =	vld [tilespmem:s16+$0xC820];
	[tilespmem:s16+$0x14690] =	vst v16;
	v1 =	vadd.f32 v1, v12;
	v12 =	vmul.f32 v20, v19;
	v16 =	vbroadcast v0, $0x6  }
0x244: {  	v26 =	vld [tilespmem:s16+$0xC860];
	v10 =	vsub.f32 v63, v17;
	v2 =	vmul.f32 v2, v19;
	v8 =	vadd.f32 v15, v8;
	[tilespmem:s16+$0x146B0] =	vst v14  }
0x245: {  	v22 =	vld [tilespmem:s16+$0xC870];
	v14 =	vsub.f32 v55, v54;
	v7 =	vadd.f32 v12, v7;
	v3 =	vmul.f32 v3, v16;
	[tilespmem:s16+$0x14700] =	vst v1  }
0x246: {  	v1 =	vsub.f32 v6, v5;
	v2 =	vadd.f32 v2, v9;
	v6 =	vmul.f32 v13, v16;
	[tilespmem:s16+$0x14710] =	vst v8  }
0x247: {  	v0 =	vbroadcast v0, $0x7;
	v8 =	vmul.f32 v10, v16;
	v3 =	vadd.f32 v3, v4;
	[tilespmem:s16+$0x14720] =	vst v7  }
0x248: {  	v4 =	vsub.f32 v30, v57;
	v7 =	vmul.f32 v14, v16;
	v6 =	vadd.f32 v6, v11;
	[tilespmem:s16+$0x14730] =	vst v2  }
0x249: {  	v2 =	vsub.f32 v26, v18;
	v1 =	vmul.f32 v1, v0;
	v8 =	vadd.f32 v8, v17;
	[tilespmem:s16+$0x14780] =	vst v3  }
0x24a: {  	v3 =	vsub.f32 v22, v60;
	v7 =	vadd.f32 v7, v54;
	v4 =	vmul.f32 v4, v0;
	[tilespmem:s16+$0x14790] =	vst v6  }
0x24b: {  	v1 =	vadd.f32 v1, v5;
	v2 =	vmul.f32 v2, v0;
	[tilespmem:s16+$0x147A0] =	vst v8  }
0x24c: {  	v0 =	vmul.f32 v3, v0;
	v3 =	vadd.f32 v4, v57;
	[tilespmem:s16+$0x147B0] =	vst v7  }
0x24d: {  	v2 =	vadd.f32 v2, v18;
	[tilespmem:s16+$0x14800] =	vst v1  }
0x24e: {  	v0 =	vadd.f32 v0, v60;
	[tilespmem:s16+$0x14810] =	vst v3  }
0x24f: {  	s19 =	sshll.u32 s17, $0xB;
	[tilespmem:s16+$0x14820] =	vst v2  }
0x250: {  	s2 =	sadd.s32 s19, s7;
	[tilespmem:s16+$0x14830] =	vst v0  }
0x251: {  	[hbm4b:s2+s4] =	stream.linear.scatter [tilespmem:s21], [sflag:$0x5], $0x4000, $0x38;
	[tilespmem:$0x1C500] =	vst v63  }
0x252: {  	s6 =	simm.s32 @!p0 $0x80;
	s2 =	sadd.s32 @!p0 $0x700, s15;
	s15 =	simm.s32 @!p0 $0xC480  }
0x253: {  	[tilespmem:s15], [sflag:$0x3] =	stream.indirect.gather @!p0 [hbm4b:s3+s6], $0x80, s2, s6, $0xb8;
	[tilespmem:$0x1C500] =	vst v63  }
0x254: {  	_ =	swait.ge [sflag:s26], $0x4000  }
0x255: {  	[sflag:s26] =	ssyncset.done $0x0  }
0x256: {  	[sflag:s26] =	ssyncadd.s32 $0xFFFFC000  }
0x257: {  	_ =	swait.ge [sflag:s28], $0x4000  }
0x258: {  	[sflag:s28] =	ssyncset.done $0x0  }
0x259: {  	s15 =	simm.s32 $0x0;
	[sflag:s28] =	ssyncadd.s32 $0xFFFFC000  }
0x25a: {  	v0 =	vld [tilespmem:s15+$0x10480]  }
0x25b: {  	v4 =	vld [tilespmem:s15+$0x104C0]  }
0x25c: {  	v5 =	vld [tilespmem:s15+$0x10490]  }
0x25d: {  	v9 =	vld [tilespmem:s15+$0x104D0]  }
0x25e: {  	v6 =	vld [tilespmem:s15+$0x104A0]  }
0x25f: {  	v11 =	vld [tilespmem:s15+$0x104E0]  }
0x260: {  	v57 =	vld [tilespmem:s15+$0x104B0]  }
0x261: {  	v17 =	vld [tilespmem:s15+$0x104F0]  }
0x262: {  	v61 =	vld [tilespmem:s15+$0x10500]  }
0x263: {  	v1 =	vld [tilespmem:s15+$0x10540]  }
0x264: {  	v3 =	vld [tilespmem:s15+$0x10510]  }
0x265: {  	v29 =	vld [tilespmem:s15+$0x10550]  }
0x266: {  	v10 =	vld [tilespmem:s15+$0x10520]  }
0x267: {  	v31 =	vld [tilespmem:s15+$0x10560]  }
0x268: {  	v18 =	vld [tilespmem:s15+$0x10530]  }
0x269: {  	v63 =	vld [tilespmem:s15+$0x10570]  }
0x26a: {  	v19 =	vld [tilespmem:s15+$0x10580]  }
0x26b: {  	v42 =	vld [tilespmem:s15+$0x105C0]  }
0x26c: {  	v25 =	vld [tilespmem:s15+$0x10590]  }
0x26d: {  	v43 =	vld [tilespmem:s15+$0x105D0]  }
0x26e: {  	v26 =	vld [tilespmem:s15+$0x105A0]  }
0x26f: {  	v44 =	vld [tilespmem:s15+$0x105E0]  }
0x270: {  	v24 =	vld [tilespmem:s15+$0x105B0]  }
0x271: {  	v54 =	vld [tilespmem:s15+$0x105F0]  }
0x272: {  	v20 =	vld [tilespmem:s15+$0x10600]  }
0x273: {  	v55 =	vld [tilespmem:s15+$0x10640]  }
0x274: {  	v22 =	vld [tilespmem:s15+$0x10610]  }
0x275: {  	v56 =	vld [tilespmem:s15+$0x10650]  }
0x276: {  	v21 =	vld [tilespmem:s15+$0x10620]  }
0x277: {  	v32 =	vld [tilespmem:s15+$0x10660]  }
0x278: {  	v23 =	vld [tilespmem:s15+$0x10630]  }
0x279: {  	v33 =	vld [tilespmem:s15+$0x10670]  }
0x27a: {  	v14 =	vld [tilespmem:s15+$0x10680]  }
0x27b: {  	v34 =	vld [tilespmem:s15+$0x106C0]  }
0x27c: {  	v16 =	vld [tilespmem:s15+$0x10690]  }
0x27d: {  	v39 =	vld [tilespmem:s15+$0x106D0]  }
0x27e: {  	v13 =	vld [tilespmem:s15+$0x106A0]  }
0x27f: {  	v37 =	vld [tilespmem:s15+$0x106E0]  }
0x280: {  	v15 =	vld [tilespmem:s15+$0x106B0]  }
0x281: {  	v41 =	vld [tilespmem:s15+$0x106F0]  }
0x282: {  	v12 =	vld [tilespmem:s15+$0x10700]  }
0x283: {  	v36 =	vld [tilespmem:s15+$0x10740]  }
0x284: {  	v8 =	vld [tilespmem:s15+$0x10710]  }
0x285: {  	v38 =	vld [tilespmem:s15+$0x10750]  }
0x286: {  	v7 =	vld [tilespmem:s15+$0x10720]  }
0x287: {  	v35 =	vld [tilespmem:s15+$0x10760]  }
0x288: {  	v27 =	vld [tilespmem:s15+$0x10770];
	v53 =	vsub.f32 v4, v0;
	v52 =	vsub.f32 v9, v5  }
0x289: {  	v62 =	vld [tilespmem:s15+$0x107C0];
	v51 =	vsub.f32 v11, v6;
	v50 =	vsub.f32 v17, v57  }
0x28a: {  	v9 =	vld [tilespmem:s15+$0x10730];
	v49 =	vsub.f32 v1, v61;
	v30 =	vsub.f32 v29, v3  }
0x28b: {  	v4 =	vld [tilespmem:s15+$0x10780];
	v48 =	vsub.f32 v31, v10;
	v47 =	vsub.f32 v63, v18  }
0x28c: {  	v46 =	vsub.f32 v42, v19;
	v45 =	vsub.f32 v43, v25;
	v11 =	vld [tilespmem:s15+$0x10790]  }
0x28d: {  	v44 =	vsub.f32 v44, v26;
	v42 =	vsub.f32 v54, v24;
	v29 =	vld [tilespmem:s15+$0x107D0]  }
0x28e: {  	s14 =	sor.u32 $0x3, s14;
	s16 =	simm.s32 $0x1000;
	s2 =	smov.u32 s9;
	v28 =	vmov v0;
	v40 =	vsub.f32 v55, v20;
	v31 =	vsub.f32 v56, v22;
	v17 =	vld [tilespmem:s15+$0x107A0]  }
.LBB2_13:
0x28f: {  	v43 =	vld [tilespmem:s2+$0x0];
	_ =	sdelay $0x3  }
0x290: {  	v55 =	vld [tilespmem:s15+$0x107E0]  }
0x291: {  	s6 =	sshra.s32 s16, $0x2;
	v56 =	vld [tilespmem:s15+$0x107F0];
	v59 =	vbroadcast v43, $0x0  }
0x292: {  	v0 =	vld [tilespmem:s6+$0x104C0]  }
0x293: {  	v1 =	vld [tilespmem:s6+$0x104D0];
	v54 =	vsub.f32 v32, v21;
	v53 =	vmul.f32 v53, v59;
	v52 =	vmul.f32 v52, v59  }
0x294: {  	v33 =	vsub.f32 v33, v23;
	v51 =	vmul.f32 v51, v59;
	v59 =	vmul.f32 v50, v59;
	v50 =	vld [tilespmem:s6+$0x104E0]  }
0x295: {  	v2 =	vmov v57;
	v57 =	vld [tilespmem:s6+$0x10480];
	v34 =	vsub.f32 v34, v14;
	v39 =	vsub.f32 v39, v16  }
0x296: {  	v32 =	vld [tilespmem:s15+$0x107B0];
	v37 =	vsub.f32 v37, v13;
	v41 =	vsub.f32 v41, v15  }
0x297: {  	v58 =	vsub.f32 v27, v9;
	v27 =	vsub.f32 v62, v4;
	v62 =	vld [tilespmem:s6+$0x10490];
	v60 =	vbroadcast v43, $0x1;
	[tilespmem:$0x1FF40] =	vst v0  }
0x298: {  	[tilespmem:$0x1FF50] =	vst v1;
	v1 =	vld [tilespmem:s6+$0x104A0];
	v53 =	vadd.f32 v53, v28;
	v5 =	vadd.f32 v52, v5  }
0x299: {  	v6 =	vadd.f32 v51, v6;
	v51 =	vadd.f32 v59, v2;
	v59 =	vmul.f32 v30, v60;
	v30 =	vld [tilespmem:s6+$0x104F0];
	[tilespmem:$0x1FF60] =	vst v50  }
0x29a: {  	v36 =	vsub.f32 v36, v12;
	v63 =	vbroadcast v43, $0x2;
	v49 =	vmul.f32 v49, v60;
	v50 =	vmovc v57;
	v57 =	vld [tilespmem:s6+$0x104B0];
	[tilespmem:s15+$0x18480] =	vst v53  }
0x29b: {  	v38 =	vsub.f32 v38, v8;
	v48 =	vmul.f32 v48, v60;
	v47 =	vmul.f32 v47, v60;
	v60 =	vld [tilespmem:s15+$0x10830];
	[tilespmem:s15+$0x18490] =	vst v5  }
0x29c: {  	v0 =	vbroadcast v43, $0x3;
	v2 =	vadd.f32 v49, v61;
	v3 =	vadd.f32 v59, v3;
	v59 =	vld [tilespmem:s15+$0x10840];
	[tilespmem:s15+$0x184A0] =	vst v6  }
0x29d: {  	v35 =	vsub.f32 v35, v7;
	v45 =	vmul.f32 v45, v63;
	v5 =	vmul.f32 v46, v63;
	v46 =	vld [tilespmem:s15+$0x10800];
	[tilespmem:s15+$0x184B0] =	vst v51  }
0x29e: {  	v6 =	vadd.f32 v48, v10;
	v10 =	vadd.f32 v47, v18;
	v18 =	vmul.f32 v44, v63;
	v48 =	vld [tilespmem:s15+$0x10810];
	[tilespmem:s15+$0x18500] =	vst v2  }
0x29f: {  	v29 =	vsub.f32 v29, v11;
	v25 =	vadd.f32 v45, v25;
	v28 =	vmul.f32 v42, v63;
	v61 =	vld [tilespmem:s6+$0x10500];
	[tilespmem:s15+$0x18510] =	vst v3  }
0x2a0: {  	v49 =	vmul.f32 v31, v0;
	v18 =	vadd.f32 v18, v26;
	v26 =	vmul.f32 v40, v0;
	v31 =	vld [tilespmem:s6+$0x10540];
	[tilespmem:s15+$0x18520] =	vst v6  }
0x2a1: {  	v55 =	vsub.f32 v55, v17;
	v52 =	vmul.f32 v54, v0;
	v24 =	vadd.f32 v28, v24;
	v3 =	vld [tilespmem:s6+$0x10510];
	[tilespmem:s15+$0x18530] =	vst v10  }
0x2a2: {  	v51 =	vld [tilespmem:s15+$0x10850];
	v19 =	vadd.f32 v5, v19;
	[tilespmem:s15+$0x18590] =	vst v25;
	v20 =	vadd.f32 v26, v20;
	v26 =	vbroadcast v43, $0x4  }
0x2a3: {  	v22 =	vadd.f32 v49, v22;
	v53 =	vld [tilespmem:s15+$0x10820];
	v0 =	vmul.f32 v33, v0;
	v10 =	vbroadcast v43, $0x5;
	[tilespmem:s15+$0x185B0] =	vst v24  }
0x2a4: {  	v2 =	vld [tilespmem:$0x1FF40];
	v6 =	vmov v1;
	[tilespmem:s15+$0x18580] =	vst v19;
	v1 =	vmul.f32 v34, v26;
	v19 =	vmul.f32 v39, v26  }
0x2a5: {  	v0 =	vadd.f32 v0, v23;
	[tilespmem:s15+$0x185A0] =	vst v18;
	v23 =	vsub.f32 v59, v46;
	v59 =	vld [tilespmem:s15+$0x10860];
	v18 =	vmul.f32 v38, v10  }
0x2a6: {  	v5 =	vmovc v62;
	v62 =	vld [tilespmem:s6+$0x10550];
	v1 =	vadd.f32 v1, v14;
	v14 =	vadd.f32 v19, v16;
	v16 =	vmul.f32 v36, v10  }
0x2a7: {  	v21 =	vadd.f32 v52, v21;
	v25 =	vmul.f32 v37, v26;
	v26 =	vmul.f32 v41, v26;
	[tilespmem:s15+$0x18600] =	vst v20;
	v19 =	vld [tilespmem:s15+$0x10870]  }
0x2a8: {  	v20 =	vmul.f32 v58, v10;
	v12 =	vadd.f32 v16, v12;
	v16 =	vmul.f32 v35, v10;
	v10 =	vld [tilespmem:s6+$0x10520];
	[tilespmem:s15+$0x18610] =	vst v22  }
0x2a9: {  	v56 =	vsub.f32 v56, v32;
	v8 =	vadd.f32 v18, v8;
	v22 =	vbroadcast v43, $0x6;
	v63 =	vld [tilespmem:s6+$0x10560];
	[tilespmem:s15+$0x18620] =	vst v21  }
0x2aa: {  	v13 =	vadd.f32 v25, v13;
	v15 =	vadd.f32 v26, v15;
	v18 =	vld [tilespmem:s6+$0x10530];
	[tilespmem:s15+$0x18630] =	vst v0  }
0x2ab: {  	v7 =	vadd.f32 v16, v7;
	v0 =	vmul.f32 v27, v22;
	v16 =	vmul.f32 v29, v22;
	v29 =	vld [tilespmem:s6+$0x10570];
	[tilespmem:s15+$0x18680] =	vst v1  }
0x2ac: {  	v21 =	vmul.f32 v56, v22;
	v1 =	vmul.f32 v55, v22;
	v22 =	vsub.f32 v19, v60;
	v19 =	vld [tilespmem:s6+$0x10580];
	[tilespmem:s15+$0x18690] =	vst v14  }
0x2ad: {  	v24 =	vbroadcast v43, $0x7;
	v9 =	vadd.f32 v20, v9;
	v20 =	vsub.f32 v59, v53;
	v44 =	vld [tilespmem:s6+$0x105C0];
	[tilespmem:s15+$0x186A0] =	vst v13  }
0x2ae: {  	v25 =	vld [tilespmem:s6+$0x10590];
	[tilespmem:s15+$0x186B0] =	vst v15  }
0x2af: {  	v1 =	vadd.f32 v1, v17;
	v15 =	vmul.f32 v20, v24;
	v17 =	vld [tilespmem:s6+$0x105D0];
	[tilespmem:s15+$0x18700] =	vst v12  }
0x2b0: {  	v54 =	vsub.f32 v51, v48;
	v26 =	vld [tilespmem:s6+$0x105A0]  }
0x2b1: {  	[tilespmem:s15+$0x18710] =	vst v8;
	v8 =	vadd.f32 v15, v53;
	v53 =	vsub.f32 v2, v50;
	v2 =	vld [tilespmem:$0x1FF50]  }
0x2b2: {  	v0 =	vadd.f32 v0, v4;
	v4 =	vadd.f32 v16, v11;
	v11 =	vmul.f32 v23, v24;
	v58 =	vld [tilespmem:s6+$0x105E0];
	[tilespmem:s15+$0x18720] =	vst v7  }
0x2b3: {  	v14 =	vmul.f32 v54, v24;
	v16 =	vmul.f32 v22, v24;
	v24 =	vld [tilespmem:s6+$0x105B0];
	[tilespmem:s15+$0x18730] =	vst v9  }
0x2b4: {  	v59 =	vld [tilespmem:s6+$0x105F0];
	[tilespmem:s15+$0x18780] =	vst v0  }
0x2b5: {  	v20 =	vld [tilespmem:s6+$0x10600];
	[tilespmem:s15+$0x18790] =	vst v4  }
0x2b6: {  	v13 =	vadd.f32 v21, v32;
	v0 =	vld [tilespmem:s6+$0x10640]  }
0x2b7: {  	v11 =	vadd.f32 v11, v46;
	[tilespmem:s15+$0x187A0] =	vst v1;
	v52 =	vsub.f32 v2, v5;
	v2 =	vld [tilespmem:$0x1FF60]  }
0x2b8: {  	v12 =	vadd.f32 v14, v48;
	v22 =	vld [tilespmem:s6+$0x10610];
	[tilespmem:s15+$0x187B0] =	vst v13  }
0x2b9: {  	v1 =	vld [tilespmem:s6+$0x10650];
	[tilespmem:s15+$0x18800] =	vst v11  }
0x2ba: {  	v14 =	vadd.f32 v16, v60;
	v21 =	vld [tilespmem:s6+$0x10620];
	[tilespmem:s15+$0x18810] =	vst v12  }
0x2bb: {  	v32 =	vld [tilespmem:s6+$0x10660];
	[tilespmem:s15+$0x18820] =	vst v8  }
0x2bc: {  	v23 =	vld [tilespmem:s6+$0x10630];
	[tilespmem:s15+$0x18830] =	vst v14;
	s15 =	smov.u32 s6  }
0x2bd: {  	v33 =	vld [tilespmem:s15+$0x10670]  }
0x2be: {  	v14 =	vld [tilespmem:s15+$0x10680]  }
0x2bf: {  	v34 =	vld [tilespmem:s15+$0x106C0]  }
0x2c0: {  	v16 =	vld [tilespmem:s15+$0x10690]  }
0x2c1: {  	v39 =	vld [tilespmem:s15+$0x106D0]  }
0x2c2: {  	v13 =	vld [tilespmem:s15+$0x106A0]  }
0x2c3: {  	v37 =	vld [tilespmem:s15+$0x106E0]  }
0x2c4: {  	v15 =	vld [tilespmem:s15+$0x106B0]  }
0x2c5: {  	v41 =	vld [tilespmem:s15+$0x106F0]  }
0x2c6: {  	v12 =	vld [tilespmem:s15+$0x10700]  }
0x2c7: {  	v36 =	vld [tilespmem:s15+$0x10740]  }
0x2c8: {  	v8 =	vld [tilespmem:s15+$0x10710]  }
0x2c9: {  	v38 =	vld [tilespmem:s15+$0x10750]  }
0x2ca: {  	v7 =	vld [tilespmem:s15+$0x10720]  }
0x2cb: {  	v35 =	vld [tilespmem:s15+$0x10760]  }
0x2cc: {  	v9 =	vld [tilespmem:s15+$0x10730]  }
0x2cd: {  	p1 =	sne.s32 s16, $0xF000;
	v49 =	vsub.f32 v31, v61;
	v48 =	vsub.f32 v63, v10;
	v27 =	vld [tilespmem:s15+$0x10770]  }
.Ltmp7:
0x2ce: {  	v28 =	vmov v50;
	v50 =	vsub.f32 v30, v57;
	v30 =	vsub.f32 v62, v3;
	v4 =	vld [tilespmem:s15+$0x10780];
	(pc) =	sbr.rel @p1 .LBB2_13-.Ltmp7, $4  }
0x2cf: {  	v47 =	vsub.f32 v29, v18;
	v46 =	vsub.f32 v44, v19;
	v62 =	vld [tilespmem:s15+$0x107C0]  }
0x2d0: {  	v45 =	vsub.f32 v17, v25;
	v44 =	vsub.f32 v58, v26;
	v11 =	vld [tilespmem:s15+$0x10790]  }
0x2d1: {  	v42 =	vsub.f32 v59, v24;
	v51 =	vsub.f32 v2, v6;
	v29 =	vld [tilespmem:s15+$0x107D0]  }
0x2d2: {  	s16 =	sadd.s32 $0x1000, s16;
	s2 =	sadd.s32 $0x8, s2;
	v40 =	vsub.f32 v0, v20;
	v17 =	vld [tilespmem:s15+$0x107A0];
	v31 =	vsub.f32 v1, v22  }
0x2d3: {  	v0 =	vld [tilespmem:s2+$0x0];
	_ =	sdelay $0x4  }
0x2d4: {  	v1 =	vbroadcast v0, $0x0;
	_ =	sdelay $0x1  }
0x2d5: {  	v43 =	vmul.f32 v53, v1  }
0x2d6: {  	v52 =	vmul.f32 v52, v1  }
0x2d7: {  	v60 =	vbroadcast v0, $0x1;
	v51 =	vmul.f32 v51, v1;
	v43 =	vadd.f32 v43, v28  }
0x2d8: {  	v1 =	vmul.f32 v50, v1;
	v5 =	vadd.f32 v52, v5  }
0x2d9: {  	v49 =	vmul.f32 v49, v60;
	v6 =	vadd.f32 v51, v6;
	[tilespmem:s15+$0x18480] =	vst v43  }
0x2da: {  	v30 =	vmul.f32 v30, v60;
	v1 =	vadd.f32 v1, v57;
	[tilespmem:s15+$0x18490] =	vst v5  }
0x2db: {  	v48 =	vmul.f32 v48, v60;
	v2 =	vadd.f32 v49, v61;
	v61 =	vbroadcast v0, $0x2;
	[tilespmem:s15+$0x184A0] =	vst v6  }
0x2dc: {  	v58 =	vsub.f32 v41, v15;
	v3 =	vadd.f32 v30, v3;
	[tilespmem:s15+$0x184B0] =	vst v1;
	v43 =	vmul.f32 v47, v60  }
0x2dd: {  	v41 =	vsub.f32 v27, v9;
	v10 =	vadd.f32 v48, v10;
	[tilespmem:s15+$0x18500] =	vst v2;
	v63 =	vmul.f32 v46, v61  }
0x2de: {  	v59 =	vbroadcast v0, $0x4;
	[tilespmem:s15+$0x18510] =	vst v3;
	v45 =	vmul.f32 v45, v61;
	v18 =	vadd.f32 v43, v18  }
0x2df: {  	v48 =	vbroadcast v0, $0x3;
	[tilespmem:s15+$0x18520] =	vst v10;
	v46 =	vmul.f32 v44, v61;
	v2 =	vadd.f32 v63, v19  }
0x2e0: {  	v50 =	vsub.f32 v33, v23;
	v1 =	vmul.f32 v42, v61;
	v3 =	vadd.f32 v45, v25;
	[tilespmem:s15+$0x18530] =	vst v18  }
0x2e1: {  	v51 =	vsub.f32 v34, v14;
	v56 =	vmul.f32 v40, v48;
	v10 =	vadd.f32 v46, v26;
	[tilespmem:s15+$0x18580] =	vst v2  }
0x2e2: {  	v52 =	vsub.f32 v39, v16;
	v31 =	vmul.f32 v31, v48;
	v1 =	vadd.f32 v1, v24;
	[tilespmem:s15+$0x18590] =	vst v3  }
0x2e3: {  	v54 =	vld [tilespmem:s15+$0x107B0];
	v60 =	vsub.f32 v36, v12;
	v36 =	vmul.f32 v51, v59;
	v20 =	vadd.f32 v56, v20;
	[tilespmem:s15+$0x185A0] =	vst v10  }
0x2e4: {  	v55 =	vld [tilespmem:s15+$0x107F0];
	v47 =	vsub.f32 v32, v21;
	v42 =	vmul.f32 v58, v59;
	v61 =	vadd.f32 v31, v22;
	[tilespmem:s15+$0x185B0] =	vst v1  }
0x2e5: {  	v53 =	vld [tilespmem:s15+$0x107E0];
	v63 =	vsub.f32 v38, v8;
	v38 =	vmul.f32 v52, v59;
	v40 =	vadd.f32 v36, v14;
	[tilespmem:s15+$0x18600] =	vst v20  }
0x2e6: {  	v49 =	vld [tilespmem:s15+$0x10810];
	v57 =	vsub.f32 v37, v13;
	v46 =	vadd.f32 v42, v15;
	v2 =	vmul.f32 v47, v48;
	[tilespmem:s15+$0x18610] =	vst v61  }
0x2e7: {  	v30 =	vld [tilespmem:s15+$0x10850];
	v39 =	vbroadcast v0, $0x5;
	v3 =	vmul.f32 v50, v48;
	v43 =	vadd.f32 v38, v16;
	[tilespmem:s15+$0x18680] =	vst v40  }
0x2e8: {  	v37 =	vsub.f32 v35, v7;
	v5 =	vld [tilespmem:s15+$0x10800];
	v10 =	vmul.f32 v57, v59;
	[tilespmem:s15+$0x186B0] =	vst v46;
	v2 =	vadd.f32 v2, v21  }
0x2e9: {  	v6 =	vld [tilespmem:s15+$0x10840];
	v45 =	vsub.f32 v29, v11;
	v1 =	vmul.f32 v60, v39;
	v3 =	vadd.f32 v3, v23;
	[tilespmem:s15+$0x18690] =	vst v43  }
0x2ea: {  	v34 =	vld [tilespmem:s15+$0x10830];
	v47 =	vmul.f32 v63, v39;
	v50 =	vbroadcast v0, $0x6;
	v10 =	vadd.f32 v10, v13;
	[tilespmem:s15+$0x18620] =	vst v2  }
0x2eb: {  	v51 =	vsub.f32 v53, v17;
	v26 =	vld [tilespmem:s15+$0x10860];
	v48 =	vmul.f32 v37, v39;
	v1 =	vadd.f32 v1, v12;
	[tilespmem:s15+$0x18630] =	vst v3  }
0x2ec: {  	v53 =	vsub.f32 v55, v54;
	v18 =	vld [tilespmem:s15+$0x10820];
	v52 =	vadd.f32 v47, v8;
	v57 =	vmul.f32 v45, v50;
	[tilespmem:s15+$0x186A0] =	vst v10  }
0x2ed: {  	v44 =	vsub.f32 v62, v4;
	v22 =	vld [tilespmem:s15+$0x10870];
	v55 =	vadd.f32 v48, v7;
	v58 =	vmul.f32 v51, v50;
	[tilespmem:s15+$0x18700] =	vst v1  }
0x2ee: {  	v56 =	vsub.f32 v6, v5;
	v60 =	vmul.f32 v53, v50;
	[tilespmem:s15+$0x18710] =	vst v52;
	v6 =	vadd.f32 v57, v11  }
0x2ef: {  	v0 =	vbroadcast v0, $0x7;
	v2 =	vmul.f32 v41, v39;
	[tilespmem:s15+$0x18720] =	vst v55;
	v8 =	vadd.f32 v58, v17  }
0x2f0: {  	v59 =	vsub.f32 v30, v49;
	v3 =	vmul.f32 v44, v50;
	v7 =	vadd.f32 v60, v54;
	[tilespmem:s15+$0x18790] =	vst v6  }
0x2f1: {  	v1 =	vmul.f32 v56, v0;
	v61 =	vsub.f32 v26, v18;
	v2 =	vadd.f32 v2, v9;
	[tilespmem:s15+$0x187A0] =	vst v8  }
0x2f2: {  	v62 =	vsub.f32 v22, v34;
	v3 =	vadd.f32 v3, v4;
	v4 =	vmul.f32 v59, v0;
	[tilespmem:s15+$0x187B0] =	vst v7  }
0x2f3: {  	v1 =	vadd.f32 v1, v5;
	[tilespmem:s15+$0x18730] =	vst v2;
	v2 =	vmul.f32 v61, v0  }
0x2f4: {  	[tilespmem:s15+$0x18780] =	vst v3;
	v0 =	vmul.f32 v62, v0;
	v63 =	vadd.f32 v4, v49  }
.Ltmp8:
0x2f5: {  	[tilespmem:s15+$0x18800] =	vst v1;
	v2 =	vadd.f32 v2, v18;
	(pc) =	sbr.rel @p0 .LBB2_16-.Ltmp8, $4  }
0x2f6: {  	v0 =	vadd.f32 v0, v34;
	[tilespmem:s15+$0x18810] =	vst v63  }
0x2f7: {  	s19 =	sshll.u32 s14, $0xB;
	[tilespmem:s15+$0x18820] =	vst v2  }
0x2f8: {  	s2 =	sadd.s32 s19, s7;
	[tilespmem:s15+$0x18830] =	vst v0  }
0x2f9: {  	[hbm4b:s2+s4] =	stream.linear.scatter [tilespmem:s23], [sflag:$0x6], $0x4000, $0x38;
	[tilespmem:$0x1C500] =	vst v63  }
.Ltmp9:
0x2fa: {  	(pc) =	sbr.rel .LBB2_6-.Ltmp9, $4  }
0x2fb: {  	s2 =	sshrl.u32 s13, $0x2  }
0x2fc: {  	s30 =	sadd.s32 $0x1, s30;
	s31 =	sadd.s32 $0x200, s31;
	s18 =	sadd.s32 $0x200, s18  }
0x2fd: {  	s0 =	sadd.s32 $0x200, s0;
	s9 =	sadd.s32 $0x200, s9;
	s2 =	sadd.s32 $0x780, s2  }
0x2fe: {  	[tilespmem:s20], [sflag:$0x4] =	stream.indirect.gather [hbm4b:s3+s12], $0x80, s2, s12, $0xb8;
	[tilespmem:$0x1C500] =	vst v63  }
.LBB2_17:
0x2ff: {  	_ =	sfence.sel $0x180000  }
0x300: {  	[bflag:$0x0] =	sbarrier.arrive $0xFFFF  }
0x301: {  	_ =	strace $0x90000047  }
0x302: {  	s0 =	stileid.u32;
	[bflag:$0x2] =	sbarrier.arrive $0xFFFF  }
0x303: {  	p0 =	sne.s32 s0, $0x0;
	s0 =	rddreg [dreg:$0x3]  }
0x304: {  	s0 =	sadd.s32 @!p0 $0x100000, s0  }
0x305: {  	[sflag:s0] =	ssyncadd.tile.s32 @!p0 $0x1;
	_ =	shalt  }
.Lfunc_end2:
_tile_overlayer_lowered:
.L_overlay_start_2:
0x306: {  	(tag) =	ssettag $0x2  }
0x307: {  	s0 =	rddreg [dreg:$0x0];
	s2 =	stileid.u32  }
0x308: {  	s1 =	rddreg [dreg:$0x1];
	p0 =	sne.s32 s2, $0x0  }
0x309: {  	s3 =	rddreg [dreg:$0x2];
	[bflag:$0x3] =	sbarrier.arrive $0xFFFF;
	s2 =	simm.s32 @!p0 $0x1C07  }
0x30a: {  	[timem:s3], [sflag:s2] =	dma.local @!p0 [hbm:s0], s1  }
0x30b: {  	s0 =	simm.s32 @!p0 $0x7  }
0x30c: {  	_ =	swait.ge @!p0 [sflag:s0], s1  }
0x30d: {  	s1 =	ssub.s32 @!p0 $0x0, s1;
	[sflag:s0] =	ssyncset.done @!p0 $0x0  }
0x30e: {  	[sflag:s0] =	ssyncadd.s32 @!p0 s1  }
0x30f: {  	[bflag:$0x3] =	sbarrier.arrive $0xFFFF  }
0x310: {  	_ =	shalt  }

</sc_bundles>
